<compile_context>
chip_gen: v7x
topology: tpu7x:2x2x1
jax: 0.10.2.dev20260603
libtpu: 0.0.44.dev20260713+nightly
codegen_flags: <defaults>
</compile_context>

<pallas_src>
import jax
import jax.numpy as jnp
from jax import lax
from jax.experimental import pallas as pl
from jax.experimental.pallas import tpu as pltpu
from jax.experimental.pallas import tpu_sc as plsc

B, C, H_IN, W_IN = 2, 192, 112, 112
H_OUT, W_OUT = 224, 224
NPLANES = B * C
PLANE_IN = H_IN * W_IN
PLANE_OUT = H_OUT * W_OUT
NUM_WORKERS = 32
PLANES_PER_WORKER = NPLANES // NUM_WORKERS
LANES = 16
UNROLL = 8
IN_VECS = PLANE_IN // LANES
OUT_VECS = PLANE_OUT // LANES


def _memset(buf):
    zeros = jnp.zeros((LANES,), jnp.float32)
    step = jnp.int32(LANES * UNROLL)

    def body(i, _):
        b0 = i * step
        for u in range(UNROLL):
            buf[pl.ds(b0 + u * LANES, LANES)] = zeros
        return jnp.int32(0)
    lax.fori_loop(jnp.int32(0), jnp.int32(OUT_VECS // UNROLL), body, jnp.int32(0))


def _scatter_plane(key_v, val_v, buf, base):
    step = jnp.int32(LANES * UNROLL)

    def body(i, _):
        b0 = i * step
        for u in range(UNROLL):
            off = b0 + u * LANES
            kv = key_v[pl.ds(off, LANES)]
            kn = key_v[pl.ds(off + 1, LANES)]
            vv = val_v[pl.ds(off, LANES)]
            plsc.store_scatter(buf, [kv - base], vv, mask=kv != kn)
        return jnp.int32(0)
    lax.fori_loop(jnp.int32(0), jnp.int32(IN_VECS // UNROLL), body, jnp.int32(0))


def _unpool_sc(val_hbm, key_hbm, out_hbm, key_v, val_v, out_a, out_b,
               sem_k, sem_v, sem_a, sem_b):
    wid = lax.axis_index("s") * 2 + lax.axis_index("c")

    key_v[pl.ds(PLANE_IN, LANES)] = jnp.full((LANES,), -1, jnp.int32)

    bufs = (out_a, out_b)
    sems = (sem_a, sem_b)
    _memset(out_a)
    _memset(out_b)

    pending = [None, None]
    for p in range(PLANES_PER_WORKER):
        plane = wid * jnp.int32(PLANES_PER_WORKER) + jnp.int32(p)
        base = plane * jnp.int32(PLANE_OUT)
        buf = bufs[p % 2]
        cpk = pltpu.async_copy(key_hbm.at[plane], key_v.at[pl.ds(0, PLANE_IN)], sem_k)
        cpv = pltpu.async_copy(val_hbm.at[plane], val_v, sem_v)
        if pending[p % 2] is not None:
            pending[p % 2].wait()
            _memset(buf)
        cpk.wait()
        cpv.wait()
        _scatter_plane(key_v, val_v, buf, base)
        pending[p % 2] = pltpu.async_copy(buf, out_hbm.at[plane], sems[p % 2])
    pending[0].wait()
    pending[1].wait()


@jax.jit
def _unpool(sval2d, skey2d):
    mesh = plsc.VectorSubcoreMesh(core_axis_name="c", subcore_axis_name="s")
    return pl.kernel(
        _unpool_sc,
        mesh=mesh,
        out_type=jax.ShapeDtypeStruct((NPLANES, PLANE_OUT), jnp.float32),
        scratch_types=[
            pltpu.VMEM((PLANE_IN + LANES,), jnp.int32),
            pltpu.VMEM((PLANE_IN,), jnp.float32),
            pltpu.VMEM((PLANE_OUT,), jnp.float32),
            pltpu.VMEM((PLANE_OUT,), jnp.float32),
            pltpu.SemaphoreType.DMA,
            pltpu.SemaphoreType.DMA,
            pltpu.SemaphoreType.DMA,
            pltpu.SemaphoreType.DMA,
        ],
        compiler_params=pltpu.CompilerParams(needs_layout_passes=False),
    )(sval2d, skey2d)


def kernel(x, indices, output_size):
    del output_size
    idx2d = indices.astype(jnp.int32).reshape(NPLANES, PLANE_IN)
    offs = (jnp.arange(NPLANES, dtype=jnp.int32) * jnp.int32(PLANE_OUT))[:, None]
    keys = (idx2d + offs).reshape(-1)
    skey, sval = lax.sort((keys, x.reshape(-1)), num_keys=1, is_stable=False)
    out = _unpool(sval.reshape(NPLANES, PLANE_IN), skey.reshape(NPLANES, PLANE_IN))
    return out.reshape(B, C, H_OUT, W_OUT)

# --- scband reference (transcript-rebuilt; emitter-appended) ---
"""Pipeline reference for scband-unpool-89584427860088 (READ-ONLY COPY).

The authoritative reference and input builder live on the scoring server;
editing this copy changes nothing except your own understanding.
"""

import jax, jax.numpy as jnp
import numpy as np
jax.config.update("jax_enable_x64", True)

B, C, H_IN, W_IN = 2, 192, 112, 112
H_OUT, W_OUT = 224, 224

def setup_inputs(seed: int = 0) -> dict:
    key = jax.random.key(seed)
    k1, k2 = jax.random.split(key)
    x = jax.random.normal(k1, (B, C, H_IN, W_IN), dtype=jnp.float32)
    indices = jax.random.randint(k2, (B, C, H_IN, W_IN), 0, H_OUT * W_OUT, dtype=jnp.int64)
    output_size = jnp.array([H_OUT, W_OUT], dtype=jnp.int64)
    return {"x": x, "indices": indices, "output_size": output_size}

def reference(x, indices, output_size):
    # Faithful translation of nn.MaxUnpool2d(kernel_size=2, stride=2)(x, indices, output_size):
    # scatter each input value into the zero-initialized output plane at the flat
    # spatial position given by `indices` (per batch, per channel).
    b, c, h, w = x.shape
    h_out = H_OUT
    w_out = W_OUT
    plane = (output_size[0] * output_size[1]).astype(indices.dtype)
    xf = x.reshape(b * c, h * w)
    idxf = indices.reshape(b * c, h * w)
    offsets = jnp.arange(b * c, dtype=idxf.dtype)[:, None] * plane
    flat_idx = (idxf + offsets).reshape(-1)
    out = jnp.zeros((b * c * h_out * w_out,), dtype=x.dtype).at[flat_idx].set(xf.reshape(-1))
    return out.reshape(b, c, h_out, w_out)

if __name__ == "__main__":
    import jax
    _d = setup_inputs()
    print(jax.jit(kernel)(*tuple(_d.values())))

</pallas_src>

<mosaic_0001>
#map = affine_map<(d0, d1) -> (0, 0)>
module attributes {stable_mosaic.version = 14 : i64} {
  func.func @_unpool_sc(%arg0: i32, %arg1: i32, %arg2: memref<384x12544xf32, #tpu.memory_space<hbm>>, %arg3: memref<384x12544xi32, #tpu.memory_space<hbm>>, %arg4: memref<384x50176xf32, #tpu.memory_space<hbm>>, %arg5: memref<12560xi32, #tpu.memory_space<vmem>>, %arg6: memref<12544xf32, #tpu.memory_space<vmem>>, %arg7: memref<50176xf32, #tpu.memory_space<vmem>>, %arg8: memref<50176xf32, #tpu.memory_space<vmem>>, %arg9: memref<!tpu.dma_semaphore, #tpu.memory_space<semaphore_mem>>, %arg10: memref<!tpu.dma_semaphore, #tpu.memory_space<semaphore_mem>>, %arg11: memref<!tpu.dma_semaphore, #tpu.memory_space<semaphore_mem>>, %arg12: memref<!tpu.dma_semaphore, #tpu.memory_space<semaphore_mem>>) attributes {dimension_semantics = [#tpu.dimension_semantics<core_parallel>, #tpu.dimension_semantics<subcore_parallel>], iteration_bounds = array<i64: 2, 16>, scalar_prefetch = 0 : i64, scratch_operands = 8 : i64, tpu.core_type = #tpu.core_type<sc_vector_subcore>, window_params = [{transform_indices = #map}, {transform_indices = #map}, {transform_indices = #map}]} {
    %mul3A = arith.constant 2 : i32
    %mul3A_0 = arith.muli %arg1, %mul3A : i32
    %add3A = arith.addi %mul3A_0, %arg0 : i32
    %broadcast_in_dim3A = arith.constant -1 : i32
    %broadcast_in_dim3A_1 = vector.broadcast %broadcast_in_dim3A : i32 to vector<16xi32>
    %swap3A = arith.constant 12544 : index
    %swap3A_2 = tpu.vector_load %arg5[%swap3A] {strides = array<i32>} : memref<12560xi32, #tpu.memory_space<vmem>>, vector<16xi32>,
    tpu.vector_store %arg5[%swap3A], %broadcast_in_dim3A_1 {strides = array<i32>} : memref<12560xi32, #tpu.memory_space<vmem>>, vector<16xi32>,
    %broadcast_in_dim3A_3 = arith.constant 0.000000e+00 : f32
    %broadcast_in_dim3A_4 = vector.broadcast %broadcast_in_dim3A_3 : f32 to vector<16xf32>
    %while3A = arith.constant 128 : i32
    %while3A_5 = arith.constant 0 : i32
    %while3A_6 = arith.constant 392 : i32
    %while3A_7 = arith.constant 0 : i32
    %while3A_8 = arith.subi %while3A_6, %while3A_5 : i32
    %while3A_9 = arith.addi %while3A_5, %while3A_8 : i32
    %while3A_10 = arith.constant 1 : i32
    %while3A_11 = arith.divsi %while3A_8, %while3A_10 : i32
    %while3A_12 = arith.muli %while3A_11, %while3A_10 : i32
    %while3A_13 = arith.addi %while3A_5, %while3A_12 : i32
    %while3A_14 = arith.constant 1 : i32
    %while3A_15 = scf.for %while3A_960 = %while3A_5 to %while3A_13 step %while3A_14 iter_args(%while3A_961 = %while3A_7) -> (i32)  : i32 {
      %mul3A_962 = arith.muli %while3A_960, %while3A : i32
      %add3A_963 = arith.constant 0 : i32
      %add3A_964 = arith.addi %mul3A_962, %add3A_963 : i32
      %swap3A_965 = arith.index_cast %add3A_964 : i32 to index
      %swap3A_966 = tpu.vector_load %arg7[%swap3A_965] {strides = array<i32>} : memref<50176xf32, #tpu.memory_space<vmem>>, vector<16xf32>,
      tpu.vector_store %arg7[%swap3A_965], %broadcast_in_dim3A_4 {strides = array<i32>} : memref<50176xf32, #tpu.memory_space<vmem>>, vector<16xf32>,
      %add3A_967 = arith.constant 16 : i32
      %add3A_968 = arith.addi %mul3A_962, %add3A_967 : i32
      %swap3A_969 = arith.index_cast %add3A_968 : i32 to index
      %swap3A_970 = tpu.vector_load %arg7[%swap3A_969] {strides = array<i32>} : memref<50176xf32, #tpu.memory_space<vmem>>, vector<16xf32>,
      tpu.vector_store %arg7[%swap3A_969], %broadcast_in_dim3A_4 {strides = array<i32>} : memref<50176xf32, #tpu.memory_space<vmem>>, vector<16xf32>,
      %add3A_971 = arith.constant 32 : i32
      %add3A_972 = arith.addi %mul3A_962, %add3A_971 : i32
      %swap3A_973 = arith.index_cast %add3A_972 : i32 to index
      %swap3A_974 = tpu.vector_load %arg7[%swap3A_973] {strides = array<i32>} : memref<50176xf32, #tpu.memory_space<vmem>>, vector<16xf32>,
      tpu.vector_store %arg7[%swap3A_973], %broadcast_in_dim3A_4 {strides = array<i32>} : memref<50176xf32, #tpu.memory_space<vmem>>, vector<16xf32>,
      %add3A_975 = arith.constant 48 : i32
      %add3A_976 = arith.addi %mul3A_962, %add3A_975 : i32
      %swap3A_977 = arith.index_cast %add3A_976 : i32 to index
      %swap3A_978 = tpu.vector_load %arg7[%swap3A_977] {strides = array<i32>} : memref<50176xf32, #tpu.memory_space<vmem>>, vector<16xf32>,
      tpu.vector_store %arg7[%swap3A_977], %broadcast_in_dim3A_4 {strides = array<i32>} : memref<50176xf32, #tpu.memory_space<vmem>>, vector<16xf32>,
      %add3A_979 = arith.constant 64 : i32
      %add3A_980 = arith.addi %mul3A_962, %add3A_979 : i32
      %swap3A_981 = arith.index_cast %add3A_980 : i32 to index
      %swap3A_982 = tpu.vector_load %arg7[%swap3A_981] {strides = array<i32>} : memref<50176xf32, #tpu.memory_space<vmem>>, vector<16xf32>,
      tpu.vector_store %arg7[%swap3A_981], %broadcast_in_dim3A_4 {strides = array<i32>} : memref<50176xf32, #tpu.memory_space<vmem>>, vector<16xf32>,
      %add3A_983 = arith.constant 80 : i32
      %add3A_984 = arith.addi %mul3A_962, %add3A_983 : i32
      %swap3A_985 = arith.index_cast %add3A_984 : i32 to index
      %swap3A_986 = tpu.vector_load %arg7[%swap3A_985] {strides = array<i32>} : memref<50176xf32, #tpu.memory_space<vmem>>, vector<16xf32>,
      tpu.vector_store %arg7[%swap3A_985], %broadcast_in_dim3A_4 {strides = array<i32>} : memref<50176xf32, #tpu.memory_space<vmem>>, vector<16xf32>,
      %add3A_987 = arith.constant 96 : i32
      %add3A_988 = arith.addi %mul3A_962, %add3A_987 : i32
      %swap3A_989 = arith.index_cast %add3A_988 : i32 to index
      %swap3A_990 = tpu.vector_load %arg7[%swap3A_989] {strides = array<i32>} : memref<50176xf32, #tpu.memory_space<vmem>>, vector<16xf32>,
      tpu.vector_store %arg7[%swap3A_989], %broadcast_in_dim3A_4 {strides = array<i32>} : memref<50176xf32, #tpu.memory_space<vmem>>, vector<16xf32>,
      %add3A_991 = arith.constant 112 : i32
      %add3A_992 = arith.addi %mul3A_962, %add3A_991 : i32
      %swap3A_993 = arith.index_cast %add3A_992 : i32 to index
      %swap3A_994 = tpu.vector_load %arg7[%swap3A_993] {strides = array<i32>} : memref<50176xf32, #tpu.memory_space<vmem>>, vector<16xf32>,
      tpu.vector_store %arg7[%swap3A_993], %broadcast_in_dim3A_4 {strides = array<i32>} : memref<50176xf32, #tpu.memory_space<vmem>>, vector<16xf32>,
      %while3A_995 = arith.constant 0 : i32
      scf.yield %while3A_995 : i32
    }
    %while3A_16 = arith.constant 1 : i32
    %while3A_17 = scf.for %while3A_960 = %while3A_13 to %while3A_9 step %while3A_16 iter_args(%while3A_961 = %while3A_15) -> (i32)  : i32 {
      %mul3A_962 = arith.muli %while3A_960, %while3A : i32
      %add3A_963 = arith.constant 0 : i32
      %add3A_964 = arith.addi %mul3A_962, %add3A_963 : i32
      %swap3A_965 = arith.index_cast %add3A_964 : i32 to index
      %swap3A_966 = tpu.vector_load %arg7[%swap3A_965] {strides = array<i32>} : memref<50176xf32, #tpu.memory_space<vmem>>, vector<16xf32>,
      tpu.vector_store %arg7[%swap3A_965], %broadcast_in_dim3A_4 {strides = array<i32>} : memref<50176xf32, #tpu.memory_space<vmem>>, vector<16xf32>,
      %add3A_967 = arith.constant 16 : i32
      %add3A_968 = arith.addi %mul3A_962, %add3A_967 : i32
      %swap3A_969 = arith.index_cast %add3A_968 : i32 to index
      %swap3A_970 = tpu.vector_load %arg7[%swap3A_969] {strides = array<i32>} : memref<50176xf32, #tpu.memory_space<vmem>>, vector<16xf32>,
      tpu.vector_store %arg7[%swap3A_969], %broadcast_in_dim3A_4 {strides = array<i32>} : memref<50176xf32, #tpu.memory_space<vmem>>, vector<16xf32>,
      %add3A_971 = arith.constant 32 : i32
      %add3A_972 = arith.addi %mul3A_962, %add3A_971 : i32
      %swap3A_973 = arith.index_cast %add3A_972 : i32 to index
      %swap3A_974 = tpu.vector_load %arg7[%swap3A_973] {strides = array<i32>} : memref<50176xf32, #tpu.memory_space<vmem>>, vector<16xf32>,
      tpu.vector_store %arg7[%swap3A_973], %broadcast_in_dim3A_4 {strides = array<i32>} : memref<50176xf32, #tpu.memory_space<vmem>>, vector<16xf32>,
      %add3A_975 = arith.constant 48 : i32
      %add3A_976 = arith.addi %mul3A_962, %add3A_975 : i32
      %swap3A_977 = arith.index_cast %add3A_976 : i32 to index
      %swap3A_978 = tpu.vector_load %arg7[%swap3A_977] {strides = array<i32>} : memref<50176xf32, #tpu.memory_space<vmem>>, vector<16xf32>,
      tpu.vector_store %arg7[%swap3A_977], %broadcast_in_dim3A_4 {strides = array<i32>} : memref<50176xf32, #tpu.memory_space<vmem>>, vector<16xf32>,
      %add3A_979 = arith.constant 64 : i32
      %add3A_980 = arith.addi %mul3A_962, %add3A_979 : i32
      %swap3A_981 = arith.index_cast %add3A_980 : i32 to index
      %swap3A_982 = tpu.vector_load %arg7[%swap3A_981] {strides = array<i32>} : memref<50176xf32, #tpu.memory_space<vmem>>, vector<16xf32>,
      tpu.vector_store %arg7[%swap3A_981], %broadcast_in_dim3A_4 {strides = array<i32>} : memref<50176xf32, #tpu.memory_space<vmem>>, vector<16xf32>,
      %add3A_983 = arith.constant 80 : i32
      %add3A_984 = arith.addi %mul3A_962, %add3A_983 : i32
      %swap3A_985 = arith.index_cast %add3A_984 : i32 to index
      %swap3A_986 = tpu.vector_load %arg7[%swap3A_985] {strides = array<i32>} : memref<50176xf32, #tpu.memory_space<vmem>>, vector<16xf32>,
      tpu.vector_store %arg7[%swap3A_985], %broadcast_in_dim3A_4 {strides = array<i32>} : memref<50176xf32, #tpu.memory_space<vmem>>, vector<16xf32>,
      %add3A_987 = arith.constant 96 : i32
      %add3A_988 = arith.addi %mul3A_962, %add3A_987 : i32
      %swap3A_989 = arith.index_cast %add3A_988 : i32 to index
      %swap3A_990 = tpu.vector_load %arg7[%swap3A_989] {strides = array<i32>} : memref<50176xf32, #tpu.memory_space<vmem>>, vector<16xf32>,
      tpu.vector_store %arg7[%swap3A_989], %broadcast_in_dim3A_4 {strides = array<i32>} : memref<50176xf32, #tpu.memory_space<vmem>>, vector<16xf32>,
      %add3A_991 = arith.constant 112 : i32
      %add3A_992 = arith.addi %mul3A_962, %add3A_991 : i32
      %swap3A_993 = arith.index_cast %add3A_992 : i32 to index
      %swap3A_994 = tpu.vector_load %arg7[%swap3A_993] {strides = array<i32>} : memref<50176xf32, #tpu.memory_space<vmem>>, vector<16xf32>,
      tpu.vector_store %arg7[%swap3A_993], %broadcast_in_dim3A_4 {strides = array<i32>} : memref<50176xf32, #tpu.memory_space<vmem>>, vector<16xf32>,
      %while3A_995 = arith.constant 0 : i32
      scf.yield %while3A_995 : i32
    }
    %broadcast_in_dim3A_18 = arith.constant 0.000000e+00 : f32
    %broadcast_in_dim3A_19 = vector.broadcast %broadcast_in_dim3A_18 : f32 to vector<16xf32>
    %while3A_20 = arith.constant 128 : i32
    %while3A_21 = arith.constant 0 : i32
    %while3A_22 = arith.constant 392 : i32
    %while3A_23 = arith.constant 0 : i32
    %while3A_24 = arith.subi %while3A_22, %while3A_21 : i32
    %while3A_25 = arith.addi %while3A_21, %while3A_24 : i32
    %while3A_26 = arith.constant 1 : i32
    %while3A_27 = arith.divsi %while3A_24, %while3A_26 : i32
    %while3A_28 = arith.muli %while3A_27, %while3A_26 : i32
    %while3A_29 = arith.addi %while3A_21, %while3A_28 : i32
    %while3A_30 = arith.constant 1 : i32
    %while3A_31 = scf.for %while3A_960 = %while3A_21 to %while3A_29 step %while3A_30 iter_args(%while3A_961 = %while3A_23) -> (i32)  : i32 {
      %mul3A_962 = arith.muli %while3A_960, %while3A_20 : i32
      %add3A_963 = arith.constant 0 : i32
      %add3A_964 = arith.addi %mul3A_962, %add3A_963 : i32
      %swap3A_965 = arith.index_cast %add3A_964 : i32 to index
      %swap3A_966 = tpu.vector_load %arg8[%swap3A_965] {strides = array<i32>} : memref<50176xf32, #tpu.memory_space<vmem>>, vector<16xf32>,
      tpu.vector_store %arg8[%swap3A_965], %broadcast_in_dim3A_19 {strides = array<i32>} : memref<50176xf32, #tpu.memory_space<vmem>>, vector<16xf32>,
      %add3A_967 = arith.constant 16 : i32
      %add3A_968 = arith.addi %mul3A_962, %add3A_967 : i32
      %swap3A_969 = arith.index_cast %add3A_968 : i32 to index
      %swap3A_970 = tpu.vector_load %arg8[%swap3A_969] {strides = array<i32>} : memref<50176xf32, #tpu.memory_space<vmem>>, vector<16xf32>,
      tpu.vector_store %arg8[%swap3A_969], %broadcast_in_dim3A_19 {strides = array<i32>} : memref<50176xf32, #tpu.memory_space<vmem>>, vector<16xf32>,
      %add3A_971 = arith.constant 32 : i32
      %add3A_972 = arith.addi %mul3A_962, %add3A_971 : i32
      %swap3A_973 = arith.index_cast %add3A_972 : i32 to index
      %swap3A_974 = tpu.vector_load %arg8[%swap3A_973] {strides = array<i32>} : memref<50176xf32, #tpu.memory_space<vmem>>, vector<16xf32>,
      tpu.vector_store %arg8[%swap3A_973], %broadcast_in_dim3A_19 {strides = array<i32>} : memref<50176xf32, #tpu.memory_space<vmem>>, vector<16xf32>,
      %add3A_975 = arith.constant 48 : i32
      %add3A_976 = arith.addi %mul3A_962, %add3A_975 : i32
      %swap3A_977 = arith.index_cast %add3A_976 : i32 to index
      %swap3A_978 = tpu.vector_load %arg8[%swap3A_977] {strides = array<i32>} : memref<50176xf32, #tpu.memory_space<vmem>>, vector<16xf32>,
      tpu.vector_store %arg8[%swap3A_977], %broadcast_in_dim3A_19 {strides = array<i32>} : memref<50176xf32, #tpu.memory_space<vmem>>, vector<16xf32>,
      %add3A_979 = arith.constant 64 : i32
      %add3A_980 = arith.addi %mul3A_962, %add3A_979 : i32
      %swap3A_981 = arith.index_cast %add3A_980 : i32 to index
      %swap3A_982 = tpu.vector_load %arg8[%swap3A_981] {strides = array<i32>} : memref<50176xf32, #tpu.memory_space<vmem>>, vector<16xf32>,
      tpu.vector_store %arg8[%swap3A_981], %broadcast_in_dim3A_19 {strides = array<i32>} : memref<50176xf32, #tpu.memory_space<vmem>>, vector<16xf32>,
      %add3A_983 = arith.constant 80 : i32
      %add3A_984 = arith.addi %mul3A_962, %add3A_983 : i32
      %swap3A_985 = arith.index_cast %add3A_984 : i32 to index
      %swap3A_986 = tpu.vector_load %arg8[%swap3A_985] {strides = array<i32>} : memref<50176xf32, #tpu.memory_space<vmem>>, vector<16xf32>,
      tpu.vector_store %arg8[%swap3A_985], %broadcast_in_dim3A_19 {strides = array<i32>} : memref<50176xf32, #tpu.memory_space<vmem>>, vector<16xf32>,
      %add3A_987 = arith.constant 96 : i32
      %add3A_988 = arith.addi %mul3A_962, %add3A_987 : i32
      %swap3A_989 = arith.index_cast %add3A_988 : i32 to index
      %swap3A_990 = tpu.vector_load %arg8[%swap3A_989] {strides = array<i32>} : memref<50176xf32, #tpu.memory_space<vmem>>, vector<16xf32>,
      tpu.vector_store %arg8[%swap3A_989], %broadcast_in_dim3A_19 {strides = array<i32>} : memref<50176xf32, #tpu.memory_space<vmem>>, vector<16xf32>,
      %add3A_991 = arith.constant 112 : i32
      %add3A_992 = arith.addi %mul3A_962, %add3A_991 : i32
      %swap3A_993 = arith.index_cast %add3A_992 : i32 to index
      %swap3A_994 = tpu.vector_load %arg8[%swap3A_993] {strides = array<i32>} : memref<50176xf32, #tpu.memory_space<vmem>>, vector<16xf32>,
      tpu.vector_store %arg8[%swap3A_993], %broadcast_in_dim3A_19 {strides = array<i32>} : memref<50176xf32, #tpu.memory_space<vmem>>, vector<16xf32>,
      %while3A_995 = arith.constant 0 : i32
      scf.yield %while3A_995 : i32
    }
    %while3A_32 = arith.constant 1 : i32
    %while3A_33 = scf.for %while3A_960 = %while3A_29 to %while3A_25 step %while3A_32 iter_args(%while3A_961 = %while3A_31) -> (i32)  : i32 {
      %mul3A_962 = arith.muli %while3A_960, %while3A_20 : i32
      %add3A_963 = arith.constant 0 : i32
      %add3A_964 = arith.addi %mul3A_962, %add3A_963 : i32
      %swap3A_965 = arith.index_cast %add3A_964 : i32 to index
      %swap3A_966 = tpu.vector_load %arg8[%swap3A_965] {strides = array<i32>} : memref<50176xf32, #tpu.memory_space<vmem>>, vector<16xf32>,
      tpu.vector_store %arg8[%swap3A_965], %broadcast_in_dim3A_19 {strides = array<i32>} : memref<50176xf32, #tpu.memory_space<vmem>>, vector<16xf32>,
      %add3A_967 = arith.constant 16 : i32
      %add3A_968 = arith.addi %mul3A_962, %add3A_967 : i32
      %swap3A_969 = arith.index_cast %add3A_968 : i32 to index
      %swap3A_970 = tpu.vector_load %arg8[%swap3A_969] {strides = array<i32>} : memref<50176xf32, #tpu.memory_space<vmem>>, vector<16xf32>,
      tpu.vector_store %arg8[%swap3A_969], %broadcast_in_dim3A_19 {strides = array<i32>} : memref<50176xf32, #tpu.memory_space<vmem>>, vector<16xf32>,
      %add3A_971 = arith.constant 32 : i32
      %add3A_972 = arith.addi %mul3A_962, %add3A_971 : i32
      %swap3A_973 = arith.index_cast %add3A_972 : i32 to index
      %swap3A_974 = tpu.vector_load %arg8[%swap3A_973] {strides = array<i32>} : memref<50176xf32, #tpu.memory_space<vmem>>, vector<16xf32>,
      tpu.vector_store %arg8[%swap3A_973], %broadcast_in_dim3A_19 {strides = array<i32>} : memref<50176xf32, #tpu.memory_space<vmem>>, vector<16xf32>,
      %add3A_975 = arith.constant 48 : i32
      %add3A_976 = arith.addi %mul3A_962, %add3A_975 : i32
      %swap3A_977 = arith.index_cast %add3A_976 : i32 to index
      %swap3A_978 = tpu.vector_load %arg8[%swap3A_977] {strides = array<i32>} : memref<50176xf32, #tpu.memory_space<vmem>>, vector<16xf32>,
      tpu.vector_store %arg8[%swap3A_977], %broadcast_in_dim3A_19 {strides = array<i32>} : memref<50176xf32, #tpu.memory_space<vmem>>, vector<16xf32>,
      %add3A_979 = arith.constant 64 : i32
      %add3A_980 = arith.addi %mul3A_962, %add3A_979 : i32
      %swap3A_981 = arith.index_cast %add3A_980 : i32 to index
      %swap3A_982 = tpu.vector_load %arg8[%swap3A_981] {strides = array<i32>} : memref<50176xf32, #tpu.memory_space<vmem>>, vector<16xf32>,
      tpu.vector_store %arg8[%swap3A_981], %broadcast_in_dim3A_19 {strides = array<i32>} : memref<50176xf32, #tpu.memory_space<vmem>>, vector<16xf32>,
      %add3A_983 = arith.constant 80 : i32
      %add3A_984 = arith.addi %mul3A_962, %add3A_983 : i32
      %swap3A_985 = arith.index_cast %add3A_984 : i32 to index
      %swap3A_986 = tpu.vector_load %arg8[%swap3A_985] {strides = array<i32>} : memref<50176xf32, #tpu.memory_space<vmem>>, vector<16xf32>,
      tpu.vector_store %arg8[%swap3A_985], %broadcast_in_dim3A_19 {strides = array<i32>} : memref<50176xf32, #tpu.memory_space<vmem>>, vector<16xf32>,
      %add3A_987 = arith.constant 96 : i32
      %add3A_988 = arith.addi %mul3A_962, %add3A_987 : i32
      %swap3A_989 = arith.index_cast %add3A_988 : i32 to index
      %swap3A_990 = tpu.vector_load %arg8[%swap3A_989] {strides = array<i32>} : memref<50176xf32, #tpu.memory_space<vmem>>, vector<16xf32>,
      tpu.vector_store %arg8[%swap3A_989], %broadcast_in_dim3A_19 {strides = array<i32>} : memref<50176xf32, #tpu.memory_space<vmem>>, vector<16xf32>,
      %add3A_991 = arith.constant 112 : i32
      %add3A_992 = arith.addi %mul3A_962, %add3A_991 : i32
      %swap3A_993 = arith.index_cast %add3A_992 : i32 to index
      %swap3A_994 = tpu.vector_load %arg8[%swap3A_993] {strides = array<i32>} : memref<50176xf32, #tpu.memory_space<vmem>>, vector<16xf32>,
      tpu.vector_store %arg8[%swap3A_993], %broadcast_in_dim3A_19 {strides = array<i32>} : memref<50176xf32, #tpu.memory_space<vmem>>, vector<16xf32>,
      %while3A_995 = arith.constant 0 : i32
      scf.yield %while3A_995 : i32
    }
    %mul3A_34 = arith.constant 12 : i32
    %mul3A_35 = arith.muli %add3A, %mul3A_34 : i32
    %add3A_36 = arith.constant 0 : i32
    %add3A_37 = arith.addi %mul3A_35, %add3A_36 : i32
    %mul3A_38 = arith.constant 50176 : i32
    %mul3A_39 = arith.muli %add3A_37, %mul3A_38 : i32
    %dma_start3A = arith.constant 0 : i32
    %dma_start3A_40 = tpu.memref_slice %arg5[%dma_start3A] : memref<12560xi32, #tpu.memory_space<vmem>> -> memref<12544xi32, #tpu.memory_space<vmem>>
    %dma_start3A_41 = arith.constant 0 : i32
    %dma_start3A_42 = tpu.memref_slice %arg3[%add3A_37, %dma_start3A_41] : memref<384x12544xi32, #tpu.memory_space<hbm>> -> memref<1x12544xi32, #tpu.memory_space<hbm>>
    %dma_start3A_43 = tpu.memref_squeeze %dma_start3A_42 : memref<1x12544xi32, #tpu.memory_space<hbm>> -> memref<12544xi32, #tpu.memory_space<hbm>>
    %dma_start3A_44 = arith.constant 0 : i32
    %dma_start3A_45 = tpu.memref_slice %arg5[%dma_start3A_44] : memref<12560xi32, #tpu.memory_space<vmem>> -> memref<12544xi32, #tpu.memory_space<vmem>>
    %dma_start3A_46 = arith.constant 0 : i32
    %dma_start3A_47 = tpu.memref_slice %arg3[%add3A_37, %dma_start3A_46] : memref<384x12544xi32, #tpu.memory_space<hbm>> -> memref<1x12544xi32, #tpu.memory_space<hbm>>
    %dma_start3A_48 = tpu.memref_squeeze %dma_start3A_47 : memref<1x12544xi32, #tpu.memory_space<hbm>> -> memref<12544xi32, #tpu.memory_space<hbm>>
    tpu.enqueue_dma source(%dma_start3A_48 : memref<12544xi32, #tpu.memory_space<hbm>>) target(%dma_start3A_45 : memref<12544xi32, #tpu.memory_space<vmem>>) target_semaphore(%arg9 : memref<!tpu.dma_semaphore, #tpu.memory_space<semaphore_mem>>)
    %dma_start3A_49 = arith.constant 0 : i32
    %dma_start3A_50 = tpu.memref_slice %arg2[%add3A_37, %dma_start3A_49] : memref<384x12544xf32, #tpu.memory_space<hbm>> -> memref<1x12544xf32, #tpu.memory_space<hbm>>
    %dma_start3A_51 = tpu.memref_squeeze %dma_start3A_50 : memref<1x12544xf32, #tpu.memory_space<hbm>> -> memref<12544xf32, #tpu.memory_space<hbm>>
    %dma_start3A_52 = arith.constant 0 : i32
    %dma_start3A_53 = tpu.memref_slice %arg2[%add3A_37, %dma_start3A_52] : memref<384x12544xf32, #tpu.memory_space<hbm>> -> memref<1x12544xf32, #tpu.memory_space<hbm>>
    %dma_start3A_54 = tpu.memref_squeeze %dma_start3A_53 : memref<1x12544xf32, #tpu.memory_space<hbm>> -> memref<12544xf32, #tpu.memory_space<hbm>>
    tpu.enqueue_dma source(%dma_start3A_54 : memref<12544xf32, #tpu.memory_space<hbm>>) target(%arg6 : memref<12544xf32, #tpu.memory_space<vmem>>) target_semaphore(%arg10 : memref<!tpu.dma_semaphore, #tpu.memory_space<semaphore_mem>>)
    %dma_wait3A = arith.constant 0 : i32
    %dma_wait3A_55 = tpu.memref_slice %arg5[%dma_wait3A] : memref<12560xi32, #tpu.memory_space<vmem>> -> memref<12544xi32, #tpu.memory_space<vmem>>
    %dma_wait3A_56 = arith.constant 0 : i32
    %dma_wait3A_57 = tpu.memref_slice %arg3[%add3A_37, %dma_wait3A_56] : memref<384x12544xi32, #tpu.memory_space<hbm>> -> memref<1x12544xi32, #tpu.memory_space<hbm>>
    %dma_wait3A_58 = tpu.memref_squeeze %dma_wait3A_57 : memref<1x12544xi32, #tpu.memory_space<hbm>> -> memref<12544xi32, #tpu.memory_space<hbm>>
    %dma_wait3A_59 = arith.constant 0 : i32
    %dma_wait3A_60 = tpu.memref_slice %arg5[%dma_wait3A_59] : memref<12560xi32, #tpu.memory_space<vmem>> -> memref<12544xi32, #tpu.memory_space<vmem>>
    %dma_wait3A_61 = arith.constant 0 : i32
    %dma_wait3A_62 = tpu.memref_slice %arg3[%add3A_37, %dma_wait3A_61] : memref<384x12544xi32, #tpu.memory_space<hbm>> -> memref<1x12544xi32, #tpu.memory_space<hbm>>
    %dma_wait3A_63 = tpu.memref_squeeze %dma_wait3A_62 : memref<1x12544xi32, #tpu.memory_space<hbm>> -> memref<12544xi32, #tpu.memory_space<hbm>>
    tpu.wait_dma2 semaphore(%arg9 : memref<!tpu.dma_semaphore, #tpu.memory_space<semaphore_mem>>) src(%dma_wait3A_63 : memref<12544xi32, #tpu.memory_space<hbm>>) dst(%dma_wait3A_60 : memref<12544xi32, #tpu.memory_space<vmem>>)
    %dma_wait3A_64 = arith.constant 0 : i32
    %dma_wait3A_65 = tpu.memref_slice %arg2[%add3A_37, %dma_wait3A_64] : memref<384x12544xf32, #tpu.memory_space<hbm>> -> memref<1x12544xf32, #tpu.memory_space<hbm>>
    %dma_wait3A_66 = tpu.memref_squeeze %dma_wait3A_65 : memref<1x12544xf32, #tpu.memory_space<hbm>> -> memref<12544xf32, #tpu.memory_space<hbm>>
    %dma_wait3A_67 = arith.constant 0 : i32
    %dma_wait3A_68 = tpu.memref_slice %arg2[%add3A_37, %dma_wait3A_67] : memref<384x12544xf32, #tpu.memory_space<hbm>> -> memref<1x12544xf32, #tpu.memory_space<hbm>>
    %dma_wait3A_69 = tpu.memref_squeeze %dma_wait3A_68 : memref<1x12544xf32, #tpu.memory_space<hbm>> -> memref<12544xf32, #tpu.memory_space<hbm>>
    tpu.wait_dma2 semaphore(%arg10 : memref<!tpu.dma_semaphore, #tpu.memory_space<semaphore_mem>>) src(%dma_wait3A_69 : memref<12544xf32, #tpu.memory_space<hbm>>) dst(%arg6 : memref<12544xf32, #tpu.memory_space<vmem>>)
    %while3A_70 = arith.constant 128 : i32
    %while3A_71 = arith.constant 0 : i32
    %while3A_72 = arith.constant 98 : i32
    %while3A_73 = arith.constant 0 : i32
    %while3A_74 = arith.subi %while3A_72, %while3A_71 : i32
    %while3A_75 = arith.addi %while3A_71, %while3A_74 : i32
    %while3A_76 = arith.constant 1 : i32
    %while3A_77 = arith.divsi %while3A_74, %while3A_76 : i32
    %while3A_78 = arith.muli %while3A_77, %while3A_76 : i32
    %while3A_79 = arith.addi %while3A_71, %while3A_78 : i32
    %while3A_80 = arith.constant 1 : i32
    %while3A_81 = scf.for %while3A_960 = %while3A_71 to %while3A_79 step %while3A_80 iter_args(%while3A_961 = %while3A_73) -> (i32)  : i32 {
      %mul3A_962 = arith.muli %while3A_960, %while3A_70 : i32
      %add3A_963 = arith.constant 0 : i32
      %add3A_964 = arith.addi %mul3A_962, %add3A_963 : i32
      %get3A = arith.index_cast %add3A_964 : i32 to index
      %get3A_965 = tpu.vector_load %arg5[%get3A] {strides = array<i32>} : memref<12560xi32, #tpu.memory_space<vmem>>, vector<16xi32>,
      %add3A_966 = arith.constant 1 : i32
      %add3A_967 = arith.addi %add3A_964, %add3A_966 : i32
      %get3A_968 = arith.index_cast %add3A_967 : i32 to index
      %get3A_969 = tpu.vector_load %arg5[%get3A_968] {strides = array<i32>} : memref<12560xi32, #tpu.memory_space<vmem>>, vector<16xi32>,
      %get3A_970 = arith.index_cast %add3A_964 : i32 to index
      %get3A_971 = tpu.vector_load %arg6[%get3A_970] {strides = array<i32>} : memref<12544xf32, #tpu.memory_space<vmem>>, vector<16xf32>,
      %sub3A = vector.broadcast %mul3A_39 : i32 to vector<16xi32>
      %sub3A_972 = arith.subi %get3A_965, %sub3A : vector<16xi32>
      %ne3A = arith.cmpi ne, %get3A_965, %get3A_969 : vector<16xi32>
      tpu.vector_store_idx %arg7[%sub3A_972], %get3A_971 masked %ne3A : memref<50176xf32, #tpu.memory_space<vmem>>[vector<16xi32>], vector<16xf32>, vector<16xi1>
      %add3A_973 = arith.constant 16 : i32
      %add3A_974 = arith.addi %mul3A_962, %add3A_973 : i32
      %get3A_975 = arith.index_cast %add3A_974 : i32 to index
      %get3A_976 = tpu.vector_load %arg5[%get3A_975] {strides = array<i32>} : memref<12560xi32, #tpu.memory_space<vmem>>, vector<16xi32>,
      %add3A_977 = arith.constant 1 : i32
      %add3A_978 = arith.addi %add3A_974, %add3A_977 : i32
      %get3A_979 = arith.index_cast %add3A_978 : i32 to index
      %get3A_980 = tpu.vector_load %arg5[%get3A_979] {strides = array<i32>} : memref<12560xi32, #tpu.memory_space<vmem>>, vector<16xi32>,
      %get3A_981 = arith.index_cast %add3A_974 : i32 to index
      %get3A_982 = tpu.vector_load %arg6[%get3A_981] {strides = array<i32>} : memref<12544xf32, #tpu.memory_space<vmem>>, vector<16xf32>,
      %sub3A_983 = vector.broadcast %mul3A_39 : i32 to vector<16xi32>
      %sub3A_984 = arith.subi %get3A_976, %sub3A_983 : vector<16xi32>
      %ne3A_985 = arith.cmpi ne, %get3A_976, %get3A_980 : vector<16xi32>
      tpu.vector_store_idx %arg7[%sub3A_984], %get3A_982 masked %ne3A_985 : memref<50176xf32, #tpu.memory_space<vmem>>[vector<16xi32>], vector<16xf32>, vector<16xi1>
      %add3A_986 = arith.constant 32 : i32
      %add3A_987 = arith.addi %mul3A_962, %add3A_986 : i32
      %get3A_988 = arith.index_cast %add3A_987 : i32 to index
      %get3A_989 = tpu.vector_load %arg5[%get3A_988] {strides = array<i32>} : memref<12560xi32, #tpu.memory_space<vmem>>, vector<16xi32>,
      %add3A_990 = arith.constant 1 : i32
      %add3A_991 = arith.addi %add3A_987, %add3A_990 : i32
      %get3A_992 = arith.index_cast %add3A_991 : i32 to index
      %get3A_993 = tpu.vector_load %arg5[%get3A_992] {strides = array<i32>} : memref<12560xi32, #tpu.memory_space<vmem>>, vector<16xi32>,
      %get3A_994 = arith.index_cast %add3A_987 : i32 to index
      %get3A_995 = tpu.vector_load %arg6[%get3A_994] {strides = array<i32>} : memref<12544xf32, #tpu.memory_space<vmem>>, vector<16xf32>,
      %sub3A_996 = vector.broadcast %mul3A_39 : i32 to vector<16xi32>
      %sub3A_997 = arith.subi %get3A_989, %sub3A_996 : vector<16xi32>
      %ne3A_998 = arith.cmpi ne, %get3A_989, %get3A_993 : vector<16xi32>
      tpu.vector_store_idx %arg7[%sub3A_997], %get3A_995 masked %ne3A_998 : memref<50176xf32, #tpu.memory_space<vmem>>[vector<16xi32>], vector<16xf32>, vector<16xi1>
      %add3A_999 = arith.constant 48 : i32
      %add3A_1000 = arith.addi %mul3A_962, %add3A_999 : i32
      %get3A_1001 = arith.index_cast %add3A_1000 : i32 to index
      %get3A_1002 = tpu.vector_load %arg5[%get3A_1001] {strides = array<i32>} : memref<12560xi32, #tpu.memory_space<vmem>>, vector<16xi32>,
      %add3A_1003 = arith.constant 1 : i32
      %add3A_1004 = arith.addi %add3A_1000, %add3A_1003 : i32
      %get3A_1005 = arith.index_cast %add3A_1004 : i32 to index
      %get3A_1006 = tpu.vector_load %arg5[%get3A_1005] {strides = array<i32>} : memref<12560xi32, #tpu.memory_space<vmem>>, vector<16xi32>,
      %get3A_1007 = arith.index_cast %add3A_1000 : i32 to index
      %get3A_1008 = tpu.vector_load %arg6[%get3A_1007] {strides = array<i32>} : memref<12544xf32, #tpu.memory_space<vmem>>, vector<16xf32>,
      %sub3A_1009 = vector.broadcast %mul3A_39 : i32 to vector<16xi32>
      %sub3A_1010 = arith.subi %get3A_1002, %sub3A_1009 : vector<16xi32>
      %ne3A_1011 = arith.cmpi ne, %get3A_1002, %get3A_1006 : vector<16xi32>
      tpu.vector_store_idx %arg7[%sub3A_1010], %get3A_1008 masked %ne3A_1011 : memref<50176xf32, #tpu.memory_space<vmem>>[vector<16xi32>], vector<16xf32>, vector<16xi1>
      %add3A_1012 = arith.constant 64 : i32
      %add3A_1013 = arith.addi %mul3A_962, %add3A_1012 : i32
      %get3A_1014 = arith.index_cast %add3A_1013 : i32 to index
      %get3A_1015 = tpu.vector_load %arg5[%get3A_1014] {strides = array<i32>} : memref<12560xi32, #tpu.memory_space<vmem>>, vector<16xi32>,
      %add3A_1016 = arith.constant 1 : i32
      %add3A_1017 = arith.addi %add3A_1013, %add3A_1016 : i32
      %get3A_1018 = arith.index_cast %add3A_1017 : i32 to index
      %get3A_1019 = tpu.vector_load %arg5[%get3A_1018] {strides = array<i32>} : memref<12560xi32, #tpu.memory_space<vmem>>, vector<16xi32>,
      %get3A_1020 = arith.index_cast %add3A_1013 : i32 to index
      %get3A_1021 = tpu.vector_load %arg6[%get3A_1020] {strides = array<i32>} : memref<12544xf32, #tpu.memory_space<vmem>>, vector<16xf32>,
      %sub3A_1022 = vector.broadcast %mul3A_39 : i32 to vector<16xi32>
      %sub3A_1023 = arith.subi %get3A_1015, %sub3A_1022 : vector<16xi32>
      %ne3A_1024 = arith.cmpi ne, %get3A_1015, %get3A_1019 : vector<16xi32>
      tpu.vector_store_idx %arg7[%sub3A_1023], %get3A_1021 masked %ne3A_1024 : memref<50176xf32, #tpu.memory_space<vmem>>[vector<16xi32>], vector<16xf32>, vector<16xi1>
      %add3A_1025 = arith.constant 80 : i32
      %add3A_1026 = arith.addi %mul3A_962, %add3A_1025 : i32
      %get3A_1027 = arith.index_cast %add3A_1026 : i32 to index
      %get3A_1028 = tpu.vector_load %arg5[%get3A_1027] {strides = array<i32>} : memref<12560xi32, #tpu.memory_space<vmem>>, vector<16xi32>,
      %add3A_1029 = arith.constant 1 : i32
      %add3A_1030 = arith.addi %add3A_1026, %add3A_1029 : i32
      %get3A_1031 = arith.index_cast %add3A_1030 : i32 to index
      %get3A_1032 = tpu.vector_load %arg5[%get3A_1031] {strides = array<i32>} : memref<12560xi32, #tpu.memory_space<vmem>>, vector<16xi32>,
      %get3A_1033 = arith.index_cast %add3A_1026 : i32 to index
      %get3A_1034 = tpu.vector_load %arg6[%get3A_1033] {strides = array<i32>} : memref<12544xf32, #tpu.memory_space<vmem>>, vector<16xf32>,
      %sub3A_1035 = vector.broadcast %mul3A_39 : i32 to vector<16xi32>
      %sub3A_1036 = arith.subi %get3A_1028, %sub3A_1035 : vector<16xi32>
      %ne3A_1037 = arith.cmpi ne, %get3A_1028, %get3A_1032 : vector<16xi32>
      tpu.vector_store_idx %arg7[%sub3A_1036], %get3A_1034 masked %ne3A_1037 : memref<50176xf32, #tpu.memory_space<vmem>>[vector<16xi32>], vector<16xf32>, vector<16xi1>
      %add3A_1038 = arith.constant 96 : i32
      %add3A_1039 = arith.addi %mul3A_962, %add3A_1038 : i32
      %get3A_1040 = arith.index_cast %add3A_1039 : i32 to index
      %get3A_1041 = tpu.vector_load %arg5[%get3A_1040] {strides = array<i32>} : memref<12560xi32, #tpu.memory_space<vmem>>, vector<16xi32>,
      %add3A_1042 = arith.constant 1 : i32
      %add3A_1043 = arith.addi %add3A_1039, %add3A_1042 : i32
      %get3A_1044 = arith.index_cast %add3A_1043 : i32 to index
      %get3A_1045 = tpu.vector_load %arg5[%get3A_1044] {strides = array<i32>} : memref<12560xi32, #tpu.memory_space<vmem>>, vector<16xi32>,
      %get3A_1046 = arith.index_cast %add3A_1039 : i32 to index
      %get3A_1047 = tpu.vector_load %arg6[%get3A_1046] {strides = array<i32>} : memref<12544xf32, #tpu.memory_space<vmem>>, vector<16xf32>,
      %sub3A_1048 = vector.broadcast %mul3A_39 : i32 to vector<16xi32>
      %sub3A_1049 = arith.subi %get3A_1041, %sub3A_1048 : vector<16xi32>
      %ne3A_1050 = arith.cmpi ne, %get3A_1041, %get3A_1045 : vector<16xi32>
      tpu.vector_store_idx %arg7[%sub3A_1049], %get3A_1047 masked %ne3A_1050 : memref<50176xf32, #tpu.memory_space<vmem>>[vector<16xi32>], vector<16xf32>, vector<16xi1>
      %add3A_1051 = arith.constant 112 : i32
      %add3A_1052 = arith.addi %mul3A_962, %add3A_1051 : i32
      %get3A_1053 = arith.index_cast %add3A_1052 : i32 to index
      %get3A_1054 = tpu.vector_load %arg5[%get3A_1053] {strides = array<i32>} : memref<12560xi32, #tpu.memory_space<vmem>>, vector<16xi32>,
      %add3A_1055 = arith.constant 1 : i32
      %add3A_1056 = arith.addi %add3A_1052, %add3A_1055 : i32
      %get3A_1057 = arith.index_cast %add3A_1056 : i32 to index
      %get3A_1058 = tpu.vector_load %arg5[%get3A_1057] {strides = array<i32>} : memref<12560xi32, #tpu.memory_space<vmem>>, vector<16xi32>,
      %get3A_1059 = arith.index_cast %add3A_1052 : i32 to index
      %get3A_1060 = tpu.vector_load %arg6[%get3A_1059] {strides = array<i32>} : memref<12544xf32, #tpu.memory_space<vmem>>, vector<16xf32>,
      %sub3A_1061 = vector.broadcast %mul3A_39 : i32 to vector<16xi32>
      %sub3A_1062 = arith.subi %get3A_1054, %sub3A_1061 : vector<16xi32>
      %ne3A_1063 = arith.cmpi ne, %get3A_1054, %get3A_1058 : vector<16xi32>
      tpu.vector_store_idx %arg7[%sub3A_1062], %get3A_1060 masked %ne3A_1063 : memref<50176xf32, #tpu.memory_space<vmem>>[vector<16xi32>], vector<16xf32>, vector<16xi1>
      %while3A_1064 = arith.constant 0 : i32
      scf.yield %while3A_1064 : i32
    }
    %while3A_82 = arith.constant 1 : i32
    %while3A_83 = scf.for %while3A_960 = %while3A_79 to %while3A_75 step %while3A_82 iter_args(%while3A_961 = %while3A_81) -> (i32)  : i32 {
      %mul3A_962 = arith.muli %while3A_960, %while3A_70 : i32
      %add3A_963 = arith.constant 0 : i32
      %add3A_964 = arith.addi %mul3A_962, %add3A_963 : i32
      %get3A = arith.index_cast %add3A_964 : i32 to index
      %get3A_965 = tpu.vector_load %arg5[%get3A] {strides = array<i32>} : memref<12560xi32, #tpu.memory_space<vmem>>, vector<16xi32>,
      %add3A_966 = arith.constant 1 : i32
      %add3A_967 = arith.addi %add3A_964, %add3A_966 : i32
      %get3A_968 = arith.index_cast %add3A_967 : i32 to index
      %get3A_969 = tpu.vector_load %arg5[%get3A_968] {strides = array<i32>} : memref<12560xi32, #tpu.memory_space<vmem>>, vector<16xi32>,
      %get3A_970 = arith.index_cast %add3A_964 : i32 to index
      %get3A_971 = tpu.vector_load %arg6[%get3A_970] {strides = array<i32>} : memref<12544xf32, #tpu.memory_space<vmem>>, vector<16xf32>,
      %sub3A = vector.broadcast %mul3A_39 : i32 to vector<16xi32>
      %sub3A_972 = arith.subi %get3A_965, %sub3A : vector<16xi32>
      %ne3A = arith.cmpi ne, %get3A_965, %get3A_969 : vector<16xi32>
      tpu.vector_store_idx %arg7[%sub3A_972], %get3A_971 masked %ne3A : memref<50176xf32, #tpu.memory_space<vmem>>[vector<16xi32>], vector<16xf32>, vector<16xi1>
      %add3A_973 = arith.constant 16 : i32
      %add3A_974 = arith.addi %mul3A_962, %add3A_973 : i32
      %get3A_975 = arith.index_cast %add3A_974 : i32 to index
      %get3A_976 = tpu.vector_load %arg5[%get3A_975] {strides = array<i32>} : memref<12560xi32, #tpu.memory_space<vmem>>, vector<16xi32>,
      %add3A_977 = arith.constant 1 : i32
      %add3A_978 = arith.addi %add3A_974, %add3A_977 : i32
      %get3A_979 = arith.index_cast %add3A_978 : i32 to index
      %get3A_980 = tpu.vector_load %arg5[%get3A_979] {strides = array<i32>} : memref<12560xi32, #tpu.memory_space<vmem>>, vector<16xi32>,
      %get3A_981 = arith.index_cast %add3A_974 : i32 to index
      %get3A_982 = tpu.vector_load %arg6[%get3A_981] {strides = array<i32>} : memref<12544xf32, #tpu.memory_space<vmem>>, vector<16xf32>,
      %sub3A_983 = vector.broadcast %mul3A_39 : i32 to vector<16xi32>
      %sub3A_984 = arith.subi %get3A_976, %sub3A_983 : vector<16xi32>
      %ne3A_985 = arith.cmpi ne, %get3A_976, %get3A_980 : vector<16xi32>
      tpu.vector_store_idx %arg7[%sub3A_984], %get3A_982 masked %ne3A_985 : memref<50176xf32, #tpu.memory_space<vmem>>[vector<16xi32>], vector<16xf32>, vector<16xi1>
      %add3A_986 = arith.constant 32 : i32
      %add3A_987 = arith.addi %mul3A_962, %add3A_986 : i32
      %get3A_988 = arith.index_cast %add3A_987 : i32 to index
      %get3A_989 = tpu.vector_load %arg5[%get3A_988] {strides = array<i32>} : memref<12560xi32, #tpu.memory_space<vmem>>, vector<16xi32>,
      %add3A_990 = arith.constant 1 : i32
      %add3A_991 = arith.addi %add3A_987, %add3A_990 : i32
      %get3A_992 = arith.index_cast %add3A_991 : i32 to index
      %get3A_993 = tpu.vector_load %arg5[%get3A_992] {strides = array<i32>} : memref<12560xi32, #tpu.memory_space<vmem>>, vector<16xi32>,
      %get3A_994 = arith.index_cast %add3A_987 : i32 to index
      %get3A_995 = tpu.vector_load %arg6[%get3A_994] {strides = array<i32>} : memref<12544xf32, #tpu.memory_space<vmem>>, vector<16xf32>,
      %sub3A_996 = vector.broadcast %mul3A_39 : i32 to vector<16xi32>
      %sub3A_997 = arith.subi %get3A_989, %sub3A_996 : vector<16xi32>
      %ne3A_998 = arith.cmpi ne, %get3A_989, %get3A_993 : vector<16xi32>
      tpu.vector_store_idx %arg7[%sub3A_997], %get3A_995 masked %ne3A_998 : memref<50176xf32, #tpu.memory_space<vmem>>[vector<16xi32>], vector<16xf32>, vector<16xi1>
      %add3A_999 = arith.constant 48 : i32
      %add3A_1000 = arith.addi %mul3A_962, %add3A_999 : i32
      %get3A_1001 = arith.index_cast %add3A_1000 : i32 to index
      %get3A_1002 = tpu.vector_load %arg5[%get3A_1001] {strides = array<i32>} : memref<12560xi32, #tpu.memory_space<vmem>>, vector<16xi32>,
      %add3A_1003 = arith.constant 1 : i32
      %add3A_1004 = arith.addi %add3A_1000, %add3A_1003 : i32
      %get3A_1005 = arith.index_cast %add3A_1004 : i32 to index
      %get3A_1006 = tpu.vector_load %arg5[%get3A_1005] {strides = array<i32>} : memref<12560xi32, #tpu.memory_space<vmem>>, vector<16xi32>,
      %get3A_1007 = arith.index_cast %add3A_1000 : i32 to index
      %get3A_1008 = tpu.vector_load %arg6[%get3A_1007] {strides = array<i32>} : memref<12544xf32, #tpu.memory_space<vmem>>, vector<16xf32>,
      %sub3A_1009 = vector.broadcast %mul3A_39 : i32 to vector<16xi32>
      %sub3A_1010 = arith.subi %get3A_1002, %sub3A_1009 : vector<16xi32>
      %ne3A_1011 = arith.cmpi ne, %get3A_1002, %get3A_1006 : vector<16xi32>
      tpu.vector_store_idx %arg7[%sub3A_1010], %get3A_1008 masked %ne3A_1011 : memref<50176xf32, #tpu.memory_space<vmem>>[vector<16xi32>], vector<16xf32>, vector<16xi1>
      %add3A_1012 = arith.constant 64 : i32
      %add3A_1013 = arith.addi %mul3A_962, %add3A_1012 : i32
      %get3A_1014 = arith.index_cast %add3A_1013 : i32 to index
      %get3A_1015 = tpu.vector_load %arg5[%get3A_1014] {strides = array<i32>} : memref<12560xi32, #tpu.memory_space<vmem>>, vector<16xi32>,
      %add3A_1016 = arith.constant 1 : i32
      %add3A_1017 = arith.addi %add3A_1013, %add3A_1016 : i32
      %get3A_1018 = arith.index_cast %add3A_1017 : i32 to index
      %get3A_1019 = tpu.vector_load %arg5[%get3A_1018] {strides = array<i32>} : memref<12560xi32, #tpu.memory_space<vmem>>, vector<16xi32>,
      %get3A_1020 = arith.index_cast %add3A_1013 : i32 to index
      %get3A_1021 = tpu.vector_load %arg6[%get3A_1020] {strides = array<i32>} : memref<12544xf32, #tpu.memory_space<vmem>>, vector<16xf32>,
      %sub3A_1022 = vector.broadcast %mul3A_39 : i32 to vector<16xi32>
      %sub3A_1023 = arith.subi %get3A_1015, %sub3A_1022 : vector<16xi32>
      %ne3A_1024 = arith.cmpi ne, %get3A_1015, %get3A_1019 : vector<16xi32>
      tpu.vector_store_idx %arg7[%sub3A_1023], %get3A_1021 masked %ne3A_1024 : memref<50176xf32, #tpu.memory_space<vmem>>[vector<16xi32>], vector<16xf32>, vector<16xi1>
      %add3A_1025 = arith.constant 80 : i32
      %add3A_1026 = arith.addi %mul3A_962, %add3A_1025 : i32
      %get3A_1027 = arith.index_cast %add3A_1026 : i32 to index
      %get3A_1028 = tpu.vector_load %arg5[%get3A_1027] {strides = array<i32>} : memref<12560xi32, #tpu.memory_space<vmem>>, vector<16xi32>,
      %add3A_1029 = arith.constant 1 : i32
      %add3A_1030 = arith.addi %add3A_1026, %add3A_1029 : i32
      %get3A_1031 = arith.index_cast %add3A_1030 : i32 to index
      %get3A_1032 = tpu.vector_load %arg5[%get3A_1031] {strides = array<i32>} : memref<12560xi32, #tpu.memory_space<vmem>>, vector<16xi32>,
      %get3A_1033 = arith.index_cast %add3A_1026 : i32 to index
      %get3A_1034 = tpu.vector_load %arg6[%get3A_1033] {strides = array<i32>} : memref<12544xf32, #tpu.memory_space<vmem>>, vector<16xf32>,
      %sub3A_1035 = vector.broadcast %mul3A_39 : i32 to vector<16xi32>
      %sub3A_1036 = arith.subi %get3A_1028, %sub3A_1035 : vector<16xi32>
      %ne3A_1037 = arith.cmpi ne, %get3A_1028, %get3A_1032 : vector<16xi32>
      tpu.vector_store_idx %arg7[%sub3A_1036], %get3A_1034 masked %ne3A_1037 : memref<50176xf32, #tpu.memory_space<vmem>>[vector<16xi32>], vector<16xf32>, vector<16xi1>
      %add3A_1038 = arith.constant 96 : i32
      %add3A_1039 = arith.addi %mul3A_962, %add3A_1038 : i32
      %get3A_1040 = arith.index_cast %add3A_1039 : i32 to index
      %get3A_1041 = tpu.vector_load %arg5[%get3A_1040] {strides = array<i32>} : memref<12560xi32, #tpu.memory_space<vmem>>, vector<16xi32>,
      %add3A_1042 = arith.constant 1 : i32
      %add3A_1043 = arith.addi %add3A_1039, %add3A_1042 : i32
      %get3A_1044 = arith.index_cast %add3A_1043 : i32 to index
      %get3A_1045 = tpu.vector_load %arg5[%get3A_1044] {strides = array<i32>} : memref<12560xi32, #tpu.memory_space<vmem>>, vector<16xi32>,
      %get3A_1046 = arith.index_cast %add3A_1039 : i32 to index
      %get3A_1047 = tpu.vector_load %arg6[%get3A_1046] {strides = array<i32>} : memref<12544xf32, #tpu.memory_space<vmem>>, vector<16xf32>,
      %sub3A_1048 = vector.broadcast %mul3A_39 : i32 to vector<16xi32>
      %sub3A_1049 = arith.subi %get3A_1041, %sub3A_1048 : vector<16xi32>
      %ne3A_1050 = arith.cmpi ne, %get3A_1041, %get3A_1045 : vector<16xi32>
      tpu.vector_store_idx %arg7[%sub3A_1049], %get3A_1047 masked %ne3A_1050 : memref<50176xf32, #tpu.memory_space<vmem>>[vector<16xi32>], vector<16xf32>, vector<16xi1>
      %add3A_1051 = arith.constant 112 : i32
      %add3A_1052 = arith.addi %mul3A_962, %add3A_1051 : i32
      %get3A_1053 = arith.index_cast %add3A_1052 : i32 to index
      %get3A_1054 = tpu.vector_load %arg5[%get3A_1053] {strides = array<i32>} : memref<12560xi32, #tpu.memory_space<vmem>>, vector<16xi32>,
      %add3A_1055 = arith.constant 1 : i32
      %add3A_1056 = arith.addi %add3A_1052, %add3A_1055 : i32
      %get3A_1057 = arith.index_cast %add3A_1056 : i32 to index
      %get3A_1058 = tpu.vector_load %arg5[%get3A_1057] {strides = array<i32>} : memref<12560xi32, #tpu.memory_space<vmem>>, vector<16xi32>,
      %get3A_1059 = arith.index_cast %add3A_1052 : i32 to index
      %get3A_1060 = tpu.vector_load %arg6[%get3A_1059] {strides = array<i32>} : memref<12544xf32, #tpu.memory_space<vmem>>, vector<16xf32>,
      %sub3A_1061 = vector.broadcast %mul3A_39 : i32 to vector<16xi32>
      %sub3A_1062 = arith.subi %get3A_1054, %sub3A_1061 : vector<16xi32>
      %ne3A_1063 = arith.cmpi ne, %get3A_1054, %get3A_1058 : vector<16xi32>
      tpu.vector_store_idx %arg7[%sub3A_1062], %get3A_1060 masked %ne3A_1063 : memref<50176xf32, #tpu.memory_space<vmem>>[vector<16xi32>], vector<16xf32>, vector<16xi1>
      %while3A_1064 = arith.constant 0 : i32
      scf.yield %while3A_1064 : i32
    }
    %dma_start3A_84 = arith.constant 0 : i32
    %dma_start3A_85 = tpu.memref_slice %arg4[%add3A_37, %dma_start3A_84] : memref<384x50176xf32, #tpu.memory_space<hbm>> -> memref<1x50176xf32, #tpu.memory_space<hbm>>
    %dma_start3A_86 = tpu.memref_squeeze %dma_start3A_85 : memref<1x50176xf32, #tpu.memory_space<hbm>> -> memref<50176xf32, #tpu.memory_space<hbm>>
    %dma_start3A_87 = arith.constant 0 : i32
    %dma_start3A_88 = tpu.memref_slice %arg4[%add3A_37, %dma_start3A_87] : memref<384x50176xf32, #tpu.memory_space<hbm>> -> memref<1x50176xf32, #tpu.memory_space<hbm>>
    %dma_start3A_89 = tpu.memref_squeeze %dma_start3A_88 : memref<1x50176xf32, #tpu.memory_space<hbm>> -> memref<50176xf32, #tpu.memory_space<hbm>>
    tpu.enqueue_dma source(%arg7 : memref<50176xf32, #tpu.memory_space<vmem>>) target(%dma_start3A_89 : memref<50176xf32, #tpu.memory_space<hbm>>) target_semaphore(%arg11 : memref<!tpu.dma_semaphore, #tpu.memory_space<semaphore_mem>>)
    %mul3A_90 = arith.constant 12 : i32
    %mul3A_91 = arith.muli %add3A, %mul3A_90 : i32
    %add3A_92 = arith.constant 1 : i32
    %add3A_93 = arith.addi %mul3A_91, %add3A_92 : i32
    %mul3A_94 = arith.constant 50176 : i32
    %mul3A_95 = arith.muli %add3A_93, %mul3A_94 : i32
    %dma_start3A_96 = arith.constant 0 : i32
    %dma_start3A_97 = tpu.memref_slice %arg5[%dma_start3A_96] : memref<12560xi32, #tpu.memory_space<vmem>> -> memref<12544xi32, #tpu.memory_space<vmem>>
    %dma_start3A_98 = arith.constant 0 : i32
    %dma_start3A_99 = tpu.memref_slice %arg3[%add3A_93, %dma_start3A_98] : memref<384x12544xi32, #tpu.memory_space<hbm>> -> memref<1x12544xi32, #tpu.memory_space<hbm>>
    %dma_start3A_100 = tpu.memref_squeeze %dma_start3A_99 : memref<1x12544xi32, #tpu.memory_space<hbm>> -> memref<12544xi32, #tpu.memory_space<hbm>>
    %dma_start3A_101 = arith.constant 0 : i32
    %dma_start3A_102 = tpu.memref_slice %arg5[%dma_start3A_101] : memref<12560xi32, #tpu.memory_space<vmem>> -> memref<12544xi32, #tpu.memory_space<vmem>>
    %dma_start3A_103 = arith.constant 0 : i32
    %dma_start3A_104 = tpu.memref_slice %arg3[%add3A_93, %dma_start3A_103] : memref<384x12544xi32, #tpu.memory_space<hbm>> -> memref<1x12544xi32, #tpu.memory_space<hbm>>
    %dma_start3A_105 = tpu.memref_squeeze %dma_start3A_104 : memref<1x12544xi32, #tpu.memory_space<hbm>> -> memref<12544xi32, #tpu.memory_space<hbm>>
    tpu.enqueue_dma source(%dma_start3A_105 : memref<12544xi32, #tpu.memory_space<hbm>>) target(%dma_start3A_102 : memref<12544xi32, #tpu.memory_space<vmem>>) target_semaphore(%arg9 : memref<!tpu.dma_semaphore, #tpu.memory_space<semaphore_mem>>)
    %dma_start3A_106 = arith.constant 0 : i32
    %dma_start3A_107 = tpu.memref_slice %arg2[%add3A_93, %dma_start3A_106] : memref<384x12544xf32, #tpu.memory_space<hbm>> -> memref<1x12544xf32, #tpu.memory_space<hbm>>
    %dma_start3A_108 = tpu.memref_squeeze %dma_start3A_107 : memref<1x12544xf32, #tpu.memory_space<hbm>> -> memref<12544xf32, #tpu.memory_space<hbm>>
    %dma_start3A_109 = arith.constant 0 : i32
    %dma_start3A_110 = tpu.memref_slice %arg2[%add3A_93, %dma_start3A_109] : memref<384x12544xf32, #tpu.memory_space<hbm>> -> memref<1x12544xf32, #tpu.memory_space<hbm>>
    %dma_start3A_111 = tpu.memref_squeeze %dma_start3A_110 : memref<1x12544xf32, #tpu.memory_space<hbm>> -> memref<12544xf32, #tpu.memory_space<hbm>>
    tpu.enqueue_dma source(%dma_start3A_111 : memref<12544xf32, #tpu.memory_space<hbm>>) target(%arg6 : memref<12544xf32, #tpu.memory_space<vmem>>) target_semaphore(%arg10 : memref<!tpu.dma_semaphore, #tpu.memory_space<semaphore_mem>>)
    %dma_wait3A_112 = arith.constant 0 : i32
    %dma_wait3A_113 = tpu.memref_slice %arg5[%dma_wait3A_112] : memref<12560xi32, #tpu.memory_space<vmem>> -> memref<12544xi32, #tpu.memory_space<vmem>>
    %dma_wait3A_114 = arith.constant 0 : i32
    %dma_wait3A_115 = tpu.memref_slice %arg3[%add3A_93, %dma_wait3A_114] : memref<384x12544xi32, #tpu.memory_space<hbm>> -> memref<1x12544xi32, #tpu.memory_space<hbm>>
    %dma_wait3A_116 = tpu.memref_squeeze %dma_wait3A_115 : memref<1x12544xi32, #tpu.memory_space<hbm>> -> memref<12544xi32, #tpu.memory_space<hbm>>
    %dma_wait3A_117 = arith.constant 0 : i32
    %dma_wait3A_118 = tpu.memref_slice %arg5[%dma_wait3A_117] : memref<12560xi32, #tpu.memory_space<vmem>> -> memref<12544xi32, #tpu.memory_space<vmem>>
    %dma_wait3A_119 = arith.constant 0 : i32
    %dma_wait3A_120 = tpu.memref_slice %arg3[%add3A_93, %dma_wait3A_119] : memref<384x12544xi32, #tpu.memory_space<hbm>> -> memref<1x12544xi32, #tpu.memory_space<hbm>>
    %dma_wait3A_121 = tpu.memref_squeeze %dma_wait3A_120 : memref<1x12544xi32, #tpu.memory_space<hbm>> -> memref<12544xi32, #tpu.memory_space<hbm>>
    tpu.wait_dma2 semaphore(%arg9 : memref<!tpu.dma_semaphore, #tpu.memory_space<semaphore_mem>>) src(%dma_wait3A_121 : memref<12544xi32, #tpu.memory_space<hbm>>) dst(%dma_wait3A_118 : memref<12544xi32, #tpu.memory_space<vmem>>)
    %dma_wait3A_122 = arith.constant 0 : i32
    %dma_wait3A_123 = tpu.memref_slice %arg2[%add3A_93, %dma_wait3A_122] : memref<384x12544xf32, #tpu.memory_space<hbm>> -> memref<1x12544xf32, #tpu.memory_space<hbm>>
    %dma_wait3A_124 = tpu.memref_squeeze %dma_wait3A_123 : memref<1x12544xf32, #tpu.memory_space<hbm>> -> memref<12544xf32, #tpu.memory_space<hbm>>
    %dma_wait3A_125 = arith.constant 0 : i32
    %dma_wait3A_126 = tpu.memref_slice %arg2[%add3A_93, %dma_wait3A_125] : memref<384x12544xf32, #tpu.memory_space<hbm>> -> memref<1x12544xf32, #tpu.memory_space<hbm>>
    %dma_wait3A_127 = tpu.memref_squeeze %dma_wait3A_126 : memref<1x12544xf32, #tpu.memory_space<hbm>> -> memref<12544xf32, #tpu.memory_space<hbm>>
    tpu.wait_dma2 semaphore(%arg10 : memref<!tpu.dma_semaphore, #tpu.memory_space<semaphore_mem>>) src(%dma_wait3A_127 : memref<12544xf32, #tpu.memory_space<hbm>>) dst(%arg6 : memref<12544xf32, #tpu.memory_space<vmem>>)
    %while3A_128 = arith.constant 128 : i32
    %while3A_129 = arith.constant 0 : i32
    %while3A_130 = arith.constant 98 : i32
    %while3A_131 = arith.constant 0 : i32
    %while3A_132 = arith.subi %while3A_130, %while3A_129 : i32
    %while3A_133 = arith.addi %while3A_129, %while3A_132 : i32
    %while3A_134 = arith.constant 1 : i32
    %while3A_135 = arith.divsi %while3A_132, %while3A_134 : i32
    %while3A_136 = arith.muli %while3A_135, %while3A_134 : i32
    %while3A_137 = arith.addi %while3A_129, %while3A_136 : i32
    %while3A_138 = arith.constant 1 : i32
    %while3A_139 = scf.for %while3A_960 = %while3A_129 to %while3A_137 step %while3A_138 iter_args(%while3A_961 = %while3A_131) -> (i32)  : i32 {
      %mul3A_962 = arith.muli %while3A_960, %while3A_128 : i32
      %add3A_963 = arith.constant 0 : i32
      %add3A_964 = arith.addi %mul3A_962, %add3A_963 : i32
      %get3A = arith.index_cast %add3A_964 : i32 to index
      %get3A_965 = tpu.vector_load %arg5[%get3A] {strides = array<i32>} : memref<12560xi32, #tpu.memory_space<vmem>>, vector<16xi32>,
      %add3A_966 = arith.constant 1 : i32
      %add3A_967 = arith.addi %add3A_964, %add3A_966 : i32
      %get3A_968 = arith.index_cast %add3A_967 : i32 to index
      %get3A_969 = tpu.vector_load %arg5[%get3A_968] {strides = array<i32>} : memref<12560xi32, #tpu.memory_space<vmem>>, vector<16xi32>,
      %get3A_970 = arith.index_cast %add3A_964 : i32 to index
      %get3A_971 = tpu.vector_load %arg6[%get3A_970] {strides = array<i32>} : memref<12544xf32, #tpu.memory_space<vmem>>, vector<16xf32>,
      %sub3A = vector.broadcast %mul3A_95 : i32 to vector<16xi32>
      %sub3A_972 = arith.subi %get3A_965, %sub3A : vector<16xi32>
      %ne3A = arith.cmpi ne, %get3A_965, %get3A_969 : vector<16xi32>
      tpu.vector_store_idx %arg8[%sub3A_972], %get3A_971 masked %ne3A : memref<50176xf32, #tpu.memory_space<vmem>>[vector<16xi32>], vector<16xf32>, vector<16xi1>
      %add3A_973 = arith.constant 16 : i32
      %add3A_974 = arith.addi %mul3A_962, %add3A_973 : i32
      %get3A_975 = arith.index_cast %add3A_974 : i32 to index
      %get3A_976 = tpu.vector_load %arg5[%get3A_975] {strides = array<i32>} : memref<12560xi32, #tpu.memory_space<vmem>>, vector<16xi32>,
      %add3A_977 = arith.constant 1 : i32
      %add3A_978 = arith.addi %add3A_974, %add3A_977 : i32
      %get3A_979 = arith.index_cast %add3A_978 : i32 to index
      %get3A_980 = tpu.vector_load %arg5[%get3A_979] {strides = array<i32>} : memref<12560xi32, #tpu.memory_space<vmem>>, vector<16xi32>,
      %get3A_981 = arith.index_cast %add3A_974 : i32 to index
      %get3A_982 = tpu.vector_load %arg6[%get3A_981] {strides = array<i32>} : memref<12544xf32, #tpu.memory_space<vmem>>, vector<16xf32>,
      %sub3A_983 = vector.broadcast %mul3A_95 : i32 to vector<16xi32>
      %sub3A_984 = arith.subi %get3A_976, %sub3A_983 : vector<16xi32>
      %ne3A_985 = arith.cmpi ne, %get3A_976, %get3A_980 : vector<16xi32>
      tpu.vector_store_idx %arg8[%sub3A_984], %get3A_982 masked %ne3A_985 : memref<50176xf32, #tpu.memory_space<vmem>>[vector<16xi32>], vector<16xf32>, vector<16xi1>
      %add3A_986 = arith.constant 32 : i32
      %add3A_987 = arith.addi %mul3A_962, %add3A_986 : i32
      %get3A_988 = arith.index_cast %add3A_987 : i32 to index
      %get3A_989 = tpu.vector_load %arg5[%get3A_988] {strides = array<i32>} : memref<12560xi32, #tpu.memory_space<vmem>>, vector<16xi32>,
      %add3A_990 = arith.constant 1 : i32
      %add3A_991 = arith.addi %add3A_987, %add3A_990 : i32
      %get3A_992 = arith.index_cast %add3A_991 : i32 to index
      %get3A_993 = tpu.vector_load %arg5[%get3A_992] {strides = array<i32>} : memref<12560xi32, #tpu.memory_space<vmem>>, vector<16xi32>,
      %get3A_994 = arith.index_cast %add3A_987 : i32 to index
      %get3A_995 = tpu.vector_load %arg6[%get3A_994] {strides = array<i32>} : memref<12544xf32, #tpu.memory_space<vmem>>, vector<16xf32>,
      %sub3A_996 = vector.broadcast %mul3A_95 : i32 to vector<16xi32>
      %sub3A_997 = arith.subi %get3A_989, %sub3A_996 : vector<16xi32>
      %ne3A_998 = arith.cmpi ne, %get3A_989, %get3A_993 : vector<16xi32>
      tpu.vector_store_idx %arg8[%sub3A_997], %get3A_995 masked %ne3A_998 : memref<50176xf32, #tpu.memory_space<vmem>>[vector<16xi32>], vector<16xf32>, vector<16xi1>
      %add3A_999 = arith.constant 48 : i32
      %add3A_1000 = arith.addi %mul3A_962, %add3A_999 : i32
      %get3A_1001 = arith.index_cast %add3A_1000 : i32 to index
      %get3A_1002 = tpu.vector_load %arg5[%get3A_1001] {strides = array<i32>} : memref<12560xi32, #tpu.memory_space<vmem>>, vector<16xi32>,
      %add3A_1003 = arith.constant 1 : i32
      %add3A_1004 = arith.addi %add3A_1000, %add3A_1003 : i32
      %get3A_1005 = arith.index_cast %add3A_1004 : i32 to index
      %get3A_1006 = tpu.vector_load %arg5[%get3A_1005] {strides = array<i32>} : memref<12560xi32, #tpu.memory_space<vmem>>, vector<16xi32>,
      %get3A_1007 = arith.index_cast %add3A_1000 : i32 to index
      %get3A_1008 = tpu.vector_load %arg6[%get3A_1007] {strides = array<i32>} : memref<12544xf32, #tpu.memory_space<vmem>>, vector<16xf32>,
      %sub3A_1009 = vector.broadcast %mul3A_95 : i32 to vector<16xi32>
      %sub3A_1010 = arith.subi %get3A_1002, %sub3A_1009 : vector<16xi32>
      %ne3A_1011 = arith.cmpi ne, %get3A_1002, %get3A_1006 : vector<16xi32>
      tpu.vector_store_idx %arg8[%sub3A_1010], %get3A_1008 masked %ne3A_1011 : memref<50176xf32, #tpu.memory_space<vmem>>[vector<16xi32>], vector<16xf32>, vector<16xi1>
      %add3A_1012 = arith.constant 64 : i32
      %add3A_1013 = arith.addi %mul3A_962, %add3A_1012 : i32
      %get3A_1014 = arith.index_cast %add3A_1013 : i32 to index
      %get3A_1015 = tpu.vector_load %arg5[%get3A_1014] {strides = array<i32>} : memref<12560xi32, #tpu.memory_space<vmem>>, vector<16xi32>,
      %add3A_1016 = arith.constant 1 : i32
      %add3A_1017 = arith.addi %add3A_1013, %add3A_1016 : i32
      %get3A_1018 = arith.index_cast %add3A_1017 : i32 to index
      %get3A_1019 = tpu.vector_load %arg5[%get3A_1018] {strides = array<i32>} : memref<12560xi32, #tpu.memory_space<vmem>>, vector<16xi32>,
      %get3A_1020 = arith.index_cast %add3A_1013 : i32 to index
      %get3A_1021 = tpu.vector_load %arg6[%get3A_1020] {strides = array<i32>} : memref<12544xf32, #tpu.memory_space<vmem>>, vector<16xf32>,
      %sub3A_1022 = vector.broadcast %mul3A_95 : i32 to vector<16xi32>
      %sub3A_1023 = arith.subi %get3A_1015, %sub3A_1022 : vector<16xi32>
      %ne3A_1024 = arith.cmpi ne, %get3A_1015, %get3A_1019 : vector<16xi32>
      tpu.vector_store_idx %arg8[%sub3A_1023], %get3A_1021 masked %ne3A_1024 : memref<50176xf32, #tpu.memory_space<vmem>>[vector<16xi32>], vector<16xf32>, vector<16xi1>
      %add3A_1025 = arith.constant 80 : i32
      %add3A_1026 = arith.addi %mul3A_962, %add3A_1025 : i32
      %get3A_1027 = arith.index_cast %add3A_1026 : i32 to index
      %get3A_1028 = tpu.vector_load %arg5[%get3A_1027] {strides = array<i32>} : memref<12560xi32, #tpu.memory_space<vmem>>, vector<16xi32>,
      %add3A_1029 = arith.constant 1 : i32
      %add3A_1030 = arith.addi %add3A_1026, %add3A_1029 : i32
      %get3A_1031 = arith.index_cast %add3A_1030 : i32 to index
      %get3A_1032 = tpu.vector_load %arg5[%get3A_1031] {strides = array<i32>} : memref<12560xi32, #tpu.memory_space<vmem>>, vector<16xi32>,
      %get3A_1033 = arith.index_cast %add3A_1026 : i32 to index
      %get3A_1034 = tpu.vector_load %arg6[%get3A_1033] {strides = array<i32>} : memref<12544xf32, #tpu.memory_space<vmem>>, vector<16xf32>,
      %sub3A_1035 = vector.broadcast %mul3A_95 : i32 to vector<16xi32>
      %sub3A_1036 = arith.subi %get3A_1028, %sub3A_1035 : vector<16xi32>
      %ne3A_1037 = arith.cmpi ne, %get3A_1028, %get3A_1032 : vector<16xi32>
      tpu.vector_store_idx %arg8[%sub3A_1036], %get3A_1034 masked %ne3A_1037 : memref<50176xf32, #tpu.memory_space<vmem>>[vector<16xi32>], vector<16xf32>, vector<16xi1>
      %add3A_1038 = arith.constant 96 : i32
      %add3A_1039 = arith.addi %mul3A_962, %add3A_1038 : i32
      %get3A_1040 = arith.index_cast %add3A_1039 : i32 to index
      %get3A_1041 = tpu.vector_load %arg5[%get3A_1040] {strides = array<i32>} : memref<12560xi32, #tpu.memory_space<vmem>>, vector<16xi32>,
      %add3A_1042 = arith.constant 1 : i32
      %add3A_1043 = arith.addi %add3A_1039, %add3A_1042 : i32
      %get3A_1044 = arith.index_cast %add3A_1043 : i32 to index
      %get3A_1045 = tpu.vector_load %arg5[%get3A_1044] {strides = array<i32>} : memref<12560xi32, #tpu.memory_space<vmem>>, vector<16xi32>,
      %get3A_1046 = arith.index_cast %add3A_1039 : i32 to index
      %get3A_1047 = tpu.vector_load %arg6[%get3A_1046] {strides = array<i32>} : memref<12544xf32, #tpu.memory_space<vmem>>, vector<16xf32>,
      %sub3A_1048 = vector.broadcast %mul3A_95 : i32 to vector<16xi32>
      %sub3A_1049 = arith.subi %get3A_1041, %sub3A_1048 : vector<16xi32>
      %ne3A_1050 = arith.cmpi ne, %get3A_1041, %get3A_1045 : vector<16xi32>
      tpu.vector_store_idx %arg8[%sub3A_1049], %get3A_1047 masked %ne3A_1050 : memref<50176xf32, #tpu.memory_space<vmem>>[vector<16xi32>], vector<16xf32>, vector<16xi1>
      %add3A_1051 = arith.constant 112 : i32
      %add3A_1052 = arith.addi %mul3A_962, %add3A_1051 : i32
      %get3A_1053 = arith.index_cast %add3A_1052 : i32 to index
      %get3A_1054 = tpu.vector_load %arg5[%get3A_1053] {strides = array<i32>} : memref<12560xi32, #tpu.memory_space<vmem>>, vector<16xi32>,
      %add3A_1055 = arith.constant 1 : i32
      %add3A_1056 = arith.addi %add3A_1052, %add3A_1055 : i32
      %get3A_1057 = arith.index_cast %add3A_1056 : i32 to index
      %get3A_1058 = tpu.vector_load %arg5[%get3A_1057] {strides = array<i32>} : memref<12560xi32, #tpu.memory_space<vmem>>, vector<16xi32>,
      %get3A_1059 = arith.index_cast %add3A_1052 : i32 to index
      %get3A_1060 = tpu.vector_load %arg6[%get3A_1059] {strides = array<i32>} : memref<12544xf32, #tpu.memory_space<vmem>>, vector<16xf32>,
      %sub3A_1061 = vector.broadcast %mul3A_95 : i32 to vector<16xi32>
      %sub3A_1062 = arith.subi %get3A_1054, %sub3A_1061 : vector<16xi32>
      %ne3A_1063 = arith.cmpi ne, %get3A_1054, %get3A_1058 : vector<16xi32>
      tpu.vector_store_idx %arg8[%sub3A_1062], %get3A_1060 masked %ne3A_1063 : memref<50176xf32, #tpu.memory_space<vmem>>[vector<16xi32>], vector<16xf32>, vector<16xi1>
      %while3A_1064 = arith.constant 0 : i32
      scf.yield %while3A_1064 : i32
    }
    %while3A_140 = arith.constant 1 : i32
    %while3A_141 = scf.for %while3A_960 = %while3A_137 to %while3A_133 step %while3A_140 iter_args(%while3A_961 = %while3A_139) -> (i32)  : i32 {
      %mul3A_962 = arith.muli %while3A_960, %while3A_128 : i32
      %add3A_963 = arith.constant 0 : i32
      %add3A_964 = arith.addi %mul3A_962, %add3A_963 : i32
      %get3A = arith.index_cast %add3A_964 : i32 to index
      %get3A_965 = tpu.vector_load %arg5[%get3A] {strides = array<i32>} : memref<12560xi32, #tpu.memory_space<vmem>>, vector<16xi32>,
      %add3A_966 = arith.constant 1 : i32
      %add3A_967 = arith.addi %add3A_964, %add3A_966 : i32
      %get3A_968 = arith.index_cast %add3A_967 : i32 to index
      %get3A_969 = tpu.vector_load %arg5[%get3A_968] {strides = array<i32>} : memref<12560xi32, #tpu.memory_space<vmem>>, vector<16xi32>,
      %get3A_970 = arith.index_cast %add3A_964 : i32 to index
      %get3A_971 = tpu.vector_load %arg6[%get3A_970] {strides = array<i32>} : memref<12544xf32, #tpu.memory_space<vmem>>, vector<16xf32>,
      %sub3A = vector.broadcast %mul3A_95 : i32 to vector<16xi32>
      %sub3A_972 = arith.subi %get3A_965, %sub3A : vector<16xi32>
      %ne3A = arith.cmpi ne, %get3A_965, %get3A_969 : vector<16xi32>
      tpu.vector_store_idx %arg8[%sub3A_972], %get3A_971 masked %ne3A : memref<50176xf32, #tpu.memory_space<vmem>>[vector<16xi32>], vector<16xf32>, vector<16xi1>
      %add3A_973 = arith.constant 16 : i32
      %add3A_974 = arith.addi %mul3A_962, %add3A_973 : i32
      %get3A_975 = arith.index_cast %add3A_974 : i32 to index
      %get3A_976 = tpu.vector_load %arg5[%get3A_975] {strides = array<i32>} : memref<12560xi32, #tpu.memory_space<vmem>>, vector<16xi32>,
      %add3A_977 = arith.constant 1 : i32
      %add3A_978 = arith.addi %add3A_974, %add3A_977 : i32
      %get3A_979 = arith.index_cast %add3A_978 : i32 to index
      %get3A_980 = tpu.vector_load %arg5[%get3A_979] {strides = array<i32>} : memref<12560xi32, #tpu.memory_space<vmem>>, vector<16xi32>,
      %get3A_981 = arith.index_cast %add3A_974 : i32 to index
      %get3A_982 = tpu.vector_load %arg6[%get3A_981] {strides = array<i32>} : memref<12544xf32, #tpu.memory_space<vmem>>, vector<16xf32>,
      %sub3A_983 = vector.broadcast %mul3A_95 : i32 to vector<16xi32>
      %sub3A_984 = arith.subi %get3A_976, %sub3A_983 : vector<16xi32>
      %ne3A_985 = arith.cmpi ne, %get3A_976, %get3A_980 : vector<16xi32>
      tpu.vector_store_idx %arg8[%sub3A_984], %get3A_982 masked %ne3A_985 : memref<50176xf32, #tpu.memory_space<vmem>>[vector<16xi32>], vector<16xf32>, vector<16xi1>
      %add3A_986 = arith.constant 32 : i32
      %add3A_987 = arith.addi %mul3A_962, %add3A_986 : i32
      %get3A_988 = arith.index_cast %add3A_987 : i32 to index
      %get3A_989 = tpu.vector_load %arg5[%get3A_988] {strides = array<i32>} : memref<12560xi32, #tpu.memory_space<vmem>>, vector<16xi32>,
      %add3A_990 = arith.constant 1 : i32
      %add3A_991 = arith.addi %add3A_987, %add3A_990 : i32
      %get3A_992 = arith.index_cast %add3A_991 : i32 to index
      %get3A_993 = tpu.vector_load %arg5[%get3A_992] {strides = array<i32>} : memref<12560xi32, #tpu.memory_space<vmem>>, vector<16xi32>,
      %get3A_994 = arith.index_cast %add3A_987 : i32 to index
      %get3A_995 = tpu.vector_load %arg6[%get3A_994] {strides = array<i32>} : memref<12544xf32, #tpu.memory_space<vmem>>, vector<16xf32>,
      %sub3A_996 = vector.broadcast %mul3A_95 : i32 to vector<16xi32>
      %sub3A_997 = arith.subi %get3A_989, %sub3A_996 : vector<16xi32>
      %ne3A_998 = arith.cmpi ne, %get3A_989, %get3A_993 : vector<16xi32>
      tpu.vector_store_idx %arg8[%sub3A_997], %get3A_995 masked %ne3A_998 : memref<50176xf32, #tpu.memory_space<vmem>>[vector<16xi32>], vector<16xf32>, vector<16xi1>
      %add3A_999 = arith.constant 48 : i32
      %add3A_1000 = arith.addi %mul3A_962, %add3A_999 : i32
      %get3A_1001 = arith.index_cast %add3A_1000 : i32 to index
      %get3A_1002 = tpu.vector_load %arg5[%get3A_1001] {strides = array<i32>} : memref<12560xi32, #tpu.memory_space<vmem>>, vector<16xi32>,
      %add3A_1003 = arith.constant 1 : i32
      %add3A_1004 = arith.addi %add3A_1000, %add3A_1003 : i32
      %get3A_1005 = arith.index_cast %add3A_1004 : i32 to index
      %get3A_1006 = tpu.vector_load %arg5[%get3A_1005] {strides = array<i32>} : memref<12560xi32, #tpu.memory_space<vmem>>, vector<16xi32>,
      %get3A_1007 = arith.index_cast %add3A_1000 : i32 to index
      %get3A_1008 = tpu.vector_load %arg6[%get3A_1007] {strides = array<i32>} : memref<12544xf32, #tpu.memory_space<vmem>>, vector<16xf32>,
      %sub3A_1009 = vector.broadcast %mul3A_95 : i32 to vector<16xi32>
      %sub3A_1010 = arith.subi %get3A_1002, %sub3A_1009 : vector<16xi32>
      %ne3A_1011 = arith.cmpi ne, %get3A_1002, %get3A_1006 : vector<16xi32>
      tpu.vector_store_idx %arg8[%sub3A_1010], %get3A_1008 masked %ne3A_1011 : memref<50176xf32, #tpu.memory_space<vmem>>[vector<16xi32>], vector<16xf32>, vector<16xi1>
      %add3A_1012 = arith.constant 64 : i32
      %add3A_1013 = arith.addi %mul3A_962, %add3A_1012 : i32
      %get3A_1014 = arith.index_cast %add3A_1013 : i32 to index
      %get3A_1015 = tpu.vector_load %arg5[%get3A_1014] {strides = array<i32>} : memref<12560xi32, #tpu.memory_space<vmem>>, vector<16xi32>,
      %add3A_1016 = arith.constant 1 : i32
      %add3A_1017 = arith.addi %add3A_1013, %add3A_1016 : i32
      %get3A_1018 = arith.index_cast %add3A_1017 : i32 to index
      %get3A_1019 = tpu.vector_load %arg5[%get3A_1018] {strides = array<i32>} : memref<12560xi32, #tpu.memory_space<vmem>>, vector<16xi32>,
      %get3A_1020 = arith.index_cast %add3A_1013 : i32 to index
      %get3A_1021 = tpu.vector_load %arg6[%get3A_1020] {strides = array<i32>} : memref<12544xf32, #tpu.memory_space<vmem>>, vector<16xf32>,
      %sub3A_1022 = vector.broadcast %mul3A_95 : i32 to vector<16xi32>
      %sub3A_1023 = arith.subi %get3A_1015, %sub3A_1022 : vector<16xi32>
      %ne3A_1024 = arith.cmpi ne, %get3A_1015, %get3A_1019 : vector<16xi32>
      tpu.vector_store_idx %arg8[%sub3A_1023], %get3A_1021 masked %ne3A_1024 : memref<50176xf32, #tpu.memory_space<vmem>>[vector<16xi32>], vector<16xf32>, vector<16xi1>
      %add3A_1025 = arith.constant 80 : i32
      %add3A_1026 = arith.addi %mul3A_962, %add3A_1025 : i32
      %get3A_1027 = arith.index_cast %add3A_1026 : i32 to index
      %get3A_1028 = tpu.vector_load %arg5[%get3A_1027] {strides = array<i32>} : memref<12560xi32, #tpu.memory_space<vmem>>, vector<16xi32>,
      %add3A_1029 = arith.constant 1 : i32
      %add3A_1030 = arith.addi %add3A_1026, %add3A_1029 : i32
      %get3A_1031 = arith.index_cast %add3A_1030 : i32 to index
      %get3A_1032 = tpu.vector_load %arg5[%get3A_1031] {strides = array<i32>} : memref<12560xi32, #tpu.memory_space<vmem>>, vector<16xi32>,
      %get3A_1033 = arith.index_cast %add3A_1026 : i32 to index
      %get3A_1034 = tpu.vector_load %arg6[%get3A_1033] {strides = array<i32>} : memref<12544xf32, #tpu.memory_space<vmem>>, vector<16xf32>,
      %sub3A_1035 = vector.broadcast %mul3A_95 : i32 to vector<16xi32>
      %sub3A_1036 = arith.subi %get3A_1028, %sub3A_1035 : vector<16xi32>
      %ne3A_1037 = arith.cmpi ne, %get3A_1028, %get3A_1032 : vector<16xi32>
      tpu.vector_store_idx %arg8[%sub3A_1036], %get3A_1034 masked %ne3A_1037 : memref<50176xf32, #tpu.memory_space<vmem>>[vector<16xi32>], vector<16xf32>, vector<16xi1>
      %add3A_1038 = arith.constant 96 : i32
      %add3A_1039 = arith.addi %mul3A_962, %add3A_1038 : i32
      %get3A_1040 = arith.index_cast %add3A_1039 : i32 to index
      %get3A_1041 = tpu.vector_load %arg5[%get3A_1040] {strides = array<i32>} : memref<12560xi32, #tpu.memory_space<vmem>>, vector<16xi32>,
      %add3A_1042 = arith.constant 1 : i32
      %add3A_1043 = arith.addi %add3A_1039, %add3A_1042 : i32
      %get3A_1044 = arith.index_cast %add3A_1043 : i32 to index
      %get3A_1045 = tpu.vector_load %arg5[%get3A_1044] {strides = array<i32>} : memref<12560xi32, #tpu.memory_space<vmem>>, vector<16xi32>,
      %get3A_1046 = arith.index_cast %add3A_1039 : i32 to index
      %get3A_1047 = tpu.vector_load %arg6[%get3A_1046] {strides = array<i32>} : memref<12544xf32, #tpu.memory_space<vmem>>, vector<16xf32>,
      %sub3A_1048 = vector.broadcast %mul3A_95 : i32 to vector<16xi32>
      %sub3A_1049 = arith.subi %get3A_1041, %sub3A_1048 : vector<16xi32>
      %ne3A_1050 = arith.cmpi ne, %get3A_1041, %get3A_1045 : vector<16xi32>
      tpu.vector_store_idx %arg8[%sub3A_1049], %get3A_1047 masked %ne3A_1050 : memref<50176xf32, #tpu.memory_space<vmem>>[vector<16xi32>], vector<16xf32>, vector<16xi1>
      %add3A_1051 = arith.constant 112 : i32
      %add3A_1052 = arith.addi %mul3A_962, %add3A_1051 : i32
      %get3A_1053 = arith.index_cast %add3A_1052 : i32 to index
      %get3A_1054 = tpu.vector_load %arg5[%get3A_1053] {strides = array<i32>} : memref<12560xi32, #tpu.memory_space<vmem>>, vector<16xi32>,
      %add3A_1055 = arith.constant 1 : i32
      %add3A_1056 = arith.addi %add3A_1052, %add3A_1055 : i32
      %get3A_1057 = arith.index_cast %add3A_1056 : i32 to index
      %get3A_1058 = tpu.vector_load %arg5[%get3A_1057] {strides = array<i32>} : memref<12560xi32, #tpu.memory_space<vmem>>, vector<16xi32>,
      %get3A_1059 = arith.index_cast %add3A_1052 : i32 to index
      %get3A_1060 = tpu.vector_load %arg6[%get3A_1059] {strides = array<i32>} : memref<12544xf32, #tpu.memory_space<vmem>>, vector<16xf32>,
      %sub3A_1061 = vector.broadcast %mul3A_95 : i32 to vector<16xi32>
      %sub3A_1062 = arith.subi %get3A_1054, %sub3A_1061 : vector<16xi32>
      %ne3A_1063 = arith.cmpi ne, %get3A_1054, %get3A_1058 : vector<16xi32>
      tpu.vector_store_idx %arg8[%sub3A_1062], %get3A_1060 masked %ne3A_1063 : memref<50176xf32, #tpu.memory_space<vmem>>[vector<16xi32>], vector<16xf32>, vector<16xi1>
      %while3A_1064 = arith.constant 0 : i32
      scf.yield %while3A_1064 : i32
    }
    %dma_start3A_142 = arith.constant 0 : i32
    %dma_start3A_143 = tpu.memref_slice %arg4[%add3A_93, %dma_start3A_142] : memref<384x50176xf32, #tpu.memory_space<hbm>> -> memref<1x50176xf32, #tpu.memory_space<hbm>>
    %dma_start3A_144 = tpu.memref_squeeze %dma_start3A_143 : memref<1x50176xf32, #tpu.memory_space<hbm>> -> memref<50176xf32, #tpu.memory_space<hbm>>
    %dma_start3A_145 = arith.constant 0 : i32
    %dma_start3A_146 = tpu.memref_slice %arg4[%add3A_93, %dma_start3A_145] : memref<384x50176xf32, #tpu.memory_space<hbm>> -> memref<1x50176xf32, #tpu.memory_space<hbm>>
    %dma_start3A_147 = tpu.memref_squeeze %dma_start3A_146 : memref<1x50176xf32, #tpu.memory_space<hbm>> -> memref<50176xf32, #tpu.memory_space<hbm>>
    tpu.enqueue_dma source(%arg8 : memref<50176xf32, #tpu.memory_space<vmem>>) target(%dma_start3A_147 : memref<50176xf32, #tpu.memory_space<hbm>>) target_semaphore(%arg12 : memref<!tpu.dma_semaphore, #tpu.memory_space<semaphore_mem>>)
    %mul3A_148 = arith.constant 12 : i32
    %mul3A_149 = arith.muli %add3A, %mul3A_148 : i32
    %add3A_150 = arith.constant 2 : i32
    %add3A_151 = arith.addi %mul3A_149, %add3A_150 : i32
    %mul3A_152 = arith.constant 50176 : i32
    %mul3A_153 = arith.muli %add3A_151, %mul3A_152 : i32
    %dma_start3A_154 = arith.constant 0 : i32
    %dma_start3A_155 = tpu.memref_slice %arg5[%dma_start3A_154] : memref<12560xi32, #tpu.memory_space<vmem>> -> memref<12544xi32, #tpu.memory_space<vmem>>
    %dma_start3A_156 = arith.constant 0 : i32
    %dma_start3A_157 = tpu.memref_slice %arg3[%add3A_151, %dma_start3A_156] : memref<384x12544xi32, #tpu.memory_space<hbm>> -> memref<1x12544xi32, #tpu.memory_space<hbm>>
    %dma_start3A_158 = tpu.memref_squeeze %dma_start3A_157 : memref<1x12544xi32, #tpu.memory_space<hbm>> -> memref<12544xi32, #tpu.memory_space<hbm>>
    %dma_start3A_159 = arith.constant 0 : i32
    %dma_start3A_160 = tpu.memref_slice %arg5[%dma_start3A_159] : memref<12560xi32, #tpu.memory_space<vmem>> -> memref<12544xi32, #tpu.memory_space<vmem>>
    %dma_start3A_161 = arith.constant 0 : i32
    %dma_start3A_162 = tpu.memref_slice %arg3[%add3A_151, %dma_start3A_161] : memref<384x12544xi32, #tpu.memory_space<hbm>> -> memref<1x12544xi32, #tpu.memory_space<hbm>>
    %dma_start3A_163 = tpu.memref_squeeze %dma_start3A_162 : memref<1x12544xi32, #tpu.memory_space<hbm>> -> memref<12544xi32, #tpu.memory_space<hbm>>
    tpu.enqueue_dma source(%dma_start3A_163 : memref<12544xi32, #tpu.memory_space<hbm>>) target(%dma_start3A_160 : memref<12544xi32, #tpu.memory_space<vmem>>) target_semaphore(%arg9 : memref<!tpu.dma_semaphore, #tpu.memory_space<semaphore_mem>>)
    %dma_start3A_164 = arith.constant 0 : i32
    %dma_start3A_165 = tpu.memref_slice %arg2[%add3A_151, %dma_start3A_164] : memref<384x12544xf32, #tpu.memory_space<hbm>> -> memref<1x12544xf32, #tpu.memory_space<hbm>>
    %dma_start3A_166 = tpu.memref_squeeze %dma_start3A_165 : memref<1x12544xf32, #tpu.memory_space<hbm>> -> memref<12544xf32, #tpu.memory_space<hbm>>
    %dma_start3A_167 = arith.constant 0 : i32
    %dma_start3A_168 = tpu.memref_slice %arg2[%add3A_151, %dma_start3A_167] : memref<384x12544xf32, #tpu.memory_space<hbm>> -> memref<1x12544xf32, #tpu.memory_space<hbm>>
    %dma_start3A_169 = tpu.memref_squeeze %dma_start3A_168 : memref<1x12544xf32, #tpu.memory_space<hbm>> -> memref<12544xf32, #tpu.memory_space<hbm>>
    tpu.enqueue_dma source(%dma_start3A_169 : memref<12544xf32, #tpu.memory_space<hbm>>) target(%arg6 : memref<12544xf32, #tpu.memory_space<vmem>>) target_semaphore(%arg10 : memref<!tpu.dma_semaphore, #tpu.memory_space<semaphore_mem>>)
    %dma_wait3A_170 = arith.constant 0 : i32
    %dma_wait3A_171 = tpu.memref_slice %arg4[%add3A_37, %dma_wait3A_170] : memref<384x50176xf32, #tpu.memory_space<hbm>> -> memref<1x50176xf32, #tpu.memory_space<hbm>>
    %dma_wait3A_172 = tpu.memref_squeeze %dma_wait3A_171 : memref<1x50176xf32, #tpu.memory_space<hbm>> -> memref<50176xf32, #tpu.memory_space<hbm>>
    %dma_wait3A_173 = arith.constant 0 : i32
    %dma_wait3A_174 = tpu.memref_slice %arg4[%add3A_37, %dma_wait3A_173] : memref<384x50176xf32, #tpu.memory_space<hbm>> -> memref<1x50176xf32, #tpu.memory_space<hbm>>
    %dma_wait3A_175 = tpu.memref_squeeze %dma_wait3A_174 : memref<1x50176xf32, #tpu.memory_space<hbm>> -> memref<50176xf32, #tpu.memory_space<hbm>>
    tpu.wait_dma2 semaphore(%arg11 : memref<!tpu.dma_semaphore, #tpu.memory_space<semaphore_mem>>) src(%arg7 : memref<50176xf32, #tpu.memory_space<vmem>>) dst(%dma_wait3A_175 : memref<50176xf32, #tpu.memory_space<hbm>>)
    %broadcast_in_dim3A_176 = arith.constant 0.000000e+00 : f32
    %broadcast_in_dim3A_177 = vector.broadcast %broadcast_in_dim3A_176 : f32 to vector<16xf32>
    %while3A_178 = arith.constant 128 : i32
    %while3A_179 = arith.constant 0 : i32
    %while3A_180 = arith.constant 392 : i32
    %while3A_181 = arith.constant 0 : i32
    %while3A_182 = arith.subi %while3A_180, %while3A_179 : i32
    %while3A_183 = arith.addi %while3A_179, %while3A_182 : i32
    %while3A_184 = arith.constant 1 : i32
    %while3A_185 = arith.divsi %while3A_182, %while3A_184 : i32
    %while3A_186 = arith.muli %while3A_185, %while3A_184 : i32
    %while3A_187 = arith.addi %while3A_179, %while3A_186 : i32
    %while3A_188 = arith.constant 1 : i32
    %while3A_189 = scf.for %while3A_960 = %while3A_179 to %while3A_187 step %while3A_188 iter_args(%while3A_961 = %while3A_181) -> (i32)  : i32 {
      %mul3A_962 = arith.muli %while3A_960, %while3A_178 : i32
      %add3A_963 = arith.constant 0 : i32
      %add3A_964 = arith.addi %mul3A_962, %add3A_963 : i32
      %swap3A_965 = arith.index_cast %add3A_964 : i32 to index
      %swap3A_966 = tpu.vector_load %arg7[%swap3A_965] {strides = array<i32>} : memref<50176xf32, #tpu.memory_space<vmem>>, vector<16xf32>,
      tpu.vector_store %arg7[%swap3A_965], %broadcast_in_dim3A_177 {strides = array<i32>} : memref<50176xf32, #tpu.memory_space<vmem>>, vector<16xf32>,
      %add3A_967 = arith.constant 16 : i32
      %add3A_968 = arith.addi %mul3A_962, %add3A_967 : i32
      %swap3A_969 = arith.index_cast %add3A_968 : i32 to index
      %swap3A_970 = tpu.vector_load %arg7[%swap3A_969] {strides = array<i32>} : memref<50176xf32, #tpu.memory_space<vmem>>, vector<16xf32>,
      tpu.vector_store %arg7[%swap3A_969], %broadcast_in_dim3A_177 {strides = array<i32>} : memref<50176xf32, #tpu.memory_space<vmem>>, vector<16xf32>,
      %add3A_971 = arith.constant 32 : i32
      %add3A_972 = arith.addi %mul3A_962, %add3A_971 : i32
      %swap3A_973 = arith.index_cast %add3A_972 : i32 to index
      %swap3A_974 = tpu.vector_load %arg7[%swap3A_973] {strides = array<i32>} : memref<50176xf32, #tpu.memory_space<vmem>>, vector<16xf32>,
      tpu.vector_store %arg7[%swap3A_973], %broadcast_in_dim3A_177 {strides = array<i32>} : memref<50176xf32, #tpu.memory_space<vmem>>, vector<16xf32>,
      %add3A_975 = arith.constant 48 : i32
      %add3A_976 = arith.addi %mul3A_962, %add3A_975 : i32
      %swap3A_977 = arith.index_cast %add3A_976 : i32 to index
      %swap3A_978 = tpu.vector_load %arg7[%swap3A_977] {strides = array<i32>} : memref<50176xf32, #tpu.memory_space<vmem>>, vector<16xf32>,
      tpu.vector_store %arg7[%swap3A_977], %broadcast_in_dim3A_177 {strides = array<i32>} : memref<50176xf32, #tpu.memory_space<vmem>>, vector<16xf32>,
      %add3A_979 = arith.constant 64 : i32
      %add3A_980 = arith.addi %mul3A_962, %add3A_979 : i32
      %swap3A_981 = arith.index_cast %add3A_980 : i32 to index
      %swap3A_982 = tpu.vector_load %arg7[%swap3A_981] {strides = array<i32>} : memref<50176xf32, #tpu.memory_space<vmem>>, vector<16xf32>,
      tpu.vector_store %arg7[%swap3A_981], %broadcast_in_dim3A_177 {strides = array<i32>} : memref<50176xf32, #tpu.memory_space<vmem>>, vector<16xf32>,
      %add3A_983 = arith.constant 80 : i32
      %add3A_984 = arith.addi %mul3A_962, %add3A_983 : i32
      %swap3A_985 = arith.index_cast %add3A_984 : i32 to index
      %swap3A_986 = tpu.vector_load %arg7[%swap3A_985] {strides = array<i32>} : memref<50176xf32, #tpu.memory_space<vmem>>, vector<16xf32>,
      tpu.vector_store %arg7[%swap3A_985], %broadcast_in_dim3A_177 {strides = array<i32>} : memref<50176xf32, #tpu.memory_space<vmem>>, vector<16xf32>,
      %add3A_987 = arith.constant 96 : i32
      %add3A_988 = arith.addi %mul3A_962, %add3A_987 : i32
      %swap3A_989 = arith.index_cast %add3A_988 : i32 to index
      %swap3A_990 = tpu.vector_load %arg7[%swap3A_989] {strides = array<i32>} : memref<50176xf32, #tpu.memory_space<vmem>>, vector<16xf32>,
      tpu.vector_store %arg7[%swap3A_989], %broadcast_in_dim3A_177 {strides = array<i32>} : memref<50176xf32, #tpu.memory_space<vmem>>, vector<16xf32>,
      %add3A_991 = arith.constant 112 : i32
      %add3A_992 = arith.addi %mul3A_962, %add3A_991 : i32
      %swap3A_993 = arith.index_cast %add3A_992 : i32 to index
      %swap3A_994 = tpu.vector_load %arg7[%swap3A_993] {strides = array<i32>} : memref<50176xf32, #tpu.memory_space<vmem>>, vector<16xf32>,
      tpu.vector_store %arg7[%swap3A_993], %broadcast_in_dim3A_177 {strides = array<i32>} : memref<50176xf32, #tpu.memory_space<vmem>>, vector<16xf32>,
      %while3A_995 = arith.constant 0 : i32
      scf.yield %while3A_995 : i32
    }
    %while3A_190 = arith.constant 1 : i32
    %while3A_191 = scf.for %while3A_960 = %while3A_187 to %while3A_183 step %while3A_190 iter_args(%while3A_961 = %while3A_189) -> (i32)  : i32 {
      %mul3A_962 = arith.muli %while3A_960, %while3A_178 : i32
      %add3A_963 = arith.constant 0 : i32
      %add3A_964 = arith.addi %mul3A_962, %add3A_963 : i32
      %swap3A_965 = arith.index_cast %add3A_964 : i32 to index
      %swap3A_966 = tpu.vector_load %arg7[%swap3A_965] {strides = array<i32>} : memref<50176xf32, #tpu.memory_space<vmem>>, vector<16xf32>,
      tpu.vector_store %arg7[%swap3A_965], %broadcast_in_dim3A_177 {strides = array<i32>} : memref<50176xf32, #tpu.memory_space<vmem>>, vector<16xf32>,
      %add3A_967 = arith.constant 16 : i32
      %add3A_968 = arith.addi %mul3A_962, %add3A_967 : i32
      %swap3A_969 = arith.index_cast %add3A_968 : i32 to index
      %swap3A_970 = tpu.vector_load %arg7[%swap3A_969] {strides = array<i32>} : memref<50176xf32, #tpu.memory_space<vmem>>, vector<16xf32>,
      tpu.vector_store %arg7[%swap3A_969], %broadcast_in_dim3A_177 {strides = array<i32>} : memref<50176xf32, #tpu.memory_space<vmem>>, vector<16xf32>,
      %add3A_971 = arith.constant 32 : i32
      %add3A_972 = arith.addi %mul3A_962, %add3A_971 : i32
      %swap3A_973 = arith.index_cast %add3A_972 : i32 to index
      %swap3A_974 = tpu.vector_load %arg7[%swap3A_973] {strides = array<i32>} : memref<50176xf32, #tpu.memory_space<vmem>>, vector<16xf32>,
      tpu.vector_store %arg7[%swap3A_973], %broadcast_in_dim3A_177 {strides = array<i32>} : memref<50176xf32, #tpu.memory_space<vmem>>, vector<16xf32>,
      %add3A_975 = arith.constant 48 : i32
      %add3A_976 = arith.addi %mul3A_962, %add3A_975 : i32
      %swap3A_977 = arith.index_cast %add3A_976 : i32 to index
      %swap3A_978 = tpu.vector_load %arg7[%swap3A_977] {strides = array<i32>} : memref<50176xf32, #tpu.memory_space<vmem>>, vector<16xf32>,
      tpu.vector_store %arg7[%swap3A_977], %broadcast_in_dim3A_177 {strides = array<i32>} : memref<50176xf32, #tpu.memory_space<vmem>>, vector<16xf32>,
      %add3A_979 = arith.constant 64 : i32
      %add3A_980 = arith.addi %mul3A_962, %add3A_979 : i32
      %swap3A_981 = arith.index_cast %add3A_980 : i32 to index
      %swap3A_982 = tpu.vector_load %arg7[%swap3A_981] {strides = array<i32>} : memref<50176xf32, #tpu.memory_space<vmem>>, vector<16xf32>,
      tpu.vector_store %arg7[%swap3A_981], %broadcast_in_dim3A_177 {strides = array<i32>} : memref<50176xf32, #tpu.memory_space<vmem>>, vector<16xf32>,
      %add3A_983 = arith.constant 80 : i32
      %add3A_984 = arith.addi %mul3A_962, %add3A_983 : i32
      %swap3A_985 = arith.index_cast %add3A_984 : i32 to index
      %swap3A_986 = tpu.vector_load %arg7[%swap3A_985] {strides = array<i32>} : memref<50176xf32, #tpu.memory_space<vmem>>, vector<16xf32>,
      tpu.vector_store %arg7[%swap3A_985], %broadcast_in_dim3A_177 {strides = array<i32>} : memref<50176xf32, #tpu.memory_space<vmem>>, vector<16xf32>,
      %add3A_987 = arith.constant 96 : i32
      %add3A_988 = arith.addi %mul3A_962, %add3A_987 : i32
      %swap3A_989 = arith.index_cast %add3A_988 : i32 to index
      %swap3A_990 = tpu.vector_load %arg7[%swap3A_989] {strides = array<i32>} : memref<50176xf32, #tpu.memory_space<vmem>>, vector<16xf32>,
      tpu.vector_store %arg7[%swap3A_989], %broadcast_in_dim3A_177 {strides = array<i32>} : memref<50176xf32, #tpu.memory_space<vmem>>, vector<16xf32>,
      %add3A_991 = arith.constant 112 : i32
      %add3A_992 = arith.addi %mul3A_962, %add3A_991 : i32
      %swap3A_993 = arith.index_cast %add3A_992 : i32 to index
      %swap3A_994 = tpu.vector_load %arg7[%swap3A_993] {strides = array<i32>} : memref<50176xf32, #tpu.memory_space<vmem>>, vector<16xf32>,
      tpu.vector_store %arg7[%swap3A_993], %broadcast_in_dim3A_177 {strides = array<i32>} : memref<50176xf32, #tpu.memory_space<vmem>>, vector<16xf32>,
      %while3A_995 = arith.constant 0 : i32
      scf.yield %while3A_995 : i32
    }
    %dma_wait3A_192 = arith.constant 0 : i32
    %dma_wait3A_193 = tpu.memref_slice %arg5[%dma_wait3A_192] : memref<12560xi32, #tpu.memory_space<vmem>> -> memref<12544xi32, #tpu.memory_space<vmem>>
    %dma_wait3A_194 = arith.constant 0 : i32
    %dma_wait3A_195 = tpu.memref_slice %arg3[%add3A_151, %dma_wait3A_194] : memref<384x12544xi32, #tpu.memory_space<hbm>> -> memref<1x12544xi32, #tpu.memory_space<hbm>>
    %dma_wait3A_196 = tpu.memref_squeeze %dma_wait3A_195 : memref<1x12544xi32, #tpu.memory_space<hbm>> -> memref<12544xi32, #tpu.memory_space<hbm>>
    %dma_wait3A_197 = arith.constant 0 : i32
    %dma_wait3A_198 = tpu.memref_slice %arg5[%dma_wait3A_197] : memref<12560xi32, #tpu.memory_space<vmem>> -> memref<12544xi32, #tpu.memory_space<vmem>>
    %dma_wait3A_199 = arith.constant 0 : i32
    %dma_wait3A_200 = tpu.memref_slice %arg3[%add3A_151, %dma_wait3A_199] : memref<384x12544xi32, #tpu.memory_space<hbm>> -> memref<1x12544xi32, #tpu.memory_space<hbm>>
    %dma_wait3A_201 = tpu.memref_squeeze %dma_wait3A_200 : memref<1x12544xi32, #tpu.memory_space<hbm>> -> memref<12544xi32, #tpu.memory_space<hbm>>
    tpu.wait_dma2 semaphore(%arg9 : memref<!tpu.dma_semaphore, #tpu.memory_space<semaphore_mem>>) src(%dma_wait3A_201 : memref<12544xi32, #tpu.memory_space<hbm>>) dst(%dma_wait3A_198 : memref<12544xi32, #tpu.memory_space<vmem>>)
    %dma_wait3A_202 = arith.constant 0 : i32
    %dma_wait3A_203 = tpu.memref_slice %arg2[%add3A_151, %dma_wait3A_202] : memref<384x12544xf32, #tpu.memory_space<hbm>> -> memref<1x12544xf32, #tpu.memory_space<hbm>>
    %dma_wait3A_204 = tpu.memref_squeeze %dma_wait3A_203 : memref<1x12544xf32, #tpu.memory_space<hbm>> -> memref<12544xf32, #tpu.memory_space<hbm>>
    %dma_wait3A_205 = arith.constant 0 : i32
    %dma_wait3A_206 = tpu.memref_slice %arg2[%add3A_151, %dma_wait3A_205] : memref<384x12544xf32, #tpu.memory_space<hbm>> -> memref<1x12544xf32, #tpu.memory_space<hbm>>
    %dma_wait3A_207 = tpu.memref_squeeze %dma_wait3A_206 : memref<1x12544xf32, #tpu.memory_space<hbm>> -> memref<12544xf32, #tpu.memory_space<hbm>>
    tpu.wait_dma2 semaphore(%arg10 : memref<!tpu.dma_semaphore, #tpu.memory_space<semaphore_mem>>) src(%dma_wait3A_207 : memref<12544xf32, #tpu.memory_space<hbm>>) dst(%arg6 : memref<12544xf32, #tpu.memory_space<vmem>>)
    %while3A_208 = arith.constant 128 : i32
    %while3A_209 = arith.constant 0 : i32
    %while3A_210 = arith.constant 98 : i32
    %while3A_211 = arith.constant 0 : i32
    %while3A_212 = arith.subi %while3A_210, %while3A_209 : i32
    %while3A_213 = arith.addi %while3A_209, %while3A_212 : i32
    %while3A_214 = arith.constant 1 : i32
    %while3A_215 = arith.divsi %while3A_212, %while3A_214 : i32
    %while3A_216 = arith.muli %while3A_215, %while3A_214 : i32
    %while3A_217 = arith.addi %while3A_209, %while3A_216 : i32
    %while3A_218 = arith.constant 1 : i32
    %while3A_219 = scf.for %while3A_960 = %while3A_209 to %while3A_217 step %while3A_218 iter_args(%while3A_961 = %while3A_211) -> (i32)  : i32 {
      %mul3A_962 = arith.muli %while3A_960, %while3A_208 : i32
      %add3A_963 = arith.constant 0 : i32
      %add3A_964 = arith.addi %mul3A_962, %add3A_963 : i32
      %get3A = arith.index_cast %add3A_964 : i32 to index
      %get3A_965 = tpu.vector_load %arg5[%get3A] {strides = array<i32>} : memref<12560xi32, #tpu.memory_space<vmem>>, vector<16xi32>,
      %add3A_966 = arith.constant 1 : i32
      %add3A_967 = arith.addi %add3A_964, %add3A_966 : i32
      %get3A_968 = arith.index_cast %add3A_967 : i32 to index
      %get3A_969 = tpu.vector_load %arg5[%get3A_968] {strides = array<i32>} : memref<12560xi32, #tpu.memory_space<vmem>>, vector<16xi32>,
      %get3A_970 = arith.index_cast %add3A_964 : i32 to index
      %get3A_971 = tpu.vector_load %arg6[%get3A_970] {strides = array<i32>} : memref<12544xf32, #tpu.memory_space<vmem>>, vector<16xf32>,
      %sub3A = vector.broadcast %mul3A_153 : i32 to vector<16xi32>
      %sub3A_972 = arith.subi %get3A_965, %sub3A : vector<16xi32>
      %ne3A = arith.cmpi ne, %get3A_965, %get3A_969 : vector<16xi32>
      tpu.vector_store_idx %arg7[%sub3A_972], %get3A_971 masked %ne3A : memref<50176xf32, #tpu.memory_space<vmem>>[vector<16xi32>], vector<16xf32>, vector<16xi1>
      %add3A_973 = arith.constant 16 : i32
      %add3A_974 = arith.addi %mul3A_962, %add3A_973 : i32
      %get3A_975 = arith.index_cast %add3A_974 : i32 to index
      %get3A_976 = tpu.vector_load %arg5[%get3A_975] {strides = array<i32>} : memref<12560xi32, #tpu.memory_space<vmem>>, vector<16xi32>,
      %add3A_977 = arith.constant 1 : i32
      %add3A_978 = arith.addi %add3A_974, %add3A_977 : i32
      %get3A_979 = arith.index_cast %add3A_978 : i32 to index
      %get3A_980 = tpu.vector_load %arg5[%get3A_979] {strides = array<i32>} : memref<12560xi32, #tpu.memory_space<vmem>>, vector<16xi32>,
      %get3A_981 = arith.index_cast %add3A_974 : i32 to index
      %get3A_982 = tpu.vector_load %arg6[%get3A_981] {strides = array<i32>} : memref<12544xf32, #tpu.memory_space<vmem>>, vector<16xf32>,
      %sub3A_983 = vector.broadcast %mul3A_153 : i32 to vector<16xi32>
      %sub3A_984 = arith.subi %get3A_976, %sub3A_983 : vector<16xi32>
      %ne3A_985 = arith.cmpi ne, %get3A_976, %get3A_980 : vector<16xi32>
      tpu.vector_store_idx %arg7[%sub3A_984], %get3A_982 masked %ne3A_985 : memref<50176xf32, #tpu.memory_space<vmem>>[vector<16xi32>], vector<16xf32>, vector<16xi1>
      %add3A_986 = arith.constant 32 : i32
      %add3A_987 = arith.addi %mul3A_962, %add3A_986 : i32
      %get3A_988 = arith.index_cast %add3A_987 : i32 to index
      %get3A_989 = tpu.vector_load %arg5[%get3A_988] {strides = array<i32>} : memref<12560xi32, #tpu.memory_space<vmem>>, vector<16xi32>,
      %add3A_990 = arith.constant 1 : i32
      %add3A_991 = arith.addi %add3A_987, %add3A_990 : i32
      %get3A_992 = arith.index_cast %add3A_991 : i32 to index
      %get3A_993 = tpu.vector_load %arg5[%get3A_992] {strides = array<i32>} : memref<12560xi32, #tpu.memory_space<vmem>>, vector<16xi32>,
      %get3A_994 = arith.index_cast %add3A_987 : i32 to index
      %get3A_995 = tpu.vector_load %arg6[%get3A_994] {strides = array<i32>} : memref<12544xf32, #tpu.memory_space<vmem>>, vector<16xf32>,
      %sub3A_996 = vector.broadcast %mul3A_153 : i32 to vector<16xi32>
      %sub3A_997 = arith.subi %get3A_989, %sub3A_996 : vector<16xi32>
      %ne3A_998 = arith.cmpi ne, %get3A_989, %get3A_993 : vector<16xi32>
      tpu.vector_store_idx %arg7[%sub3A_997], %get3A_995 masked %ne3A_998 : memref<50176xf32, #tpu.memory_space<vmem>>[vector<16xi32>], vector<16xf32>, vector<16xi1>
      %add3A_999 = arith.constant 48 : i32
      %add3A_1000 = arith.addi %mul3A_962, %add3A_999 : i32
      %get3A_1001 = arith.index_cast %add3A_1000 : i32 to index
      %get3A_1002 = tpu.vector_load %arg5[%get3A_1001] {strides = array<i32>} : memref<12560xi32, #tpu.memory_space<vmem>>, vector<16xi32>,
      %add3A_1003 = arith.constant 1 : i32
      %add3A_1004 = arith.addi %add3A_1000, %add3A_1003 : i32
      %get3A_1005 = arith.index_cast %add3A_1004 : i32 to index
      %get3A_1006 = tpu.vector_load %arg5[%get3A_1005] {strides = array<i32>} : memref<12560xi32, #tpu.memory_space<vmem>>, vector<16xi32>,
      %get3A_1007 = arith.index_cast %add3A_1000 : i32 to index
      %get3A_1008 = tpu.vector_load %arg6[%get3A_1007] {strides = array<i32>} : memref<12544xf32, #tpu.memory_space<vmem>>, vector<16xf32>,
      %sub3A_1009 = vector.broadcast %mul3A_153 : i32 to vector<16xi32>
      %sub3A_1010 = arith.subi %get3A_1002, %sub3A_1009 : vector<16xi32>
      %ne3A_1011 = arith.cmpi ne, %get3A_1002, %get3A_1006 : vector<16xi32>
      tpu.vector_store_idx %arg7[%sub3A_1010], %get3A_1008 masked %ne3A_1011 : memref<50176xf32, #tpu.memory_space<vmem>>[vector<16xi32>], vector<16xf32>, vector<16xi1>
      %add3A_1012 = arith.constant 64 : i32
      %add3A_1013 = arith.addi %mul3A_962, %add3A_1012 : i32
      %get3A_1014 = arith.index_cast %add3A_1013 : i32 to index
      %get3A_1015 = tpu.vector_load %arg5[%get3A_1014] {strides = array<i32>} : memref<12560xi32, #tpu.memory_space<vmem>>, vector<16xi32>,
      %add3A_1016 = arith.constant 1 : i32
      %add3A_1017 = arith.addi %add3A_1013, %add3A_1016 : i32
      %get3A_1018 = arith.index_cast %add3A_1017 : i32 to index
      %get3A_1019 = tpu.vector_load %arg5[%get3A_1018] {strides = array<i32>} : memref<12560xi32, #tpu.memory_space<vmem>>, vector<16xi32>,
      %get3A_1020 = arith.index_cast %add3A_1013 : i32 to index
      %get3A_1021 = tpu.vector_load %arg6[%get3A_1020] {strides = array<i32>} : memref<12544xf32, #tpu.memory_space<vmem>>, vector<16xf32>,
      %sub3A_1022 = vector.broadcast %mul3A_153 : i32 to vector<16xi32>
      %sub3A_1023 = arith.subi %get3A_1015, %sub3A_1022 : vector<16xi32>
      %ne3A_1024 = arith.cmpi ne, %get3A_1015, %get3A_1019 : vector<16xi32>
      tpu.vector_store_idx %arg7[%sub3A_1023], %get3A_1021 masked %ne3A_1024 : memref<50176xf32, #tpu.memory_space<vmem>>[vector<16xi32>], vector<16xf32>, vector<16xi1>
      %add3A_1025 = arith.constant 80 : i32
      %add3A_1026 = arith.addi %mul3A_962, %add3A_1025 : i32
      %get3A_1027 = arith.index_cast %add3A_1026 : i32 to index
      %get3A_1028 = tpu.vector_load %arg5[%get3A_1027] {strides = array<i32>} : memref<12560xi32, #tpu.memory_space<vmem>>, vector<16xi32>,
      %add3A_1029 = arith.constant 1 : i32
      %add3A_1030 = arith.addi %add3A_1026, %add3A_1029 : i32
      %get3A_1031 = arith.index_cast %add3A_1030 : i32 to index
      %get3A_1032 = tpu.vector_load %arg5[%get3A_1031] {strides = array<i32>} : memref<12560xi32, #tpu.memory_space<vmem>>, vector<16xi32>,
      %get3A_1033 = arith.index_cast %add3A_1026 : i32 to index
      %get3A_1034 = tpu.vector_load %arg6[%get3A_1033] {strides = array<i32>} : memref<12544xf32, #tpu.memory_space<vmem>>, vector<16xf32>,
      %sub3A_1035 = vector.broadcast %mul3A_153 : i32 to vector<16xi32>
      %sub3A_1036 = arith.subi %get3A_1028, %sub3A_1035 : vector<16xi32>
      %ne3A_1037 = arith.cmpi ne, %get3A_1028, %get3A_1032 : vector<16xi32>
      tpu.vector_store_idx %arg7[%sub3A_1036], %get3A_1034 masked %ne3A_1037 : memref<50176xf32, #tpu.memory_space<vmem>>[vector<16xi32>], vector<16xf32>, vector<16xi1>
      %add3A_1038 = arith.constant 96 : i32
      %add3A_1039 = arith.addi %mul3A_962, %add3A_1038 : i32
      %get3A_1040 = arith.index_cast %add3A_1039 : i32 to index
      %get3A_1041 = tpu.vector_load %arg5[%get3A_1040] {strides = array<i32>} : memref<12560xi32, #tpu.memory_space<vmem>>, vector<16xi32>,
      %add3A_1042 = arith.constant 1 : i32
      %add3A_1043 = arith.addi %add3A_1039, %add3A_1042 : i32
      %get3A_1044 = arith.index_cast %add3A_1043 : i32 to index
      %get3A_1045 = tpu.vector_load %arg5[%get3A_1044] {strides = array<i32>} : memref<12560xi32, #tpu.memory_space<vmem>>, vector<16xi32>,
      %get3A_1046 = arith.index_cast %add3A_1039 : i32 to index
      %get3A_1047 = tpu.vector_load %arg6[%get3A_1046] {strides = array<i32>} : memref<12544xf32, #tpu.memory_space<vmem>>, vector<16xf32>,
      %sub3A_1048 = vector.broadcast %mul3A_153 : i32 to vector<16xi32>
      %sub3A_1049 = arith.subi %get3A_1041, %sub3A_1048 : vector<16xi32>
      %ne3A_1050 = arith.cmpi ne, %get3A_1041, %get3A_1045 : vector<16xi32>
      tpu.vector_store_idx %arg7[%sub3A_1049], %get3A_1047 masked %ne3A_1050 : memref<50176xf32, #tpu.memory_space<vmem>>[vector<16xi32>], vector<16xf32>, vector<16xi1>
      %add3A_1051 = arith.constant 112 : i32
      %add3A_1052 = arith.addi %mul3A_962, %add3A_1051 : i32
      %get3A_1053 = arith.index_cast %add3A_1052 : i32 to index
      %get3A_1054 = tpu.vector_load %arg5[%get3A_1053] {strides = array<i32>} : memref<12560xi32, #tpu.memory_space<vmem>>, vector<16xi32>,
      %add3A_1055 = arith.constant 1 : i32
      %add3A_1056 = arith.addi %add3A_1052, %add3A_1055 : i32
      %get3A_1057 = arith.index_cast %add3A_1056 : i32 to index
      %get3A_1058 = tpu.vector_load %arg5[%get3A_1057] {strides = array<i32>} : memref<12560xi32, #tpu.memory_space<vmem>>, vector<16xi32>,
      %get3A_1059 = arith.index_cast %add3A_1052 : i32 to index
      %get3A_1060 = tpu.vector_load %arg6[%get3A_1059] {strides = array<i32>} : memref<12544xf32, #tpu.memory_space<vmem>>, vector<16xf32>,
      %sub3A_1061 = vector.broadcast %mul3A_153 : i32 to vector<16xi32>
      %sub3A_1062 = arith.subi %get3A_1054, %sub3A_1061 : vector<16xi32>
      %ne3A_1063 = arith.cmpi ne, %get3A_1054, %get3A_1058 : vector<16xi32>
      tpu.vector_store_idx %arg7[%sub3A_1062], %get3A_1060 masked %ne3A_1063 : memref<50176xf32, #tpu.memory_space<vmem>>[vector<16xi32>], vector<16xf32>, vector<16xi1>
      %while3A_1064 = arith.constant 0 : i32
      scf.yield %while3A_1064 : i32
    }
    %while3A_220 = arith.constant 1 : i32
    %while3A_221 = scf.for %while3A_960 = %while3A_217 to %while3A_213 step %while3A_220 iter_args(%while3A_961 = %while3A_219) -> (i32)  : i32 {
      %mul3A_962 = arith.muli %while3A_960, %while3A_208 : i32
      %add3A_963 = arith.constant 0 : i32
      %add3A_964 = arith.addi %mul3A_962, %add3A_963 : i32
      %get3A = arith.index_cast %add3A_964 : i32 to index
      %get3A_965 = tpu.vector_load %arg5[%get3A] {strides = array<i32>} : memref<12560xi32, #tpu.memory_space<vmem>>, vector<16xi32>,
      %add3A_966 = arith.constant 1 : i32
      %add3A_967 = arith.addi %add3A_964, %add3A_966 : i32
      %get3A_968 = arith.index_cast %add3A_967 : i32 to index
      %get3A_969 = tpu.vector_load %arg5[%get3A_968] {strides = array<i32>} : memref<12560xi32, #tpu.memory_space<vmem>>, vector<16xi32>,
      %get3A_970 = arith.index_cast %add3A_964 : i32 to index
      %get3A_971 = tpu.vector_load %arg6[%get3A_970] {strides = array<i32>} : memref<12544xf32, #tpu.memory_space<vmem>>, vector<16xf32>,
      %sub3A = vector.broadcast %mul3A_153 : i32 to vector<16xi32>
      %sub3A_972 = arith.subi %get3A_965, %sub3A : vector<16xi32>
      %ne3A = arith.cmpi ne, %get3A_965, %get3A_969 : vector<16xi32>
      tpu.vector_store_idx %arg7[%sub3A_972], %get3A_971 masked %ne3A : memref<50176xf32, #tpu.memory_space<vmem>>[vector<16xi32>], vector<16xf32>, vector<16xi1>
      %add3A_973 = arith.constant 16 : i32
      %add3A_974 = arith.addi %mul3A_962, %add3A_973 : i32
      %get3A_975 = arith.index_cast %add3A_974 : i32 to index
      %get3A_976 = tpu.vector_load %arg5[%get3A_975] {strides = array<i32>} : memref<12560xi32, #tpu.memory_space<vmem>>, vector<16xi32>,
      %add3A_977 = arith.constant 1 : i32
      %add3A_978 = arith.addi %add3A_974, %add3A_977 : i32
      %get3A_979 = arith.index_cast %add3A_978 : i32 to index
      %get3A_980 = tpu.vector_load %arg5[%get3A_979] {strides = array<i32>} : memref<12560xi32, #tpu.memory_space<vmem>>, vector<16xi32>,
      %get3A_981 = arith.index_cast %add3A_974 : i32 to index
      %get3A_982 = tpu.vector_load %arg6[%get3A_981] {strides = array<i32>} : memref<12544xf32, #tpu.memory_space<vmem>>, vector<16xf32>,
      %sub3A_983 = vector.broadcast %mul3A_153 : i32 to vector<16xi32>
      %sub3A_984 = arith.subi %get3A_976, %sub3A_983 : vector<16xi32>
      %ne3A_985 = arith.cmpi ne, %get3A_976, %get3A_980 : vector<16xi32>
      tpu.vector_store_idx %arg7[%sub3A_984], %get3A_982 masked %ne3A_985 : memref<50176xf32, #tpu.memory_space<vmem>>[vector<16xi32>], vector<16xf32>, vector<16xi1>
      %add3A_986 = arith.constant 32 : i32
      %add3A_987 = arith.addi %mul3A_962, %add3A_986 : i32
      %get3A_988 = arith.index_cast %add3A_987 : i32 to index
      %get3A_989 = tpu.vector_load %arg5[%get3A_988] {strides = array<i32>} : memref<12560xi32, #tpu.memory_space<vmem>>, vector<16xi32>,
      %add3A_990 = arith.constant 1 : i32
      %add3A_991 = arith.addi %add3A_987, %add3A_990 : i32
      %get3A_992 = arith.index_cast %add3A_991 : i32 to index
      %get3A_993 = tpu.vector_load %arg5[%get3A_992] {strides = array<i32>} : memref<12560xi32, #tpu.memory_space<vmem>>, vector<16xi32>,
      %get3A_994 = arith.index_cast %add3A_987 : i32 to index
      %get3A_995 = tpu.vector_load %arg6[%get3A_994] {strides = array<i32>} : memref<12544xf32, #tpu.memory_space<vmem>>, vector<16xf32>,
      %sub3A_996 = vector.broadcast %mul3A_153 : i32 to vector<16xi32>
      %sub3A_997 = arith.subi %get3A_989, %sub3A_996 : vector<16xi32>
      %ne3A_998 = arith.cmpi ne, %get3A_989, %get3A_993 : vector<16xi32>
      tpu.vector_store_idx %arg7[%sub3A_997], %get3A_995 masked %ne3A_998 : memref<50176xf32, #tpu.memory_space<vmem>>[vector<16xi32>], vector<16xf32>, vector<16xi1>
      %add3A_999 = arith.constant 48 : i32
      %add3A_1000 = arith.addi %mul3A_962, %add3A_999 : i32
      %get3A_1001 = arith.index_cast %add3A_1000 : i32 to index
      %get3A_1002 = tpu.vector_load %arg5[%get3A_1001] {strides = array<i32>} : memref<12560xi32, #tpu.memory_space<vmem>>, vector<16xi32>,
      %add3A_1003 = arith.constant 1 : i32
      %add3A_1004 = arith.addi %add3A_1000, %add3A_1003 : i32
      %get3A_1005 = arith.index_cast %add3A_1004 : i32 to index
      %get3A_1006 = tpu.vector_load %arg5[%get3A_1005] {strides = array<i32>} : memref<12560xi32, #tpu.memory_space<vmem>>, vector<16xi32>,
      %get3A_1007 = arith.index_cast %add3A_1000 : i32 to index
      %get3A_1008 = tpu.vector_load %arg6[%get3A_1007] {strides = array<i32>} : memref<12544xf32, #tpu.memory_space<vmem>>, vector<16xf32>,
      %sub3A_1009 = vector.broadcast %mul3A_153 : i32 to vector<16xi32>
      %sub3A_1010 = arith.subi %get3A_1002, %sub3A_1009 : vector<16xi32>
      %ne3A_1011 = arith.cmpi ne, %get3A_1002, %get3A_1006 : vector<16xi32>
      tpu.vector_store_idx %arg7[%sub3A_1010], %get3A_1008 masked %ne3A_1011 : memref<50176xf32, #tpu.memory_space<vmem>>[vector<16xi32>], vector<16xf32>, vector<16xi1>
      %add3A_1012 = arith.constant 64 : i32
      %add3A_1013 = arith.addi %mul3A_962, %add3A_1012 : i32
      %get3A_1014 = arith.index_cast %add3A_1013 : i32 to index
      %get3A_1015 = tpu.vector_load %arg5[%get3A_1014] {strides = array<i32>} : memref<12560xi32, #tpu.memory_space<vmem>>, vector<16xi32>,
      %add3A_1016 = arith.constant 1 : i32
      %add3A_1017 = arith.addi %add3A_1013, %add3A_1016 : i32
      %get3A_1018 = arith.index_cast %add3A_1017 : i32 to index
      %get3A_1019 = tpu.vector_load %arg5[%get3A_1018] {strides = array<i32>} : memref<12560xi32, #tpu.memory_space<vmem>>, vector<16xi32>,
      %get3A_1020 = arith.index_cast %add3A_1013 : i32 to index
      %get3A_1021 = tpu.vector_load %arg6[%get3A_1020] {strides = array<i32>} : memref<12544xf32, #tpu.memory_space<vmem>>, vector<16xf32>,
      %sub3A_1022 = vector.broadcast %mul3A_153 : i32 to vector<16xi32>
      %sub3A_1023 = arith.subi %get3A_1015, %sub3A_1022 : vector<16xi32>
      %ne3A_1024 = arith.cmpi ne, %get3A_1015, %get3A_1019 : vector<16xi32>
      tpu.vector_store_idx %arg7[%sub3A_1023], %get3A_1021 masked %ne3A_1024 : memref<50176xf32, #tpu.memory_space<vmem>>[vector<16xi32>], vector<16xf32>, vector<16xi1>
      %add3A_1025 = arith.constant 80 : i32
      %add3A_1026 = arith.addi %mul3A_962, %add3A_1025 : i32
      %get3A_1027 = arith.index_cast %add3A_1026 : i32 to index
      %get3A_1028 = tpu.vector_load %arg5[%get3A_1027] {strides = array<i32>} : memref<12560xi32, #tpu.memory_space<vmem>>, vector<16xi32>,
      %add3A_1029 = arith.constant 1 : i32
      %add3A_1030 = arith.addi %add3A_1026, %add3A_1029 : i32
      %get3A_1031 = arith.index_cast %add3A_1030 : i32 to index
      %get3A_1032 = tpu.vector_load %arg5[%get3A_1031] {strides = array<i32>} : memref<12560xi32, #tpu.memory_space<vmem>>, vector<16xi32>,
      %get3A_1033 = arith.index_cast %add3A_1026 : i32 to index
      %get3A_1034 = tpu.vector_load %arg6[%get3A_1033] {strides = array<i32>} : memref<12544xf32, #tpu.memory_space<vmem>>, vector<16xf32>,
      %sub3A_1035 = vector.broadcast %mul3A_153 : i32 to vector<16xi32>
      %sub3A_1036 = arith.subi %get3A_1028, %sub3A_1035 : vector<16xi32>
      %ne3A_1037 = arith.cmpi ne, %get3A_1028, %get3A_1032 : vector<16xi32>
      tpu.vector_store_idx %arg7[%sub3A_1036], %get3A_1034 masked %ne3A_1037 : memref<50176xf32, #tpu.memory_space<vmem>>[vector<16xi32>], vector<16xf32>, vector<16xi1>
      %add3A_1038 = arith.constant 96 : i32
      %add3A_1039 = arith.addi %mul3A_962, %add3A_1038 : i32
      %get3A_1040 = arith.index_cast %add3A_1039 : i32 to index
      %get3A_1041 = tpu.vector_load %arg5[%get3A_1040] {strides = array<i32>} : memref<12560xi32, #tpu.memory_space<vmem>>, vector<16xi32>,
      %add3A_1042 = arith.constant 1 : i32
      %add3A_1043 = arith.addi %add3A_1039, %add3A_1042 : i32
      %get3A_1044 = arith.index_cast %add3A_1043 : i32 to index
      %get3A_1045 = tpu.vector_load %arg5[%get3A_1044] {strides = array<i32>} : memref<12560xi32, #tpu.memory_space<vmem>>, vector<16xi32>,
      %get3A_1046 = arith.index_cast %add3A_1039 : i32 to index
      %get3A_1047 = tpu.vector_load %arg6[%get3A_1046] {strides = array<i32>} : memref<12544xf32, #tpu.memory_space<vmem>>, vector<16xf32>,
      %sub3A_1048 = vector.broadcast %mul3A_153 : i32 to vector<16xi32>
      %sub3A_1049 = arith.subi %get3A_1041, %sub3A_1048 : vector<16xi32>
      %ne3A_1050 = arith.cmpi ne, %get3A_1041, %get3A_1045 : vector<16xi32>
      tpu.vector_store_idx %arg7[%sub3A_1049], %get3A_1047 masked %ne3A_1050 : memref<50176xf32, #tpu.memory_space<vmem>>[vector<16xi32>], vector<16xf32>, vector<16xi1>
      %add3A_1051 = arith.constant 112 : i32
      %add3A_1052 = arith.addi %mul3A_962, %add3A_1051 : i32
      %get3A_1053 = arith.index_cast %add3A_1052 : i32 to index
      %get3A_1054 = tpu.vector_load %arg5[%get3A_1053] {strides = array<i32>} : memref<12560xi32, #tpu.memory_space<vmem>>, vector<16xi32>,
      %add3A_1055 = arith.constant 1 : i32
      %add3A_1056 = arith.addi %add3A_1052, %add3A_1055 : i32
      %get3A_1057 = arith.index_cast %add3A_1056 : i32 to index
      %get3A_1058 = tpu.vector_load %arg5[%get3A_1057] {strides = array<i32>} : memref<12560xi32, #tpu.memory_space<vmem>>, vector<16xi32>,
      %get3A_1059 = arith.index_cast %add3A_1052 : i32 to index
      %get3A_1060 = tpu.vector_load %arg6[%get3A_1059] {strides = array<i32>} : memref<12544xf32, #tpu.memory_space<vmem>>, vector<16xf32>,
      %sub3A_1061 = vector.broadcast %mul3A_153 : i32 to vector<16xi32>
      %sub3A_1062 = arith.subi %get3A_1054, %sub3A_1061 : vector<16xi32>
      %ne3A_1063 = arith.cmpi ne, %get3A_1054, %get3A_1058 : vector<16xi32>
      tpu.vector_store_idx %arg7[%sub3A_1062], %get3A_1060 masked %ne3A_1063 : memref<50176xf32, #tpu.memory_space<vmem>>[vector<16xi32>], vector<16xf32>, vector<16xi1>
      %while3A_1064 = arith.constant 0 : i32
      scf.yield %while3A_1064 : i32
    }
    %dma_start3A_222 = arith.constant 0 : i32
    %dma_start3A_223 = tpu.memref_slice %arg4[%add3A_151, %dma_start3A_222] : memref<384x50176xf32, #tpu.memory_space<hbm>> -> memref<1x50176xf32, #tpu.memory_space<hbm>>
    %dma_start3A_224 = tpu.memref_squeeze %dma_start3A_223 : memref<1x50176xf32, #tpu.memory_space<hbm>> -> memref<50176xf32, #tpu.memory_space<hbm>>
    %dma_start3A_225 = arith.constant 0 : i32
    %dma_start3A_226 = tpu.memref_slice %arg4[%add3A_151, %dma_start3A_225] : memref<384x50176xf32, #tpu.memory_space<hbm>> -> memref<1x50176xf32, #tpu.memory_space<hbm>>
    %dma_start3A_227 = tpu.memref_squeeze %dma_start3A_226 : memref<1x50176xf32, #tpu.memory_space<hbm>> -> memref<50176xf32, #tpu.memory_space<hbm>>
    tpu.enqueue_dma source(%arg7 : memref<50176xf32, #tpu.memory_space<vmem>>) target(%dma_start3A_227 : memref<50176xf32, #tpu.memory_space<hbm>>) target_semaphore(%arg11 : memref<!tpu.dma_semaphore, #tpu.memory_space<semaphore_mem>>)
    %mul3A_228 = arith.constant 12 : i32
    %mul3A_229 = arith.muli %add3A, %mul3A_228 : i32
    %add3A_230 = arith.constant 3 : i32
    %add3A_231 = arith.addi %mul3A_229, %add3A_230 : i32
    %mul3A_232 = arith.constant 50176 : i32
    %mul3A_233 = arith.muli %add3A_231, %mul3A_232 : i32
    %dma_start3A_234 = arith.constant 0 : i32
    %dma_start3A_235 = tpu.memref_slice %arg5[%dma_start3A_234] : memref<12560xi32, #tpu.memory_space<vmem>> -> memref<12544xi32, #tpu.memory_space<vmem>>
    %dma_start3A_236 = arith.constant 0 : i32
    %dma_start3A_237 = tpu.memref_slice %arg3[%add3A_231, %dma_start3A_236] : memref<384x12544xi32, #tpu.memory_space<hbm>> -> memref<1x12544xi32, #tpu.memory_space<hbm>>
    %dma_start3A_238 = tpu.memref_squeeze %dma_start3A_237 : memref<1x12544xi32, #tpu.memory_space<hbm>> -> memref<12544xi32, #tpu.memory_space<hbm>>
    %dma_start3A_239 = arith.constant 0 : i32
    %dma_start3A_240 = tpu.memref_slice %arg5[%dma_start3A_239] : memref<12560xi32, #tpu.memory_space<vmem>> -> memref<12544xi32, #tpu.memory_space<vmem>>
    %dma_start3A_241 = arith.constant 0 : i32
    %dma_start3A_242 = tpu.memref_slice %arg3[%add3A_231, %dma_start3A_241] : memref<384x12544xi32, #tpu.memory_space<hbm>> -> memref<1x12544xi32, #tpu.memory_space<hbm>>
    %dma_start3A_243 = tpu.memref_squeeze %dma_start3A_242 : memref<1x12544xi32, #tpu.memory_space<hbm>> -> memref<12544xi32, #tpu.memory_space<hbm>>
    tpu.enqueue_dma source(%dma_start3A_243 : memref<12544xi32, #tpu.memory_space<hbm>>) target(%dma_start3A_240 : memref<12544xi32, #tpu.memory_space<vmem>>) target_semaphore(%arg9 : memref<!tpu.dma_semaphore, #tpu.memory_space<semaphore_mem>>)
    %dma_start3A_244 = arith.constant 0 : i32
    %dma_start3A_245 = tpu.memref_slice %arg2[%add3A_231, %dma_start3A_244] : memref<384x12544xf32, #tpu.memory_space<hbm>> -> memref<1x12544xf32, #tpu.memory_space<hbm>>
    %dma_start3A_246 = tpu.memref_squeeze %dma_start3A_245 : memref<1x12544xf32, #tpu.memory_space<hbm>> -> memref<12544xf32, #tpu.memory_space<hbm>>
    %dma_start3A_247 = arith.constant 0 : i32
    %dma_start3A_248 = tpu.memref_slice %arg2[%add3A_231, %dma_start3A_247] : memref<384x12544xf32, #tpu.memory_space<hbm>> -> memref<1x12544xf32, #tpu.memory_space<hbm>>
    %dma_start3A_249 = tpu.memref_squeeze %dma_start3A_248 : memref<1x12544xf32, #tpu.memory_space<hbm>> -> memref<12544xf32, #tpu.memory_space<hbm>>
    tpu.enqueue_dma source(%dma_start3A_249 : memref<12544xf32, #tpu.memory_space<hbm>>) target(%arg6 : memref<12544xf32, #tpu.memory_space<vmem>>) target_semaphore(%arg10 : memref<!tpu.dma_semaphore, #tpu.memory_space<semaphore_mem>>)
    %dma_wait3A_250 = arith.constant 0 : i32
    %dma_wait3A_251 = tpu.memref_slice %arg4[%add3A_93, %dma_wait3A_250] : memref<384x50176xf32, #tpu.memory_space<hbm>> -> memref<1x50176xf32, #tpu.memory_space<hbm>>
    %dma_wait3A_252 = tpu.memref_squeeze %dma_wait3A_251 : memref<1x50176xf32, #tpu.memory_space<hbm>> -> memref<50176xf32, #tpu.memory_space<hbm>>
    %dma_wait3A_253 = arith.constant 0 : i32
    %dma_wait3A_254 = tpu.memref_slice %arg4[%add3A_93, %dma_wait3A_253] : memref<384x50176xf32, #tpu.memory_space<hbm>> -> memref<1x50176xf32, #tpu.memory_space<hbm>>
    %dma_wait3A_255 = tpu.memref_squeeze %dma_wait3A_254 : memref<1x50176xf32, #tpu.memory_space<hbm>> -> memref<50176xf32, #tpu.memory_space<hbm>>
    tpu.wait_dma2 semaphore(%arg12 : memref<!tpu.dma_semaphore, #tpu.memory_space<semaphore_mem>>) src(%arg8 : memref<50176xf32, #tpu.memory_space<vmem>>) dst(%dma_wait3A_255 : memref<50176xf32, #tpu.memory_space<hbm>>)
    %broadcast_in_dim3A_256 = arith.constant 0.000000e+00 : f32
    %broadcast_in_dim3A_257 = vector.broadcast %broadcast_in_dim3A_256 : f32 to vector<16xf32>
    %while3A_258 = arith.constant 128 : i32
    %while3A_259 = arith.constant 0 : i32
    %while3A_260 = arith.constant 392 : i32
    %while3A_261 = arith.constant 0 : i32
    %while3A_262 = arith.subi %while3A_260, %while3A_259 : i32
    %while3A_263 = arith.addi %while3A_259, %while3A_262 : i32
    %while3A_264 = arith.constant 1 : i32
    %while3A_265 = arith.divsi %while3A_262, %while3A_264 : i32
    %while3A_266 = arith.muli %while3A_265, %while3A_264 : i32
    %while3A_267 = arith.addi %while3A_259, %while3A_266 : i32
    %while3A_268 = arith.constant 1 : i32
    %while3A_269 = scf.for %while3A_960 = %while3A_259 to %while3A_267 step %while3A_268 iter_args(%while3A_961 = %while3A_261) -> (i32)  : i32 {
      %mul3A_962 = arith.muli %while3A_960, %while3A_258 : i32
      %add3A_963 = arith.constant 0 : i32
      %add3A_964 = arith.addi %mul3A_962, %add3A_963 : i32
      %swap3A_965 = arith.index_cast %add3A_964 : i32 to index
      %swap3A_966 = tpu.vector_load %arg8[%swap3A_965] {strides = array<i32>} : memref<50176xf32, #tpu.memory_space<vmem>>, vector<16xf32>,
      tpu.vector_store %arg8[%swap3A_965], %broadcast_in_dim3A_257 {strides = array<i32>} : memref<50176xf32, #tpu.memory_space<vmem>>, vector<16xf32>,
      %add3A_967 = arith.constant 16 : i32
      %add3A_968 = arith.addi %mul3A_962, %add3A_967 : i32
      %swap3A_969 = arith.index_cast %add3A_968 : i32 to index
      %swap3A_970 = tpu.vector_load %arg8[%swap3A_969] {strides = array<i32>} : memref<50176xf32, #tpu.memory_space<vmem>>, vector<16xf32>,
      tpu.vector_store %arg8[%swap3A_969], %broadcast_in_dim3A_257 {strides = array<i32>} : memref<50176xf32, #tpu.memory_space<vmem>>, vector<16xf32>,
      %add3A_971 = arith.constant 32 : i32
      %add3A_972 = arith.addi %mul3A_962, %add3A_971 : i32
      %swap3A_973 = arith.index_cast %add3A_972 : i32 to index
      %swap3A_974 = tpu.vector_load %arg8[%swap3A_973] {strides = array<i32>} : memref<50176xf32, #tpu.memory_space<vmem>>, vector<16xf32>,
      tpu.vector_store %arg8[%swap3A_973], %broadcast_in_dim3A_257 {strides = array<i32>} : memref<50176xf32, #tpu.memory_space<vmem>>, vector<16xf32>,
      %add3A_975 = arith.constant 48 : i32
      %add3A_976 = arith.addi %mul3A_962, %add3A_975 : i32
      %swap3A_977 = arith.index_cast %add3A_976 : i32 to index
      %swap3A_978 = tpu.vector_load %arg8[%swap3A_977] {strides = array<i32>} : memref<50176xf32, #tpu.memory_space<vmem>>, vector<16xf32>,
      tpu.vector_store %arg8[%swap3A_977], %broadcast_in_dim3A_257 {strides = array<i32>} : memref<50176xf32, #tpu.memory_space<vmem>>, vector<16xf32>,
      %add3A_979 = arith.constant 64 : i32
      %add3A_980 = arith.addi %mul3A_962, %add3A_979 : i32
      %swap3A_981 = arith.index_cast %add3A_980 : i32 to index
      %swap3A_982 = tpu.vector_load %arg8[%swap3A_981] {strides = array<i32>} : memref<50176xf32, #tpu.memory_space<vmem>>, vector<16xf32>,
      tpu.vector_store %arg8[%swap3A_981], %broadcast_in_dim3A_257 {strides = array<i32>} : memref<50176xf32, #tpu.memory_space<vmem>>, vector<16xf32>,
      %add3A_983 = arith.constant 80 : i32
      %add3A_984 = arith.addi %mul3A_962, %add3A_983 : i32
      %swap3A_985 = arith.index_cast %add3A_984 : i32 to index
      %swap3A_986 = tpu.vector_load %arg8[%swap3A_985] {strides = array<i32>} : memref<50176xf32, #tpu.memory_space<vmem>>, vector<16xf32>,
      tpu.vector_store %arg8[%swap3A_985], %broadcast_in_dim3A_257 {strides = array<i32>} : memref<50176xf32, #tpu.memory_space<vmem>>, vector<16xf32>,
      %add3A_987 = arith.constant 96 : i32
      %add3A_988 = arith.addi %mul3A_962, %add3A_987 : i32
      %swap3A_989 = arith.index_cast %add3A_988 : i32 to index
      %swap3A_990 = tpu.vector_load %arg8[%swap3A_989] {strides = array<i32>} : memref<50176xf32, #tpu.memory_space<vmem>>, vector<16xf32>,
      tpu.vector_store %arg8[%swap3A_989], %broadcast_in_dim3A_257 {strides = array<i32>} : memref<50176xf32, #tpu.memory_space<vmem>>, vector<16xf32>,
      %add3A_991 = arith.constant 112 : i32
      %add3A_992 = arith.addi %mul3A_962, %add3A_991 : i32
      %swap3A_993 = arith.index_cast %add3A_992 : i32 to index
      %swap3A_994 = tpu.vector_load %arg8[%swap3A_993] {strides = array<i32>} : memref<50176xf32, #tpu.memory_space<vmem>>, vector<16xf32>,
      tpu.vector_store %arg8[%swap3A_993], %broadcast_in_dim3A_257 {strides = array<i32>} : memref<50176xf32, #tpu.memory_space<vmem>>, vector<16xf32>,
      %while3A_995 = arith.constant 0 : i32
      scf.yield %while3A_995 : i32
    }
    %while3A_270 = arith.constant 1 : i32
    %while3A_271 = scf.for %while3A_960 = %while3A_267 to %while3A_263 step %while3A_270 iter_args(%while3A_961 = %while3A_269) -> (i32)  : i32 {
      %mul3A_962 = arith.muli %while3A_960, %while3A_258 : i32
      %add3A_963 = arith.constant 0 : i32
      %add3A_964 = arith.addi %mul3A_962, %add3A_963 : i32
      %swap3A_965 = arith.index_cast %add3A_964 : i32 to index
      %swap3A_966 = tpu.vector_load %arg8[%swap3A_965] {strides = array<i32>} : memref<50176xf32, #tpu.memory_space<vmem>>, vector<16xf32>,
      tpu.vector_store %arg8[%swap3A_965], %broadcast_in_dim3A_257 {strides = array<i32>} : memref<50176xf32, #tpu.memory_space<vmem>>, vector<16xf32>,
      %add3A_967 = arith.constant 16 : i32
      %add3A_968 = arith.addi %mul3A_962, %add3A_967 : i32
      %swap3A_969 = arith.index_cast %add3A_968 : i32 to index
      %swap3A_970 = tpu.vector_load %arg8[%swap3A_969] {strides = array<i32>} : memref<50176xf32, #tpu.memory_space<vmem>>, vector<16xf32>,
      tpu.vector_store %arg8[%swap3A_969], %broadcast_in_dim3A_257 {strides = array<i32>} : memref<50176xf32, #tpu.memory_space<vmem>>, vector<16xf32>,
      %add3A_971 = arith.constant 32 : i32
      %add3A_972 = arith.addi %mul3A_962, %add3A_971 : i32
      %swap3A_973 = arith.index_cast %add3A_972 : i32 to index
      %swap3A_974 = tpu.vector_load %arg8[%swap3A_973] {strides = array<i32>} : memref<50176xf32, #tpu.memory_space<vmem>>, vector<16xf32>,
      tpu.vector_store %arg8[%swap3A_973], %broadcast_in_dim3A_257 {strides = array<i32>} : memref<50176xf32, #tpu.memory_space<vmem>>, vector<16xf32>,
      %add3A_975 = arith.constant 48 : i32
      %add3A_976 = arith.addi %mul3A_962, %add3A_975 : i32
      %swap3A_977 = arith.index_cast %add3A_976 : i32 to index
      %swap3A_978 = tpu.vector_load %arg8[%swap3A_977] {strides = array<i32>} : memref<50176xf32, #tpu.memory_space<vmem>>, vector<16xf32>,
      tpu.vector_store %arg8[%swap3A_977], %broadcast_in_dim3A_257 {strides = array<i32>} : memref<50176xf32, #tpu.memory_space<vmem>>, vector<16xf32>,
      %add3A_979 = arith.constant 64 : i32
      %add3A_980 = arith.addi %mul3A_962, %add3A_979 : i32
      %swap3A_981 = arith.index_cast %add3A_980 : i32 to index
      %swap3A_982 = tpu.vector_load %arg8[%swap3A_981] {strides = array<i32>} : memref<50176xf32, #tpu.memory_space<vmem>>, vector<16xf32>,
      tpu.vector_store %arg8[%swap3A_981], %broadcast_in_dim3A_257 {strides = array<i32>} : memref<50176xf32, #tpu.memory_space<vmem>>, vector<16xf32>,
      %add3A_983 = arith.constant 80 : i32
      %add3A_984 = arith.addi %mul3A_962, %add3A_983 : i32
      %swap3A_985 = arith.index_cast %add3A_984 : i32 to index
      %swap3A_986 = tpu.vector_load %arg8[%swap3A_985] {strides = array<i32>} : memref<50176xf32, #tpu.memory_space<vmem>>, vector<16xf32>,
      tpu.vector_store %arg8[%swap3A_985], %broadcast_in_dim3A_257 {strides = array<i32>} : memref<50176xf32, #tpu.memory_space<vmem>>, vector<16xf32>,
      %add3A_987 = arith.constant 96 : i32
      %add3A_988 = arith.addi %mul3A_962, %add3A_987 : i32
      %swap3A_989 = arith.index_cast %add3A_988 : i32 to index
      %swap3A_990 = tpu.vector_load %arg8[%swap3A_989] {strides = array<i32>} : memref<50176xf32, #tpu.memory_space<vmem>>, vector<16xf32>,
      tpu.vector_store %arg8[%swap3A_989], %broadcast_in_dim3A_257 {strides = array<i32>} : memref<50176xf32, #tpu.memory_space<vmem>>, vector<16xf32>,
      %add3A_991 = arith.constant 112 : i32
      %add3A_992 = arith.addi %mul3A_962, %add3A_991 : i32
      %swap3A_993 = arith.index_cast %add3A_992 : i32 to index
      %swap3A_994 = tpu.vector_load %arg8[%swap3A_993] {strides = array<i32>} : memref<50176xf32, #tpu.memory_space<vmem>>, vector<16xf32>,
      tpu.vector_store %arg8[%swap3A_993], %broadcast_in_dim3A_257 {strides = array<i32>} : memref<50176xf32, #tpu.memory_space<vmem>>, vector<16xf32>,
      %while3A_995 = arith.constant 0 : i32
      scf.yield %while3A_995 : i32
    }
    %dma_wait3A_272 = arith.constant 0 : i32
    %dma_wait3A_273 = tpu.memref_slice %arg5[%dma_wait3A_272] : memref<12560xi32, #tpu.memory_space<vmem>> -> memref<12544xi32, #tpu.memory_space<vmem>>
    %dma_wait3A_274 = arith.constant 0 : i32
    %dma_wait3A_275 = tpu.memref_slice %arg3[%add3A_231, %dma_wait3A_274] : memref<384x12544xi32, #tpu.memory_space<hbm>> -> memref<1x12544xi32, #tpu.memory_space<hbm>>
    %dma_wait3A_276 = tpu.memref_squeeze %dma_wait3A_275 : memref<1x12544xi32, #tpu.memory_space<hbm>> -> memref<12544xi32, #tpu.memory_space<hbm>>
    %dma_wait3A_277 = arith.constant 0 : i32
    %dma_wait3A_278 = tpu.memref_slice %arg5[%dma_wait3A_277] : memref<12560xi32, #tpu.memory_space<vmem>> -> memref<12544xi32, #tpu.memory_space<vmem>>
    %dma_wait3A_279 = arith.constant 0 : i32
    %dma_wait3A_280 = tpu.memref_slice %arg3[%add3A_231, %dma_wait3A_279] : memref<384x12544xi32, #tpu.memory_space<hbm>> -> memref<1x12544xi32, #tpu.memory_space<hbm>>
    %dma_wait3A_281 = tpu.memref_squeeze %dma_wait3A_280 : memref<1x12544xi32, #tpu.memory_space<hbm>> -> memref<12544xi32, #tpu.memory_space<hbm>>
    tpu.wait_dma2 semaphore(%arg9 : memref<!tpu.dma_semaphore, #tpu.memory_space<semaphore_mem>>) src(%dma_wait3A_281 : memref<12544xi32, #tpu.memory_space<hbm>>) dst(%dma_wait3A_278 : memref<12544xi32, #tpu.memory_space<vmem>>)
    %dma_wait3A_282 = arith.constant 0 : i32
    %dma_wait3A_283 = tpu.memref_slice %arg2[%add3A_231, %dma_wait3A_282] : memref<384x12544xf32, #tpu.memory_space<hbm>> -> memref<1x12544xf32, #tpu.memory_space<hbm>>
    %dma_wait3A_284 = tpu.memref_squeeze %dma_wait3A_283 : memref<1x12544xf32, #tpu.memory_space<hbm>> -> memref<12544xf32, #tpu.memory_space<hbm>>
    %dma_wait3A_285 = arith.constant 0 : i32
    %dma_wait3A_286 = tpu.memref_slice %arg2[%add3A_231, %dma_wait3A_285] : memref<384x12544xf32, #tpu.memory_space<hbm>> -> memref<1x12544xf32, #tpu.memory_space<hbm>>
    %dma_wait3A_287 = tpu.memref_squeeze %dma_wait3A_286 : memref<1x12544xf32, #tpu.memory_space<hbm>> -> memref<12544xf32, #tpu.memory_space<hbm>>
    tpu.wait_dma2 semaphore(%arg10 : memref<!tpu.dma_semaphore, #tpu.memory_space<semaphore_mem>>) src(%dma_wait3A_287 : memref<12544xf32, #tpu.memory_space<hbm>>) dst(%arg6 : memref<12544xf32, #tpu.memory_space<vmem>>)
    %while3A_288 = arith.constant 128 : i32
    %while3A_289 = arith.constant 0 : i32
    %while3A_290 = arith.constant 98 : i32
    %while3A_291 = arith.constant 0 : i32
    %while3A_292 = arith.subi %while3A_290, %while3A_289 : i32
    %while3A_293 = arith.addi %while3A_289, %while3A_292 : i32
    %while3A_294 = arith.constant 1 : i32
    %while3A_295 = arith.divsi %while3A_292, %while3A_294 : i32
    %while3A_296 = arith.muli %while3A_295, %while3A_294 : i32
    %while3A_297 = arith.addi %while3A_289, %while3A_296 : i32
    %while3A_298 = arith.constant 1 : i32
    %while3A_299 = scf.for %while3A_960 = %while3A_289 to %while3A_297 step %while3A_298 iter_args(%while3A_961 = %while3A_291) -> (i32)  : i32 {
      %mul3A_962 = arith.muli %while3A_960, %while3A_288 : i32
      %add3A_963 = arith.constant 0 : i32
      %add3A_964 = arith.addi %mul3A_962, %add3A_963 : i32
      %get3A = arith.index_cast %add3A_964 : i32 to index
      %get3A_965 = tpu.vector_load %arg5[%get3A] {strides = array<i32>} : memref<12560xi32, #tpu.memory_space<vmem>>, vector<16xi32>,
      %add3A_966 = arith.constant 1 : i32
      %add3A_967 = arith.addi %add3A_964, %add3A_966 : i32
      %get3A_968 = arith.index_cast %add3A_967 : i32 to index
      %get3A_969 = tpu.vector_load %arg5[%get3A_968] {strides = array<i32>} : memref<12560xi32, #tpu.memory_space<vmem>>, vector<16xi32>,
      %get3A_970 = arith.index_cast %add3A_964 : i32 to index
      %get3A_971 = tpu.vector_load %arg6[%get3A_970] {strides = array<i32>} : memref<12544xf32, #tpu.memory_space<vmem>>, vector<16xf32>,
      %sub3A = vector.broadcast %mul3A_233 : i32 to vector<16xi32>
      %sub3A_972 = arith.subi %get3A_965, %sub3A : vector<16xi32>
      %ne3A = arith.cmpi ne, %get3A_965, %get3A_969 : vector<16xi32>
      tpu.vector_store_idx %arg8[%sub3A_972], %get3A_971 masked %ne3A : memref<50176xf32, #tpu.memory_space<vmem>>[vector<16xi32>], vector<16xf32>, vector<16xi1>
      %add3A_973 = arith.constant 16 : i32
      %add3A_974 = arith.addi %mul3A_962, %add3A_973 : i32
      %get3A_975 = arith.index_cast %add3A_974 : i32 to index
      %get3A_976 = tpu.vector_load %arg5[%get3A_975] {strides = array<i32>} : memref<12560xi32, #tpu.memory_space<vmem>>, vector<16xi32>,
      %add3A_977 = arith.constant 1 : i32
      %add3A_978 = arith.addi %add3A_974, %add3A_977 : i32
      %get3A_979 = arith.index_cast %add3A_978 : i32 to index
      %get3A_980 = tpu.vector_load %arg5[%get3A_979] {strides = array<i32>} : memref<12560xi32, #tpu.memory_space<vmem>>, vector<16xi32>,
      %get3A_981 = arith.index_cast %add3A_974 : i32 to index
      %get3A_982 = tpu.vector_load %arg6[%get3A_981] {strides = array<i32>} : memref<12544xf32, #tpu.memory_space<vmem>>, vector<16xf32>,
      %sub3A_983 = vector.broadcast %mul3A_233 : i32 to vector<16xi32>
      %sub3A_984 = arith.subi %get3A_976, %sub3A_983 : vector<16xi32>
      %ne3A_985 = arith.cmpi ne, %get3A_976, %get3A_980 : vector<16xi32>
      tpu.vector_store_idx %arg8[%sub3A_984], %get3A_982 masked %ne3A_985 : memref<50176xf32, #tpu.memory_space<vmem>>[vector<16xi32>], vector<16xf32>, vector<16xi1>
      %add3A_986 = arith.constant 32 : i32
      %add3A_987 = arith.addi %mul3A_962, %add3A_986 : i32
      %get3A_988 = arith.index_cast %add3A_987 : i32 to index
      %get3A_989 = tpu.vector_load %arg5[%get3A_988] {strides = array<i32>} : memref<12560xi32, #tpu.memory_space<vmem>>, vector<16xi32>,
      %add3A_990 = arith.constant 1 : i32
      %add3A_991 = arith.addi %add3A_987, %add3A_990 : i32
      %get3A_992 = arith.index_cast %add3A_991 : i32 to index
      %get3A_993 = tpu.vector_load %arg5[%get3A_992] {strides = array<i32>} : memref<12560xi32, #tpu.memory_space<vmem>>, vector<16xi32>,
      %get3A_994 = arith.index_cast %add3A_987 : i32 to index
      %get3A_995 = tpu.vector_load %arg6[%get3A_994] {strides = array<i32>} : memref<12544xf32, #tpu.memory_space<vmem>>, vector<16xf32>,
      %sub3A_996 = vector.broadcast %mul3A_233 : i32 to vector<16xi32>
      %sub3A_997 = arith.subi %get3A_989, %sub3A_996 : vector<16xi32>
      %ne3A_998 = arith.cmpi ne, %get3A_989, %get3A_993 : vector<16xi32>
      tpu.vector_store_idx %arg8[%sub3A_997], %get3A_995 masked %ne3A_998 : memref<50176xf32, #tpu.memory_space<vmem>>[vector<16xi32>], vector<16xf32>, vector<16xi1>
      %add3A_999 = arith.constant 48 : i32
      %add3A_1000 = arith.addi %mul3A_962, %add3A_999 : i32
      %get3A_1001 = arith.index_cast %add3A_1000 : i32 to index
      %get3A_1002 = tpu.vector_load %arg5[%get3A_1001] {strides = array<i32>} : memref<12560xi32, #tpu.memory_space<vmem>>, vector<16xi32>,
      %add3A_1003 = arith.constant 1 : i32
      %add3A_1004 = arith.addi %add3A_1000, %add3A_1003 : i32
      %get3A_1005 = arith.index_cast %add3A_1004 : i32 to index
      %get3A_1006 = tpu.vector_load %arg5[%get3A_1005] {strides = array<i32>} : memref<12560xi32, #tpu.memory_space<vmem>>, vector<16xi32>,
      %get3A_1007 = arith.index_cast %add3A_1000 : i32 to index
      %get3A_1008 = tpu.vector_load %arg6[%get3A_1007] {strides = array<i32>} : memref<12544xf32, #tpu.memory_space<vmem>>, vector<16xf32>,
      %sub3A_1009 = vector.broadcast %mul3A_233 : i32 to vector<16xi32>
      %sub3A_1010 = arith.subi %get3A_1002, %sub3A_1009 : vector<16xi32>
      %ne3A_1011 = arith.cmpi ne, %get3A_1002, %get3A_1006 : vector<16xi32>
      tpu.vector_store_idx %arg8[%sub3A_1010], %get3A_1008 masked %ne3A_1011 : memref<50176xf32, #tpu.memory_space<vmem>>[vector<16xi32>], vector<16xf32>, vector<16xi1>
      %add3A_1012 = arith.constant 64 : i32
      %add3A_1013 = arith.addi %mul3A_962, %add3A_1012 : i32
      %get3A_1014 = arith.index_cast %add3A_1013 : i32 to index
      %get3A_1015 = tpu.vector_load %arg5[%get3A_1014] {strides = array<i32>} : memref<12560xi32, #tpu.memory_space<vmem>>, vector<16xi32>,
      %add3A_1016 = arith.constant 1 : i32
      %add3A_1017 = arith.addi %add3A_1013, %add3A_1016 : i32
      %get3A_1018 = arith.index_cast %add3A_1017 : i32 to index
      %get3A_1019 = tpu.vector_load %arg5[%get3A_1018] {strides = array<i32>} : memref<12560xi32, #tpu.memory_space<vmem>>, vector<16xi32>,
      %get3A_1020 = arith.index_cast %add3A_1013 : i32 to index
      %get3A_1021 = tpu.vector_load %arg6[%get3A_1020] {strides = array<i32>} : memref<12544xf32, #tpu.memory_space<vmem>>, vector<16xf32>,
      %sub3A_1022 = vector.broadcast %mul3A_233 : i32 to vector<16xi32>
      %sub3A_1023 = arith.subi %get3A_1015, %sub3A_1022 : vector<16xi32>
      %ne3A_1024 = arith.cmpi ne, %get3A_1015, %get3A_1019 : vector<16xi32>
      tpu.vector_store_idx %arg8[%sub3A_1023], %get3A_1021 masked %ne3A_1024 : memref<50176xf32, #tpu.memory_space<vmem>>[vector<16xi32>], vector<16xf32>, vector<16xi1>
      %add3A_1025 = arith.constant 80 : i32
      %add3A_1026 = arith.addi %mul3A_962, %add3A_1025 : i32
      %get3A_1027 = arith.index_cast %add3A_1026 : i32 to index
      %get3A_1028 = tpu.vector_load %arg5[%get3A_1027] {strides = array<i32>} : memref<12560xi32, #tpu.memory_space<vmem>>, vector<16xi32>,
      %add3A_1029 = arith.constant 1 : i32
      %add3A_1030 = arith.addi %add3A_1026, %add3A_1029 : i32
      %get3A_1031 = arith.index_cast %add3A_1030 : i32 to index
      %get3A_1032 = tpu.vector_load %arg5[%get3A_1031] {strides = array<i32>} : memref<12560xi32, #tpu.memory_space<vmem>>, vector<16xi32>,
      %get3A_1033 = arith.index_cast %add3A_1026 : i32 to index
      %get3A_1034 = tpu.vector_load %arg6[%get3A_1033] {strides = array<i32>} : memref<12544xf32, #tpu.memory_space<vmem>>, vector<16xf32>,
      %sub3A_1035 = vector.broadcast %mul3A_233 : i32 to vector<16xi32>
      %sub3A_1036 = arith.subi %get3A_1028, %sub3A_1035 : vector<16xi32>
      %ne3A_1037 = arith.cmpi ne, %get3A_1028, %get3A_1032 : vector<16xi32>
      tpu.vector_store_idx %arg8[%sub3A_1036], %get3A_1034 masked %ne3A_1037 : memref<50176xf32, #tpu.memory_space<vmem>>[vector<16xi32>], vector<16xf32>, vector<16xi1>
      %add3A_1038 = arith.constant 96 : i32
      %add3A_1039 = arith.addi %mul3A_962, %add3A_1038 : i32
      %get3A_1040 = arith.index_cast %add3A_1039 : i32 to index
      %get3A_1041 = tpu.vector_load %arg5[%get3A_1040] {strides = array<i32>} : memref<12560xi32, #tpu.memory_space<vmem>>, vector<16xi32>,
      %add3A_1042 = arith.constant 1 : i32
      %add3A_1043 = arith.addi %add3A_1039, %add3A_1042 : i32
      %get3A_1044 = arith.index_cast %add3A_1043 : i32 to index
      %get3A_1045 = tpu.vector_load %arg5[%get3A_1044] {strides = array<i32>} : memref<12560xi32, #tpu.memory_space<vmem>>, vector<16xi32>,
      %get3A_1046 = arith.index_cast %add3A_1039 : i32 to index
      %get3A_1047 = tpu.vector_load %arg6[%get3A_1046] {strides = array<i32>} : memref<12544xf32, #tpu.memory_space<vmem>>, vector<16xf32>,
      %sub3A_1048 = vector.broadcast %mul3A_233 : i32 to vector<16xi32>
      %sub3A_1049 = arith.subi %get3A_1041, %sub3A_1048 : vector<16xi32>
      %ne3A_1050 = arith.cmpi ne, %get3A_1041, %get3A_1045 : vector<16xi32>
      tpu.vector_store_idx %arg8[%sub3A_1049], %get3A_1047 masked %ne3A_1050 : memref<50176xf32, #tpu.memory_space<vmem>>[vector<16xi32>], vector<16xf32>, vector<16xi1>
      %add3A_1051 = arith.constant 112 : i32
      %add3A_1052 = arith.addi %mul3A_962, %add3A_1051 : i32
      %get3A_1053 = arith.index_cast %add3A_1052 : i32 to index
      %get3A_1054 = tpu.vector_load %arg5[%get3A_1053] {strides = array<i32>} : memref<12560xi32, #tpu.memory_space<vmem>>, vector<16xi32>,
      %add3A_1055 = arith.constant 1 : i32
      %add3A_1056 = arith.addi %add3A_1052, %add3A_1055 : i32
      %get3A_1057 = arith.index_cast %add3A_1056 : i32 to index
      %get3A_1058 = tpu.vector_load %arg5[%get3A_1057] {strides = array<i32>} : memref<12560xi32, #tpu.memory_space<vmem>>, vector<16xi32>,
      %get3A_1059 = arith.index_cast %add3A_1052 : i32 to index
      %get3A_1060 = tpu.vector_load %arg6[%get3A_1059] {strides = array<i32>} : memref<12544xf32, #tpu.memory_space<vmem>>, vector<16xf32>,
      %sub3A_1061 = vector.broadcast %mul3A_233 : i32 to vector<16xi32>
      %sub3A_1062 = arith.subi %get3A_1054, %sub3A_1061 : vector<16xi32>
      %ne3A_1063 = arith.cmpi ne, %get3A_1054, %get3A_1058 : vector<16xi32>
      tpu.vector_store_idx %arg8[%sub3A_1062], %get3A_1060 masked %ne3A_1063 : memref<50176xf32, #tpu.memory_space<vmem>>[vector<16xi32>], vector<16xf32>, vector<16xi1>
      %while3A_1064 = arith.constant 0 : i32
      scf.yield %while3A_1064 : i32
    }
    %while3A_300 = arith.constant 1 : i32
    %while3A_301 = scf.for %while3A_960 = %while3A_297 to %while3A_293 step %while3A_300 iter_args(%while3A_961 = %while3A_299) -> (i32)  : i32 {
      %mul3A_962 = arith.muli %while3A_960, %while3A_288 : i32
      %add3A_963 = arith.constant 0 : i32
      %add3A_964 = arith.addi %mul3A_962, %add3A_963 : i32
      %get3A = arith.index_cast %add3A_964 : i32 to index
      %get3A_965 = tpu.vector_load %arg5[%get3A] {strides = array<i32>} : memref<12560xi32, #tpu.memory_space<vmem>>, vector<16xi32>,
      %add3A_966 = arith.constant 1 : i32
      %add3A_967 = arith.addi %add3A_964, %add3A_966 : i32
      %get3A_968 = arith.index_cast %add3A_967 : i32 to index
      %get3A_969 = tpu.vector_load %arg5[%get3A_968] {strides = array<i32>} : memref<12560xi32, #tpu.memory_space<vmem>>, vector<16xi32>,
      %get3A_970 = arith.index_cast %add3A_964 : i32 to index
      %get3A_971 = tpu.vector_load %arg6[%get3A_970] {strides = array<i32>} : memref<12544xf32, #tpu.memory_space<vmem>>, vector<16xf32>,
      %sub3A = vector.broadcast %mul3A_233 : i32 to vector<16xi32>
      %sub3A_972 = arith.subi %get3A_965, %sub3A : vector<16xi32>
      %ne3A = arith.cmpi ne, %get3A_965, %get3A_969 : vector<16xi32>
      tpu.vector_store_idx %arg8[%sub3A_972], %get3A_971 masked %ne3A : memref<50176xf32, #tpu.memory_space<vmem>>[vector<16xi32>], vector<16xf32>, vector<16xi1>
      %add3A_973 = arith.constant 16 : i32
      %add3A_974 = arith.addi %mul3A_962, %add3A_973 : i32
      %get3A_975 = arith.index_cast %add3A_974 : i32 to index
      %get3A_976 = tpu.vector_load %arg5[%get3A_975] {strides = array<i32>} : memref<12560xi32, #tpu.memory_space<vmem>>, vector<16xi32>,
      %add3A_977 = arith.constant 1 : i32
      %add3A_978 = arith.addi %add3A_974, %add3A_977 : i32
      %get3A_979 = arith.index_cast %add3A_978 : i32 to index
      %get3A_980 = tpu.vector_load %arg5[%get3A_979] {strides = array<i32>} : memref<12560xi32, #tpu.memory_space<vmem>>, vector<16xi32>,
      %get3A_981 = arith.index_cast %add3A_974 : i32 to index
      %get3A_982 = tpu.vector_load %arg6[%get3A_981] {strides = array<i32>} : memref<12544xf32, #tpu.memory_space<vmem>>, vector<16xf32>,
      %sub3A_983 = vector.broadcast %mul3A_233 : i32 to vector<16xi32>
      %sub3A_984 = arith.subi %get3A_976, %sub3A_983 : vector<16xi32>
      %ne3A_985 = arith.cmpi ne, %get3A_976, %get3A_980 : vector<16xi32>
      tpu.vector_store_idx %arg8[%sub3A_984], %get3A_982 masked %ne3A_985 : memref<50176xf32, #tpu.memory_space<vmem>>[vector<16xi32>], vector<16xf32>, vector<16xi1>
      %add3A_986 = arith.constant 32 : i32
      %add3A_987 = arith.addi %mul3A_962, %add3A_986 : i32
      %get3A_988 = arith.index_cast %add3A_987 : i32 to index
      %get3A_989 = tpu.vector_load %arg5[%get3A_988] {strides = array<i32>} : memref<12560xi32, #tpu.memory_space<vmem>>, vector<16xi32>,
      %add3A_990 = arith.constant 1 : i32
      %add3A_991 = arith.addi %add3A_987, %add3A_990 : i32
      %get3A_992 = arith.index_cast %add3A_991 : i32 to index
      %get3A_993 = tpu.vector_load %arg5[%get3A_992] {strides = array<i32>} : memref<12560xi32, #tpu.memory_space<vmem>>, vector<16xi32>,
      %get3A_994 = arith.index_cast %add3A_987 : i32 to index
      %get3A_995 = tpu.vector_load %arg6[%get3A_994] {strides = array<i32>} : memref<12544xf32, #tpu.memory_space<vmem>>, vector<16xf32>,
      %sub3A_996 = vector.broadcast %mul3A_233 : i32 to vector<16xi32>
      %sub3A_997 = arith.subi %get3A_989, %sub3A_996 : vector<16xi32>
      %ne3A_998 = arith.cmpi ne, %get3A_989, %get3A_993 : vector<16xi32>
      tpu.vector_store_idx %arg8[%sub3A_997], %get3A_995 masked %ne3A_998 : memref<50176xf32, #tpu.memory_space<vmem>>[vector<16xi32>], vector<16xf32>, vector<16xi1>
      %add3A_999 = arith.constant 48 : i32
      %add3A_1000 = arith.addi %mul3A_962, %add3A_999 : i32
      %get3A_1001 = arith.index_cast %add3A_1000 : i32 to index
      %get3A_1002 = tpu.vector_load %arg5[%get3A_1001] {strides = array<i32>} : memref<12560xi32, #tpu.memory_space<vmem>>, vector<16xi32>,
      %add3A_1003 = arith.constant 1 : i32
      %add3A_1004 = arith.addi %add3A_1000, %add3A_1003 : i32
      %get3A_1005 = arith.index_cast %add3A_1004 : i32 to index
      %get3A_1006 = tpu.vector_load %arg5[%get3A_1005] {strides = array<i32>} : memref<12560xi32, #tpu.memory_space<vmem>>, vector<16xi32>,
      %get3A_1007 = arith.index_cast %add3A_1000 : i32 to index
      %get3A_1008 = tpu.vector_load %arg6[%get3A_1007] {strides = array<i32>} : memref<12544xf32, #tpu.memory_space<vmem>>, vector<16xf32>,
      %sub3A_1009 = vector.broadcast %mul3A_233 : i32 to vector<16xi32>
      %sub3A_1010 = arith.subi %get3A_1002, %sub3A_1009 : vector<16xi32>
      %ne3A_1011 = arith.cmpi ne, %get3A_1002, %get3A_1006 : vector<16xi32>
      tpu.vector_store_idx %arg8[%sub3A_1010], %get3A_1008 masked %ne3A_1011 : memref<50176xf32, #tpu.memory_space<vmem>>[vector<16xi32>], vector<16xf32>, vector<16xi1>
      %add3A_1012 = arith.constant 64 : i32
      %add3A_1013 = arith.addi %mul3A_962, %add3A_1012 : i32
      %get3A_1014 = arith.index_cast %add3A_1013 : i32 to index
      %get3A_1015 = tpu.vector_load %arg5[%get3A_1014] {strides = array<i32>} : memref<12560xi32, #tpu.memory_space<vmem>>, vector<16xi32>,
      %add3A_1016 = arith.constant 1 : i32
      %add3A_1017 = arith.addi %add3A_1013, %add3A_1016 : i32
      %get3A_1018 = arith.index_cast %add3A_1017 : i32 to index
      %get3A_1019 = tpu.vector_load %arg5[%get3A_1018] {strides = array<i32>} : memref<12560xi32, #tpu.memory_space<vmem>>, vector<16xi32>,
      %get3A_1020 = arith.index_cast %add3A_1013 : i32 to index
      %get3A_1021 = tpu.vector_load %arg6[%get3A_1020] {strides = array<i32>} : memref<12544xf32, #tpu.memory_space<vmem>>, vector<16xf32>,
      %sub3A_1022 = vector.broadcast %mul3A_233 : i32 to vector<16xi32>
      %sub3A_1023 = arith.subi %get3A_1015, %sub3A_1022 : vector<16xi32>
      %ne3A_1024 = arith.cmpi ne, %get3A_1015, %get3A_1019 : vector<16xi32>
      tpu.vector_store_idx %arg8[%sub3A_1023], %get3A_1021 masked %ne3A_1024 : memref<50176xf32, #tpu.memory_space<vmem>>[vector<16xi32>], vector<16xf32>, vector<16xi1>
      %add3A_1025 = arith.constant 80 : i32
      %add3A_1026 = arith.addi %mul3A_962, %add3A_1025 : i32
      %get3A_1027 = arith.index_cast %add3A_1026 : i32 to index
      %get3A_1028 = tpu.vector_load %arg5[%get3A_1027] {strides = array<i32>} : memref<12560xi32, #tpu.memory_space<vmem>>, vector<16xi32>,
      %add3A_1029 = arith.constant 1 : i32
      %add3A_1030 = arith.addi %add3A_1026, %add3A_1029 : i32
      %get3A_1031 = arith.index_cast %add3A_1030 : i32 to index
      %get3A_1032 = tpu.vector_load %arg5[%get3A_1031] {strides = array<i32>} : memref<12560xi32, #tpu.memory_space<vmem>>, vector<16xi32>,
      %get3A_1033 = arith.index_cast %add3A_1026 : i32 to index
      %get3A_1034 = tpu.vector_load %arg6[%get3A_1033] {strides = array<i32>} : memref<12544xf32, #tpu.memory_space<vmem>>, vector<16xf32>,
      %sub3A_1035 = vector.broadcast %mul3A_233 : i32 to vector<16xi32>
      %sub3A_1036 = arith.subi %get3A_1028, %sub3A_1035 : vector<16xi32>
      %ne3A_1037 = arith.cmpi ne, %get3A_1028, %get3A_1032 : vector<16xi32>
      tpu.vector_store_idx %arg8[%sub3A_1036], %get3A_1034 masked %ne3A_1037 : memref<50176xf32, #tpu.memory_space<vmem>>[vector<16xi32>], vector<16xf32>, vector<16xi1>
      %add3A_1038 = arith.constant 96 : i32
      %add3A_1039 = arith.addi %mul3A_962, %add3A_1038 : i32
      %get3A_1040 = arith.index_cast %add3A_1039 : i32 to index
      %get3A_1041 = tpu.vector_load %arg5[%get3A_1040] {strides = array<i32>} : memref<12560xi32, #tpu.memory_space<vmem>>, vector<16xi32>,
      %add3A_1042 = arith.constant 1 : i32
      %add3A_1043 = arith.addi %add3A_1039, %add3A_1042 : i32
      %get3A_1044 = arith.index_cast %add3A_1043 : i32 to index
      %get3A_1045 = tpu.vector_load %arg5[%get3A_1044] {strides = array<i32>} : memref<12560xi32, #tpu.memory_space<vmem>>, vector<16xi32>,
      %get3A_1046 = arith.index_cast %add3A_1039 : i32 to index
      %get3A_1047 = tpu.vector_load %arg6[%get3A_1046] {strides = array<i32>} : memref<12544xf32, #tpu.memory_space<vmem>>, vector<16xf32>,
      %sub3A_1048 = vector.broadcast %mul3A_233 : i32 to vector<16xi32>
      %sub3A_1049 = arith.subi %get3A_1041, %sub3A_1048 : vector<16xi32>
      %ne3A_1050 = arith.cmpi ne, %get3A_1041, %get3A_1045 : vector<16xi32>
      tpu.vector_store_idx %arg8[%sub3A_1049], %get3A_1047 masked %ne3A_1050 : memref<50176xf32, #tpu.memory_space<vmem>>[vector<16xi32>], vector<16xf32>, vector<16xi1>
      %add3A_1051 = arith.constant 112 : i32
      %add3A_1052 = arith.addi %mul3A_962, %add3A_1051 : i32
      %get3A_1053 = arith.index_cast %add3A_1052 : i32 to index
      %get3A_1054 = tpu.vector_load %arg5[%get3A_1053] {strides = array<i32>} : memref<12560xi32, #tpu.memory_space<vmem>>, vector<16xi32>,
      %add3A_1055 = arith.constant 1 : i32
      %add3A_1056 = arith.addi %add3A_1052, %add3A_1055 : i32
      %get3A_1057 = arith.index_cast %add3A_1056 : i32 to index
      %get3A_1058 = tpu.vector_load %arg5[%get3A_1057] {strides = array<i32>} : memref<12560xi32, #tpu.memory_space<vmem>>, vector<16xi32>,
      %get3A_1059 = arith.index_cast %add3A_1052 : i32 to index
      %get3A_1060 = tpu.vector_load %arg6[%get3A_1059] {strides = array<i32>} : memref<12544xf32, #tpu.memory_space<vmem>>, vector<16xf32>,
      %sub3A_1061 = vector.broadcast %mul3A_233 : i32 to vector<16xi32>
      %sub3A_1062 = arith.subi %get3A_1054, %sub3A_1061 : vector<16xi32>
      %ne3A_1063 = arith.cmpi ne, %get3A_1054, %get3A_1058 : vector<16xi32>
      tpu.vector_store_idx %arg8[%sub3A_1062], %get3A_1060 masked %ne3A_1063 : memref<50176xf32, #tpu.memory_space<vmem>>[vector<16xi32>], vector<16xf32>, vector<16xi1>
      %while3A_1064 = arith.constant 0 : i32
      scf.yield %while3A_1064 : i32
    }
    %dma_start3A_302 = arith.constant 0 : i32
    %dma_start3A_303 = tpu.memref_slice %arg4[%add3A_231, %dma_start3A_302] : memref<384x50176xf32, #tpu.memory_space<hbm>> -> memref<1x50176xf32, #tpu.memory_space<hbm>>
    %dma_start3A_304 = tpu.memref_squeeze %dma_start3A_303 : memref<1x50176xf32, #tpu.memory_space<hbm>> -> memref<50176xf32, #tpu.memory_space<hbm>>
    %dma_start3A_305 = arith.constant 0 : i32
    %dma_start3A_306 = tpu.memref_slice %arg4[%add3A_231, %dma_start3A_305] : memref<384x50176xf32, #tpu.memory_space<hbm>> -> memref<1x50176xf32, #tpu.memory_space<hbm>>
    %dma_start3A_307 = tpu.memref_squeeze %dma_start3A_306 : memref<1x50176xf32, #tpu.memory_space<hbm>> -> memref<50176xf32, #tpu.memory_space<hbm>>
    tpu.enqueue_dma source(%arg8 : memref<50176xf32, #tpu.memory_space<vmem>>) target(%dma_start3A_307 : memref<50176xf32, #tpu.memory_space<hbm>>) target_semaphore(%arg12 : memref<!tpu.dma_semaphore, #tpu.memory_space<semaphore_mem>>)
    %mul3A_308 = arith.constant 12 : i32
    %mul3A_309 = arith.muli %add3A, %mul3A_308 : i32
    %add3A_310 = arith.constant 4 : i32
    %add3A_311 = arith.addi %mul3A_309, %add3A_310 : i32
    %mul3A_312 = arith.constant 50176 : i32
    %mul3A_313 = arith.muli %add3A_311, %mul3A_312 : i32
    %dma_start3A_314 = arith.constant 0 : i32
    %dma_start3A_315 = tpu.memref_slice %arg5[%dma_start3A_314] : memref<12560xi32, #tpu.memory_space<vmem>> -> memref<12544xi32, #tpu.memory_space<vmem>>
    %dma_start3A_316 = arith.constant 0 : i32
    %dma_start3A_317 = tpu.memref_slice %arg3[%add3A_311, %dma_start3A_316] : memref<384x12544xi32, #tpu.memory_space<hbm>> -> memref<1x12544xi32, #tpu.memory_space<hbm>>
    %dma_start3A_318 = tpu.memref_squeeze %dma_start3A_317 : memref<1x12544xi32, #tpu.memory_space<hbm>> -> memref<12544xi32, #tpu.memory_space<hbm>>
    %dma_start3A_319 = arith.constant 0 : i32
    %dma_start3A_320 = tpu.memref_slice %arg5[%dma_start3A_319] : memref<12560xi32, #tpu.memory_space<vmem>> -> memref<12544xi32, #tpu.memory_space<vmem>>
    %dma_start3A_321 = arith.constant 0 : i32
    %dma_start3A_322 = tpu.memref_slice %arg3[%add3A_311, %dma_start3A_321] : memref<384x12544xi32, #tpu.memory_space<hbm>> -> memref<1x12544xi32, #tpu.memory_space<hbm>>
    %dma_start3A_323 = tpu.memref_squeeze %dma_start3A_322 : memref<1x12544xi32, #tpu.memory_space<hbm>> -> memref<12544xi32, #tpu.memory_space<hbm>>
    tpu.enqueue_dma source(%dma_start3A_323 : memref<12544xi32, #tpu.memory_space<hbm>>) target(%dma_start3A_320 : memref<12544xi32, #tpu.memory_space<vmem>>) target_semaphore(%arg9 : memref<!tpu.dma_semaphore, #tpu.memory_space<semaphore_mem>>)
    %dma_start3A_324 = arith.constant 0 : i32
    %dma_start3A_325 = tpu.memref_slice %arg2[%add3A_311, %dma_start3A_324] : memref<384x12544xf32, #tpu.memory_space<hbm>> -> memref<1x12544xf32, #tpu.memory_space<hbm>>
    %dma_start3A_326 = tpu.memref_squeeze %dma_start3A_325 : memref<1x12544xf32, #tpu.memory_space<hbm>> -> memref<12544xf32, #tpu.memory_space<hbm>>
    %dma_start3A_327 = arith.constant 0 : i32
    %dma_start3A_328 = tpu.memref_slice %arg2[%add3A_311, %dma_start3A_327] : memref<384x12544xf32, #tpu.memory_space<hbm>> -> memref<1x12544xf32, #tpu.memory_space<hbm>>
    %dma_start3A_329 = tpu.memref_squeeze %dma_start3A_328 : memref<1x12544xf32, #tpu.memory_space<hbm>> -> memref<12544xf32, #tpu.memory_space<hbm>>
    tpu.enqueue_dma source(%dma_start3A_329 : memref<12544xf32, #tpu.memory_space<hbm>>) target(%arg6 : memref<12544xf32, #tpu.memory_space<vmem>>) target_semaphore(%arg10 : memref<!tpu.dma_semaphore, #tpu.memory_space<semaphore_mem>>)
    %dma_wait3A_330 = arith.constant 0 : i32
    %dma_wait3A_331 = tpu.memref_slice %arg4[%add3A_151, %dma_wait3A_330] : memref<384x50176xf32, #tpu.memory_space<hbm>> -> memref<1x50176xf32, #tpu.memory_space<hbm>>
    %dma_wait3A_332 = tpu.memref_squeeze %dma_wait3A_331 : memref<1x50176xf32, #tpu.memory_space<hbm>> -> memref<50176xf32, #tpu.memory_space<hbm>>
    %dma_wait3A_333 = arith.constant 0 : i32
    %dma_wait3A_334 = tpu.memref_slice %arg4[%add3A_151, %dma_wait3A_333] : memref<384x50176xf32, #tpu.memory_space<hbm>> -> memref<1x50176xf32, #tpu.memory_space<hbm>>
    %dma_wait3A_335 = tpu.memref_squeeze %dma_wait3A_334 : memref<1x50176xf32, #tpu.memory_space<hbm>> -> memref<50176xf32, #tpu.memory_space<hbm>>
    tpu.wait_dma2 semaphore(%arg11 : memref<!tpu.dma_semaphore, #tpu.memory_space<semaphore_mem>>) src(%arg7 : memref<50176xf32, #tpu.memory_space<vmem>>) dst(%dma_wait3A_335 : memref<50176xf32, #tpu.memory_space<hbm>>)
    %broadcast_in_dim3A_336 = arith.constant 0.000000e+00 : f32
    %broadcast_in_dim3A_337 = vector.broadcast %broadcast_in_dim3A_336 : f32 to vector<16xf32>
    %while3A_338 = arith.constant 128 : i32
    %while3A_339 = arith.constant 0 : i32
    %while3A_340 = arith.constant 392 : i32
    %while3A_341 = arith.constant 0 : i32
    %while3A_342 = arith.subi %while3A_340, %while3A_339 : i32
    %while3A_343 = arith.addi %while3A_339, %while3A_342 : i32
    %while3A_344 = arith.constant 1 : i32
    %while3A_345 = arith.divsi %while3A_342, %while3A_344 : i32
    %while3A_346 = arith.muli %while3A_345, %while3A_344 : i32
    %while3A_347 = arith.addi %while3A_339, %while3A_346 : i32
    %while3A_348 = arith.constant 1 : i32
    %while3A_349 = scf.for %while3A_960 = %while3A_339 to %while3A_347 step %while3A_348 iter_args(%while3A_961 = %while3A_341) -> (i32)  : i32 {
      %mul3A_962 = arith.muli %while3A_960, %while3A_338 : i32
      %add3A_963 = arith.constant 0 : i32
      %add3A_964 = arith.addi %mul3A_962, %add3A_963 : i32
      %swap3A_965 = arith.index_cast %add3A_964 : i32 to index
      %swap3A_966 = tpu.vector_load %arg7[%swap3A_965] {strides = array<i32>} : memref<50176xf32, #tpu.memory_space<vmem>>, vector<16xf32>,
      tpu.vector_store %arg7[%swap3A_965], %broadcast_in_dim3A_337 {strides = array<i32>} : memref<50176xf32, #tpu.memory_space<vmem>>, vector<16xf32>,
      %add3A_967 = arith.constant 16 : i32
      %add3A_968 = arith.addi %mul3A_962, %add3A_967 : i32
      %swap3A_969 = arith.index_cast %add3A_968 : i32 to index
      %swap3A_970 = tpu.vector_load %arg7[%swap3A_969] {strides = array<i32>} : memref<50176xf32, #tpu.memory_space<vmem>>, vector<16xf32>,
      tpu.vector_store %arg7[%swap3A_969], %broadcast_in_dim3A_337 {strides = array<i32>} : memref<50176xf32, #tpu.memory_space<vmem>>, vector<16xf32>,
      %add3A_971 = arith.constant 32 : i32
      %add3A_972 = arith.addi %mul3A_962, %add3A_971 : i32
      %swap3A_973 = arith.index_cast %add3A_972 : i32 to index
      %swap3A_974 = tpu.vector_load %arg7[%swap3A_973] {strides = array<i32>} : memref<50176xf32, #tpu.memory_space<vmem>>, vector<16xf32>,
      tpu.vector_store %arg7[%swap3A_973], %broadcast_in_dim3A_337 {strides = array<i32>} : memref<50176xf32, #tpu.memory_space<vmem>>, vector<16xf32>,
      %add3A_975 = arith.constant 48 : i32
      %add3A_976 = arith.addi %mul3A_962, %add3A_975 : i32
      %swap3A_977 = arith.index_cast %add3A_976 : i32 to index
      %swap3A_978 = tpu.vector_load %arg7[%swap3A_977] {strides = array<i32>} : memref<50176xf32, #tpu.memory_space<vmem>>, vector<16xf32>,
      tpu.vector_store %arg7[%swap3A_977], %broadcast_in_dim3A_337 {strides = array<i32>} : memref<50176xf32, #tpu.memory_space<vmem>>, vector<16xf32>,
      %add3A_979 = arith.constant 64 : i32
      %add3A_980 = arith.addi %mul3A_962, %add3A_979 : i32
      %swap3A_981 = arith.index_cast %add3A_980 : i32 to index
      %swap3A_982 = tpu.vector_load %arg7[%swap3A_981] {strides = array<i32>} : memref<50176xf32, #tpu.memory_space<vmem>>, vector<16xf32>,
      tpu.vector_store %arg7[%swap3A_981], %broadcast_in_dim3A_337 {strides = array<i32>} : memref<50176xf32, #tpu.memory_space<vmem>>, vector<16xf32>,
      %add3A_983 = arith.constant 80 : i32
      %add3A_984 = arith.addi %mul3A_962, %add3A_983 : i32
      %swap3A_985 = arith.index_cast %add3A_984 : i32 to index
      %swap3A_986 = tpu.vector_load %arg7[%swap3A_985] {strides = array<i32>} : memref<50176xf32, #tpu.memory_space<vmem>>, vector<16xf32>,
      tpu.vector_store %arg7[%swap3A_985], %broadcast_in_dim3A_337 {strides = array<i32>} : memref<50176xf32, #tpu.memory_space<vmem>>, vector<16xf32>,
      %add3A_987 = arith.constant 96 : i32
      %add3A_988 = arith.addi %mul3A_962, %add3A_987 : i32
      %swap3A_989 = arith.index_cast %add3A_988 : i32 to index
      %swap3A_990 = tpu.vector_load %arg7[%swap3A_989] {strides = array<i32>} : memref<50176xf32, #tpu.memory_space<vmem>>, vector<16xf32>,
      tpu.vector_store %arg7[%swap3A_989], %broadcast_in_dim3A_337 {strides = array<i32>} : memref<50176xf32, #tpu.memory_space<vmem>>, vector<16xf32>,
      %add3A_991 = arith.constant 112 : i32
      %add3A_992 = arith.addi %mul3A_962, %add3A_991 : i32
      %swap3A_993 = arith.index_cast %add3A_992 : i32 to index
      %swap3A_994 = tpu.vector_load %arg7[%swap3A_993] {strides = array<i32>} : memref<50176xf32, #tpu.memory_space<vmem>>, vector<16xf32>,
      tpu.vector_store %arg7[%swap3A_993], %broadcast_in_dim3A_337 {strides = array<i32>} : memref<50176xf32, #tpu.memory_space<vmem>>, vector<16xf32>,
      %while3A_995 = arith.constant 0 : i32
      scf.yield %while3A_995 : i32
    }
    %while3A_350 = arith.constant 1 : i32
    %while3A_351 = scf.for %while3A_960 = %while3A_347 to %while3A_343 step %while3A_350 iter_args(%while3A_961 = %while3A_349) -> (i32)  : i32 {
      %mul3A_962 = arith.muli %while3A_960, %while3A_338 : i32
      %add3A_963 = arith.constant 0 : i32
      %add3A_964 = arith.addi %mul3A_962, %add3A_963 : i32
      %swap3A_965 = arith.index_cast %add3A_964 : i32 to index
      %swap3A_966 = tpu.vector_load %arg7[%swap3A_965] {strides = array<i32>} : memref<50176xf32, #tpu.memory_space<vmem>>, vector<16xf32>,
      tpu.vector_store %arg7[%swap3A_965], %broadcast_in_dim3A_337 {strides = array<i32>} : memref<50176xf32, #tpu.memory_space<vmem>>, vector<16xf32>,
      %add3A_967 = arith.constant 16 : i32
      %add3A_968 = arith.addi %mul3A_962, %add3A_967 : i32
      %swap3A_969 = arith.index_cast %add3A_968 : i32 to index
      %swap3A_970 = tpu.vector_load %arg7[%swap3A_969] {strides = array<i32>} : memref<50176xf32, #tpu.memory_space<vmem>>, vector<16xf32>,
      tpu.vector_store %arg7[%swap3A_969], %broadcast_in_dim3A_337 {strides = array<i32>} : memref<50176xf32, #tpu.memory_space<vmem>>, vector<16xf32>,
      %add3A_971 = arith.constant 32 : i32
      %add3A_972 = arith.addi %mul3A_962, %add3A_971 : i32
      %swap3A_973 = arith.index_cast %add3A_972 : i32 to index
      %swap3A_974 = tpu.vector_load %arg7[%swap3A_973] {strides = array<i32>} : memref<50176xf32, #tpu.memory_space<vmem>>, vector<16xf32>,
      tpu.vector_store %arg7[%swap3A_973], %broadcast_in_dim3A_337 {strides = array<i32>} : memref<50176xf32, #tpu.memory_space<vmem>>, vector<16xf32>,
      %add3A_975 = arith.constant 48 : i32
      %add3A_976 = arith.addi %mul3A_962, %add3A_975 : i32
      %swap3A_977 = arith.index_cast %add3A_976 : i32 to index
      %swap3A_978 = tpu.vector_load %arg7[%swap3A_977] {strides = array<i32>} : memref<50176xf32, #tpu.memory_space<vmem>>, vector<16xf32>,
      tpu.vector_store %arg7[%swap3A_977], %broadcast_in_dim3A_337 {strides = array<i32>} : memref<50176xf32, #tpu.memory_space<vmem>>, vector<16xf32>,
      %add3A_979 = arith.constant 64 : i32
      %add3A_980 = arith.addi %mul3A_962, %add3A_979 : i32
      %swap3A_981 = arith.index_cast %add3A_980 : i32 to index
      %swap3A_982 = tpu.vector_load %arg7[%swap3A_981] {strides = array<i32>} : memref<50176xf32, #tpu.memory_space<vmem>>, vector<16xf32>,
      tpu.vector_store %arg7[%swap3A_981], %broadcast_in_dim3A_337 {strides = array<i32>} : memref<50176xf32, #tpu.memory_space<vmem>>, vector<16xf32>,
      %add3A_983 = arith.constant 80 : i32
      %add3A_984 = arith.addi %mul3A_962, %add3A_983 : i32
      %swap3A_985 = arith.index_cast %add3A_984 : i32 to index
      %swap3A_986 = tpu.vector_load %arg7[%swap3A_985] {strides = array<i32>} : memref<50176xf32, #tpu.memory_space<vmem>>, vector<16xf32>,
      tpu.vector_store %arg7[%swap3A_985], %broadcast_in_dim3A_337 {strides = array<i32>} : memref<50176xf32, #tpu.memory_space<vmem>>, vector<16xf32>,
      %add3A_987 = arith.constant 96 : i32
      %add3A_988 = arith.addi %mul3A_962, %add3A_987 : i32
      %swap3A_989 = arith.index_cast %add3A_988 : i32 to index
      %swap3A_990 = tpu.vector_load %arg7[%swap3A_989] {strides = array<i32>} : memref<50176xf32, #tpu.memory_space<vmem>>, vector<16xf32>,
      tpu.vector_store %arg7[%swap3A_989], %broadcast_in_dim3A_337 {strides = array<i32>} : memref<50176xf32, #tpu.memory_space<vmem>>, vector<16xf32>,
      %add3A_991 = arith.constant 112 : i32
      %add3A_992 = arith.addi %mul3A_962, %add3A_991 : i32
      %swap3A_993 = arith.index_cast %add3A_992 : i32 to index
      %swap3A_994 = tpu.vector_load %arg7[%swap3A_993] {strides = array<i32>} : memref<50176xf32, #tpu.memory_space<vmem>>, vector<16xf32>,
      tpu.vector_store %arg7[%swap3A_993], %broadcast_in_dim3A_337 {strides = array<i32>} : memref<50176xf32, #tpu.memory_space<vmem>>, vector<16xf32>,
      %while3A_995 = arith.constant 0 : i32
      scf.yield %while3A_995 : i32
    }
    %dma_wait3A_352 = arith.constant 0 : i32
    %dma_wait3A_353 = tpu.memref_slice %arg5[%dma_wait3A_352] : memref<12560xi32, #tpu.memory_space<vmem>> -> memref<12544xi32, #tpu.memory_space<vmem>>
    %dma_wait3A_354 = arith.constant 0 : i32
    %dma_wait3A_355 = tpu.memref_slice %arg3[%add3A_311, %dma_wait3A_354] : memref<384x12544xi32, #tpu.memory_space<hbm>> -> memref<1x12544xi32, #tpu.memory_space<hbm>>
    %dma_wait3A_356 = tpu.memref_squeeze %dma_wait3A_355 : memref<1x12544xi32, #tpu.memory_space<hbm>> -> memref<12544xi32, #tpu.memory_space<hbm>>
    %dma_wait3A_357 = arith.constant 0 : i32
    %dma_wait3A_358 = tpu.memref_slice %arg5[%dma_wait3A_357] : memref<12560xi32, #tpu.memory_space<vmem>> -> memref<12544xi32, #tpu.memory_space<vmem>>
    %dma_wait3A_359 = arith.constant 0 : i32
    %dma_wait3A_360 = tpu.memref_slice %arg3[%add3A_311, %dma_wait3A_359] : memref<384x12544xi32, #tpu.memory_space<hbm>> -> memref<1x12544xi32, #tpu.memory_space<hbm>>
    %dma_wait3A_361 = tpu.memref_squeeze %dma_wait3A_360 : memref<1x12544xi32, #tpu.memory_space<hbm>> -> memref<12544xi32, #tpu.memory_space<hbm>>
    tpu.wait_dma2 semaphore(%arg9 : memref<!tpu.dma_semaphore, #tpu.memory_space<semaphore_mem>>) src(%dma_wait3A_361 : memref<12544xi32, #tpu.memory_space<hbm>>) dst(%dma_wait3A_358 : memref<12544xi32, #tpu.memory_space<vmem>>)
    %dma_wait3A_362 = arith.constant 0 : i32
    %dma_wait3A_363 = tpu.memref_slice %arg2[%add3A_311, %dma_wait3A_362] : memref<384x12544xf32, #tpu.memory_space<hbm>> -> memref<1x12544xf32, #tpu.memory_space<hbm>>
    %dma_wait3A_364 = tpu.memref_squeeze %dma_wait3A_363 : memref<1x12544xf32, #tpu.memory_space<hbm>> -> memref<12544xf32, #tpu.memory_space<hbm>>
    %dma_wait3A_365 = arith.constant 0 : i32
    %dma_wait3A_366 = tpu.memref_slice %arg2[%add3A_311, %dma_wait3A_365] : memref<384x12544xf32, #tpu.memory_space<hbm>> -> memref<1x12544xf32, #tpu.memory_space<hbm>>
    %dma_wait3A_367 = tpu.memref_squeeze %dma_wait3A_366 : memref<1x12544xf32, #tpu.memory_space<hbm>> -> memref<12544xf32, #tpu.memory_space<hbm>>
    tpu.wait_dma2 semaphore(%arg10 : memref<!tpu.dma_semaphore, #tpu.memory_space<semaphore_mem>>) src(%dma_wait3A_367 : memref<12544xf32, #tpu.memory_space<hbm>>) dst(%arg6 : memref<12544xf32, #tpu.memory_space<vmem>>)
    %while3A_368 = arith.constant 128 : i32
    %while3A_369 = arith.constant 0 : i32
    %while3A_370 = arith.constant 98 : i32
    %while3A_371 = arith.constant 0 : i32
    %while3A_372 = arith.subi %while3A_370, %while3A_369 : i32
    %while3A_373 = arith.addi %while3A_369, %while3A_372 : i32
    %while3A_374 = arith.constant 1 : i32
    %while3A_375 = arith.divsi %while3A_372, %while3A_374 : i32
    %while3A_376 = arith.muli %while3A_375, %while3A_374 : i32
    %while3A_377 = arith.addi %while3A_369, %while3A_376 : i32
    %while3A_378 = arith.constant 1 : i32
    %while3A_379 = scf.for %while3A_960 = %while3A_369 to %while3A_377 step %while3A_378 iter_args(%while3A_961 = %while3A_371) -> (i32)  : i32 {
      %mul3A_962 = arith.muli %while3A_960, %while3A_368 : i32
      %add3A_963 = arith.constant 0 : i32
      %add3A_964 = arith.addi %mul3A_962, %add3A_963 : i32
      %get3A = arith.index_cast %add3A_964 : i32 to index
      %get3A_965 = tpu.vector_load %arg5[%get3A] {strides = array<i32>} : memref<12560xi32, #tpu.memory_space<vmem>>, vector<16xi32>,
      %add3A_966 = arith.constant 1 : i32
      %add3A_967 = arith.addi %add3A_964, %add3A_966 : i32
      %get3A_968 = arith.index_cast %add3A_967 : i32 to index
      %get3A_969 = tpu.vector_load %arg5[%get3A_968] {strides = array<i32>} : memref<12560xi32, #tpu.memory_space<vmem>>, vector<16xi32>,
      %get3A_970 = arith.index_cast %add3A_964 : i32 to index
      %get3A_971 = tpu.vector_load %arg6[%get3A_970] {strides = array<i32>} : memref<12544xf32, #tpu.memory_space<vmem>>, vector<16xf32>,
      %sub3A = vector.broadcast %mul3A_313 : i32 to vector<16xi32>
      %sub3A_972 = arith.subi %get3A_965, %sub3A : vector<16xi32>
      %ne3A = arith.cmpi ne, %get3A_965, %get3A_969 : vector<16xi32>
      tpu.vector_store_idx %arg7[%sub3A_972], %get3A_971 masked %ne3A : memref<50176xf32, #tpu.memory_space<vmem>>[vector<16xi32>], vector<16xf32>, vector<16xi1>
      %add3A_973 = arith.constant 16 : i32
      %add3A_974 = arith.addi %mul3A_962, %add3A_973 : i32
      %get3A_975 = arith.index_cast %add3A_974 : i32 to index
      %get3A_976 = tpu.vector_load %arg5[%get3A_975] {strides = array<i32>} : memref<12560xi32, #tpu.memory_space<vmem>>, vector<16xi32>,
      %add3A_977 = arith.constant 1 : i32
      %add3A_978 = arith.addi %add3A_974, %add3A_977 : i32
      %get3A_979 = arith.index_cast %add3A_978 : i32 to index
      %get3A_980 = tpu.vector_load %arg5[%get3A_979] {strides = array<i32>} : memref<12560xi32, #tpu.memory_space<vmem>>, vector<16xi32>,
      %get3A_981 = arith.index_cast %add3A_974 : i32 to index
      %get3A_982 = tpu.vector_load %arg6[%get3A_981] {strides = array<i32>} : memref<12544xf32, #tpu.memory_space<vmem>>, vector<16xf32>,
      %sub3A_983 = vector.broadcast %mul3A_313 : i32 to vector<16xi32>
      %sub3A_984 = arith.subi %get3A_976, %sub3A_983 : vector<16xi32>
      %ne3A_985 = arith.cmpi ne, %get3A_976, %get3A_980 : vector<16xi32>
      tpu.vector_store_idx %arg7[%sub3A_984], %get3A_982 masked %ne3A_985 : memref<50176xf32, #tpu.memory_space<vmem>>[vector<16xi32>], vector<16xf32>, vector<16xi1>
      %add3A_986 = arith.constant 32 : i32
      %add3A_987 = arith.addi %mul3A_962, %add3A_986 : i32
      %get3A_988 = arith.index_cast %add3A_987 : i32 to index
      %get3A_989 = tpu.vector_load %arg5[%get3A_988] {strides = array<i32>} : memref<12560xi32, #tpu.memory_space<vmem>>, vector<16xi32>,
      %add3A_990 = arith.constant 1 : i32
      %add3A_991 = arith.addi %add3A_987, %add3A_990 : i32
      %get3A_992 = arith.index_cast %add3A_991 : i32 to index
      %get3A_993 = tpu.vector_load %arg5[%get3A_992] {strides = array<i32>} : memref<12560xi32, #tpu.memory_space<vmem>>, vector<16xi32>,
      %get3A_994 = arith.index_cast %add3A_987 : i32 to index
      %get3A_995 = tpu.vector_load %arg6[%get3A_994] {strides = array<i32>} : memref<12544xf32, #tpu.memory_space<vmem>>, vector<16xf32>,
      %sub3A_996 = vector.broadcast %mul3A_313 : i32 to vector<16xi32>
      %sub3A_997 = arith.subi %get3A_989, %sub3A_996 : vector<16xi32>
      %ne3A_998 = arith.cmpi ne, %get3A_989, %get3A_993 : vector<16xi32>
      tpu.vector_store_idx %arg7[%sub3A_997], %get3A_995 masked %ne3A_998 : memref<50176xf32, #tpu.memory_space<vmem>>[vector<16xi32>], vector<16xf32>, vector<16xi1>
      %add3A_999 = arith.constant 48 : i32
      %add3A_1000 = arith.addi %mul3A_962, %add3A_999 : i32
      %get3A_1001 = arith.index_cast %add3A_1000 : i32 to index
      %get3A_1002 = tpu.vector_load %arg5[%get3A_1001] {strides = array<i32>} : memref<12560xi32, #tpu.memory_space<vmem>>, vector<16xi32>,
      %add3A_1003 = arith.constant 1 : i32
      %add3A_1004 = arith.addi %add3A_1000, %add3A_1003 : i32
      %get3A_1005 = arith.index_cast %add3A_1004 : i32 to index
      %get3A_1006 = tpu.vector_load %arg5[%get3A_1005] {strides = array<i32>} : memref<12560xi32, #tpu.memory_space<vmem>>, vector<16xi32>,
      %get3A_1007 = arith.index_cast %add3A_1000 : i32 to index
      %get3A_1008 = tpu.vector_load %arg6[%get3A_1007] {strides = array<i32>} : memref<12544xf32, #tpu.memory_space<vmem>>, vector<16xf32>,
      %sub3A_1009 = vector.broadcast %mul3A_313 : i32 to vector<16xi32>
      %sub3A_1010 = arith.subi %get3A_1002, %sub3A_1009 : vector<16xi32>
      %ne3A_1011 = arith.cmpi ne, %get3A_1002, %get3A_1006 : vector<16xi32>
      tpu.vector_store_idx %arg7[%sub3A_1010], %get3A_1008 masked %ne3A_1011 : memref<50176xf32, #tpu.memory_space<vmem>>[vector<16xi32>], vector<16xf32>, vector<16xi1>
      %add3A_1012 = arith.constant 64 : i32
      %add3A_1013 = arith.addi %mul3A_962, %add3A_1012 : i32
      %get3A_1014 = arith.index_cast %add3A_1013 : i32 to index
      %get3A_1015 = tpu.vector_load %arg5[%get3A_1014] {strides = array<i32>} : memref<12560xi32, #tpu.memory_space<vmem>>, vector<16xi32>,
      %add3A_1016 = arith.constant 1 : i32
      %add3A_1017 = arith.addi %add3A_1013, %add3A_1016 : i32
      %get3A_1018 = arith.index_cast %add3A_1017 : i32 to index
      %get3A_1019 = tpu.vector_load %arg5[%get3A_1018] {strides = array<i32>} : memref<12560xi32, #tpu.memory_space<vmem>>, vector<16xi32>,
      %get3A_1020 = arith.index_cast %add3A_1013 : i32 to index
      %get3A_1021 = tpu.vector_load %arg6[%get3A_1020] {strides = array<i32>} : memref<12544xf32, #tpu.memory_space<vmem>>, vector<16xf32>,
      %sub3A_1022 = vector.broadcast %mul3A_313 : i32 to vector<16xi32>
      %sub3A_1023 = arith.subi %get3A_1015, %sub3A_1022 : vector<16xi32>
      %ne3A_1024 = arith.cmpi ne, %get3A_1015, %get3A_1019 : vector<16xi32>
      tpu.vector_store_idx %arg7[%sub3A_1023], %get3A_1021 masked %ne3A_1024 : memref<50176xf32, #tpu.memory_space<vmem>>[vector<16xi32>], vector<16xf32>, vector<16xi1>
      %add3A_1025 = arith.constant 80 : i32
      %add3A_1026 = arith.addi %mul3A_962, %add3A_1025 : i32
      %get3A_1027 = arith.index_cast %add3A_1026 : i32 to index
      %get3A_1028 = tpu.vector_load %arg5[%get3A_1027] {strides = array<i32>} : memref<12560xi32, #tpu.memory_space<vmem>>, vector<16xi32>,
      %add3A_1029 = arith.constant 1 : i32
      %add3A_1030 = arith.addi %add3A_1026, %add3A_1029 : i32
      %get3A_1031 = arith.index_cast %add3A_1030 : i32 to index
      %get3A_1032 = tpu.vector_load %arg5[%get3A_1031] {strides = array<i32>} : memref<12560xi32, #tpu.memory_space<vmem>>, vector<16xi32>,
      %get3A_1033 = arith.index_cast %add3A_1026 : i32 to index
      %get3A_1034 = tpu.vector_load %arg6[%get3A_1033] {strides = array<i32>} : memref<12544xf32, #tpu.memory_space<vmem>>, vector<16xf32>,
      %sub3A_1035 = vector.broadcast %mul3A_313 : i32 to vector<16xi32>
      %sub3A_1036 = arith.subi %get3A_1028, %sub3A_1035 : vector<16xi32>
      %ne3A_1037 = arith.cmpi ne, %get3A_1028, %get3A_1032 : vector<16xi32>
      tpu.vector_store_idx %arg7[%sub3A_1036], %get3A_1034 masked %ne3A_1037 : memref<50176xf32, #tpu.memory_space<vmem>>[vector<16xi32>], vector<16xf32>, vector<16xi1>
      %add3A_1038 = arith.constant 96 : i32
      %add3A_1039 = arith.addi %mul3A_962, %add3A_1038 : i32
      %get3A_1040 = arith.index_cast %add3A_1039 : i32 to index
      %get3A_1041 = tpu.vector_load %arg5[%get3A_1040] {strides = array<i32>} : memref<12560xi32, #tpu.memory_space<vmem>>, vector<16xi32>,
      %add3A_1042 = arith.constant 1 : i32
      %add3A_1043 = arith.addi %add3A_1039, %add3A_1042 : i32
      %get3A_1044 = arith.index_cast %add3A_1043 : i32 to index
      %get3A_1045 = tpu.vector_load %arg5[%get3A_1044] {strides = array<i32>} : memref<12560xi32, #tpu.memory_space<vmem>>, vector<16xi32>,
      %get3A_1046 = arith.index_cast %add3A_1039 : i32 to index
      %get3A_1047 = tpu.vector_load %arg6[%get3A_1046] {strides = array<i32>} : memref<12544xf32, #tpu.memory_space<vmem>>, vector<16xf32>,
      %sub3A_1048 = vector.broadcast %mul3A_313 : i32 to vector<16xi32>
      %sub3A_1049 = arith.subi %get3A_1041, %sub3A_1048 : vector<16xi32>
      %ne3A_1050 = arith.cmpi ne, %get3A_1041, %get3A_1045 : vector<16xi32>
      tpu.vector_store_idx %arg7[%sub3A_1049], %get3A_1047 masked %ne3A_1050 : memref<50176xf32, #tpu.memory_space<vmem>>[vector<16xi32>], vector<16xf32>, vector<16xi1>
      %add3A_1051 = arith.constant 112 : i32
      %add3A_1052 = arith.addi %mul3A_962, %add3A_1051 : i32
      %get3A_1053 = arith.index_cast %add3A_1052 : i32 to index
      %get3A_1054 = tpu.vector_load %arg5[%get3A_1053] {strides = array<i32>} : memref<12560xi32, #tpu.memory_space<vmem>>, vector<16xi32>,
      %add3A_1055 = arith.constant 1 : i32
      %add3A_1056 = arith.addi %add3A_1052, %add3A_1055 : i32
      %get3A_1057 = arith.index_cast %add3A_1056 : i32 to index
      %get3A_1058 = tpu.vector_load %arg5[%get3A_1057] {strides = array<i32>} : memref<12560xi32, #tpu.memory_space<vmem>>, vector<16xi32>,
      %get3A_1059 = arith.index_cast %add3A_1052 : i32 to index
      %get3A_1060 = tpu.vector_load %arg6[%get3A_1059] {strides = array<i32>} : memref<12544xf32, #tpu.memory_space<vmem>>, vector<16xf32>,
      %sub3A_1061 = vector.broadcast %mul3A_313 : i32 to vector<16xi32>
      %sub3A_1062 = arith.subi %get3A_1054, %sub3A_1061 : vector<16xi32>
      %ne3A_1063 = arith.cmpi ne, %get3A_1054, %get3A_1058 : vector<16xi32>
      tpu.vector_store_idx %arg7[%sub3A_1062], %get3A_1060 masked %ne3A_1063 : memref<50176xf32, #tpu.memory_space<vmem>>[vector<16xi32>], vector<16xf32>, vector<16xi1>
      %while3A_1064 = arith.constant 0 : i32
      scf.yield %while3A_1064 : i32
    }
    %while3A_380 = arith.constant 1 : i32
    %while3A_381 = scf.for %while3A_960 = %while3A_377 to %while3A_373 step %while3A_380 iter_args(%while3A_961 = %while3A_379) -> (i32)  : i32 {
      %mul3A_962 = arith.muli %while3A_960, %while3A_368 : i32
      %add3A_963 = arith.constant 0 : i32
      %add3A_964 = arith.addi %mul3A_962, %add3A_963 : i32
      %get3A = arith.index_cast %add3A_964 : i32 to index
      %get3A_965 = tpu.vector_load %arg5[%get3A] {strides = array<i32>} : memref<12560xi32, #tpu.memory_space<vmem>>, vector<16xi32>,
      %add3A_966 = arith.constant 1 : i32
      %add3A_967 = arith.addi %add3A_964, %add3A_966 : i32
      %get3A_968 = arith.index_cast %add3A_967 : i32 to index
      %get3A_969 = tpu.vector_load %arg5[%get3A_968] {strides = array<i32>} : memref<12560xi32, #tpu.memory_space<vmem>>, vector<16xi32>,
      %get3A_970 = arith.index_cast %add3A_964 : i32 to index
      %get3A_971 = tpu.vector_load %arg6[%get3A_970] {strides = array<i32>} : memref<12544xf32, #tpu.memory_space<vmem>>, vector<16xf32>,
      %sub3A = vector.broadcast %mul3A_313 : i32 to vector<16xi32>
      %sub3A_972 = arith.subi %get3A_965, %sub3A : vector<16xi32>
      %ne3A = arith.cmpi ne, %get3A_965, %get3A_969 : vector<16xi32>
      tpu.vector_store_idx %arg7[%sub3A_972], %get3A_971 masked %ne3A : memref<50176xf32, #tpu.memory_space<vmem>>[vector<16xi32>], vector<16xf32>, vector<16xi1>
      %add3A_973 = arith.constant 16 : i32
      %add3A_974 = arith.addi %mul3A_962, %add3A_973 : i32
      %get3A_975 = arith.index_cast %add3A_974 : i32 to index
      %get3A_976 = tpu.vector_load %arg5[%get3A_975] {strides = array<i32>} : memref<12560xi32, #tpu.memory_space<vmem>>, vector<16xi32>,
      %add3A_977 = arith.constant 1 : i32
      %add3A_978 = arith.addi %add3A_974, %add3A_977 : i32
      %get3A_979 = arith.index_cast %add3A_978 : i32 to index
      %get3A_980 = tpu.vector_load %arg5[%get3A_979] {strides = array<i32>} : memref<12560xi32, #tpu.memory_space<vmem>>, vector<16xi32>,
      %get3A_981 = arith.index_cast %add3A_974 : i32 to index
      %get3A_982 = tpu.vector_load %arg6[%get3A_981] {strides = array<i32>} : memref<12544xf32, #tpu.memory_space<vmem>>, vector<16xf32>,
      %sub3A_983 = vector.broadcast %mul3A_313 : i32 to vector<16xi32>
      %sub3A_984 = arith.subi %get3A_976, %sub3A_983 : vector<16xi32>
      %ne3A_985 = arith.cmpi ne, %get3A_976, %get3A_980 : vector<16xi32>
      tpu.vector_store_idx %arg7[%sub3A_984], %get3A_982 masked %ne3A_985 : memref<50176xf32, #tpu.memory_space<vmem>>[vector<16xi32>], vector<16xf32>, vector<16xi1>
      %add3A_986 = arith.constant 32 : i32
      %add3A_987 = arith.addi %mul3A_962, %add3A_986 : i32
      %get3A_988 = arith.index_cast %add3A_987 : i32 to index
      %get3A_989 = tpu.vector_load %arg5[%get3A_988] {strides = array<i32>} : memref<12560xi32, #tpu.memory_space<vmem>>, vector<16xi32>,
      %add3A_990 = arith.constant 1 : i32
      %add3A_991 = arith.addi %add3A_987, %add3A_990 : i32
      %get3A_992 = arith.index_cast %add3A_991 : i32 to index
      %get3A_993 = tpu.vector_load %arg5[%get3A_992] {strides = array<i32>} : memref<12560xi32, #tpu.memory_space<vmem>>, vector<16xi32>,
      %get3A_994 = arith.index_cast %add3A_987 : i32 to index
      %get3A_995 = tpu.vector_load %arg6[%get3A_994] {strides = array<i32>} : memref<12544xf32, #tpu.memory_space<vmem>>, vector<16xf32>,
      %sub3A_996 = vector.broadcast %mul3A_313 : i32 to vector<16xi32>
      %sub3A_997 = arith.subi %get3A_989, %sub3A_996 : vector<16xi32>
      %ne3A_998 = arith.cmpi ne, %get3A_989, %get3A_993 : vector<16xi32>
      tpu.vector_store_idx %arg7[%sub3A_997], %get3A_995 masked %ne3A_998 : memref<50176xf32, #tpu.memory_space<vmem>>[vector<16xi32>], vector<16xf32>, vector<16xi1>
      %add3A_999 = arith.constant 48 : i32
      %add3A_1000 = arith.addi %mul3A_962, %add3A_999 : i32
      %get3A_1001 = arith.index_cast %add3A_1000 : i32 to index
      %get3A_1002 = tpu.vector_load %arg5[%get3A_1001] {strides = array<i32>} : memref<12560xi32, #tpu.memory_space<vmem>>, vector<16xi32>,
      %add3A_1003 = arith.constant 1 : i32
      %add3A_1004 = arith.addi %add3A_1000, %add3A_1003 : i32
      %get3A_1005 = arith.index_cast %add3A_1004 : i32 to index
      %get3A_1006 = tpu.vector_load %arg5[%get3A_1005] {strides = array<i32>} : memref<12560xi32, #tpu.memory_space<vmem>>, vector<16xi32>,
      %get3A_1007 = arith.index_cast %add3A_1000 : i32 to index
      %get3A_1008 = tpu.vector_load %arg6[%get3A_1007] {strides = array<i32>} : memref<12544xf32, #tpu.memory_space<vmem>>, vector<16xf32>,
      %sub3A_1009 = vector.broadcast %mul3A_313 : i32 to vector<16xi32>
      %sub3A_1010 = arith.subi %get3A_1002, %sub3A_1009 : vector<16xi32>
      %ne3A_1011 = arith.cmpi ne, %get3A_1002, %get3A_1006 : vector<16xi32>
      tpu.vector_store_idx %arg7[%sub3A_1010], %get3A_1008 masked %ne3A_1011 : memref<50176xf32, #tpu.memory_space<vmem>>[vector<16xi32>], vector<16xf32>, vector<16xi1>
      %add3A_1012 = arith.constant 64 : i32
      %add3A_1013 = arith.addi %mul3A_962, %add3A_1012 : i32
      %get3A_1014 = arith.index_cast %add3A_1013 : i32 to index
      %get3A_1015 = tpu.vector_load %arg5[%get3A_1014] {strides = array<i32>} : memref<12560xi32, #tpu.memory_space<vmem>>, vector<16xi32>,
      %add3A_1016 = arith.constant 1 : i32
      %add3A_1017 = arith.addi %add3A_1013, %add3A_1016 : i32
      %get3A_1018 = arith.index_cast %add3A_1017 : i32 to index
      %get3A_1019 = tpu.vector_load %arg5[%get3A_1018] {strides = array<i32>} : memref<12560xi32, #tpu.memory_space<vmem>>, vector<16xi32>,
      %get3A_1020 = arith.index_cast %add3A_1013 : i32 to index
      %get3A_1021 = tpu.vector_load %arg6[%get3A_1020] {strides = array<i32>} : memref<12544xf32, #tpu.memory_space<vmem>>, vector<16xf32>,
      %sub3A_1022 = vector.broadcast %mul3A_313 : i32 to vector<16xi32>
      %sub3A_1023 = arith.subi %get3A_1015, %sub3A_1022 : vector<16xi32>
      %ne3A_1024 = arith.cmpi ne, %get3A_1015, %get3A_1019 : vector<16xi32>
      tpu.vector_store_idx %arg7[%sub3A_1023], %get3A_1021 masked %ne3A_1024 : memref<50176xf32, #tpu.memory_space<vmem>>[vector<16xi32>], vector<16xf32>, vector<16xi1>
      %add3A_1025 = arith.constant 80 : i32
      %add3A_1026 = arith.addi %mul3A_962, %add3A_1025 : i32
      %get3A_1027 = arith.index_cast %add3A_1026 : i32 to index
      %get3A_1028 = tpu.vector_load %arg5[%get3A_1027] {strides = array<i32>} : memref<12560xi32, #tpu.memory_space<vmem>>, vector<16xi32>,
      %add3A_1029 = arith.constant 1 : i32
      %add3A_1030 = arith.addi %add3A_1026, %add3A_1029 : i32
      %get3A_1031 = arith.index_cast %add3A_1030 : i32 to index
      %get3A_1032 = tpu.vector_load %arg5[%get3A_1031] {strides = array<i32>} : memref<12560xi32, #tpu.memory_space<vmem>>, vector<16xi32>,
      %get3A_1033 = arith.index_cast %add3A_1026 : i32 to index
      %get3A_1034 = tpu.vector_load %arg6[%get3A_1033] {strides = array<i32>} : memref<12544xf32, #tpu.memory_space<vmem>>, vector<16xf32>,
      %sub3A_1035 = vector.broadcast %mul3A_313 : i32 to vector<16xi32>
      %sub3A_1036 = arith.subi %get3A_1028, %sub3A_1035 : vector<16xi32>
      %ne3A_1037 = arith.cmpi ne, %get3A_1028, %get3A_1032 : vector<16xi32>
      tpu.vector_store_idx %arg7[%sub3A_1036], %get3A_1034 masked %ne3A_1037 : memref<50176xf32, #tpu.memory_space<vmem>>[vector<16xi32>], vector<16xf32>, vector<16xi1>
      %add3A_1038 = arith.constant 96 : i32
      %add3A_1039 = arith.addi %mul3A_962, %add3A_1038 : i32
      %get3A_1040 = arith.index_cast %add3A_1039 : i32 to index
      %get3A_1041 = tpu.vector_load %arg5[%get3A_1040] {strides = array<i32>} : memref<12560xi32, #tpu.memory_space<vmem>>, vector<16xi32>,
      %add3A_1042 = arith.constant 1 : i32
      %add3A_1043 = arith.addi %add3A_1039, %add3A_1042 : i32
      %get3A_1044 = arith.index_cast %add3A_1043 : i32 to index
      %get3A_1045 = tpu.vector_load %arg5[%get3A_1044] {strides = array<i32>} : memref<12560xi32, #tpu.memory_space<vmem>>, vector<16xi32>,
      %get3A_1046 = arith.index_cast %add3A_1039 : i32 to index
      %get3A_1047 = tpu.vector_load %arg6[%get3A_1046] {strides = array<i32>} : memref<12544xf32, #tpu.memory_space<vmem>>, vector<16xf32>,
      %sub3A_1048 = vector.broadcast %mul3A_313 : i32 to vector<16xi32>
      %sub3A_1049 = arith.subi %get3A_1041, %sub3A_1048 : vector<16xi32>
      %ne3A_1050 = arith.cmpi ne, %get3A_1041, %get3A_1045 : vector<16xi32>
      tpu.vector_store_idx %arg7[%sub3A_1049], %get3A_1047 masked %ne3A_1050 : memref<50176xf32, #tpu.memory_space<vmem>>[vector<16xi32>], vector<16xf32>, vector<16xi1>
      %add3A_1051 = arith.constant 112 : i32
      %add3A_1052 = arith.addi %mul3A_962, %add3A_1051 : i32
      %get3A_1053 = arith.index_cast %add3A_1052 : i32 to index
      %get3A_1054 = tpu.vector_load %arg5[%get3A_1053] {strides = array<i32>} : memref<12560xi32, #tpu.memory_space<vmem>>, vector<16xi32>,
      %add3A_1055 = arith.constant 1 : i32
      %add3A_1056 = arith.addi %add3A_1052, %add3A_1055 : i32
      %get3A_1057 = arith.index_cast %add3A_1056 : i32 to index
      %get3A_1058 = tpu.vector_load %arg5[%get3A_1057] {strides = array<i32>} : memref<12560xi32, #tpu.memory_space<vmem>>, vector<16xi32>,
      %get3A_1059 = arith.index_cast %add3A_1052 : i32 to index
      %get3A_1060 = tpu.vector_load %arg6[%get3A_1059] {strides = array<i32>} : memref<12544xf32, #tpu.memory_space<vmem>>, vector<16xf32>,
      %sub3A_1061 = vector.broadcast %mul3A_313 : i32 to vector<16xi32>
      %sub3A_1062 = arith.subi %get3A_1054, %sub3A_1061 : vector<16xi32>
      %ne3A_1063 = arith.cmpi ne, %get3A_1054, %get3A_1058 : vector<16xi32>
      tpu.vector_store_idx %arg7[%sub3A_1062], %get3A_1060 masked %ne3A_1063 : memref<50176xf32, #tpu.memory_space<vmem>>[vector<16xi32>], vector<16xf32>, vector<16xi1>
      %while3A_1064 = arith.constant 0 : i32
      scf.yield %while3A_1064 : i32
    }
    %dma_start3A_382 = arith.constant 0 : i32
    %dma_start3A_383 = tpu.memref_slice %arg4[%add3A_311, %dma_start3A_382] : memref<384x50176xf32, #tpu.memory_space<hbm>> -> memref<1x50176xf32, #tpu.memory_space<hbm>>
    %dma_start3A_384 = tpu.memref_squeeze %dma_start3A_383 : memref<1x50176xf32, #tpu.memory_space<hbm>> -> memref<50176xf32, #tpu.memory_space<hbm>>
    %dma_start3A_385 = arith.constant 0 : i32
    %dma_start3A_386 = tpu.memref_slice %arg4[%add3A_311, %dma_start3A_385] : memref<384x50176xf32, #tpu.memory_space<hbm>> -> memref<1x50176xf32, #tpu.memory_space<hbm>>
    %dma_start3A_387 = tpu.memref_squeeze %dma_start3A_386 : memref<1x50176xf32, #tpu.memory_space<hbm>> -> memref<50176xf32, #tpu.memory_space<hbm>>
    tpu.enqueue_dma source(%arg7 : memref<50176xf32, #tpu.memory_space<vmem>>) target(%dma_start3A_387 : memref<50176xf32, #tpu.memory_space<hbm>>) target_semaphore(%arg11 : memref<!tpu.dma_semaphore, #tpu.memory_space<semaphore_mem>>)
    %mul3A_388 = arith.constant 12 : i32
    %mul3A_389 = arith.muli %add3A, %mul3A_388 : i32
    %add3A_390 = arith.constant 5 : i32
    %add3A_391 = arith.addi %mul3A_389, %add3A_390 : i32
    %mul3A_392 = arith.constant 50176 : i32
    %mul3A_393 = arith.muli %add3A_391, %mul3A_392 : i32
    %dma_start3A_394 = arith.constant 0 : i32
    %dma_start3A_395 = tpu.memref_slice %arg5[%dma_start3A_394] : memref<12560xi32, #tpu.memory_space<vmem>> -> memref<12544xi32, #tpu.memory_space<vmem>>
    %dma_start3A_396 = arith.constant 0 : i32
    %dma_start3A_397 = tpu.memref_slice %arg3[%add3A_391, %dma_start3A_396] : memref<384x12544xi32, #tpu.memory_space<hbm>> -> memref<1x12544xi32, #tpu.memory_space<hbm>>
    %dma_start3A_398 = tpu.memref_squeeze %dma_start3A_397 : memref<1x12544xi32, #tpu.memory_space<hbm>> -> memref<12544xi32, #tpu.memory_space<hbm>>
    %dma_start3A_399 = arith.constant 0 : i32
    %dma_start3A_400 = tpu.memref_slice %arg5[%dma_start3A_399] : memref<12560xi32, #tpu.memory_space<vmem>> -> memref<12544xi32, #tpu.memory_space<vmem>>
    %dma_start3A_401 = arith.constant 0 : i32
    %dma_start3A_402 = tpu.memref_slice %arg3[%add3A_391, %dma_start3A_401] : memref<384x12544xi32, #tpu.memory_space<hbm>> -> memref<1x12544xi32, #tpu.memory_space<hbm>>
    %dma_start3A_403 = tpu.memref_squeeze %dma_start3A_402 : memref<1x12544xi32, #tpu.memory_space<hbm>> -> memref<12544xi32, #tpu.memory_space<hbm>>
    tpu.enqueue_dma source(%dma_start3A_403 : memref<12544xi32, #tpu.memory_space<hbm>>) target(%dma_start3A_400 : memref<12544xi32, #tpu.memory_space<vmem>>) target_semaphore(%arg9 : memref<!tpu.dma_semaphore, #tpu.memory_space<semaphore_mem>>)
    %dma_start3A_404 = arith.constant 0 : i32
    %dma_start3A_405 = tpu.memref_slice %arg2[%add3A_391, %dma_start3A_404] : memref<384x12544xf32, #tpu.memory_space<hbm>> -> memref<1x12544xf32, #tpu.memory_space<hbm>>
    %dma_start3A_406 = tpu.memref_squeeze %dma_start3A_405 : memref<1x12544xf32, #tpu.memory_space<hbm>> -> memref<12544xf32, #tpu.memory_space<hbm>>
    %dma_start3A_407 = arith.constant 0 : i32
    %dma_start3A_408 = tpu.memref_slice %arg2[%add3A_391, %dma_start3A_407] : memref<384x12544xf32, #tpu.memory_space<hbm>> -> memref<1x12544xf32, #tpu.memory_space<hbm>>
    %dma_start3A_409 = tpu.memref_squeeze %dma_start3A_408 : memref<1x12544xf32, #tpu.memory_space<hbm>> -> memref<12544xf32, #tpu.memory_space<hbm>>
    tpu.enqueue_dma source(%dma_start3A_409 : memref<12544xf32, #tpu.memory_space<hbm>>) target(%arg6 : memref<12544xf32, #tpu.memory_space<vmem>>) target_semaphore(%arg10 : memref<!tpu.dma_semaphore, #tpu.memory_space<semaphore_mem>>)
    %dma_wait3A_410 = arith.constant 0 : i32
    %dma_wait3A_411 = tpu.memref_slice %arg4[%add3A_231, %dma_wait3A_410] : memref<384x50176xf32, #tpu.memory_space<hbm>> -> memref<1x50176xf32, #tpu.memory_space<hbm>>
    %dma_wait3A_412 = tpu.memref_squeeze %dma_wait3A_411 : memref<1x50176xf32, #tpu.memory_space<hbm>> -> memref<50176xf32, #tpu.memory_space<hbm>>
    %dma_wait3A_413 = arith.constant 0 : i32
    %dma_wait3A_414 = tpu.memref_slice %arg4[%add3A_231, %dma_wait3A_413] : memref<384x50176xf32, #tpu.memory_space<hbm>> -> memref<1x50176xf32, #tpu.memory_space<hbm>>
    %dma_wait3A_415 = tpu.memref_squeeze %dma_wait3A_414 : memref<1x50176xf32, #tpu.memory_space<hbm>> -> memref<50176xf32, #tpu.memory_space<hbm>>
    tpu.wait_dma2 semaphore(%arg12 : memref<!tpu.dma_semaphore, #tpu.memory_space<semaphore_mem>>) src(%arg8 : memref<50176xf32, #tpu.memory_space<vmem>>) dst(%dma_wait3A_415 : memref<50176xf32, #tpu.memory_space<hbm>>)
    %broadcast_in_dim3A_416 = arith.constant 0.000000e+00 : f32
    %broadcast_in_dim3A_417 = vector.broadcast %broadcast_in_dim3A_416 : f32 to vector<16xf32>
    %while3A_418 = arith.constant 128 : i32
    %while3A_419 = arith.constant 0 : i32
    %while3A_420 = arith.constant 392 : i32
    %while3A_421 = arith.constant 0 : i32
    %while3A_422 = arith.subi %while3A_420, %while3A_419 : i32
    %while3A_423 = arith.addi %while3A_419, %while3A_422 : i32
    %while3A_424 = arith.constant 1 : i32
    %while3A_425 = arith.divsi %while3A_422, %while3A_424 : i32
    %while3A_426 = arith.muli %while3A_425, %while3A_424 : i32
    %while3A_427 = arith.addi %while3A_419, %while3A_426 : i32
    %while3A_428 = arith.constant 1 : i32
    %while3A_429 = scf.for %while3A_960 = %while3A_419 to %while3A_427 step %while3A_428 iter_args(%while3A_961 = %while3A_421) -> (i32)  : i32 {
      %mul3A_962 = arith.muli %while3A_960, %while3A_418 : i32
      %add3A_963 = arith.constant 0 : i32
      %add3A_964 = arith.addi %mul3A_962, %add3A_963 : i32
      %swap3A_965 = arith.index_cast %add3A_964 : i32 to index
      %swap3A_966 = tpu.vector_load %arg8[%swap3A_965] {strides = array<i32>} : memref<50176xf32, #tpu.memory_space<vmem>>, vector<16xf32>,
      tpu.vector_store %arg8[%swap3A_965], %broadcast_in_dim3A_417 {strides = array<i32>} : memref<50176xf32, #tpu.memory_space<vmem>>, vector<16xf32>,
      %add3A_967 = arith.constant 16 : i32
      %add3A_968 = arith.addi %mul3A_962, %add3A_967 : i32
      %swap3A_969 = arith.index_cast %add3A_968 : i32 to index
      %swap3A_970 = tpu.vector_load %arg8[%swap3A_969] {strides = array<i32>} : memref<50176xf32, #tpu.memory_space<vmem>>, vector<16xf32>,
      tpu.vector_store %arg8[%swap3A_969], %broadcast_in_dim3A_417 {strides = array<i32>} : memref<50176xf32, #tpu.memory_space<vmem>>, vector<16xf32>,
      %add3A_971 = arith.constant 32 : i32
      %add3A_972 = arith.addi %mul3A_962, %add3A_971 : i32
      %swap3A_973 = arith.index_cast %add3A_972 : i32 to index
      %swap3A_974 = tpu.vector_load %arg8[%swap3A_973] {strides = array<i32>} : memref<50176xf32, #tpu.memory_space<vmem>>, vector<16xf32>,
      tpu.vector_store %arg8[%swap3A_973], %broadcast_in_dim3A_417 {strides = array<i32>} : memref<50176xf32, #tpu.memory_space<vmem>>, vector<16xf32>,
      %add3A_975 = arith.constant 48 : i32
      %add3A_976 = arith.addi %mul3A_962, %add3A_975 : i32
      %swap3A_977 = arith.index_cast %add3A_976 : i32 to index
      %swap3A_978 = tpu.vector_load %arg8[%swap3A_977] {strides = array<i32>} : memref<50176xf32, #tpu.memory_space<vmem>>, vector<16xf32>,
      tpu.vector_store %arg8[%swap3A_977], %broadcast_in_dim3A_417 {strides = array<i32>} : memref<50176xf32, #tpu.memory_space<vmem>>, vector<16xf32>,
      %add3A_979 = arith.constant 64 : i32
      %add3A_980 = arith.addi %mul3A_962, %add3A_979 : i32
      %swap3A_981 = arith.index_cast %add3A_980 : i32 to index
      %swap3A_982 = tpu.vector_load %arg8[%swap3A_981] {strides = array<i32>} : memref<50176xf32, #tpu.memory_space<vmem>>, vector<16xf32>,
      tpu.vector_store %arg8[%swap3A_981], %broadcast_in_dim3A_417 {strides = array<i32>} : memref<50176xf32, #tpu.memory_space<vmem>>, vector<16xf32>,
      %add3A_983 = arith.constant 80 : i32
      %add3A_984 = arith.addi %mul3A_962, %add3A_983 : i32
      %swap3A_985 = arith.index_cast %add3A_984 : i32 to index
      %swap3A_986 = tpu.vector_load %arg8[%swap3A_985] {strides = array<i32>} : memref<50176xf32, #tpu.memory_space<vmem>>, vector<16xf32>,
      tpu.vector_store %arg8[%swap3A_985], %broadcast_in_dim3A_417 {strides = array<i32>} : memref<50176xf32, #tpu.memory_space<vmem>>, vector<16xf32>,
      %add3A_987 = arith.constant 96 : i32
      %add3A_988 = arith.addi %mul3A_962, %add3A_987 : i32
      %swap3A_989 = arith.index_cast %add3A_988 : i32 to index
      %swap3A_990 = tpu.vector_load %arg8[%swap3A_989] {strides = array<i32>} : memref<50176xf32, #tpu.memory_space<vmem>>, vector<16xf32>,
      tpu.vector_store %arg8[%swap3A_989], %broadcast_in_dim3A_417 {strides = array<i32>} : memref<50176xf32, #tpu.memory_space<vmem>>, vector<16xf32>,
      %add3A_991 = arith.constant 112 : i32
      %add3A_992 = arith.addi %mul3A_962, %add3A_991 : i32
      %swap3A_993 = arith.index_cast %add3A_992 : i32 to index
      %swap3A_994 = tpu.vector_load %arg8[%swap3A_993] {strides = array<i32>} : memref<50176xf32, #tpu.memory_space<vmem>>, vector<16xf32>,
      tpu.vector_store %arg8[%swap3A_993], %broadcast_in_dim3A_417 {strides = array<i32>} : memref<50176xf32, #tpu.memory_space<vmem>>, vector<16xf32>,
      %while3A_995 = arith.constant 0 : i32
      scf.yield %while3A_995 : i32
    }
    %while3A_430 = arith.constant 1 : i32
    %while3A_431 = scf.for %while3A_960 = %while3A_427 to %while3A_423 step %while3A_430 iter_args(%while3A_961 = %while3A_429) -> (i32)  : i32 {
      %mul3A_962 = arith.muli %while3A_960, %while3A_418 : i32
      %add3A_963 = arith.constant 0 : i32
      %add3A_964 = arith.addi %mul3A_962, %add3A_963 : i32
      %swap3A_965 = arith.index_cast %add3A_964 : i32 to index
      %swap3A_966 = tpu.vector_load %arg8[%swap3A_965] {strides = array<i32>} : memref<50176xf32, #tpu.memory_space<vmem>>, vector<16xf32>,
      tpu.vector_store %arg8[%swap3A_965], %broadcast_in_dim3A_417 {strides = array<i32>} : memref<50176xf32, #tpu.memory_space<vmem>>, vector<16xf32>,
      %add3A_967 = arith.constant 16 : i32
      %add3A_968 = arith.addi %mul3A_962, %add3A_967 : i32
      %swap3A_969 = arith.index_cast %add3A_968 : i32 to index
      %swap3A_970 = tpu.vector_load %arg8[%swap3A_969] {strides = array<i32>} : memref<50176xf32, #tpu.memory_space<vmem>>, vector<16xf32>,
      tpu.vector_store %arg8[%swap3A_969], %broadcast_in_dim3A_417 {strides = array<i32>} : memref<50176xf32, #tpu.memory_space<vmem>>, vector<16xf32>,
      %add3A_971 = arith.constant 32 : i32
      %add3A_972 = arith.addi %mul3A_962, %add3A_971 : i32
      %swap3A_973 = arith.index_cast %add3A_972 : i32 to index
      %swap3A_974 = tpu.vector_load %arg8[%swap3A_973] {strides = array<i32>} : memref<50176xf32, #tpu.memory_space<vmem>>, vector<16xf32>,
      tpu.vector_store %arg8[%swap3A_973], %broadcast_in_dim3A_417 {strides = array<i32>} : memref<50176xf32, #tpu.memory_space<vmem>>, vector<16xf32>,
      %add3A_975 = arith.constant 48 : i32
      %add3A_976 = arith.addi %mul3A_962, %add3A_975 : i32
      %swap3A_977 = arith.index_cast %add3A_976 : i32 to index
      %swap3A_978 = tpu.vector_load %arg8[%swap3A_977] {strides = array<i32>} : memref<50176xf32, #tpu.memory_space<vmem>>, vector<16xf32>,
      tpu.vector_store %arg8[%swap3A_977], %broadcast_in_dim3A_417 {strides = array<i32>} : memref<50176xf32, #tpu.memory_space<vmem>>, vector<16xf32>,
      %add3A_979 = arith.constant 64 : i32
      %add3A_980 = arith.addi %mul3A_962, %add3A_979 : i32
      %swap3A_981 = arith.index_cast %add3A_980 : i32 to index
      %swap3A_982 = tpu.vector_load %arg8[%swap3A_981] {strides = array<i32>} : memref<50176xf32, #tpu.memory_space<vmem>>, vector<16xf32>,
      tpu.vector_store %arg8[%swap3A_981], %broadcast_in_dim3A_417 {strides = array<i32>} : memref<50176xf32, #tpu.memory_space<vmem>>, vector<16xf32>,
      %add3A_983 = arith.constant 80 : i32
      %add3A_984 = arith.addi %mul3A_962, %add3A_983 : i32
      %swap3A_985 = arith.index_cast %add3A_984 : i32 to index
      %swap3A_986 = tpu.vector_load %arg8[%swap3A_985] {strides = array<i32>} : memref<50176xf32, #tpu.memory_space<vmem>>, vector<16xf32>,
      tpu.vector_store %arg8[%swap3A_985], %broadcast_in_dim3A_417 {strides = array<i32>} : memref<50176xf32, #tpu.memory_space<vmem>>, vector<16xf32>,
      %add3A_987 = arith.constant 96 : i32
      %add3A_988 = arith.addi %mul3A_962, %add3A_987 : i32
      %swap3A_989 = arith.index_cast %add3A_988 : i32 to index
      %swap3A_990 = tpu.vector_load %arg8[%swap3A_989] {strides = array<i32>} : memref<50176xf32, #tpu.memory_space<vmem>>, vector<16xf32>,
      tpu.vector_store %arg8[%swap3A_989], %broadcast_in_dim3A_417 {strides = array<i32>} : memref<50176xf32, #tpu.memory_space<vmem>>, vector<16xf32>,
      %add3A_991 = arith.constant 112 : i32
      %add3A_992 = arith.addi %mul3A_962, %add3A_991 : i32
      %swap3A_993 = arith.index_cast %add3A_992 : i32 to index
      %swap3A_994 = tpu.vector_load %arg8[%swap3A_993] {strides = array<i32>} : memref<50176xf32, #tpu.memory_space<vmem>>, vector<16xf32>,
      tpu.vector_store %arg8[%swap3A_993], %broadcast_in_dim3A_417 {strides = array<i32>} : memref<50176xf32, #tpu.memory_space<vmem>>, vector<16xf32>,
      %while3A_995 = arith.constant 0 : i32
      scf.yield %while3A_995 : i32
    }
    %dma_wait3A_432 = arith.constant 0 : i32
    %dma_wait3A_433 = tpu.memref_slice %arg5[%dma_wait3A_432] : memref<12560xi32, #tpu.memory_space<vmem>> -> memref<12544xi32, #tpu.memory_space<vmem>>
    %dma_wait3A_434 = arith.constant 0 : i32
    %dma_wait3A_435 = tpu.memref_slice %arg3[%add3A_391, %dma_wait3A_434] : memref<384x12544xi32, #tpu.memory_space<hbm>> -> memref<1x12544xi32, #tpu.memory_space<hbm>>
    %dma_wait3A_436 = tpu.memref_squeeze %dma_wait3A_435 : memref<1x12544xi32, #tpu.memory_space<hbm>> -> memref<12544xi32, #tpu.memory_space<hbm>>
    %dma_wait3A_437 = arith.constant 0 : i32
    %dma_wait3A_438 = tpu.memref_slice %arg5[%dma_wait3A_437] : memref<12560xi32, #tpu.memory_space<vmem>> -> memref<12544xi32, #tpu.memory_space<vmem>>
    %dma_wait3A_439 = arith.constant 0 : i32
    %dma_wait3A_440 = tpu.memref_slice %arg3[%add3A_391, %dma_wait3A_439] : memref<384x12544xi32, #tpu.memory_space<hbm>> -> memref<1x12544xi32, #tpu.memory_space<hbm>>
    %dma_wait3A_441 = tpu.memref_squeeze %dma_wait3A_440 : memref<1x12544xi32, #tpu.memory_space<hbm>> -> memref<12544xi32, #tpu.memory_space<hbm>>
    tpu.wait_dma2 semaphore(%arg9 : memref<!tpu.dma_semaphore, #tpu.memory_space<semaphore_mem>>) src(%dma_wait3A_441 : memref<12544xi32, #tpu.memory_space<hbm>>) dst(%dma_wait3A_438 : memref<12544xi32, #tpu.memory_space<vmem>>)
    %dma_wait3A_442 = arith.constant 0 : i32
    %dma_wait3A_443 = tpu.memref_slice %arg2[%add3A_391, %dma_wait3A_442] : memref<384x12544xf32, #tpu.memory_space<hbm>> -> memref<1x12544xf32, #tpu.memory_space<hbm>>
    %dma_wait3A_444 = tpu.memref_squeeze %dma_wait3A_443 : memref<1x12544xf32, #tpu.memory_space<hbm>> -> memref<12544xf32, #tpu.memory_space<hbm>>
    %dma_wait3A_445 = arith.constant 0 : i32
    %dma_wait3A_446 = tpu.memref_slice %arg2[%add3A_391, %dma_wait3A_445] : memref<384x12544xf32, #tpu.memory_space<hbm>> -> memref<1x12544xf32, #tpu.memory_space<hbm>>
    %dma_wait3A_447 = tpu.memref_squeeze %dma_wait3A_446 : memref<1x12544xf32, #tpu.memory_space<hbm>> -> memref<12544xf32, #tpu.memory_space<hbm>>
    tpu.wait_dma2 semaphore(%arg10 : memref<!tpu.dma_semaphore, #tpu.memory_space<semaphore_mem>>) src(%dma_wait3A_447 : memref<12544xf32, #tpu.memory_space<hbm>>) dst(%arg6 : memref<12544xf32, #tpu.memory_space<vmem>>)
    %while3A_448 = arith.constant 128 : i32
    %while3A_449 = arith.constant 0 : i32
    %while3A_450 = arith.constant 98 : i32
    %while3A_451 = arith.constant 0 : i32
    %while3A_452 = arith.subi %while3A_450, %while3A_449 : i32
    %while3A_453 = arith.addi %while3A_449, %while3A_452 : i32
    %while3A_454 = arith.constant 1 : i32
    %while3A_455 = arith.divsi %while3A_452, %while3A_454 : i32
    %while3A_456 = arith.muli %while3A_455, %while3A_454 : i32
    %while3A_457 = arith.addi %while3A_449, %while3A_456 : i32
    %while3A_458 = arith.constant 1 : i32
    %while3A_459 = scf.for %while3A_960 = %while3A_449 to %while3A_457 step %while3A_458 iter_args(%while3A_961 = %while3A_451) -> (i32)  : i32 {
      %mul3A_962 = arith.muli %while3A_960, %while3A_448 : i32
      %add3A_963 = arith.constant 0 : i32
      %add3A_964 = arith.addi %mul3A_962, %add3A_963 : i32
      %get3A = arith.index_cast %add3A_964 : i32 to index
      %get3A_965 = tpu.vector_load %arg5[%get3A] {strides = array<i32>} : memref<12560xi32, #tpu.memory_space<vmem>>, vector<16xi32>,
      %add3A_966 = arith.constant 1 : i32
      %add3A_967 = arith.addi %add3A_964, %add3A_966 : i32
      %get3A_968 = arith.index_cast %add3A_967 : i32 to index
      %get3A_969 = tpu.vector_load %arg5[%get3A_968] {strides = array<i32>} : memref<12560xi32, #tpu.memory_space<vmem>>, vector<16xi32>,
      %get3A_970 = arith.index_cast %add3A_964 : i32 to index
      %get3A_971 = tpu.vector_load %arg6[%get3A_970] {strides = array<i32>} : memref<12544xf32, #tpu.memory_space<vmem>>, vector<16xf32>,
      %sub3A = vector.broadcast %mul3A_393 : i32 to vector<16xi32>
      %sub3A_972 = arith.subi %get3A_965, %sub3A : vector<16xi32>
      %ne3A = arith.cmpi ne, %get3A_965, %get3A_969 : vector<16xi32>
      tpu.vector_store_idx %arg8[%sub3A_972], %get3A_971 masked %ne3A : memref<50176xf32, #tpu.memory_space<vmem>>[vector<16xi32>], vector<16xf32>, vector<16xi1>
      %add3A_973 = arith.constant 16 : i32
      %add3A_974 = arith.addi %mul3A_962, %add3A_973 : i32
      %get3A_975 = arith.index_cast %add3A_974 : i32 to index
      %get3A_976 = tpu.vector_load %arg5[%get3A_975] {strides = array<i32>} : memref<12560xi32, #tpu.memory_space<vmem>>, vector<16xi32>,
      %add3A_977 = arith.constant 1 : i32
      %add3A_978 = arith.addi %add3A_974, %add3A_977 : i32
      %get3A_979 = arith.index_cast %add3A_978 : i32 to index
      %get3A_980 = tpu.vector_load %arg5[%get3A_979] {strides = array<i32>} : memref<12560xi32, #tpu.memory_space<vmem>>, vector<16xi32>,
      %get3A_981 = arith.index_cast %add3A_974 : i32 to index
      %get3A_982 = tpu.vector_load %arg6[%get3A_981] {strides = array<i32>} : memref<12544xf32, #tpu.memory_space<vmem>>, vector<16xf32>,
      %sub3A_983 = vector.broadcast %mul3A_393 : i32 to vector<16xi32>
      %sub3A_984 = arith.subi %get3A_976, %sub3A_983 : vector<16xi32>
      %ne3A_985 = arith.cmpi ne, %get3A_976, %get3A_980 : vector<16xi32>
      tpu.vector_store_idx %arg8[%sub3A_984], %get3A_982 masked %ne3A_985 : memref<50176xf32, #tpu.memory_space<vmem>>[vector<16xi32>], vector<16xf32>, vector<16xi1>
      %add3A_986 = arith.constant 32 : i32
      %add3A_987 = arith.addi %mul3A_962, %add3A_986 : i32
      %get3A_988 = arith.index_cast %add3A_987 : i32 to index
      %get3A_989 = tpu.vector_load %arg5[%get3A_988] {strides = array<i32>} : memref<12560xi32, #tpu.memory_space<vmem>>, vector<16xi32>,
      %add3A_990 = arith.constant 1 : i32
      %add3A_991 = arith.addi %add3A_987, %add3A_990 : i32
      %get3A_992 = arith.index_cast %add3A_991 : i32 to index
      %get3A_993 = tpu.vector_load %arg5[%get3A_992] {strides = array<i32>} : memref<12560xi32, #tpu.memory_space<vmem>>, vector<16xi32>,
      %get3A_994 = arith.index_cast %add3A_987 : i32 to index
      %get3A_995 = tpu.vector_load %arg6[%get3A_994] {strides = array<i32>} : memref<12544xf32, #tpu.memory_space<vmem>>, vector<16xf32>,
      %sub3A_996 = vector.broadcast %mul3A_393 : i32 to vector<16xi32>
      %sub3A_997 = arith.subi %get3A_989, %sub3A_996 : vector<16xi32>
      %ne3A_998 = arith.cmpi ne, %get3A_989, %get3A_993 : vector<16xi32>
      tpu.vector_store_idx %arg8[%sub3A_997], %get3A_995 masked %ne3A_998 : memref<50176xf32, #tpu.memory_space<vmem>>[vector<16xi32>], vector<16xf32>, vector<16xi1>
      %add3A_999 = arith.constant 48 : i32
      %add3A_1000 = arith.addi %mul3A_962, %add3A_999 : i32
      %get3A_1001 = arith.index_cast %add3A_1000 : i32 to index
      %get3A_1002 = tpu.vector_load %arg5[%get3A_1001] {strides = array<i32>} : memref<12560xi32, #tpu.memory_space<vmem>>, vector<16xi32>,
      %add3A_1003 = arith.constant 1 : i32
      %add3A_1004 = arith.addi %add3A_1000, %add3A_1003 : i32
      %get3A_1005 = arith.index_cast %add3A_1004 : i32 to index
      %get3A_1006 = tpu.vector_load %arg5[%get3A_1005] {strides = array<i32>} : memref<12560xi32, #tpu.memory_space<vmem>>, vector<16xi32>,
      %get3A_1007 = arith.index_cast %add3A_1000 : i32 to index
      %get3A_1008 = tpu.vector_load %arg6[%get3A_1007] {strides = array<i32>} : memref<12544xf32, #tpu.memory_space<vmem>>, vector<16xf32>,
      %sub3A_1009 = vector.broadcast %mul3A_393 : i32 to vector<16xi32>
      %sub3A_1010 = arith.subi %get3A_1002, %sub3A_1009 : vector<16xi32>
      %ne3A_1011 = arith.cmpi ne, %get3A_1002, %get3A_1006 : vector<16xi32>
      tpu.vector_store_idx %arg8[%sub3A_1010], %get3A_1008 masked %ne3A_1011 : memref<50176xf32, #tpu.memory_space<vmem>>[vector<16xi32>], vector<16xf32>, vector<16xi1>
      %add3A_1012 = arith.constant 64 : i32
      %add3A_1013 = arith.addi %mul3A_962, %add3A_1012 : i32
      %get3A_1014 = arith.index_cast %add3A_1013 : i32 to index
      %get3A_1015 = tpu.vector_load %arg5[%get3A_1014] {strides = array<i32>} : memref<12560xi32, #tpu.memory_space<vmem>>, vector<16xi32>,
      %add3A_1016 = arith.constant 1 : i32
      %add3A_1017 = arith.addi %add3A_1013, %add3A_1016 : i32
      %get3A_1018 = arith.index_cast %add3A_1017 : i32 to index
      %get3A_1019 = tpu.vector_load %arg5[%get3A_1018] {strides = array<i32>} : memref<12560xi32, #tpu.memory_space<vmem>>, vector<16xi32>,
      %get3A_1020 = arith.index_cast %add3A_1013 : i32 to index
      %get3A_1021 = tpu.vector_load %arg6[%get3A_1020] {strides = array<i32>} : memref<12544xf32, #tpu.memory_space<vmem>>, vector<16xf32>,
      %sub3A_1022 = vector.broadcast %mul3A_393 : i32 to vector<16xi32>
      %sub3A_1023 = arith.subi %get3A_1015, %sub3A_1022 : vector<16xi32>
      %ne3A_1024 = arith.cmpi ne, %get3A_1015, %get3A_1019 : vector<16xi32>
      tpu.vector_store_idx %arg8[%sub3A_1023], %get3A_1021 masked %ne3A_1024 : memref<50176xf32, #tpu.memory_space<vmem>>[vector<16xi32>], vector<16xf32>, vector<16xi1>
      %add3A_1025 = arith.constant 80 : i32
      %add3A_1026 = arith.addi %mul3A_962, %add3A_1025 : i32
      %get3A_1027 = arith.index_cast %add3A_1026 : i32 to index
      %get3A_1028 = tpu.vector_load %arg5[%get3A_1027] {strides = array<i32>} : memref<12560xi32, #tpu.memory_space<vmem>>, vector<16xi32>,
      %add3A_1029 = arith.constant 1 : i32
      %add3A_1030 = arith.addi %add3A_1026, %add3A_1029 : i32
      %get3A_1031 = arith.index_cast %add3A_1030 : i32 to index
      %get3A_1032 = tpu.vector_load %arg5[%get3A_1031] {strides = array<i32>} : memref<12560xi32, #tpu.memory_space<vmem>>, vector<16xi32>,
      %get3A_1033 = arith.index_cast %add3A_1026 : i32 to index
      %get3A_1034 = tpu.vector_load %arg6[%get3A_1033] {strides = array<i32>} : memref<12544xf32, #tpu.memory_space<vmem>>, vector<16xf32>,
      %sub3A_1035 = vector.broadcast %mul3A_393 : i32 to vector<16xi32>
      %sub3A_1036 = arith.subi %get3A_1028, %sub3A_1035 : vector<16xi32>
      %ne3A_1037 = arith.cmpi ne, %get3A_1028, %get3A_1032 : vector<16xi32>
      tpu.vector_store_idx %arg8[%sub3A_1036], %get3A_1034 masked %ne3A_1037 : memref<50176xf32, #tpu.memory_space<vmem>>[vector<16xi32>], vector<16xf32>, vector<16xi1>
      %add3A_1038 = arith.constant 96 : i32
      %add3A_1039 = arith.addi %mul3A_962, %add3A_1038 : i32
      %get3A_1040 = arith.index_cast %add3A_1039 : i32 to index
      %get3A_1041 = tpu.vector_load %arg5[%get3A_1040] {strides = array<i32>} : memref<12560xi32, #tpu.memory_space<vmem>>, vector<16xi32>,
      %add3A_1042 = arith.constant 1 : i32
      %add3A_1043 = arith.addi %add3A_1039, %add3A_1042 : i32
      %get3A_1044 = arith.index_cast %add3A_1043 : i32 to index
      %get3A_1045 = tpu.vector_load %arg5[%get3A_1044] {strides = array<i32>} : memref<12560xi32, #tpu.memory_space<vmem>>, vector<16xi32>,
      %get3A_1046 = arith.index_cast %add3A_1039 : i32 to index
      %get3A_1047 = tpu.vector_load %arg6[%get3A_1046] {strides = array<i32>} : memref<12544xf32, #tpu.memory_space<vmem>>, vector<16xf32>,
      %sub3A_1048 = vector.broadcast %mul3A_393 : i32 to vector<16xi32>
      %sub3A_1049 = arith.subi %get3A_1041, %sub3A_1048 : vector<16xi32>
      %ne3A_1050 = arith.cmpi ne, %get3A_1041, %get3A_1045 : vector<16xi32>
      tpu.vector_store_idx %arg8[%sub3A_1049], %get3A_1047 masked %ne3A_1050 : memref<50176xf32, #tpu.memory_space<vmem>>[vector<16xi32>], vector<16xf32>, vector<16xi1>
      %add3A_1051 = arith.constant 112 : i32
      %add3A_1052 = arith.addi %mul3A_962, %add3A_1051 : i32
      %get3A_1053 = arith.index_cast %add3A_1052 : i32 to index
      %get3A_1054 = tpu.vector_load %arg5[%get3A_1053] {strides = array<i32>} : memref<12560xi32, #tpu.memory_space<vmem>>, vector<16xi32>,
      %add3A_1055 = arith.constant 1 : i32
      %add3A_1056 = arith.addi %add3A_1052, %add3A_1055 : i32
      %get3A_1057 = arith.index_cast %add3A_1056 : i32 to index
      %get3A_1058 = tpu.vector_load %arg5[%get3A_1057] {strides = array<i32>} : memref<12560xi32, #tpu.memory_space<vmem>>, vector<16xi32>,
      %get3A_1059 = arith.index_cast %add3A_1052 : i32 to index
      %get3A_1060 = tpu.vector_load %arg6[%get3A_1059] {strides = array<i32>} : memref<12544xf32, #tpu.memory_space<vmem>>, vector<16xf32>,
      %sub3A_1061 = vector.broadcast %mul3A_393 : i32 to vector<16xi32>
      %sub3A_1062 = arith.subi %get3A_1054, %sub3A_1061 : vector<16xi32>
      %ne3A_1063 = arith.cmpi ne, %get3A_1054, %get3A_1058 : vector<16xi32>
      tpu.vector_store_idx %arg8[%sub3A_1062], %get3A_1060 masked %ne3A_1063 : memref<50176xf32, #tpu.memory_space<vmem>>[vector<16xi32>], vector<16xf32>, vector<16xi1>
      %while3A_1064 = arith.constant 0 : i32
      scf.yield %while3A_1064 : i32
    }
    %while3A_460 = arith.constant 1 : i32
    %while3A_461 = scf.for %while3A_960 = %while3A_457 to %while3A_453 step %while3A_460 iter_args(%while3A_961 = %while3A_459) -> (i32)  : i32 {
      %mul3A_962 = arith.muli %while3A_960, %while3A_448 : i32
      %add3A_963 = arith.constant 0 : i32
      %add3A_964 = arith.addi %mul3A_962, %add3A_963 : i32
      %get3A = arith.index_cast %add3A_964 : i32 to index
      %get3A_965 = tpu.vector_load %arg5[%get3A] {strides = array<i32>} : memref<12560xi32, #tpu.memory_space<vmem>>, vector<16xi32>,
      %add3A_966 = arith.constant 1 : i32
      %add3A_967 = arith.addi %add3A_964, %add3A_966 : i32
      %get3A_968 = arith.index_cast %add3A_967 : i32 to index
      %get3A_969 = tpu.vector_load %arg5[%get3A_968] {strides = array<i32>} : memref<12560xi32, #tpu.memory_space<vmem>>, vector<16xi32>,
      %get3A_970 = arith.index_cast %add3A_964 : i32 to index
      %get3A_971 = tpu.vector_load %arg6[%get3A_970] {strides = array<i32>} : memref<12544xf32, #tpu.memory_space<vmem>>, vector<16xf32>,
      %sub3A = vector.broadcast %mul3A_393 : i32 to vector<16xi32>
      %sub3A_972 = arith.subi %get3A_965, %sub3A : vector<16xi32>
      %ne3A = arith.cmpi ne, %get3A_965, %get3A_969 : vector<16xi32>
      tpu.vector_store_idx %arg8[%sub3A_972], %get3A_971 masked %ne3A : memref<50176xf32, #tpu.memory_space<vmem>>[vector<16xi32>], vector<16xf32>, vector<16xi1>
      %add3A_973 = arith.constant 16 : i32
      %add3A_974 = arith.addi %mul3A_962, %add3A_973 : i32
      %get3A_975 = arith.index_cast %add3A_974 : i32 to index
      %get3A_976 = tpu.vector_load %arg5[%get3A_975] {strides = array<i32>} : memref<12560xi32, #tpu.memory_space<vmem>>, vector<16xi32>,
      %add3A_977 = arith.constant 1 : i32
      %add3A_978 = arith.addi %add3A_974, %add3A_977 : i32
      %get3A_979 = arith.index_cast %add3A_978 : i32 to index
      %get3A_980 = tpu.vector_load %arg5[%get3A_979] {strides = array<i32>} : memref<12560xi32, #tpu.memory_space<vmem>>, vector<16xi32>,
      %get3A_981 = arith.index_cast %add3A_974 : i32 to index
      %get3A_982 = tpu.vector_load %arg6[%get3A_981] {strides = array<i32>} : memref<12544xf32, #tpu.memory_space<vmem>>, vector<16xf32>,
      %sub3A_983 = vector.broadcast %mul3A_393 : i32 to vector<16xi32>
      %sub3A_984 = arith.subi %get3A_976, %sub3A_983 : vector<16xi32>
      %ne3A_985 = arith.cmpi ne, %get3A_976, %get3A_980 : vector<16xi32>
      tpu.vector_store_idx %arg8[%sub3A_984], %get3A_982 masked %ne3A_985 : memref<50176xf32, #tpu.memory_space<vmem>>[vector<16xi32>], vector<16xf32>, vector<16xi1>
      %add3A_986 = arith.constant 32 : i32
      %add3A_987 = arith.addi %mul3A_962, %add3A_986 : i32
      %get3A_988 = arith.index_cast %add3A_987 : i32 to index
      %get3A_989 = tpu.vector_load %arg5[%get3A_988] {strides = array<i32>} : memref<12560xi32, #tpu.memory_space<vmem>>, vector<16xi32>,
      %add3A_990 = arith.constant 1 : i32
      %add3A_991 = arith.addi %add3A_987, %add3A_990 : i32
      %get3A_992 = arith.index_cast %add3A_991 : i32 to index
      %get3A_993 = tpu.vector_load %arg5[%get3A_992] {strides = array<i32>} : memref<12560xi32, #tpu.memory_space<vmem>>, vector<16xi32>,
      %get3A_994 = arith.index_cast %add3A_987 : i32 to index
      %get3A_995 = tpu.vector_load %arg6[%get3A_994] {strides = array<i32>} : memref<12544xf32, #tpu.memory_space<vmem>>, vector<16xf32>,
      %sub3A_996 = vector.broadcast %mul3A_393 : i32 to vector<16xi32>
      %sub3A_997 = arith.subi %get3A_989, %sub3A_996 : vector<16xi32>
      %ne3A_998 = arith.cmpi ne, %get3A_989, %get3A_993 : vector<16xi32>
      tpu.vector_store_idx %arg8[%sub3A_997], %get3A_995 masked %ne3A_998 : memref<50176xf32, #tpu.memory_space<vmem>>[vector<16xi32>], vector<16xf32>, vector<16xi1>
      %add3A_999 = arith.constant 48 : i32
      %add3A_1000 = arith.addi %mul3A_962, %add3A_999 : i32
      %get3A_1001 = arith.index_cast %add3A_1000 : i32 to index
      %get3A_1002 = tpu.vector_load %arg5[%get3A_1001] {strides = array<i32>} : memref<12560xi32, #tpu.memory_space<vmem>>, vector<16xi32>,
      %add3A_1003 = arith.constant 1 : i32
      %add3A_1004 = arith.addi %add3A_1000, %add3A_1003 : i32
      %get3A_1005 = arith.index_cast %add3A_1004 : i32 to index
      %get3A_1006 = tpu.vector_load %arg5[%get3A_1005] {strides = array<i32>} : memref<12560xi32, #tpu.memory_space<vmem>>, vector<16xi32>,
      %get3A_1007 = arith.index_cast %add3A_1000 : i32 to index
      %get3A_1008 = tpu.vector_load %arg6[%get3A_1007] {strides = array<i32>} : memref<12544xf32, #tpu.memory_space<vmem>>, vector<16xf32>,
      %sub3A_1009 = vector.broadcast %mul3A_393 : i32 to vector<16xi32>
      %sub3A_1010 = arith.subi %get3A_1002, %sub3A_1009 : vector<16xi32>
      %ne3A_1011 = arith.cmpi ne, %get3A_1002, %get3A_1006 : vector<16xi32>
      tpu.vector_store_idx %arg8[%sub3A_1010], %get3A_1008 masked %ne3A_1011 : memref<50176xf32, #tpu.memory_space<vmem>>[vector<16xi32>], vector<16xf32>, vector<16xi1>
      %add3A_1012 = arith.constant 64 : i32
      %add3A_1013 = arith.addi %mul3A_962, %add3A_1012 : i32
      %get3A_1014 = arith.index_cast %add3A_1013 : i32 to index
      %get3A_1015 = tpu.vector_load %arg5[%get3A_1014] {strides = array<i32>} : memref<12560xi32, #tpu.memory_space<vmem>>, vector<16xi32>,
      %add3A_1016 = arith.constant 1 : i32
      %add3A_1017 = arith.addi %add3A_1013, %add3A_1016 : i32
      %get3A_1018 = arith.index_cast %add3A_1017 : i32 to index
      %get3A_1019 = tpu.vector_load %arg5[%get3A_1018] {strides = array<i32>} : memref<12560xi32, #tpu.memory_space<vmem>>, vector<16xi32>,
      %get3A_1020 = arith.index_cast %add3A_1013 : i32 to index
      %get3A_1021 = tpu.vector_load %arg6[%get3A_1020] {strides = array<i32>} : memref<12544xf32, #tpu.memory_space<vmem>>, vector<16xf32>,
      %sub3A_1022 = vector.broadcast %mul3A_393 : i32 to vector<16xi32>
      %sub3A_1023 = arith.subi %get3A_1015, %sub3A_1022 : vector<16xi32>
      %ne3A_1024 = arith.cmpi ne, %get3A_1015, %get3A_1019 : vector<16xi32>
      tpu.vector_store_idx %arg8[%sub3A_1023], %get3A_1021 masked %ne3A_1024 : memref<50176xf32, #tpu.memory_space<vmem>>[vector<16xi32>], vector<16xf32>, vector<16xi1>
      %add3A_1025 = arith.constant 80 : i32
      %add3A_1026 = arith.addi %mul3A_962, %add3A_1025 : i32
      %get3A_1027 = arith.index_cast %add3A_1026 : i32 to index
      %get3A_1028 = tpu.vector_load %arg5[%get3A_1027] {strides = array<i32>} : memref<12560xi32, #tpu.memory_space<vmem>>, vector<16xi32>,
      %add3A_1029 = arith.constant 1 : i32
      %add3A_1030 = arith.addi %add3A_1026, %add3A_1029 : i32
      %get3A_1031 = arith.index_cast %add3A_1030 : i32 to index
      %get3A_1032 = tpu.vector_load %arg5[%get3A_1031] {strides = array<i32>} : memref<12560xi32, #tpu.memory_space<vmem>>, vector<16xi32>,
      %get3A_1033 = arith.index_cast %add3A_1026 : i32 to index
      %get3A_1034 = tpu.vector_load %arg6[%get3A_1033] {strides = array<i32>} : memref<12544xf32, #tpu.memory_space<vmem>>, vector<16xf32>,
      %sub3A_1035 = vector.broadcast %mul3A_393 : i32 to vector<16xi32>
      %sub3A_1036 = arith.subi %get3A_1028, %sub3A_1035 : vector<16xi32>
      %ne3A_1037 = arith.cmpi ne, %get3A_1028, %get3A_1032 : vector<16xi32>
      tpu.vector_store_idx %arg8[%sub3A_1036], %get3A_1034 masked %ne3A_1037 : memref<50176xf32, #tpu.memory_space<vmem>>[vector<16xi32>], vector<16xf32>, vector<16xi1>
      %add3A_1038 = arith.constant 96 : i32
      %add3A_1039 = arith.addi %mul3A_962, %add3A_1038 : i32
      %get3A_1040 = arith.index_cast %add3A_1039 : i32 to index
      %get3A_1041 = tpu.vector_load %arg5[%get3A_1040] {strides = array<i32>} : memref<12560xi32, #tpu.memory_space<vmem>>, vector<16xi32>,
      %add3A_1042 = arith.constant 1 : i32
      %add3A_1043 = arith.addi %add3A_1039, %add3A_1042 : i32
      %get3A_1044 = arith.index_cast %add3A_1043 : i32 to index
      %get3A_1045 = tpu.vector_load %arg5[%get3A_1044] {strides = array<i32>} : memref<12560xi32, #tpu.memory_space<vmem>>, vector<16xi32>,
      %get3A_1046 = arith.index_cast %add3A_1039 : i32 to index
      %get3A_1047 = tpu.vector_load %arg6[%get3A_1046] {strides = array<i32>} : memref<12544xf32, #tpu.memory_space<vmem>>, vector<16xf32>,
      %sub3A_1048 = vector.broadcast %mul3A_393 : i32 to vector<16xi32>
      %sub3A_1049 = arith.subi %get3A_1041, %sub3A_1048 : vector<16xi32>
      %ne3A_1050 = arith.cmpi ne, %get3A_1041, %get3A_1045 : vector<16xi32>
      tpu.vector_store_idx %arg8[%sub3A_1049], %get3A_1047 masked %ne3A_1050 : memref<50176xf32, #tpu.memory_space<vmem>>[vector<16xi32>], vector<16xf32>, vector<16xi1>
      %add3A_1051 = arith.constant 112 : i32
      %add3A_1052 = arith.addi %mul3A_962, %add3A_1051 : i32
      %get3A_1053 = arith.index_cast %add3A_1052 : i32 to index
      %get3A_1054 = tpu.vector_load %arg5[%get3A_1053] {strides = array<i32>} : memref<12560xi32, #tpu.memory_space<vmem>>, vector<16xi32>,
      %add3A_1055 = arith.constant 1 : i32
      %add3A_1056 = arith.addi %add3A_1052, %add3A_1055 : i32
      %get3A_1057 = arith.index_cast %add3A_1056 : i32 to index
      %get3A_1058 = tpu.vector_load %arg5[%get3A_1057] {strides = array<i32>} : memref<12560xi32, #tpu.memory_space<vmem>>, vector<16xi32>,
      %get3A_1059 = arith.index_cast %add3A_1052 : i32 to index
      %get3A_1060 = tpu.vector_load %arg6[%get3A_1059] {strides = array<i32>} : memref<12544xf32, #tpu.memory_space<vmem>>, vector<16xf32>,
      %sub3A_1061 = vector.broadcast %mul3A_393 : i32 to vector<16xi32>
      %sub3A_1062 = arith.subi %get3A_1054, %sub3A_1061 : vector<16xi32>
      %ne3A_1063 = arith.cmpi ne, %get3A_1054, %get3A_1058 : vector<16xi32>
      tpu.vector_store_idx %arg8[%sub3A_1062], %get3A_1060 masked %ne3A_1063 : memref<50176xf32, #tpu.memory_space<vmem>>[vector<16xi32>], vector<16xf32>, vector<16xi1>
      %while3A_1064 = arith.constant 0 : i32
      scf.yield %while3A_1064 : i32
    }
    %dma_start3A_462 = arith.constant 0 : i32
    %dma_start3A_463 = tpu.memref_slice %arg4[%add3A_391, %dma_start3A_462] : memref<384x50176xf32, #tpu.memory_space<hbm>> -> memref<1x50176xf32, #tpu.memory_space<hbm>>
    %dma_start3A_464 = tpu.memref_squeeze %dma_start3A_463 : memref<1x50176xf32, #tpu.memory_space<hbm>> -> memref<50176xf32, #tpu.memory_space<hbm>>
    %dma_start3A_465 = arith.constant 0 : i32
    %dma_start3A_466 = tpu.memref_slice %arg4[%add3A_391, %dma_start3A_465] : memref<384x50176xf32, #tpu.memory_space<hbm>> -> memref<1x50176xf32, #tpu.memory_space<hbm>>
    %dma_start3A_467 = tpu.memref_squeeze %dma_start3A_466 : memref<1x50176xf32, #tpu.memory_space<hbm>> -> memref<50176xf32, #tpu.memory_space<hbm>>
    tpu.enqueue_dma source(%arg8 : memref<50176xf32, #tpu.memory_space<vmem>>) target(%dma_start3A_467 : memref<50176xf32, #tpu.memory_space<hbm>>) target_semaphore(%arg12 : memref<!tpu.dma_semaphore, #tpu.memory_space<semaphore_mem>>)
    %mul3A_468 = arith.constant 12 : i32
    %mul3A_469 = arith.muli %add3A, %mul3A_468 : i32
    %add3A_470 = arith.constant 6 : i32
    %add3A_471 = arith.addi %mul3A_469, %add3A_470 : i32
    %mul3A_472 = arith.constant 50176 : i32
    %mul3A_473 = arith.muli %add3A_471, %mul3A_472 : i32
    %dma_start3A_474 = arith.constant 0 : i32
    %dma_start3A_475 = tpu.memref_slice %arg5[%dma_start3A_474] : memref<12560xi32, #tpu.memory_space<vmem>> -> memref<12544xi32, #tpu.memory_space<vmem>>
    %dma_start3A_476 = arith.constant 0 : i32
    %dma_start3A_477 = tpu.memref_slice %arg3[%add3A_471, %dma_start3A_476] : memref<384x12544xi32, #tpu.memory_space<hbm>> -> memref<1x12544xi32, #tpu.memory_space<hbm>>
    %dma_start3A_478 = tpu.memref_squeeze %dma_start3A_477 : memref<1x12544xi32, #tpu.memory_space<hbm>> -> memref<12544xi32, #tpu.memory_space<hbm>>
    %dma_start3A_479 = arith.constant 0 : i32
    %dma_start3A_480 = tpu.memref_slice %arg5[%dma_start3A_479] : memref<12560xi32, #tpu.memory_space<vmem>> -> memref<12544xi32, #tpu.memory_space<vmem>>
    %dma_start3A_481 = arith.constant 0 : i32
    %dma_start3A_482 = tpu.memref_slice %arg3[%add3A_471, %dma_start3A_481] : memref<384x12544xi32, #tpu.memory_space<hbm>> -> memref<1x12544xi32, #tpu.memory_space<hbm>>
    %dma_start3A_483 = tpu.memref_squeeze %dma_start3A_482 : memref<1x12544xi32, #tpu.memory_space<hbm>> -> memref<12544xi32, #tpu.memory_space<hbm>>
    tpu.enqueue_dma source(%dma_start3A_483 : memref<12544xi32, #tpu.memory_space<hbm>>) target(%dma_start3A_480 : memref<12544xi32, #tpu.memory_space<vmem>>) target_semaphore(%arg9 : memref<!tpu.dma_semaphore, #tpu.memory_space<semaphore_mem>>)
    %dma_start3A_484 = arith.constant 0 : i32
    %dma_start3A_485 = tpu.memref_slice %arg2[%add3A_471, %dma_start3A_484] : memref<384x12544xf32, #tpu.memory_space<hbm>> -> memref<1x12544xf32, #tpu.memory_space<hbm>>
    %dma_start3A_486 = tpu.memref_squeeze %dma_start3A_485 : memref<1x12544xf32, #tpu.memory_space<hbm>> -> memref<12544xf32, #tpu.memory_space<hbm>>
    %dma_start3A_487 = arith.constant 0 : i32
    %dma_start3A_488 = tpu.memref_slice %arg2[%add3A_471, %dma_start3A_487] : memref<384x12544xf32, #tpu.memory_space<hbm>> -> memref<1x12544xf32, #tpu.memory_space<hbm>>
    %dma_start3A_489 = tpu.memref_squeeze %dma_start3A_488 : memref<1x12544xf32, #tpu.memory_space<hbm>> -> memref<12544xf32, #tpu.memory_space<hbm>>
    tpu.enqueue_dma source(%dma_start3A_489 : memref<12544xf32, #tpu.memory_space<hbm>>) target(%arg6 : memref<12544xf32, #tpu.memory_space<vmem>>) target_semaphore(%arg10 : memref<!tpu.dma_semaphore, #tpu.memory_space<semaphore_mem>>)
    %dma_wait3A_490 = arith.constant 0 : i32
    %dma_wait3A_491 = tpu.memref_slice %arg4[%add3A_311, %dma_wait3A_490] : memref<384x50176xf32, #tpu.memory_space<hbm>> -> memref<1x50176xf32, #tpu.memory_space<hbm>>
    %dma_wait3A_492 = tpu.memref_squeeze %dma_wait3A_491 : memref<1x50176xf32, #tpu.memory_space<hbm>> -> memref<50176xf32, #tpu.memory_space<hbm>>
    %dma_wait3A_493 = arith.constant 0 : i32
    %dma_wait3A_494 = tpu.memref_slice %arg4[%add3A_311, %dma_wait3A_493] : memref<384x50176xf32, #tpu.memory_space<hbm>> -> memref<1x50176xf32, #tpu.memory_space<hbm>>
    %dma_wait3A_495 = tpu.memref_squeeze %dma_wait3A_494 : memref<1x50176xf32, #tpu.memory_space<hbm>> -> memref<50176xf32, #tpu.memory_space<hbm>>
    tpu.wait_dma2 semaphore(%arg11 : memref<!tpu.dma_semaphore, #tpu.memory_space<semaphore_mem>>) src(%arg7 : memref<50176xf32, #tpu.memory_space<vmem>>) dst(%dma_wait3A_495 : memref<50176xf32, #tpu.memory_space<hbm>>)
    %broadcast_in_dim3A_496 = arith.constant 0.000000e+00 : f32
    %broadcast_in_dim3A_497 = vector.broadcast %broadcast_in_dim3A_496 : f32 to vector<16xf32>
    %while3A_498 = arith.constant 128 : i32
    %while3A_499 = arith.constant 0 : i32
    %while3A_500 = arith.constant 392 : i32
    %while3A_501 = arith.constant 0 : i32
    %while3A_502 = arith.subi %while3A_500, %while3A_499 : i32
    %while3A_503 = arith.addi %while3A_499, %while3A_502 : i32
    %while3A_504 = arith.constant 1 : i32
    %while3A_505 = arith.divsi %while3A_502, %while3A_504 : i32
    %while3A_506 = arith.muli %while3A_505, %while3A_504 : i32
    %while3A_507 = arith.addi %while3A_499, %while3A_506 : i32
    %while3A_508 = arith.constant 1 : i32
    %while3A_509 = scf.for %while3A_960 = %while3A_499 to %while3A_507 step %while3A_508 iter_args(%while3A_961 = %while3A_501) -> (i32)  : i32 {
      %mul3A_962 = arith.muli %while3A_960, %while3A_498 : i32
      %add3A_963 = arith.constant 0 : i32
      %add3A_964 = arith.addi %mul3A_962, %add3A_963 : i32
      %swap3A_965 = arith.index_cast %add3A_964 : i32 to index
      %swap3A_966 = tpu.vector_load %arg7[%swap3A_965] {strides = array<i32>} : memref<50176xf32, #tpu.memory_space<vmem>>, vector<16xf32>,
      tpu.vector_store %arg7[%swap3A_965], %broadcast_in_dim3A_497 {strides = array<i32>} : memref<50176xf32, #tpu.memory_space<vmem>>, vector<16xf32>,
      %add3A_967 = arith.constant 16 : i32
      %add3A_968 = arith.addi %mul3A_962, %add3A_967 : i32
      %swap3A_969 = arith.index_cast %add3A_968 : i32 to index
      %swap3A_970 = tpu.vector_load %arg7[%swap3A_969] {strides = array<i32>} : memref<50176xf32, #tpu.memory_space<vmem>>, vector<16xf32>,
      tpu.vector_store %arg7[%swap3A_969], %broadcast_in_dim3A_497 {strides = array<i32>} : memref<50176xf32, #tpu.memory_space<vmem>>, vector<16xf32>,
      %add3A_971 = arith.constant 32 : i32
      %add3A_972 = arith.addi %mul3A_962, %add3A_971 : i32
      %swap3A_973 = arith.index_cast %add3A_972 : i32 to index
      %swap3A_974 = tpu.vector_load %arg7[%swap3A_973] {strides = array<i32>} : memref<50176xf32, #tpu.memory_space<vmem>>, vector<16xf32>,
      tpu.vector_store %arg7[%swap3A_973], %broadcast_in_dim3A_497 {strides = array<i32>} : memref<50176xf32, #tpu.memory_space<vmem>>, vector<16xf32>,
      %add3A_975 = arith.constant 48 : i32
      %add3A_976 = arith.addi %mul3A_962, %add3A_975 : i32
      %swap3A_977 = arith.index_cast %add3A_976 : i32 to index
      %swap3A_978 = tpu.vector_load %arg7[%swap3A_977] {strides = array<i32>} : memref<50176xf32, #tpu.memory_space<vmem>>, vector<16xf32>,
      tpu.vector_store %arg7[%swap3A_977], %broadcast_in_dim3A_497 {strides = array<i32>} : memref<50176xf32, #tpu.memory_space<vmem>>, vector<16xf32>,
      %add3A_979 = arith.constant 64 : i32
      %add3A_980 = arith.addi %mul3A_962, %add3A_979 : i32
      %swap3A_981 = arith.index_cast %add3A_980 : i32 to index
      %swap3A_982 = tpu.vector_load %arg7[%swap3A_981] {strides = array<i32>} : memref<50176xf32, #tpu.memory_space<vmem>>, vector<16xf32>,
      tpu.vector_store %arg7[%swap3A_981], %broadcast_in_dim3A_497 {strides = array<i32>} : memref<50176xf32, #tpu.memory_space<vmem>>, vector<16xf32>,
      %add3A_983 = arith.constant 80 : i32
      %add3A_984 = arith.addi %mul3A_962, %add3A_983 : i32
      %swap3A_985 = arith.index_cast %add3A_984 : i32 to index
      %swap3A_986 = tpu.vector_load %arg7[%swap3A_985] {strides = array<i32>} : memref<50176xf32, #tpu.memory_space<vmem>>, vector<16xf32>,
      tpu.vector_store %arg7[%swap3A_985], %broadcast_in_dim3A_497 {strides = array<i32>} : memref<50176xf32, #tpu.memory_space<vmem>>, vector<16xf32>,
      %add3A_987 = arith.constant 96 : i32
      %add3A_988 = arith.addi %mul3A_962, %add3A_987 : i32
      %swap3A_989 = arith.index_cast %add3A_988 : i32 to index
      %swap3A_990 = tpu.vector_load %arg7[%swap3A_989] {strides = array<i32>} : memref<50176xf32, #tpu.memory_space<vmem>>, vector<16xf32>,
      tpu.vector_store %arg7[%swap3A_989], %broadcast_in_dim3A_497 {strides = array<i32>} : memref<50176xf32, #tpu.memory_space<vmem>>, vector<16xf32>,
      %add3A_991 = arith.constant 112 : i32
      %add3A_992 = arith.addi %mul3A_962, %add3A_991 : i32
      %swap3A_993 = arith.index_cast %add3A_992 : i32 to index
      %swap3A_994 = tpu.vector_load %arg7[%swap3A_993] {strides = array<i32>} : memref<50176xf32, #tpu.memory_space<vmem>>, vector<16xf32>,
      tpu.vector_store %arg7[%swap3A_993], %broadcast_in_dim3A_497 {strides = array<i32>} : memref<50176xf32, #tpu.memory_space<vmem>>, vector<16xf32>,
      %while3A_995 = arith.constant 0 : i32
      scf.yield %while3A_995 : i32
    }
    %while3A_510 = arith.constant 1 : i32
    %while3A_511 = scf.for %while3A_960 = %while3A_507 to %while3A_503 step %while3A_510 iter_args(%while3A_961 = %while3A_509) -> (i32)  : i32 {
      %mul3A_962 = arith.muli %while3A_960, %while3A_498 : i32
      %add3A_963 = arith.constant 0 : i32
      %add3A_964 = arith.addi %mul3A_962, %add3A_963 : i32
      %swap3A_965 = arith.index_cast %add3A_964 : i32 to index
      %swap3A_966 = tpu.vector_load %arg7[%swap3A_965] {strides = array<i32>} : memref<50176xf32, #tpu.memory_space<vmem>>, vector<16xf32>,
      tpu.vector_store %arg7[%swap3A_965], %broadcast_in_dim3A_497 {strides = array<i32>} : memref<50176xf32, #tpu.memory_space<vmem>>, vector<16xf32>,
      %add3A_967 = arith.constant 16 : i32
      %add3A_968 = arith.addi %mul3A_962, %add3A_967 : i32
      %swap3A_969 = arith.index_cast %add3A_968 : i32 to index
      %swap3A_970 = tpu.vector_load %arg7[%swap3A_969] {strides = array<i32>} : memref<50176xf32, #tpu.memory_space<vmem>>, vector<16xf32>,
      tpu.vector_store %arg7[%swap3A_969], %broadcast_in_dim3A_497 {strides = array<i32>} : memref<50176xf32, #tpu.memory_space<vmem>>, vector<16xf32>,
      %add3A_971 = arith.constant 32 : i32
      %add3A_972 = arith.addi %mul3A_962, %add3A_971 : i32
      %swap3A_973 = arith.index_cast %add3A_972 : i32 to index
      %swap3A_974 = tpu.vector_load %arg7[%swap3A_973] {strides = array<i32>} : memref<50176xf32, #tpu.memory_space<vmem>>, vector<16xf32>,
      tpu.vector_store %arg7[%swap3A_973], %broadcast_in_dim3A_497 {strides = array<i32>} : memref<50176xf32, #tpu.memory_space<vmem>>, vector<16xf32>,
      %add3A_975 = arith.constant 48 : i32
      %add3A_976 = arith.addi %mul3A_962, %add3A_975 : i32
      %swap3A_977 = arith.index_cast %add3A_976 : i32 to index
      %swap3A_978 = tpu.vector_load %arg7[%swap3A_977] {strides = array<i32>} : memref<50176xf32, #tpu.memory_space<vmem>>, vector<16xf32>,
      tpu.vector_store %arg7[%swap3A_977], %broadcast_in_dim3A_497 {strides = array<i32>} : memref<50176xf32, #tpu.memory_space<vmem>>, vector<16xf32>,
      %add3A_979 = arith.constant 64 : i32
      %add3A_980 = arith.addi %mul3A_962, %add3A_979 : i32
      %swap3A_981 = arith.index_cast %add3A_980 : i32 to index
      %swap3A_982 = tpu.vector_load %arg7[%swap3A_981] {strides = array<i32>} : memref<50176xf32, #tpu.memory_space<vmem>>, vector<16xf32>,
      tpu.vector_store %arg7[%swap3A_981], %broadcast_in_dim3A_497 {strides = array<i32>} : memref<50176xf32, #tpu.memory_space<vmem>>, vector<16xf32>,
      %add3A_983 = arith.constant 80 : i32
      %add3A_984 = arith.addi %mul3A_962, %add3A_983 : i32
      %swap3A_985 = arith.index_cast %add3A_984 : i32 to index
      %swap3A_986 = tpu.vector_load %arg7[%swap3A_985] {strides = array<i32>} : memref<50176xf32, #tpu.memory_space<vmem>>, vector<16xf32>,
      tpu.vector_store %arg7[%swap3A_985], %broadcast_in_dim3A_497 {strides = array<i32>} : memref<50176xf32, #tpu.memory_space<vmem>>, vector<16xf32>,
      %add3A_987 = arith.constant 96 : i32
      %add3A_988 = arith.addi %mul3A_962, %add3A_987 : i32
      %swap3A_989 = arith.index_cast %add3A_988 : i32 to index
      %swap3A_990 = tpu.vector_load %arg7[%swap3A_989] {strides = array<i32>} : memref<50176xf32, #tpu.memory_space<vmem>>, vector<16xf32>,
      tpu.vector_store %arg7[%swap3A_989], %broadcast_in_dim3A_497 {strides = array<i32>} : memref<50176xf32, #tpu.memory_space<vmem>>, vector<16xf32>,
      %add3A_991 = arith.constant 112 : i32
      %add3A_992 = arith.addi %mul3A_962, %add3A_991 : i32
      %swap3A_993 = arith.index_cast %add3A_992 : i32 to index
      %swap3A_994 = tpu.vector_load %arg7[%swap3A_993] {strides = array<i32>} : memref<50176xf32, #tpu.memory_space<vmem>>, vector<16xf32>,
      tpu.vector_store %arg7[%swap3A_993], %broadcast_in_dim3A_497 {strides = array<i32>} : memref<50176xf32, #tpu.memory_space<vmem>>, vector<16xf32>,
      %while3A_995 = arith.constant 0 : i32
      scf.yield %while3A_995 : i32
    }
    %dma_wait3A_512 = arith.constant 0 : i32
    %dma_wait3A_513 = tpu.memref_slice %arg5[%dma_wait3A_512] : memref<12560xi32, #tpu.memory_space<vmem>> -> memref<12544xi32, #tpu.memory_space<vmem>>
    %dma_wait3A_514 = arith.constant 0 : i32
    %dma_wait3A_515 = tpu.memref_slice %arg3[%add3A_471, %dma_wait3A_514] : memref<384x12544xi32, #tpu.memory_space<hbm>> -> memref<1x12544xi32, #tpu.memory_space<hbm>>
    %dma_wait3A_516 = tpu.memref_squeeze %dma_wait3A_515 : memref<1x12544xi32, #tpu.memory_space<hbm>> -> memref<12544xi32, #tpu.memory_space<hbm>>
    %dma_wait3A_517 = arith.constant 0 : i32
    %dma_wait3A_518 = tpu.memref_slice %arg5[%dma_wait3A_517] : memref<12560xi32, #tpu.memory_space<vmem>> -> memref<12544xi32, #tpu.memory_space<vmem>>
    %dma_wait3A_519 = arith.constant 0 : i32
    %dma_wait3A_520 = tpu.memref_slice %arg3[%add3A_471, %dma_wait3A_519] : memref<384x12544xi32, #tpu.memory_space<hbm>> -> memref<1x12544xi32, #tpu.memory_space<hbm>>
    %dma_wait3A_521 = tpu.memref_squeeze %dma_wait3A_520 : memref<1x12544xi32, #tpu.memory_space<hbm>> -> memref<12544xi32, #tpu.memory_space<hbm>>
    tpu.wait_dma2 semaphore(%arg9 : memref<!tpu.dma_semaphore, #tpu.memory_space<semaphore_mem>>) src(%dma_wait3A_521 : memref<12544xi32, #tpu.memory_space<hbm>>) dst(%dma_wait3A_518 : memref<12544xi32, #tpu.memory_space<vmem>>)
    %dma_wait3A_522 = arith.constant 0 : i32
    %dma_wait3A_523 = tpu.memref_slice %arg2[%add3A_471, %dma_wait3A_522] : memref<384x12544xf32, #tpu.memory_space<hbm>> -> memref<1x12544xf32, #tpu.memory_space<hbm>>
    %dma_wait3A_524 = tpu.memref_squeeze %dma_wait3A_523 : memref<1x12544xf32, #tpu.memory_space<hbm>> -> memref<12544xf32, #tpu.memory_space<hbm>>
    %dma_wait3A_525 = arith.constant 0 : i32
    %dma_wait3A_526 = tpu.memref_slice %arg2[%add3A_471, %dma_wait3A_525] : memref<384x12544xf32, #tpu.memory_space<hbm>> -> memref<1x12544xf32, #tpu.memory_space<hbm>>
    %dma_wait3A_527 = tpu.memref_squeeze %dma_wait3A_526 : memref<1x12544xf32, #tpu.memory_space<hbm>> -> memref<12544xf32, #tpu.memory_space<hbm>>
    tpu.wait_dma2 semaphore(%arg10 : memref<!tpu.dma_semaphore, #tpu.memory_space<semaphore_mem>>) src(%dma_wait3A_527 : memref<12544xf32, #tpu.memory_space<hbm>>) dst(%arg6 : memref<12544xf32, #tpu.memory_space<vmem>>)
    %while3A_528 = arith.constant 128 : i32
    %while3A_529 = arith.constant 0 : i32
    %while3A_530 = arith.constant 98 : i32
    %while3A_531 = arith.constant 0 : i32
    %while3A_532 = arith.subi %while3A_530, %while3A_529 : i32
    %while3A_533 = arith.addi %while3A_529, %while3A_532 : i32
    %while3A_534 = arith.constant 1 : i32
    %while3A_535 = arith.divsi %while3A_532, %while3A_534 : i32
    %while3A_536 = arith.muli %while3A_535, %while3A_534 : i32
    %while3A_537 = arith.addi %while3A_529, %while3A_536 : i32
    %while3A_538 = arith.constant 1 : i32
    %while3A_539 = scf.for %while3A_960 = %while3A_529 to %while3A_537 step %while3A_538 iter_args(%while3A_961 = %while3A_531) -> (i32)  : i32 {
      %mul3A_962 = arith.muli %while3A_960, %while3A_528 : i32
      %add3A_963 = arith.constant 0 : i32
      %add3A_964 = arith.addi %mul3A_962, %add3A_963 : i32
      %get3A = arith.index_cast %add3A_964 : i32 to index
      %get3A_965 = tpu.vector_load %arg5[%get3A] {strides = array<i32>} : memref<12560xi32, #tpu.memory_space<vmem>>, vector<16xi32>,
      %add3A_966 = arith.constant 1 : i32
      %add3A_967 = arith.addi %add3A_964, %add3A_966 : i32
      %get3A_968 = arith.index_cast %add3A_967 : i32 to index
      %get3A_969 = tpu.vector_load %arg5[%get3A_968] {strides = array<i32>} : memref<12560xi32, #tpu.memory_space<vmem>>, vector<16xi32>,
      %get3A_970 = arith.index_cast %add3A_964 : i32 to index
      %get3A_971 = tpu.vector_load %arg6[%get3A_970] {strides = array<i32>} : memref<12544xf32, #tpu.memory_space<vmem>>, vector<16xf32>,
      %sub3A = vector.broadcast %mul3A_473 : i32 to vector<16xi32>
      %sub3A_972 = arith.subi %get3A_965, %sub3A : vector<16xi32>
      %ne3A = arith.cmpi ne, %get3A_965, %get3A_969 : vector<16xi32>
      tpu.vector_store_idx %arg7[%sub3A_972], %get3A_971 masked %ne3A : memref<50176xf32, #tpu.memory_space<vmem>>[vector<16xi32>], vector<16xf32>, vector<16xi1>
      %add3A_973 = arith.constant 16 : i32
      %add3A_974 = arith.addi %mul3A_962, %add3A_973 : i32
      %get3A_975 = arith.index_cast %add3A_974 : i32 to index
      %get3A_976 = tpu.vector_load %arg5[%get3A_975] {strides = array<i32>} : memref<12560xi32, #tpu.memory_space<vmem>>, vector<16xi32>,
      %add3A_977 = arith.constant 1 : i32
      %add3A_978 = arith.addi %add3A_974, %add3A_977 : i32
      %get3A_979 = arith.index_cast %add3A_978 : i32 to index
      %get3A_980 = tpu.vector_load %arg5[%get3A_979] {strides = array<i32>} : memref<12560xi32, #tpu.memory_space<vmem>>, vector<16xi32>,
      %get3A_981 = arith.index_cast %add3A_974 : i32 to index
      %get3A_982 = tpu.vector_load %arg6[%get3A_981] {strides = array<i32>} : memref<12544xf32, #tpu.memory_space<vmem>>, vector<16xf32>,
      %sub3A_983 = vector.broadcast %mul3A_473 : i32 to vector<16xi32>
      %sub3A_984 = arith.subi %get3A_976, %sub3A_983 : vector<16xi32>
      %ne3A_985 = arith.cmpi ne, %get3A_976, %get3A_980 : vector<16xi32>
      tpu.vector_store_idx %arg7[%sub3A_984], %get3A_982 masked %ne3A_985 : memref<50176xf32, #tpu.memory_space<vmem>>[vector<16xi32>], vector<16xf32>, vector<16xi1>
      %add3A_986 = arith.constant 32 : i32
      %add3A_987 = arith.addi %mul3A_962, %add3A_986 : i32
      %get3A_988 = arith.index_cast %add3A_987 : i32 to index
      %get3A_989 = tpu.vector_load %arg5[%get3A_988] {strides = array<i32>} : memref<12560xi32, #tpu.memory_space<vmem>>, vector<16xi32>,
      %add3A_990 = arith.constant 1 : i32
      %add3A_991 = arith.addi %add3A_987, %add3A_990 : i32
      %get3A_992 = arith.index_cast %add3A_991 : i32 to index
      %get3A_993 = tpu.vector_load %arg5[%get3A_992] {strides = array<i32>} : memref<12560xi32, #tpu.memory_space<vmem>>, vector<16xi32>,
      %get3A_994 = arith.index_cast %add3A_987 : i32 to index
      %get3A_995 = tpu.vector_load %arg6[%get3A_994] {strides = array<i32>} : memref<12544xf32, #tpu.memory_space<vmem>>, vector<16xf32>,
      %sub3A_996 = vector.broadcast %mul3A_473 : i32 to vector<16xi32>
      %sub3A_997 = arith.subi %get3A_989, %sub3A_996 : vector<16xi32>
      %ne3A_998 = arith.cmpi ne, %get3A_989, %get3A_993 : vector<16xi32>
      tpu.vector_store_idx %arg7[%sub3A_997], %get3A_995 masked %ne3A_998 : memref<50176xf32, #tpu.memory_space<vmem>>[vector<16xi32>], vector<16xf32>, vector<16xi1>
      %add3A_999 = arith.constant 48 : i32
      %add3A_1000 = arith.addi %mul3A_962, %add3A_999 : i32
      %get3A_1001 = arith.index_cast %add3A_1000 : i32 to index
      %get3A_1002 = tpu.vector_load %arg5[%get3A_1001] {strides = array<i32>} : memref<12560xi32, #tpu.memory_space<vmem>>, vector<16xi32>,
      %add3A_1003 = arith.constant 1 : i32
      %add3A_1004 = arith.addi %add3A_1000, %add3A_1003 : i32
      %get3A_1005 = arith.index_cast %add3A_1004 : i32 to index
      %get3A_1006 = tpu.vector_load %arg5[%get3A_1005] {strides = array<i32>} : memref<12560xi32, #tpu.memory_space<vmem>>, vector<16xi32>,
      %get3A_1007 = arith.index_cast %add3A_1000 : i32 to index
      %get3A_1008 = tpu.vector_load %arg6[%get3A_1007] {strides = array<i32>} : memref<12544xf32, #tpu.memory_space<vmem>>, vector<16xf32>,
      %sub3A_1009 = vector.broadcast %mul3A_473 : i32 to vector<16xi32>
      %sub3A_1010 = arith.subi %get3A_1002, %sub3A_1009 : vector<16xi32>
      %ne3A_1011 = arith.cmpi ne, %get3A_1002, %get3A_1006 : vector<16xi32>
      tpu.vector_store_idx %arg7[%sub3A_1010], %get3A_1008 masked %ne3A_1011 : memref<50176xf32, #tpu.memory_space<vmem>>[vector<16xi32>], vector<16xf32>, vector<16xi1>
      %add3A_1012 = arith.constant 64 : i32
      %add3A_1013 = arith.addi %mul3A_962, %add3A_1012 : i32
      %get3A_1014 = arith.index_cast %add3A_1013 : i32 to index
      %get3A_1015 = tpu.vector_load %arg5[%get3A_1014] {strides = array<i32>} : memref<12560xi32, #tpu.memory_space<vmem>>, vector<16xi32>,
      %add3A_1016 = arith.constant 1 : i32
      %add3A_1017 = arith.addi %add3A_1013, %add3A_1016 : i32
      %get3A_1018 = arith.index_cast %add3A_1017 : i32 to index
      %get3A_1019 = tpu.vector_load %arg5[%get3A_1018] {strides = array<i32>} : memref<12560xi32, #tpu.memory_space<vmem>>, vector<16xi32>,
      %get3A_1020 = arith.index_cast %add3A_1013 : i32 to index
      %get3A_1021 = tpu.vector_load %arg6[%get3A_1020] {strides = array<i32>} : memref<12544xf32, #tpu.memory_space<vmem>>, vector<16xf32>,
      %sub3A_1022 = vector.broadcast %mul3A_473 : i32 to vector<16xi32>
      %sub3A_1023 = arith.subi %get3A_1015, %sub3A_1022 : vector<16xi32>
      %ne3A_1024 = arith.cmpi ne, %get3A_1015, %get3A_1019 : vector<16xi32>
      tpu.vector_store_idx %arg7[%sub3A_1023], %get3A_1021 masked %ne3A_1024 : memref<50176xf32, #tpu.memory_space<vmem>>[vector<16xi32>], vector<16xf32>, vector<16xi1>
      %add3A_1025 = arith.constant 80 : i32
      %add3A_1026 = arith.addi %mul3A_962, %add3A_1025 : i32
      %get3A_1027 = arith.index_cast %add3A_1026 : i32 to index
      %get3A_1028 = tpu.vector_load %arg5[%get3A_1027] {strides = array<i32>} : memref<12560xi32, #tpu.memory_space<vmem>>, vector<16xi32>,
      %add3A_1029 = arith.constant 1 : i32
      %add3A_1030 = arith.addi %add3A_1026, %add3A_1029 : i32
      %get3A_1031 = arith.index_cast %add3A_1030 : i32 to index
      %get3A_1032 = tpu.vector_load %arg5[%get3A_1031] {strides = array<i32>} : memref<12560xi32, #tpu.memory_space<vmem>>, vector<16xi32>,
      %get3A_1033 = arith.index_cast %add3A_1026 : i32 to index
      %get3A_1034 = tpu.vector_load %arg6[%get3A_1033] {strides = array<i32>} : memref<12544xf32, #tpu.memory_space<vmem>>, vector<16xf32>,
      %sub3A_1035 = vector.broadcast %mul3A_473 : i32 to vector<16xi32>
      %sub3A_1036 = arith.subi %get3A_1028, %sub3A_1035 : vector<16xi32>
      %ne3A_1037 = arith.cmpi ne, %get3A_1028, %get3A_1032 : vector<16xi32>
      tpu.vector_store_idx %arg7[%sub3A_1036], %get3A_1034 masked %ne3A_1037 : memref<50176xf32, #tpu.memory_space<vmem>>[vector<16xi32>], vector<16xf32>, vector<16xi1>
      %add3A_1038 = arith.constant 96 : i32
      %add3A_1039 = arith.addi %mul3A_962, %add3A_1038 : i32
      %get3A_1040 = arith.index_cast %add3A_1039 : i32 to index
      %get3A_1041 = tpu.vector_load %arg5[%get3A_1040] {strides = array<i32>} : memref<12560xi32, #tpu.memory_space<vmem>>, vector<16xi32>,
      %add3A_1042 = arith.constant 1 : i32
      %add3A_1043 = arith.addi %add3A_1039, %add3A_1042 : i32
      %get3A_1044 = arith.index_cast %add3A_1043 : i32 to index
      %get3A_1045 = tpu.vector_load %arg5[%get3A_1044] {strides = array<i32>} : memref<12560xi32, #tpu.memory_space<vmem>>, vector<16xi32>,
      %get3A_1046 = arith.index_cast %add3A_1039 : i32 to index
      %get3A_1047 = tpu.vector_load %arg6[%get3A_1046] {strides = array<i32>} : memref<12544xf32, #tpu.memory_space<vmem>>, vector<16xf32>,
      %sub3A_1048 = vector.broadcast %mul3A_473 : i32 to vector<16xi32>
      %sub3A_1049 = arith.subi %get3A_1041, %sub3A_1048 : vector<16xi32>
      %ne3A_1050 = arith.cmpi ne, %get3A_1041, %get3A_1045 : vector<16xi32>
      tpu.vector_store_idx %arg7[%sub3A_1049], %get3A_1047 masked %ne3A_1050 : memref<50176xf32, #tpu.memory_space<vmem>>[vector<16xi32>], vector<16xf32>, vector<16xi1>
      %add3A_1051 = arith.constant 112 : i32
      %add3A_1052 = arith.addi %mul3A_962, %add3A_1051 : i32
      %get3A_1053 = arith.index_cast %add3A_1052 : i32 to index
      %get3A_1054 = tpu.vector_load %arg5[%get3A_1053] {strides = array<i32>} : memref<12560xi32, #tpu.memory_space<vmem>>, vector<16xi32>,
      %add3A_1055 = arith.constant 1 : i32
      %add3A_1056 = arith.addi %add3A_1052, %add3A_1055 : i32
      %get3A_1057 = arith.index_cast %add3A_1056 : i32 to index
      %get3A_1058 = tpu.vector_load %arg5[%get3A_1057] {strides = array<i32>} : memref<12560xi32, #tpu.memory_space<vmem>>, vector<16xi32>,
      %get3A_1059 = arith.index_cast %add3A_1052 : i32 to index
      %get3A_1060 = tpu.vector_load %arg6[%get3A_1059] {strides = array<i32>} : memref<12544xf32, #tpu.memory_space<vmem>>, vector<16xf32>,
      %sub3A_1061 = vector.broadcast %mul3A_473 : i32 to vector<16xi32>
      %sub3A_1062 = arith.subi %get3A_1054, %sub3A_1061 : vector<16xi32>
      %ne3A_1063 = arith.cmpi ne, %get3A_1054, %get3A_1058 : vector<16xi32>
      tpu.vector_store_idx %arg7[%sub3A_1062], %get3A_1060 masked %ne3A_1063 : memref<50176xf32, #tpu.memory_space<vmem>>[vector<16xi32>], vector<16xf32>, vector<16xi1>
      %while3A_1064 = arith.constant 0 : i32
      scf.yield %while3A_1064 : i32
    }
    %while3A_540 = arith.constant 1 : i32
    %while3A_541 = scf.for %while3A_960 = %while3A_537 to %while3A_533 step %while3A_540 iter_args(%while3A_961 = %while3A_539) -> (i32)  : i32 {
      %mul3A_962 = arith.muli %while3A_960, %while3A_528 : i32
      %add3A_963 = arith.constant 0 : i32
      %add3A_964 = arith.addi %mul3A_962, %add3A_963 : i32
      %get3A = arith.index_cast %add3A_964 : i32 to index
      %get3A_965 = tpu.vector_load %arg5[%get3A] {strides = array<i32>} : memref<12560xi32, #tpu.memory_space<vmem>>, vector<16xi32>,
      %add3A_966 = arith.constant 1 : i32
      %add3A_967 = arith.addi %add3A_964, %add3A_966 : i32
      %get3A_968 = arith.index_cast %add3A_967 : i32 to index
      %get3A_969 = tpu.vector_load %arg5[%get3A_968] {strides = array<i32>} : memref<12560xi32, #tpu.memory_space<vmem>>, vector<16xi32>,
      %get3A_970 = arith.index_cast %add3A_964 : i32 to index
      %get3A_971 = tpu.vector_load %arg6[%get3A_970] {strides = array<i32>} : memref<12544xf32, #tpu.memory_space<vmem>>, vector<16xf32>,
      %sub3A = vector.broadcast %mul3A_473 : i32 to vector<16xi32>
      %sub3A_972 = arith.subi %get3A_965, %sub3A : vector<16xi32>
      %ne3A = arith.cmpi ne, %get3A_965, %get3A_969 : vector<16xi32>
      tpu.vector_store_idx %arg7[%sub3A_972], %get3A_971 masked %ne3A : memref<50176xf32, #tpu.memory_space<vmem>>[vector<16xi32>], vector<16xf32>, vector<16xi1>
      %add3A_973 = arith.constant 16 : i32
      %add3A_974 = arith.addi %mul3A_962, %add3A_973 : i32
      %get3A_975 = arith.index_cast %add3A_974 : i32 to index
      %get3A_976 = tpu.vector_load %arg5[%get3A_975] {strides = array<i32>} : memref<12560xi32, #tpu.memory_space<vmem>>, vector<16xi32>,
      %add3A_977 = arith.constant 1 : i32
      %add3A_978 = arith.addi %add3A_974, %add3A_977 : i32
      %get3A_979 = arith.index_cast %add3A_978 : i32 to index
      %get3A_980 = tpu.vector_load %arg5[%get3A_979] {strides = array<i32>} : memref<12560xi32, #tpu.memory_space<vmem>>, vector<16xi32>,
      %get3A_981 = arith.index_cast %add3A_974 : i32 to index
      %get3A_982 = tpu.vector_load %arg6[%get3A_981] {strides = array<i32>} : memref<12544xf32, #tpu.memory_space<vmem>>, vector<16xf32>,
      %sub3A_983 = vector.broadcast %mul3A_473 : i32 to vector<16xi32>
      %sub3A_984 = arith.subi %get3A_976, %sub3A_983 : vector<16xi32>
      %ne3A_985 = arith.cmpi ne, %get3A_976, %get3A_980 : vector<16xi32>
      tpu.vector_store_idx %arg7[%sub3A_984], %get3A_982 masked %ne3A_985 : memref<50176xf32, #tpu.memory_space<vmem>>[vector<16xi32>], vector<16xf32>, vector<16xi1>
      %add3A_986 = arith.constant 32 : i32
      %add3A_987 = arith.addi %mul3A_962, %add3A_986 : i32
      %get3A_988 = arith.index_cast %add3A_987 : i32 to index
      %get3A_989 = tpu.vector_load %arg5[%get3A_988] {strides = array<i32>} : memref<12560xi32, #tpu.memory_space<vmem>>, vector<16xi32>,
      %add3A_990 = arith.constant 1 : i32
      %add3A_991 = arith.addi %add3A_987, %add3A_990 : i32
      %get3A_992 = arith.index_cast %add3A_991 : i32 to index
      %get3A_993 = tpu.vector_load %arg5[%get3A_992] {strides = array<i32>} : memref<12560xi32, #tpu.memory_space<vmem>>, vector<16xi32>,
      %get3A_994 = arith.index_cast %add3A_987 : i32 to index
      %get3A_995 = tpu.vector_load %arg6[%get3A_994] {strides = array<i32>} : memref<12544xf32, #tpu.memory_space<vmem>>, vector<16xf32>,
      %sub3A_996 = vector.broadcast %mul3A_473 : i32 to vector<16xi32>
      %sub3A_997 = arith.subi %get3A_989, %sub3A_996 : vector<16xi32>
      %ne3A_998 = arith.cmpi ne, %get3A_989, %get3A_993 : vector<16xi32>
      tpu.vector_store_idx %arg7[%sub3A_997], %get3A_995 masked %ne3A_998 : memref<50176xf32, #tpu.memory_space<vmem>>[vector<16xi32>], vector<16xf32>, vector<16xi1>
      %add3A_999 = arith.constant 48 : i32
      %add3A_1000 = arith.addi %mul3A_962, %add3A_999 : i32
      %get3A_1001 = arith.index_cast %add3A_1000 : i32 to index
      %get3A_1002 = tpu.vector_load %arg5[%get3A_1001] {strides = array<i32>} : memref<12560xi32, #tpu.memory_space<vmem>>, vector<16xi32>,
      %add3A_1003 = arith.constant 1 : i32
      %add3A_1004 = arith.addi %add3A_1000, %add3A_1003 : i32
      %get3A_1005 = arith.index_cast %add3A_1004 : i32 to index
      %get3A_1006 = tpu.vector_load %arg5[%get3A_1005] {strides = array<i32>} : memref<12560xi32, #tpu.memory_space<vmem>>, vector<16xi32>,
      %get3A_1007 = arith.index_cast %add3A_1000 : i32 to index
      %get3A_1008 = tpu.vector_load %arg6[%get3A_1007] {strides = array<i32>} : memref<12544xf32, #tpu.memory_space<vmem>>, vector<16xf32>,
      %sub3A_1009 = vector.broadcast %mul3A_473 : i32 to vector<16xi32>
      %sub3A_1010 = arith.subi %get3A_1002, %sub3A_1009 : vector<16xi32>
      %ne3A_1011 = arith.cmpi ne, %get3A_1002, %get3A_1006 : vector<16xi32>
      tpu.vector_store_idx %arg7[%sub3A_1010], %get3A_1008 masked %ne3A_1011 : memref<50176xf32, #tpu.memory_space<vmem>>[vector<16xi32>], vector<16xf32>, vector<16xi1>
      %add3A_1012 = arith.constant 64 : i32
      %add3A_1013 = arith.addi %mul3A_962, %add3A_1012 : i32
      %get3A_1014 = arith.index_cast %add3A_1013 : i32 to index
      %get3A_1015 = tpu.vector_load %arg5[%get3A_1014] {strides = array<i32>} : memref<12560xi32, #tpu.memory_space<vmem>>, vector<16xi32>,
      %add3A_1016 = arith.constant 1 : i32
      %add3A_1017 = arith.addi %add3A_1013, %add3A_1016 : i32
      %get3A_1018 = arith.index_cast %add3A_1017 : i32 to index
      %get3A_1019 = tpu.vector_load %arg5[%get3A_1018] {strides = array<i32>} : memref<12560xi32, #tpu.memory_space<vmem>>, vector<16xi32>,
      %get3A_1020 = arith.index_cast %add3A_1013 : i32 to index
      %get3A_1021 = tpu.vector_load %arg6[%get3A_1020] {strides = array<i32>} : memref<12544xf32, #tpu.memory_space<vmem>>, vector<16xf32>,
      %sub3A_1022 = vector.broadcast %mul3A_473 : i32 to vector<16xi32>
      %sub3A_1023 = arith.subi %get3A_1015, %sub3A_1022 : vector<16xi32>
      %ne3A_1024 = arith.cmpi ne, %get3A_1015, %get3A_1019 : vector<16xi32>
      tpu.vector_store_idx %arg7[%sub3A_1023], %get3A_1021 masked %ne3A_1024 : memref<50176xf32, #tpu.memory_space<vmem>>[vector<16xi32>], vector<16xf32>, vector<16xi1>
      %add3A_1025 = arith.constant 80 : i32
      %add3A_1026 = arith.addi %mul3A_962, %add3A_1025 : i32
      %get3A_1027 = arith.index_cast %add3A_1026 : i32 to index
      %get3A_1028 = tpu.vector_load %arg5[%get3A_1027] {strides = array<i32>} : memref<12560xi32, #tpu.memory_space<vmem>>, vector<16xi32>,
      %add3A_1029 = arith.constant 1 : i32
      %add3A_1030 = arith.addi %add3A_1026, %add3A_1029 : i32
      %get3A_1031 = arith.index_cast %add3A_1030 : i32 to index
      %get3A_1032 = tpu.vector_load %arg5[%get3A_1031] {strides = array<i32>} : memref<12560xi32, #tpu.memory_space<vmem>>, vector<16xi32>,
      %get3A_1033 = arith.index_cast %add3A_1026 : i32 to index
      %get3A_1034 = tpu.vector_load %arg6[%get3A_1033] {strides = array<i32>} : memref<12544xf32, #tpu.memory_space<vmem>>, vector<16xf32>,
      %sub3A_1035 = vector.broadcast %mul3A_473 : i32 to vector<16xi32>
      %sub3A_1036 = arith.subi %get3A_1028, %sub3A_1035 : vector<16xi32>
      %ne3A_1037 = arith.cmpi ne, %get3A_1028, %get3A_1032 : vector<16xi32>
      tpu.vector_store_idx %arg7[%sub3A_1036], %get3A_1034 masked %ne3A_1037 : memref<50176xf32, #tpu.memory_space<vmem>>[vector<16xi32>], vector<16xf32>, vector<16xi1>
      %add3A_1038 = arith.constant 96 : i32
      %add3A_1039 = arith.addi %mul3A_962, %add3A_1038 : i32
      %get3A_1040 = arith.index_cast %add3A_1039 : i32 to index
      %get3A_1041 = tpu.vector_load %arg5[%get3A_1040] {strides = array<i32>} : memref<12560xi32, #tpu.memory_space<vmem>>, vector<16xi32>,
      %add3A_1042 = arith.constant 1 : i32
      %add3A_1043 = arith.addi %add3A_1039, %add3A_1042 : i32
      %get3A_1044 = arith.index_cast %add3A_1043 : i32 to index
      %get3A_1045 = tpu.vector_load %arg5[%get3A_1044] {strides = array<i32>} : memref<12560xi32, #tpu.memory_space<vmem>>, vector<16xi32>,
      %get3A_1046 = arith.index_cast %add3A_1039 : i32 to index
      %get3A_1047 = tpu.vector_load %arg6[%get3A_1046] {strides = array<i32>} : memref<12544xf32, #tpu.memory_space<vmem>>, vector<16xf32>,
      %sub3A_1048 = vector.broadcast %mul3A_473 : i32 to vector<16xi32>
      %sub3A_1049 = arith.subi %get3A_1041, %sub3A_1048 : vector<16xi32>
      %ne3A_1050 = arith.cmpi ne, %get3A_1041, %get3A_1045 : vector<16xi32>
      tpu.vector_store_idx %arg7[%sub3A_1049], %get3A_1047 masked %ne3A_1050 : memref<50176xf32, #tpu.memory_space<vmem>>[vector<16xi32>], vector<16xf32>, vector<16xi1>
      %add3A_1051 = arith.constant 112 : i32
      %add3A_1052 = arith.addi %mul3A_962, %add3A_1051 : i32
      %get3A_1053 = arith.index_cast %add3A_1052 : i32 to index
      %get3A_1054 = tpu.vector_load %arg5[%get3A_1053] {strides = array<i32>} : memref<12560xi32, #tpu.memory_space<vmem>>, vector<16xi32>,
      %add3A_1055 = arith.constant 1 : i32
      %add3A_1056 = arith.addi %add3A_1052, %add3A_1055 : i32
      %get3A_1057 = arith.index_cast %add3A_1056 : i32 to index
      %get3A_1058 = tpu.vector_load %arg5[%get3A_1057] {strides = array<i32>} : memref<12560xi32, #tpu.memory_space<vmem>>, vector<16xi32>,
      %get3A_1059 = arith.index_cast %add3A_1052 : i32 to index
      %get3A_1060 = tpu.vector_load %arg6[%get3A_1059] {strides = array<i32>} : memref<12544xf32, #tpu.memory_space<vmem>>, vector<16xf32>,
      %sub3A_1061 = vector.broadcast %mul3A_473 : i32 to vector<16xi32>
      %sub3A_1062 = arith.subi %get3A_1054, %sub3A_1061 : vector<16xi32>
      %ne3A_1063 = arith.cmpi ne, %get3A_1054, %get3A_1058 : vector<16xi32>
      tpu.vector_store_idx %arg7[%sub3A_1062], %get3A_1060 masked %ne3A_1063 : memref<50176xf32, #tpu.memory_space<vmem>>[vector<16xi32>], vector<16xf32>, vector<16xi1>
      %while3A_1064 = arith.constant 0 : i32
      scf.yield %while3A_1064 : i32
    }
    %dma_start3A_542 = arith.constant 0 : i32
    %dma_start3A_543 = tpu.memref_slice %arg4[%add3A_471, %dma_start3A_542] : memref<384x50176xf32, #tpu.memory_space<hbm>> -> memref<1x50176xf32, #tpu.memory_space<hbm>>
    %dma_start3A_544 = tpu.memref_squeeze %dma_start3A_543 : memref<1x50176xf32, #tpu.memory_space<hbm>> -> memref<50176xf32, #tpu.memory_space<hbm>>
    %dma_start3A_545 = arith.constant 0 : i32
    %dma_start3A_546 = tpu.memref_slice %arg4[%add3A_471, %dma_start3A_545] : memref<384x50176xf32, #tpu.memory_space<hbm>> -> memref<1x50176xf32, #tpu.memory_space<hbm>>
    %dma_start3A_547 = tpu.memref_squeeze %dma_start3A_546 : memref<1x50176xf32, #tpu.memory_space<hbm>> -> memref<50176xf32, #tpu.memory_space<hbm>>
    tpu.enqueue_dma source(%arg7 : memref<50176xf32, #tpu.memory_space<vmem>>) target(%dma_start3A_547 : memref<50176xf32, #tpu.memory_space<hbm>>) target_semaphore(%arg11 : memref<!tpu.dma_semaphore, #tpu.memory_space<semaphore_mem>>)
    %mul3A_548 = arith.constant 12 : i32
    %mul3A_549 = arith.muli %add3A, %mul3A_548 : i32
    %add3A_550 = arith.constant 7 : i32
    %add3A_551 = arith.addi %mul3A_549, %add3A_550 : i32
    %mul3A_552 = arith.constant 50176 : i32
    %mul3A_553 = arith.muli %add3A_551, %mul3A_552 : i32
    %dma_start3A_554 = arith.constant 0 : i32
    %dma_start3A_555 = tpu.memref_slice %arg5[%dma_start3A_554] : memref<12560xi32, #tpu.memory_space<vmem>> -> memref<12544xi32, #tpu.memory_space<vmem>>
    %dma_start3A_556 = arith.constant 0 : i32
    %dma_start3A_557 = tpu.memref_slice %arg3[%add3A_551, %dma_start3A_556] : memref<384x12544xi32, #tpu.memory_space<hbm>> -> memref<1x12544xi32, #tpu.memory_space<hbm>>
    %dma_start3A_558 = tpu.memref_squeeze %dma_start3A_557 : memref<1x12544xi32, #tpu.memory_space<hbm>> -> memref<12544xi32, #tpu.memory_space<hbm>>
    %dma_start3A_559 = arith.constant 0 : i32
    %dma_start3A_560 = tpu.memref_slice %arg5[%dma_start3A_559] : memref<12560xi32, #tpu.memory_space<vmem>> -> memref<12544xi32, #tpu.memory_space<vmem>>
    %dma_start3A_561 = arith.constant 0 : i32
    %dma_start3A_562 = tpu.memref_slice %arg3[%add3A_551, %dma_start3A_561] : memref<384x12544xi32, #tpu.memory_space<hbm>> -> memref<1x12544xi32, #tpu.memory_space<hbm>>
    %dma_start3A_563 = tpu.memref_squeeze %dma_start3A_562 : memref<1x12544xi32, #tpu.memory_space<hbm>> -> memref<12544xi32, #tpu.memory_space<hbm>>
    tpu.enqueue_dma source(%dma_start3A_563 : memref<12544xi32, #tpu.memory_space<hbm>>) target(%dma_start3A_560 : memref<12544xi32, #tpu.memory_space<vmem>>) target_semaphore(%arg9 : memref<!tpu.dma_semaphore, #tpu.memory_space<semaphore_mem>>)
    %dma_start3A_564 = arith.constant 0 : i32
    %dma_start3A_565 = tpu.memref_slice %arg2[%add3A_551, %dma_start3A_564] : memref<384x12544xf32, #tpu.memory_space<hbm>> -> memref<1x12544xf32, #tpu.memory_space<hbm>>
    %dma_start3A_566 = tpu.memref_squeeze %dma_start3A_565 : memref<1x12544xf32, #tpu.memory_space<hbm>> -> memref<12544xf32, #tpu.memory_space<hbm>>
    %dma_start3A_567 = arith.constant 0 : i32
    %dma_start3A_568 = tpu.memref_slice %arg2[%add3A_551, %dma_start3A_567] : memref<384x12544xf32, #tpu.memory_space<hbm>> -> memref<1x12544xf32, #tpu.memory_space<hbm>>
    %dma_start3A_569 = tpu.memref_squeeze %dma_start3A_568 : memref<1x12544xf32, #tpu.memory_space<hbm>> -> memref<12544xf32, #tpu.memory_space<hbm>>
    tpu.enqueue_dma source(%dma_start3A_569 : memref<12544xf32, #tpu.memory_space<hbm>>) target(%arg6 : memref<12544xf32, #tpu.memory_space<vmem>>) target_semaphore(%arg10 : memref<!tpu.dma_semaphore, #tpu.memory_space<semaphore_mem>>)
    %dma_wait3A_570 = arith.constant 0 : i32
    %dma_wait3A_571 = tpu.memref_slice %arg4[%add3A_391, %dma_wait3A_570] : memref<384x50176xf32, #tpu.memory_space<hbm>> -> memref<1x50176xf32, #tpu.memory_space<hbm>>
    %dma_wait3A_572 = tpu.memref_squeeze %dma_wait3A_571 : memref<1x50176xf32, #tpu.memory_space<hbm>> -> memref<50176xf32, #tpu.memory_space<hbm>>
    %dma_wait3A_573 = arith.constant 0 : i32
    %dma_wait3A_574 = tpu.memref_slice %arg4[%add3A_391, %dma_wait3A_573] : memref<384x50176xf32, #tpu.memory_space<hbm>> -> memref<1x50176xf32, #tpu.memory_space<hbm>>
    %dma_wait3A_575 = tpu.memref_squeeze %dma_wait3A_574 : memref<1x50176xf32, #tpu.memory_space<hbm>> -> memref<50176xf32, #tpu.memory_space<hbm>>
    tpu.wait_dma2 semaphore(%arg12 : memref<!tpu.dma_semaphore, #tpu.memory_space<semaphore_mem>>) src(%arg8 : memref<50176xf32, #tpu.memory_space<vmem>>) dst(%dma_wait3A_575 : memref<50176xf32, #tpu.memory_space<hbm>>)
    %broadcast_in_dim3A_576 = arith.constant 0.000000e+00 : f32
    %broadcast_in_dim3A_577 = vector.broadcast %broadcast_in_dim3A_576 : f32 to vector<16xf32>
    %while3A_578 = arith.constant 128 : i32
    %while3A_579 = arith.constant 0 : i32
    %while3A_580 = arith.constant 392 : i32
    %while3A_581 = arith.constant 0 : i32
    %while3A_582 = arith.subi %while3A_580, %while3A_579 : i32
    %while3A_583 = arith.addi %while3A_579, %while3A_582 : i32
    %while3A_584 = arith.constant 1 : i32
    %while3A_585 = arith.divsi %while3A_582, %while3A_584 : i32
    %while3A_586 = arith.muli %while3A_585, %while3A_584 : i32
    %while3A_587 = arith.addi %while3A_579, %while3A_586 : i32
    %while3A_588 = arith.constant 1 : i32
    %while3A_589 = scf.for %while3A_960 = %while3A_579 to %while3A_587 step %while3A_588 iter_args(%while3A_961 = %while3A_581) -> (i32)  : i32 {
      %mul3A_962 = arith.muli %while3A_960, %while3A_578 : i32
      %add3A_963 = arith.constant 0 : i32
      %add3A_964 = arith.addi %mul3A_962, %add3A_963 : i32
      %swap3A_965 = arith.index_cast %add3A_964 : i32 to index
      %swap3A_966 = tpu.vector_load %arg8[%swap3A_965] {strides = array<i32>} : memref<50176xf32, #tpu.memory_space<vmem>>, vector<16xf32>,
      tpu.vector_store %arg8[%swap3A_965], %broadcast_in_dim3A_577 {strides = array<i32>} : memref<50176xf32, #tpu.memory_space<vmem>>, vector<16xf32>,
      %add3A_967 = arith.constant 16 : i32
      %add3A_968 = arith.addi %mul3A_962, %add3A_967 : i32
      %swap3A_969 = arith.index_cast %add3A_968 : i32 to index
      %swap3A_970 = tpu.vector_load %arg8[%swap3A_969] {strides = array<i32>} : memref<50176xf32, #tpu.memory_space<vmem>>, vector<16xf32>,
      tpu.vector_store %arg8[%swap3A_969], %broadcast_in_dim3A_577 {strides = array<i32>} : memref<50176xf32, #tpu.memory_space<vmem>>, vector<16xf32>,
      %add3A_971 = arith.constant 32 : i32
      %add3A_972 = arith.addi %mul3A_962, %add3A_971 : i32
      %swap3A_973 = arith.index_cast %add3A_972 : i32 to index
      %swap3A_974 = tpu.vector_load %arg8[%swap3A_973] {strides = array<i32>} : memref<50176xf32, #tpu.memory_space<vmem>>, vector<16xf32>,
      tpu.vector_store %arg8[%swap3A_973], %broadcast_in_dim3A_577 {strides = array<i32>} : memref<50176xf32, #tpu.memory_space<vmem>>, vector<16xf32>,
      %add3A_975 = arith.constant 48 : i32
      %add3A_976 = arith.addi %mul3A_962, %add3A_975 : i32
      %swap3A_977 = arith.index_cast %add3A_976 : i32 to index
      %swap3A_978 = tpu.vector_load %arg8[%swap3A_977] {strides = array<i32>} : memref<50176xf32, #tpu.memory_space<vmem>>, vector<16xf32>,
      tpu.vector_store %arg8[%swap3A_977], %broadcast_in_dim3A_577 {strides = array<i32>} : memref<50176xf32, #tpu.memory_space<vmem>>, vector<16xf32>,
      %add3A_979 = arith.constant 64 : i32
      %add3A_980 = arith.addi %mul3A_962, %add3A_979 : i32
      %swap3A_981 = arith.index_cast %add3A_980 : i32 to index
      %swap3A_982 = tpu.vector_load %arg8[%swap3A_981] {strides = array<i32>} : memref<50176xf32, #tpu.memory_space<vmem>>, vector<16xf32>,
      tpu.vector_store %arg8[%swap3A_981], %broadcast_in_dim3A_577 {strides = array<i32>} : memref<50176xf32, #tpu.memory_space<vmem>>, vector<16xf32>,
      %add3A_983 = arith.constant 80 : i32
      %add3A_984 = arith.addi %mul3A_962, %add3A_983 : i32
      %swap3A_985 = arith.index_cast %add3A_984 : i32 to index
      %swap3A_986 = tpu.vector_load %arg8[%swap3A_985] {strides = array<i32>} : memref<50176xf32, #tpu.memory_space<vmem>>, vector<16xf32>,
      tpu.vector_store %arg8[%swap3A_985], %broadcast_in_dim3A_577 {strides = array<i32>} : memref<50176xf32, #tpu.memory_space<vmem>>, vector<16xf32>,
      %add3A_987 = arith.constant 96 : i32
      %add3A_988 = arith.addi %mul3A_962, %add3A_987 : i32
      %swap3A_989 = arith.index_cast %add3A_988 : i32 to index
      %swap3A_990 = tpu.vector_load %arg8[%swap3A_989] {strides = array<i32>} : memref<50176xf32, #tpu.memory_space<vmem>>, vector<16xf32>,
      tpu.vector_store %arg8[%swap3A_989], %broadcast_in_dim3A_577 {strides = array<i32>} : memref<50176xf32, #tpu.memory_space<vmem>>, vector<16xf32>,
      %add3A_991 = arith.constant 112 : i32
      %add3A_992 = arith.addi %mul3A_962, %add3A_991 : i32
      %swap3A_993 = arith.index_cast %add3A_992 : i32 to index
      %swap3A_994 = tpu.vector_load %arg8[%swap3A_993] {strides = array<i32>} : memref<50176xf32, #tpu.memory_space<vmem>>, vector<16xf32>,
      tpu.vector_store %arg8[%swap3A_993], %broadcast_in_dim3A_577 {strides = array<i32>} : memref<50176xf32, #tpu.memory_space<vmem>>, vector<16xf32>,
      %while3A_995 = arith.constant 0 : i32
      scf.yield %while3A_995 : i32
    }
    %while3A_590 = arith.constant 1 : i32
    %while3A_591 = scf.for %while3A_960 = %while3A_587 to %while3A_583 step %while3A_590 iter_args(%while3A_961 = %while3A_589) -> (i32)  : i32 {
      %mul3A_962 = arith.muli %while3A_960, %while3A_578 : i32
      %add3A_963 = arith.constant 0 : i32
      %add3A_964 = arith.addi %mul3A_962, %add3A_963 : i32
      %swap3A_965 = arith.index_cast %add3A_964 : i32 to index
      %swap3A_966 = tpu.vector_load %arg8[%swap3A_965] {strides = array<i32>} : memref<50176xf32, #tpu.memory_space<vmem>>, vector<16xf32>,
      tpu.vector_store %arg8[%swap3A_965], %broadcast_in_dim3A_577 {strides = array<i32>} : memref<50176xf32, #tpu.memory_space<vmem>>, vector<16xf32>,
      %add3A_967 = arith.constant 16 : i32
      %add3A_968 = arith.addi %mul3A_962, %add3A_967 : i32
      %swap3A_969 = arith.index_cast %add3A_968 : i32 to index
      %swap3A_970 = tpu.vector_load %arg8[%swap3A_969] {strides = array<i32>} : memref<50176xf32, #tpu.memory_space<vmem>>, vector<16xf32>,
      tpu.vector_store %arg8[%swap3A_969], %broadcast_in_dim3A_577 {strides = array<i32>} : memref<50176xf32, #tpu.memory_space<vmem>>, vector<16xf32>,
      %add3A_971 = arith.constant 32 : i32
      %add3A_972 = arith.addi %mul3A_962, %add3A_971 : i32
      %swap3A_973 = arith.index_cast %add3A_972 : i32 to index
      %swap3A_974 = tpu.vector_load %arg8[%swap3A_973] {strides = array<i32>} : memref<50176xf32, #tpu.memory_space<vmem>>, vector<16xf32>,
      tpu.vector_store %arg8[%swap3A_973], %broadcast_in_dim3A_577 {strides = array<i32>} : memref<50176xf32, #tpu.memory_space<vmem>>, vector<16xf32>,
      %add3A_975 = arith.constant 48 : i32
      %add3A_976 = arith.addi %mul3A_962, %add3A_975 : i32
      %swap3A_977 = arith.index_cast %add3A_976 : i32 to index
      %swap3A_978 = tpu.vector_load %arg8[%swap3A_977] {strides = array<i32>} : memref<50176xf32, #tpu.memory_space<vmem>>, vector<16xf32>,
      tpu.vector_store %arg8[%swap3A_977], %broadcast_in_dim3A_577 {strides = array<i32>} : memref<50176xf32, #tpu.memory_space<vmem>>, vector<16xf32>,
      %add3A_979 = arith.constant 64 : i32
      %add3A_980 = arith.addi %mul3A_962, %add3A_979 : i32
      %swap3A_981 = arith.index_cast %add3A_980 : i32 to index
      %swap3A_982 = tpu.vector_load %arg8[%swap3A_981] {strides = array<i32>} : memref<50176xf32, #tpu.memory_space<vmem>>, vector<16xf32>,
      tpu.vector_store %arg8[%swap3A_981], %broadcast_in_dim3A_577 {strides = array<i32>} : memref<50176xf32, #tpu.memory_space<vmem>>, vector<16xf32>,
      %add3A_983 = arith.constant 80 : i32
      %add3A_984 = arith.addi %mul3A_962, %add3A_983 : i32
      %swap3A_985 = arith.index_cast %add3A_984 : i32 to index
      %swap3A_986 = tpu.vector_load %arg8[%swap3A_985] {strides = array<i32>} : memref<50176xf32, #tpu.memory_space<vmem>>, vector<16xf32>,
      tpu.vector_store %arg8[%swap3A_985], %broadcast_in_dim3A_577 {strides = array<i32>} : memref<50176xf32, #tpu.memory_space<vmem>>, vector<16xf32>,
      %add3A_987 = arith.constant 96 : i32
      %add3A_988 = arith.addi %mul3A_962, %add3A_987 : i32
      %swap3A_989 = arith.index_cast %add3A_988 : i32 to index
      %swap3A_990 = tpu.vector_load %arg8[%swap3A_989] {strides = array<i32>} : memref<50176xf32, #tpu.memory_space<vmem>>, vector<16xf32>,
      tpu.vector_store %arg8[%swap3A_989], %broadcast_in_dim3A_577 {strides = array<i32>} : memref<50176xf32, #tpu.memory_space<vmem>>, vector<16xf32>,
      %add3A_991 = arith.constant 112 : i32
      %add3A_992 = arith.addi %mul3A_962, %add3A_991 : i32
      %swap3A_993 = arith.index_cast %add3A_992 : i32 to index
      %swap3A_994 = tpu.vector_load %arg8[%swap3A_993] {strides = array<i32>} : memref<50176xf32, #tpu.memory_space<vmem>>, vector<16xf32>,
      tpu.vector_store %arg8[%swap3A_993], %broadcast_in_dim3A_577 {strides = array<i32>} : memref<50176xf32, #tpu.memory_space<vmem>>, vector<16xf32>,
      %while3A_995 = arith.constant 0 : i32
      scf.yield %while3A_995 : i32
    }
    %dma_wait3A_592 = arith.constant 0 : i32
    %dma_wait3A_593 = tpu.memref_slice %arg5[%dma_wait3A_592] : memref<12560xi32, #tpu.memory_space<vmem>> -> memref<12544xi32, #tpu.memory_space<vmem>>
    %dma_wait3A_594 = arith.constant 0 : i32
    %dma_wait3A_595 = tpu.memref_slice %arg3[%add3A_551, %dma_wait3A_594] : memref<384x12544xi32, #tpu.memory_space<hbm>> -> memref<1x12544xi32, #tpu.memory_space<hbm>>
    %dma_wait3A_596 = tpu.memref_squeeze %dma_wait3A_595 : memref<1x12544xi32, #tpu.memory_space<hbm>> -> memref<12544xi32, #tpu.memory_space<hbm>>
    %dma_wait3A_597 = arith.constant 0 : i32
    %dma_wait3A_598 = tpu.memref_slice %arg5[%dma_wait3A_597] : memref<12560xi32, #tpu.memory_space<vmem>> -> memref<12544xi32, #tpu.memory_space<vmem>>
    %dma_wait3A_599 = arith.constant 0 : i32
    %dma_wait3A_600 = tpu.memref_slice %arg3[%add3A_551, %dma_wait3A_599] : memref<384x12544xi32, #tpu.memory_space<hbm>> -> memref<1x12544xi32, #tpu.memory_space<hbm>>
    %dma_wait3A_601 = tpu.memref_squeeze %dma_wait3A_600 : memref<1x12544xi32, #tpu.memory_space<hbm>> -> memref<12544xi32, #tpu.memory_space<hbm>>
    tpu.wait_dma2 semaphore(%arg9 : memref<!tpu.dma_semaphore, #tpu.memory_space<semaphore_mem>>) src(%dma_wait3A_601 : memref<12544xi32, #tpu.memory_space<hbm>>) dst(%dma_wait3A_598 : memref<12544xi32, #tpu.memory_space<vmem>>)
    %dma_wait3A_602 = arith.constant 0 : i32
    %dma_wait3A_603 = tpu.memref_slice %arg2[%add3A_551, %dma_wait3A_602] : memref<384x12544xf32, #tpu.memory_space<hbm>> -> memref<1x12544xf32, #tpu.memory_space<hbm>>
    %dma_wait3A_604 = tpu.memref_squeeze %dma_wait3A_603 : memref<1x12544xf32, #tpu.memory_space<hbm>> -> memref<12544xf32, #tpu.memory_space<hbm>>
    %dma_wait3A_605 = arith.constant 0 : i32
    %dma_wait3A_606 = tpu.memref_slice %arg2[%add3A_551, %dma_wait3A_605] : memref<384x12544xf32, #tpu.memory_space<hbm>> -> memref<1x12544xf32, #tpu.memory_space<hbm>>
    %dma_wait3A_607 = tpu.memref_squeeze %dma_wait3A_606 : memref<1x12544xf32, #tpu.memory_space<hbm>> -> memref<12544xf32, #tpu.memory_space<hbm>>
    tpu.wait_dma2 semaphore(%arg10 : memref<!tpu.dma_semaphore, #tpu.memory_space<semaphore_mem>>) src(%dma_wait3A_607 : memref<12544xf32, #tpu.memory_space<hbm>>) dst(%arg6 : memref<12544xf32, #tpu.memory_space<vmem>>)
    %while3A_608 = arith.constant 128 : i32
    %while3A_609 = arith.constant 0 : i32
    %while3A_610 = arith.constant 98 : i32
    %while3A_611 = arith.constant 0 : i32
    %while3A_612 = arith.subi %while3A_610, %while3A_609 : i32
    %while3A_613 = arith.addi %while3A_609, %while3A_612 : i32
    %while3A_614 = arith.constant 1 : i32
    %while3A_615 = arith.divsi %while3A_612, %while3A_614 : i32
    %while3A_616 = arith.muli %while3A_615, %while3A_614 : i32
    %while3A_617 = arith.addi %while3A_609, %while3A_616 : i32
    %while3A_618 = arith.constant 1 : i32
    %while3A_619 = scf.for %while3A_960 = %while3A_609 to %while3A_617 step %while3A_618 iter_args(%while3A_961 = %while3A_611) -> (i32)  : i32 {
      %mul3A_962 = arith.muli %while3A_960, %while3A_608 : i32
      %add3A_963 = arith.constant 0 : i32
      %add3A_964 = arith.addi %mul3A_962, %add3A_963 : i32
      %get3A = arith.index_cast %add3A_964 : i32 to index
      %get3A_965 = tpu.vector_load %arg5[%get3A] {strides = array<i32>} : memref<12560xi32, #tpu.memory_space<vmem>>, vector<16xi32>,
      %add3A_966 = arith.constant 1 : i32
      %add3A_967 = arith.addi %add3A_964, %add3A_966 : i32
      %get3A_968 = arith.index_cast %add3A_967 : i32 to index
      %get3A_969 = tpu.vector_load %arg5[%get3A_968] {strides = array<i32>} : memref<12560xi32, #tpu.memory_space<vmem>>, vector<16xi32>,
      %get3A_970 = arith.index_cast %add3A_964 : i32 to index
      %get3A_971 = tpu.vector_load %arg6[%get3A_970] {strides = array<i32>} : memref<12544xf32, #tpu.memory_space<vmem>>, vector<16xf32>,
      %sub3A = vector.broadcast %mul3A_553 : i32 to vector<16xi32>
      %sub3A_972 = arith.subi %get3A_965, %sub3A : vector<16xi32>
      %ne3A = arith.cmpi ne, %get3A_965, %get3A_969 : vector<16xi32>
      tpu.vector_store_idx %arg8[%sub3A_972], %get3A_971 masked %ne3A : memref<50176xf32, #tpu.memory_space<vmem>>[vector<16xi32>], vector<16xf32>, vector<16xi1>
      %add3A_973 = arith.constant 16 : i32
      %add3A_974 = arith.addi %mul3A_962, %add3A_973 : i32
      %get3A_975 = arith.index_cast %add3A_974 : i32 to index
      %get3A_976 = tpu.vector_load %arg5[%get3A_975] {strides = array<i32>} : memref<12560xi32, #tpu.memory_space<vmem>>, vector<16xi32>,
      %add3A_977 = arith.constant 1 : i32
      %add3A_978 = arith.addi %add3A_974, %add3A_977 : i32
      %get3A_979 = arith.index_cast %add3A_978 : i32 to index
      %get3A_980 = tpu.vector_load %arg5[%get3A_979] {strides = array<i32>} : memref<12560xi32, #tpu.memory_space<vmem>>, vector<16xi32>,
      %get3A_981 = arith.index_cast %add3A_974 : i32 to index
      %get3A_982 = tpu.vector_load %arg6[%get3A_981] {strides = array<i32>} : memref<12544xf32, #tpu.memory_space<vmem>>, vector<16xf32>,
      %sub3A_983 = vector.broadcast %mul3A_553 : i32 to vector<16xi32>
      %sub3A_984 = arith.subi %get3A_976, %sub3A_983 : vector<16xi32>
      %ne3A_985 = arith.cmpi ne, %get3A_976, %get3A_980 : vector<16xi32>
      tpu.vector_store_idx %arg8[%sub3A_984], %get3A_982 masked %ne3A_985 : memref<50176xf32, #tpu.memory_space<vmem>>[vector<16xi32>], vector<16xf32>, vector<16xi1>
      %add3A_986 = arith.constant 32 : i32
      %add3A_987 = arith.addi %mul3A_962, %add3A_986 : i32
      %get3A_988 = arith.index_cast %add3A_987 : i32 to index
      %get3A_989 = tpu.vector_load %arg5[%get3A_988] {strides = array<i32>} : memref<12560xi32, #tpu.memory_space<vmem>>, vector<16xi32>,
      %add3A_990 = arith.constant 1 : i32
      %add3A_991 = arith.addi %add3A_987, %add3A_990 : i32
      %get3A_992 = arith.index_cast %add3A_991 : i32 to index
      %get3A_993 = tpu.vector_load %arg5[%get3A_992] {strides = array<i32>} : memref<12560xi32, #tpu.memory_space<vmem>>, vector<16xi32>,
      %get3A_994 = arith.index_cast %add3A_987 : i32 to index
      %get3A_995 = tpu.vector_load %arg6[%get3A_994] {strides = array<i32>} : memref<12544xf32, #tpu.memory_space<vmem>>, vector<16xf32>,
      %sub3A_996 = vector.broadcast %mul3A_553 : i32 to vector<16xi32>
      %sub3A_997 = arith.subi %get3A_989, %sub3A_996 : vector<16xi32>
      %ne3A_998 = arith.cmpi ne, %get3A_989, %get3A_993 : vector<16xi32>
      tpu.vector_store_idx %arg8[%sub3A_997], %get3A_995 masked %ne3A_998 : memref<50176xf32, #tpu.memory_space<vmem>>[vector<16xi32>], vector<16xf32>, vector<16xi1>
      %add3A_999 = arith.constant 48 : i32
      %add3A_1000 = arith.addi %mul3A_962, %add3A_999 : i32
      %get3A_1001 = arith.index_cast %add3A_1000 : i32 to index
      %get3A_1002 = tpu.vector_load %arg5[%get3A_1001] {strides = array<i32>} : memref<12560xi32, #tpu.memory_space<vmem>>, vector<16xi32>,
      %add3A_1003 = arith.constant 1 : i32
      %add3A_1004 = arith.addi %add3A_1000, %add3A_1003 : i32
      %get3A_1005 = arith.index_cast %add3A_1004 : i32 to index
      %get3A_1006 = tpu.vector_load %arg5[%get3A_1005] {strides = array<i32>} : memref<12560xi32, #tpu.memory_space<vmem>>, vector<16xi32>,
      %get3A_1007 = arith.index_cast %add3A_1000 : i32 to index
      %get3A_1008 = tpu.vector_load %arg6[%get3A_1007] {strides = array<i32>} : memref<12544xf32, #tpu.memory_space<vmem>>, vector<16xf32>,
      %sub3A_1009 = vector.broadcast %mul3A_553 : i32 to vector<16xi32>
      %sub3A_1010 = arith.subi %get3A_1002, %sub3A_1009 : vector<16xi32>
      %ne3A_1011 = arith.cmpi ne, %get3A_1002, %get3A_1006 : vector<16xi32>
      tpu.vector_store_idx %arg8[%sub3A_1010], %get3A_1008 masked %ne3A_1011 : memref<50176xf32, #tpu.memory_space<vmem>>[vector<16xi32>], vector<16xf32>, vector<16xi1>
      %add3A_1012 = arith.constant 64 : i32
      %add3A_1013 = arith.addi %mul3A_962, %add3A_1012 : i32
      %get3A_1014 = arith.index_cast %add3A_1013 : i32 to index
      %get3A_1015 = tpu.vector_load %arg5[%get3A_1014] {strides = array<i32>} : memref<12560xi32, #tpu.memory_space<vmem>>, vector<16xi32>,
      %add3A_1016 = arith.constant 1 : i32
      %add3A_1017 = arith.addi %add3A_1013, %add3A_1016 : i32
      %get3A_1018 = arith.index_cast %add3A_1017 : i32 to index
      %get3A_1019 = tpu.vector_load %arg5[%get3A_1018] {strides = array<i32>} : memref<12560xi32, #tpu.memory_space<vmem>>, vector<16xi32>,
      %get3A_1020 = arith.index_cast %add3A_1013 : i32 to index
      %get3A_1021 = tpu.vector_load %arg6[%get3A_1020] {strides = array<i32>} : memref<12544xf32, #tpu.memory_space<vmem>>, vector<16xf32>,
      %sub3A_1022 = vector.broadcast %mul3A_553 : i32 to vector<16xi32>
      %sub3A_1023 = arith.subi %get3A_1015, %sub3A_1022 : vector<16xi32>
      %ne3A_1024 = arith.cmpi ne, %get3A_1015, %get3A_1019 : vector<16xi32>
      tpu.vector_store_idx %arg8[%sub3A_1023], %get3A_1021 masked %ne3A_1024 : memref<50176xf32, #tpu.memory_space<vmem>>[vector<16xi32>], vector<16xf32>, vector<16xi1>
      %add3A_1025 = arith.constant 80 : i32
      %add3A_1026 = arith.addi %mul3A_962, %add3A_1025 : i32
      %get3A_1027 = arith.index_cast %add3A_1026 : i32 to index
      %get3A_1028 = tpu.vector_load %arg5[%get3A_1027] {strides = array<i32>} : memref<12560xi32, #tpu.memory_space<vmem>>, vector<16xi32>,
      %add3A_1029 = arith.constant 1 : i32
      %add3A_1030 = arith.addi %add3A_1026, %add3A_1029 : i32
      %get3A_1031 = arith.index_cast %add3A_1030 : i32 to index
      %get3A_1032 = tpu.vector_load %arg5[%get3A_1031] {strides = array<i32>} : memref<12560xi32, #tpu.memory_space<vmem>>, vector<16xi32>,
      %get3A_1033 = arith.index_cast %add3A_1026 : i32 to index
      %get3A_1034 = tpu.vector_load %arg6[%get3A_1033] {strides = array<i32>} : memref<12544xf32, #tpu.memory_space<vmem>>, vector<16xf32>,
      %sub3A_1035 = vector.broadcast %mul3A_553 : i32 to vector<16xi32>
      %sub3A_1036 = arith.subi %get3A_1028, %sub3A_1035 : vector<16xi32>
      %ne3A_1037 = arith.cmpi ne, %get3A_1028, %get3A_1032 : vector<16xi32>
      tpu.vector_store_idx %arg8[%sub3A_1036], %get3A_1034 masked %ne3A_1037 : memref<50176xf32, #tpu.memory_space<vmem>>[vector<16xi32>], vector<16xf32>, vector<16xi1>
      %add3A_1038 = arith.constant 96 : i32
      %add3A_1039 = arith.addi %mul3A_962, %add3A_1038 : i32
      %get3A_1040 = arith.index_cast %add3A_1039 : i32 to index
      %get3A_1041 = tpu.vector_load %arg5[%get3A_1040] {strides = array<i32>} : memref<12560xi32, #tpu.memory_space<vmem>>, vector<16xi32>,
      %add3A_1042 = arith.constant 1 : i32
      %add3A_1043 = arith.addi %add3A_1039, %add3A_1042 : i32
      %get3A_1044 = arith.index_cast %add3A_1043 : i32 to index
      %get3A_1045 = tpu.vector_load %arg5[%get3A_1044] {strides = array<i32>} : memref<12560xi32, #tpu.memory_space<vmem>>, vector<16xi32>,
      %get3A_1046 = arith.index_cast %add3A_1039 : i32 to index
      %get3A_1047 = tpu.vector_load %arg6[%get3A_1046] {strides = array<i32>} : memref<12544xf32, #tpu.memory_space<vmem>>, vector<16xf32>,
      %sub3A_1048 = vector.broadcast %mul3A_553 : i32 to vector<16xi32>
      %sub3A_1049 = arith.subi %get3A_1041, %sub3A_1048 : vector<16xi32>
      %ne3A_1050 = arith.cmpi ne, %get3A_1041, %get3A_1045 : vector<16xi32>
      tpu.vector_store_idx %arg8[%sub3A_1049], %get3A_1047 masked %ne3A_1050 : memref<50176xf32, #tpu.memory_space<vmem>>[vector<16xi32>], vector<16xf32>, vector<16xi1>
      %add3A_1051 = arith.constant 112 : i32
      %add3A_1052 = arith.addi %mul3A_962, %add3A_1051 : i32
      %get3A_1053 = arith.index_cast %add3A_1052 : i32 to index
      %get3A_1054 = tpu.vector_load %arg5[%get3A_1053] {strides = array<i32>} : memref<12560xi32, #tpu.memory_space<vmem>>, vector<16xi32>,
      %add3A_1055 = arith.constant 1 : i32
      %add3A_1056 = arith.addi %add3A_1052, %add3A_1055 : i32
      %get3A_1057 = arith.index_cast %add3A_1056 : i32 to index
      %get3A_1058 = tpu.vector_load %arg5[%get3A_1057] {strides = array<i32>} : memref<12560xi32, #tpu.memory_space<vmem>>, vector<16xi32>,
      %get3A_1059 = arith.index_cast %add3A_1052 : i32 to index
      %get3A_1060 = tpu.vector_load %arg6[%get3A_1059] {strides = array<i32>} : memref<12544xf32, #tpu.memory_space<vmem>>, vector<16xf32>,
      %sub3A_1061 = vector.broadcast %mul3A_553 : i32 to vector<16xi32>
      %sub3A_1062 = arith.subi %get3A_1054, %sub3A_1061 : vector<16xi32>
      %ne3A_1063 = arith.cmpi ne, %get3A_1054, %get3A_1058 : vector<16xi32>
      tpu.vector_store_idx %arg8[%sub3A_1062], %get3A_1060 masked %ne3A_1063 : memref<50176xf32, #tpu.memory_space<vmem>>[vector<16xi32>], vector<16xf32>, vector<16xi1>
      %while3A_1064 = arith.constant 0 : i32
      scf.yield %while3A_1064 : i32
    }
    %while3A_620 = arith.constant 1 : i32
    %while3A_621 = scf.for %while3A_960 = %while3A_617 to %while3A_613 step %while3A_620 iter_args(%while3A_961 = %while3A_619) -> (i32)  : i32 {
      %mul3A_962 = arith.muli %while3A_960, %while3A_608 : i32
      %add3A_963 = arith.constant 0 : i32
      %add3A_964 = arith.addi %mul3A_962, %add3A_963 : i32
      %get3A = arith.index_cast %add3A_964 : i32 to index
      %get3A_965 = tpu.vector_load %arg5[%get3A] {strides = array<i32>} : memref<12560xi32, #tpu.memory_space<vmem>>, vector<16xi32>,
      %add3A_966 = arith.constant 1 : i32
      %add3A_967 = arith.addi %add3A_964, %add3A_966 : i32
      %get3A_968 = arith.index_cast %add3A_967 : i32 to index
      %get3A_969 = tpu.vector_load %arg5[%get3A_968] {strides = array<i32>} : memref<12560xi32, #tpu.memory_space<vmem>>, vector<16xi32>,
      %get3A_970 = arith.index_cast %add3A_964 : i32 to index
      %get3A_971 = tpu.vector_load %arg6[%get3A_970] {strides = array<i32>} : memref<12544xf32, #tpu.memory_space<vmem>>, vector<16xf32>,
      %sub3A = vector.broadcast %mul3A_553 : i32 to vector<16xi32>
      %sub3A_972 = arith.subi %get3A_965, %sub3A : vector<16xi32>
      %ne3A = arith.cmpi ne, %get3A_965, %get3A_969 : vector<16xi32>
      tpu.vector_store_idx %arg8[%sub3A_972], %get3A_971 masked %ne3A : memref<50176xf32, #tpu.memory_space<vmem>>[vector<16xi32>], vector<16xf32>, vector<16xi1>
      %add3A_973 = arith.constant 16 : i32
      %add3A_974 = arith.addi %mul3A_962, %add3A_973 : i32
      %get3A_975 = arith.index_cast %add3A_974 : i32 to index
      %get3A_976 = tpu.vector_load %arg5[%get3A_975] {strides = array<i32>} : memref<12560xi32, #tpu.memory_space<vmem>>, vector<16xi32>,
      %add3A_977 = arith.constant 1 : i32
      %add3A_978 = arith.addi %add3A_974, %add3A_977 : i32
      %get3A_979 = arith.index_cast %add3A_978 : i32 to index
      %get3A_980 = tpu.vector_load %arg5[%get3A_979] {strides = array<i32>} : memref<12560xi32, #tpu.memory_space<vmem>>, vector<16xi32>,
      %get3A_981 = arith.index_cast %add3A_974 : i32 to index
      %get3A_982 = tpu.vector_load %arg6[%get3A_981] {strides = array<i32>} : memref<12544xf32, #tpu.memory_space<vmem>>, vector<16xf32>,
      %sub3A_983 = vector.broadcast %mul3A_553 : i32 to vector<16xi32>
      %sub3A_984 = arith.subi %get3A_976, %sub3A_983 : vector<16xi32>
      %ne3A_985 = arith.cmpi ne, %get3A_976, %get3A_980 : vector<16xi32>
      tpu.vector_store_idx %arg8[%sub3A_984], %get3A_982 masked %ne3A_985 : memref<50176xf32, #tpu.memory_space<vmem>>[vector<16xi32>], vector<16xf32>, vector<16xi1>
      %add3A_986 = arith.constant 32 : i32
      %add3A_987 = arith.addi %mul3A_962, %add3A_986 : i32
      %get3A_988 = arith.index_cast %add3A_987 : i32 to index
      %get3A_989 = tpu.vector_load %arg5[%get3A_988] {strides = array<i32>} : memref<12560xi32, #tpu.memory_space<vmem>>, vector<16xi32>,
      %add3A_990 = arith.constant 1 : i32
      %add3A_991 = arith.addi %add3A_987, %add3A_990 : i32
      %get3A_992 = arith.index_cast %add3A_991 : i32 to index
      %get3A_993 = tpu.vector_load %arg5[%get3A_992] {strides = array<i32>} : memref<12560xi32, #tpu.memory_space<vmem>>, vector<16xi32>,
      %get3A_994 = arith.index_cast %add3A_987 : i32 to index
      %get3A_995 = tpu.vector_load %arg6[%get3A_994] {strides = array<i32>} : memref<12544xf32, #tpu.memory_space<vmem>>, vector<16xf32>,
      %sub3A_996 = vector.broadcast %mul3A_553 : i32 to vector<16xi32>
      %sub3A_997 = arith.subi %get3A_989, %sub3A_996 : vector<16xi32>
      %ne3A_998 = arith.cmpi ne, %get3A_989, %get3A_993 : vector<16xi32>
      tpu.vector_store_idx %arg8[%sub3A_997], %get3A_995 masked %ne3A_998 : memref<50176xf32, #tpu.memory_space<vmem>>[vector<16xi32>], vector<16xf32>, vector<16xi1>
      %add3A_999 = arith.constant 48 : i32
      %add3A_1000 = arith.addi %mul3A_962, %add3A_999 : i32
      %get3A_1001 = arith.index_cast %add3A_1000 : i32 to index
      %get3A_1002 = tpu.vector_load %arg5[%get3A_1001] {strides = array<i32>} : memref<12560xi32, #tpu.memory_space<vmem>>, vector<16xi32>,
      %add3A_1003 = arith.constant 1 : i32
      %add3A_1004 = arith.addi %add3A_1000, %add3A_1003 : i32
      %get3A_1005 = arith.index_cast %add3A_1004 : i32 to index
      %get3A_1006 = tpu.vector_load %arg5[%get3A_1005] {strides = array<i32>} : memref<12560xi32, #tpu.memory_space<vmem>>, vector<16xi32>,
      %get3A_1007 = arith.index_cast %add3A_1000 : i32 to index
      %get3A_1008 = tpu.vector_load %arg6[%get3A_1007] {strides = array<i32>} : memref<12544xf32, #tpu.memory_space<vmem>>, vector<16xf32>,
      %sub3A_1009 = vector.broadcast %mul3A_553 : i32 to vector<16xi32>
      %sub3A_1010 = arith.subi %get3A_1002, %sub3A_1009 : vector<16xi32>
      %ne3A_1011 = arith.cmpi ne, %get3A_1002, %get3A_1006 : vector<16xi32>
      tpu.vector_store_idx %arg8[%sub3A_1010], %get3A_1008 masked %ne3A_1011 : memref<50176xf32, #tpu.memory_space<vmem>>[vector<16xi32>], vector<16xf32>, vector<16xi1>
      %add3A_1012 = arith.constant 64 : i32
      %add3A_1013 = arith.addi %mul3A_962, %add3A_1012 : i32
      %get3A_1014 = arith.index_cast %add3A_1013 : i32 to index
      %get3A_1015 = tpu.vector_load %arg5[%get3A_1014] {strides = array<i32>} : memref<12560xi32, #tpu.memory_space<vmem>>, vector<16xi32>,
      %add3A_1016 = arith.constant 1 : i32
      %add3A_1017 = arith.addi %add3A_1013, %add3A_1016 : i32
      %get3A_1018 = arith.index_cast %add3A_1017 : i32 to index
      %get3A_1019 = tpu.vector_load %arg5[%get3A_1018] {strides = array<i32>} : memref<12560xi32, #tpu.memory_space<vmem>>, vector<16xi32>,
      %get3A_1020 = arith.index_cast %add3A_1013 : i32 to index
      %get3A_1021 = tpu.vector_load %arg6[%get3A_1020] {strides = array<i32>} : memref<12544xf32, #tpu.memory_space<vmem>>, vector<16xf32>,
      %sub3A_1022 = vector.broadcast %mul3A_553 : i32 to vector<16xi32>
      %sub3A_1023 = arith.subi %get3A_1015, %sub3A_1022 : vector<16xi32>
      %ne3A_1024 = arith.cmpi ne, %get3A_1015, %get3A_1019 : vector<16xi32>
      tpu.vector_store_idx %arg8[%sub3A_1023], %get3A_1021 masked %ne3A_1024 : memref<50176xf32, #tpu.memory_space<vmem>>[vector<16xi32>], vector<16xf32>, vector<16xi1>
      %add3A_1025 = arith.constant 80 : i32
      %add3A_1026 = arith.addi %mul3A_962, %add3A_1025 : i32
      %get3A_1027 = arith.index_cast %add3A_1026 : i32 to index
      %get3A_1028 = tpu.vector_load %arg5[%get3A_1027] {strides = array<i32>} : memref<12560xi32, #tpu.memory_space<vmem>>, vector<16xi32>,
      %add3A_1029 = arith.constant 1 : i32
      %add3A_1030 = arith.addi %add3A_1026, %add3A_1029 : i32
      %get3A_1031 = arith.index_cast %add3A_1030 : i32 to index
      %get3A_1032 = tpu.vector_load %arg5[%get3A_1031] {strides = array<i32>} : memref<12560xi32, #tpu.memory_space<vmem>>, vector<16xi32>,
      %get3A_1033 = arith.index_cast %add3A_1026 : i32 to index
      %get3A_1034 = tpu.vector_load %arg6[%get3A_1033] {strides = array<i32>} : memref<12544xf32, #tpu.memory_space<vmem>>, vector<16xf32>,
      %sub3A_1035 = vector.broadcast %mul3A_553 : i32 to vector<16xi32>
      %sub3A_1036 = arith.subi %get3A_1028, %sub3A_1035 : vector<16xi32>
      %ne3A_1037 = arith.cmpi ne, %get3A_1028, %get3A_1032 : vector<16xi32>
      tpu.vector_store_idx %arg8[%sub3A_1036], %get3A_1034 masked %ne3A_1037 : memref<50176xf32, #tpu.memory_space<vmem>>[vector<16xi32>], vector<16xf32>, vector<16xi1>
      %add3A_1038 = arith.constant 96 : i32
      %add3A_1039 = arith.addi %mul3A_962, %add3A_1038 : i32
      %get3A_1040 = arith.index_cast %add3A_1039 : i32 to index
      %get3A_1041 = tpu.vector_load %arg5[%get3A_1040] {strides = array<i32>} : memref<12560xi32, #tpu.memory_space<vmem>>, vector<16xi32>,
      %add3A_1042 = arith.constant 1 : i32
      %add3A_1043 = arith.addi %add3A_1039, %add3A_1042 : i32
      %get3A_1044 = arith.index_cast %add3A_1043 : i32 to index
      %get3A_1045 = tpu.vector_load %arg5[%get3A_1044] {strides = array<i32>} : memref<12560xi32, #tpu.memory_space<vmem>>, vector<16xi32>,
      %get3A_1046 = arith.index_cast %add3A_1039 : i32 to index
      %get3A_1047 = tpu.vector_load %arg6[%get3A_1046] {strides = array<i32>} : memref<12544xf32, #tpu.memory_space<vmem>>, vector<16xf32>,
      %sub3A_1048 = vector.broadcast %mul3A_553 : i32 to vector<16xi32>
      %sub3A_1049 = arith.subi %get3A_1041, %sub3A_1048 : vector<16xi32>
      %ne3A_1050 = arith.cmpi ne, %get3A_1041, %get3A_1045 : vector<16xi32>
      tpu.vector_store_idx %arg8[%sub3A_1049], %get3A_1047 masked %ne3A_1050 : memref<50176xf32, #tpu.memory_space<vmem>>[vector<16xi32>], vector<16xf32>, vector<16xi1>
      %add3A_1051 = arith.constant 112 : i32
      %add3A_1052 = arith.addi %mul3A_962, %add3A_1051 : i32
      %get3A_1053 = arith.index_cast %add3A_1052 : i32 to index
      %get3A_1054 = tpu.vector_load %arg5[%get3A_1053] {strides = array<i32>} : memref<12560xi32, #tpu.memory_space<vmem>>, vector<16xi32>,
      %add3A_1055 = arith.constant 1 : i32
      %add3A_1056 = arith.addi %add3A_1052, %add3A_1055 : i32
      %get3A_1057 = arith.index_cast %add3A_1056 : i32 to index
      %get3A_1058 = tpu.vector_load %arg5[%get3A_1057] {strides = array<i32>} : memref<12560xi32, #tpu.memory_space<vmem>>, vector<16xi32>,
      %get3A_1059 = arith.index_cast %add3A_1052 : i32 to index
      %get3A_1060 = tpu.vector_load %arg6[%get3A_1059] {strides = array<i32>} : memref<12544xf32, #tpu.memory_space<vmem>>, vector<16xf32>,
      %sub3A_1061 = vector.broadcast %mul3A_553 : i32 to vector<16xi32>
      %sub3A_1062 = arith.subi %get3A_1054, %sub3A_1061 : vector<16xi32>
      %ne3A_1063 = arith.cmpi ne, %get3A_1054, %get3A_1058 : vector<16xi32>
      tpu.vector_store_idx %arg8[%sub3A_1062], %get3A_1060 masked %ne3A_1063 : memref<50176xf32, #tpu.memory_space<vmem>>[vector<16xi32>], vector<16xf32>, vector<16xi1>
      %while3A_1064 = arith.constant 0 : i32
      scf.yield %while3A_1064 : i32
    }
    %dma_start3A_622 = arith.constant 0 : i32
    %dma_start3A_623 = tpu.memref_slice %arg4[%add3A_551, %dma_start3A_622] : memref<384x50176xf32, #tpu.memory_space<hbm>> -> memref<1x50176xf32, #tpu.memory_space<hbm>>
    %dma_start3A_624 = tpu.memref_squeeze %dma_start3A_623 : memref<1x50176xf32, #tpu.memory_space<hbm>> -> memref<50176xf32, #tpu.memory_space<hbm>>
    %dma_start3A_625 = arith.constant 0 : i32
    %dma_start3A_626 = tpu.memref_slice %arg4[%add3A_551, %dma_start3A_625] : memref<384x50176xf32, #tpu.memory_space<hbm>> -> memref<1x50176xf32, #tpu.memory_space<hbm>>
    %dma_start3A_627 = tpu.memref_squeeze %dma_start3A_626 : memref<1x50176xf32, #tpu.memory_space<hbm>> -> memref<50176xf32, #tpu.memory_space<hbm>>
    tpu.enqueue_dma source(%arg8 : memref<50176xf32, #tpu.memory_space<vmem>>) target(%dma_start3A_627 : memref<50176xf32, #tpu.memory_space<hbm>>) target_semaphore(%arg12 : memref<!tpu.dma_semaphore, #tpu.memory_space<semaphore_mem>>)
    %mul3A_628 = arith.constant 12 : i32
    %mul3A_629 = arith.muli %add3A, %mul3A_628 : i32
    %add3A_630 = arith.constant 8 : i32
    %add3A_631 = arith.addi %mul3A_629, %add3A_630 : i32
    %mul3A_632 = arith.constant 50176 : i32
    %mul3A_633 = arith.muli %add3A_631, %mul3A_632 : i32
    %dma_start3A_634 = arith.constant 0 : i32
    %dma_start3A_635 = tpu.memref_slice %arg5[%dma_start3A_634] : memref<12560xi32, #tpu.memory_space<vmem>> -> memref<12544xi32, #tpu.memory_space<vmem>>
    %dma_start3A_636 = arith.constant 0 : i32
    %dma_start3A_637 = tpu.memref_slice %arg3[%add3A_631, %dma_start3A_636] : memref<384x12544xi32, #tpu.memory_space<hbm>> -> memref<1x12544xi32, #tpu.memory_space<hbm>>
    %dma_start3A_638 = tpu.memref_squeeze %dma_start3A_637 : memref<1x12544xi32, #tpu.memory_space<hbm>> -> memref<12544xi32, #tpu.memory_space<hbm>>
    %dma_start3A_639 = arith.constant 0 : i32
    %dma_start3A_640 = tpu.memref_slice %arg5[%dma_start3A_639] : memref<12560xi32, #tpu.memory_space<vmem>> -> memref<12544xi32, #tpu.memory_space<vmem>>
    %dma_start3A_641 = arith.constant 0 : i32
    %dma_start3A_642 = tpu.memref_slice %arg3[%add3A_631, %dma_start3A_641] : memref<384x12544xi32, #tpu.memory_space<hbm>> -> memref<1x12544xi32, #tpu.memory_space<hbm>>
    %dma_start3A_643 = tpu.memref_squeeze %dma_start3A_642 : memref<1x12544xi32, #tpu.memory_space<hbm>> -> memref<12544xi32, #tpu.memory_space<hbm>>
    tpu.enqueue_dma source(%dma_start3A_643 : memref<12544xi32, #tpu.memory_space<hbm>>) target(%dma_start3A_640 : memref<12544xi32, #tpu.memory_space<vmem>>) target_semaphore(%arg9 : memref<!tpu.dma_semaphore, #tpu.memory_space<semaphore_mem>>)
    %dma_start3A_644 = arith.constant 0 : i32
    %dma_start3A_645 = tpu.memref_slice %arg2[%add3A_631, %dma_start3A_644] : memref<384x12544xf32, #tpu.memory_space<hbm>> -> memref<1x12544xf32, #tpu.memory_space<hbm>>
    %dma_start3A_646 = tpu.memref_squeeze %dma_start3A_645 : memref<1x12544xf32, #tpu.memory_space<hbm>> -> memref<12544xf32, #tpu.memory_space<hbm>>
    %dma_start3A_647 = arith.constant 0 : i32
    %dma_start3A_648 = tpu.memref_slice %arg2[%add3A_631, %dma_start3A_647] : memref<384x12544xf32, #tpu.memory_space<hbm>> -> memref<1x12544xf32, #tpu.memory_space<hbm>>
    %dma_start3A_649 = tpu.memref_squeeze %dma_start3A_648 : memref<1x12544xf32, #tpu.memory_space<hbm>> -> memref<12544xf32, #tpu.memory_space<hbm>>
    tpu.enqueue_dma source(%dma_start3A_649 : memref<12544xf32, #tpu.memory_space<hbm>>) target(%arg6 : memref<12544xf32, #tpu.memory_space<vmem>>) target_semaphore(%arg10 : memref<!tpu.dma_semaphore, #tpu.memory_space<semaphore_mem>>)
    %dma_wait3A_650 = arith.constant 0 : i32
    %dma_wait3A_651 = tpu.memref_slice %arg4[%add3A_471, %dma_wait3A_650] : memref<384x50176xf32, #tpu.memory_space<hbm>> -> memref<1x50176xf32, #tpu.memory_space<hbm>>
    %dma_wait3A_652 = tpu.memref_squeeze %dma_wait3A_651 : memref<1x50176xf32, #tpu.memory_space<hbm>> -> memref<50176xf32, #tpu.memory_space<hbm>>
    %dma_wait3A_653 = arith.constant 0 : i32
    %dma_wait3A_654 = tpu.memref_slice %arg4[%add3A_471, %dma_wait3A_653] : memref<384x50176xf32, #tpu.memory_space<hbm>> -> memref<1x50176xf32, #tpu.memory_space<hbm>>
    %dma_wait3A_655 = tpu.memref_squeeze %dma_wait3A_654 : memref<1x50176xf32, #tpu.memory_space<hbm>> -> memref<50176xf32, #tpu.memory_space<hbm>>
    tpu.wait_dma2 semaphore(%arg11 : memref<!tpu.dma_semaphore, #tpu.memory_space<semaphore_mem>>) src(%arg7 : memref<50176xf32, #tpu.memory_space<vmem>>) dst(%dma_wait3A_655 : memref<50176xf32, #tpu.memory_space<hbm>>)
    %broadcast_in_dim3A_656 = arith.constant 0.000000e+00 : f32
    %broadcast_in_dim3A_657 = vector.broadcast %broadcast_in_dim3A_656 : f32 to vector<16xf32>
    %while3A_658 = arith.constant 128 : i32
    %while3A_659 = arith.constant 0 : i32
    %while3A_660 = arith.constant 392 : i32
    %while3A_661 = arith.constant 0 : i32
    %while3A_662 = arith.subi %while3A_660, %while3A_659 : i32
    %while3A_663 = arith.addi %while3A_659, %while3A_662 : i32
    %while3A_664 = arith.constant 1 : i32
    %while3A_665 = arith.divsi %while3A_662, %while3A_664 : i32
    %while3A_666 = arith.muli %while3A_665, %while3A_664 : i32
    %while3A_667 = arith.addi %while3A_659, %while3A_666 : i32
    %while3A_668 = arith.constant 1 : i32
    %while3A_669 = scf.for %while3A_960 = %while3A_659 to %while3A_667 step %while3A_668 iter_args(%while3A_961 = %while3A_661) -> (i32)  : i32 {
      %mul3A_962 = arith.muli %while3A_960, %while3A_658 : i32
      %add3A_963 = arith.constant 0 : i32
      %add3A_964 = arith.addi %mul3A_962, %add3A_963 : i32
      %swap3A_965 = arith.index_cast %add3A_964 : i32 to index
      %swap3A_966 = tpu.vector_load %arg7[%swap3A_965] {strides = array<i32>} : memref<50176xf32, #tpu.memory_space<vmem>>, vector<16xf32>,
      tpu.vector_store %arg7[%swap3A_965], %broadcast_in_dim3A_657 {strides = array<i32>} : memref<50176xf32, #tpu.memory_space<vmem>>, vector<16xf32>,
      %add3A_967 = arith.constant 16 : i32
      %add3A_968 = arith.addi %mul3A_962, %add3A_967 : i32
      %swap3A_969 = arith.index_cast %add3A_968 : i32 to index
      %swap3A_970 = tpu.vector_load %arg7[%swap3A_969] {strides = array<i32>} : memref<50176xf32, #tpu.memory_space<vmem>>, vector<16xf32>,
      tpu.vector_store %arg7[%swap3A_969], %broadcast_in_dim3A_657 {strides = array<i32>} : memref<50176xf32, #tpu.memory_space<vmem>>, vector<16xf32>,
      %add3A_971 = arith.constant 32 : i32
      %add3A_972 = arith.addi %mul3A_962, %add3A_971 : i32
      %swap3A_973 = arith.index_cast %add3A_972 : i32 to index
      %swap3A_974 = tpu.vector_load %arg7[%swap3A_973] {strides = array<i32>} : memref<50176xf32, #tpu.memory_space<vmem>>, vector<16xf32>,
      tpu.vector_store %arg7[%swap3A_973], %broadcast_in_dim3A_657 {strides = array<i32>} : memref<50176xf32, #tpu.memory_space<vmem>>, vector<16xf32>,
      %add3A_975 = arith.constant 48 : i32
      %add3A_976 = arith.addi %mul3A_962, %add3A_975 : i32
      %swap3A_977 = arith.index_cast %add3A_976 : i32 to index
      %swap3A_978 = tpu.vector_load %arg7[%swap3A_977] {strides = array<i32>} : memref<50176xf32, #tpu.memory_space<vmem>>, vector<16xf32>,
      tpu.vector_store %arg7[%swap3A_977], %broadcast_in_dim3A_657 {strides = array<i32>} : memref<50176xf32, #tpu.memory_space<vmem>>, vector<16xf32>,
      %add3A_979 = arith.constant 64 : i32
      %add3A_980 = arith.addi %mul3A_962, %add3A_979 : i32
      %swap3A_981 = arith.index_cast %add3A_980 : i32 to index
      %swap3A_982 = tpu.vector_load %arg7[%swap3A_981] {strides = array<i32>} : memref<50176xf32, #tpu.memory_space<vmem>>, vector<16xf32>,
      tpu.vector_store %arg7[%swap3A_981], %broadcast_in_dim3A_657 {strides = array<i32>} : memref<50176xf32, #tpu.memory_space<vmem>>, vector<16xf32>,
      %add3A_983 = arith.constant 80 : i32
      %add3A_984 = arith.addi %mul3A_962, %add3A_983 : i32
      %swap3A_985 = arith.index_cast %add3A_984 : i32 to index
      %swap3A_986 = tpu.vector_load %arg7[%swap3A_985] {strides = array<i32>} : memref<50176xf32, #tpu.memory_space<vmem>>, vector<16xf32>,
      tpu.vector_store %arg7[%swap3A_985], %broadcast_in_dim3A_657 {strides = array<i32>} : memref<50176xf32, #tpu.memory_space<vmem>>, vector<16xf32>,
      %add3A_987 = arith.constant 96 : i32
      %add3A_988 = arith.addi %mul3A_962, %add3A_987 : i32
      %swap3A_989 = arith.index_cast %add3A_988 : i32 to index
      %swap3A_990 = tpu.vector_load %arg7[%swap3A_989] {strides = array<i32>} : memref<50176xf32, #tpu.memory_space<vmem>>, vector<16xf32>,
      tpu.vector_store %arg7[%swap3A_989], %broadcast_in_dim3A_657 {strides = array<i32>} : memref<50176xf32, #tpu.memory_space<vmem>>, vector<16xf32>,
      %add3A_991 = arith.constant 112 : i32
      %add3A_992 = arith.addi %mul3A_962, %add3A_991 : i32
      %swap3A_993 = arith.index_cast %add3A_992 : i32 to index
      %swap3A_994 = tpu.vector_load %arg7[%swap3A_993] {strides = array<i32>} : memref<50176xf32, #tpu.memory_space<vmem>>, vector<16xf32>,
      tpu.vector_store %arg7[%swap3A_993], %broadcast_in_dim3A_657 {strides = array<i32>} : memref<50176xf32, #tpu.memory_space<vmem>>, vector<16xf32>,
      %while3A_995 = arith.constant 0 : i32
      scf.yield %while3A_995 : i32
    }
    %while3A_670 = arith.constant 1 : i32
    %while3A_671 = scf.for %while3A_960 = %while3A_667 to %while3A_663 step %while3A_670 iter_args(%while3A_961 = %while3A_669) -> (i32)  : i32 {
      %mul3A_962 = arith.muli %while3A_960, %while3A_658 : i32
      %add3A_963 = arith.constant 0 : i32
      %add3A_964 = arith.addi %mul3A_962, %add3A_963 : i32
      %swap3A_965 = arith.index_cast %add3A_964 : i32 to index
      %swap3A_966 = tpu.vector_load %arg7[%swap3A_965] {strides = array<i32>} : memref<50176xf32, #tpu.memory_space<vmem>>, vector<16xf32>,
      tpu.vector_store %arg7[%swap3A_965], %broadcast_in_dim3A_657 {strides = array<i32>} : memref<50176xf32, #tpu.memory_space<vmem>>, vector<16xf32>,
      %add3A_967 = arith.constant 16 : i32
      %add3A_968 = arith.addi %mul3A_962, %add3A_967 : i32
      %swap3A_969 = arith.index_cast %add3A_968 : i32 to index
      %swap3A_970 = tpu.vector_load %arg7[%swap3A_969] {strides = array<i32>} : memref<50176xf32, #tpu.memory_space<vmem>>, vector<16xf32>,
      tpu.vector_store %arg7[%swap3A_969], %broadcast_in_dim3A_657 {strides = array<i32>} : memref<50176xf32, #tpu.memory_space<vmem>>, vector<16xf32>,
      %add3A_971 = arith.constant 32 : i32
      %add3A_972 = arith.addi %mul3A_962, %add3A_971 : i32
      %swap3A_973 = arith.index_cast %add3A_972 : i32 to index
      %swap3A_974 = tpu.vector_load %arg7[%swap3A_973] {strides = array<i32>} : memref<50176xf32, #tpu.memory_space<vmem>>, vector<16xf32>,
      tpu.vector_store %arg7[%swap3A_973], %broadcast_in_dim3A_657 {strides = array<i32>} : memref<50176xf32, #tpu.memory_space<vmem>>, vector<16xf32>,
      %add3A_975 = arith.constant 48 : i32
      %add3A_976 = arith.addi %mul3A_962, %add3A_975 : i32
      %swap3A_977 = arith.index_cast %add3A_976 : i32 to index
      %swap3A_978 = tpu.vector_load %arg7[%swap3A_977] {strides = array<i32>} : memref<50176xf32, #tpu.memory_space<vmem>>, vector<16xf32>,
      tpu.vector_store %arg7[%swap3A_977], %broadcast_in_dim3A_657 {strides = array<i32>} : memref<50176xf32, #tpu.memory_space<vmem>>, vector<16xf32>,
      %add3A_979 = arith.constant 64 : i32
      %add3A_980 = arith.addi %mul3A_962, %add3A_979 : i32
      %swap3A_981 = arith.index_cast %add3A_980 : i32 to index
      %swap3A_982 = tpu.vector_load %arg7[%swap3A_981] {strides = array<i32>} : memref<50176xf32, #tpu.memory_space<vmem>>, vector<16xf32>,
      tpu.vector_store %arg7[%swap3A_981], %broadcast_in_dim3A_657 {strides = array<i32>} : memref<50176xf32, #tpu.memory_space<vmem>>, vector<16xf32>,
      %add3A_983 = arith.constant 80 : i32
      %add3A_984 = arith.addi %mul3A_962, %add3A_983 : i32
      %swap3A_985 = arith.index_cast %add3A_984 : i32 to index
      %swap3A_986 = tpu.vector_load %arg7[%swap3A_985] {strides = array<i32>} : memref<50176xf32, #tpu.memory_space<vmem>>, vector<16xf32>,
      tpu.vector_store %arg7[%swap3A_985], %broadcast_in_dim3A_657 {strides = array<i32>} : memref<50176xf32, #tpu.memory_space<vmem>>, vector<16xf32>,
      %add3A_987 = arith.constant 96 : i32
      %add3A_988 = arith.addi %mul3A_962, %add3A_987 : i32
      %swap3A_989 = arith.index_cast %add3A_988 : i32 to index
      %swap3A_990 = tpu.vector_load %arg7[%swap3A_989] {strides = array<i32>} : memref<50176xf32, #tpu.memory_space<vmem>>, vector<16xf32>,
      tpu.vector_store %arg7[%swap3A_989], %broadcast_in_dim3A_657 {strides = array<i32>} : memref<50176xf32, #tpu.memory_space<vmem>>, vector<16xf32>,
      %add3A_991 = arith.constant 112 : i32
      %add3A_992 = arith.addi %mul3A_962, %add3A_991 : i32
      %swap3A_993 = arith.index_cast %add3A_992 : i32 to index
      %swap3A_994 = tpu.vector_load %arg7[%swap3A_993] {strides = array<i32>} : memref<50176xf32, #tpu.memory_space<vmem>>, vector<16xf32>,
      tpu.vector_store %arg7[%swap3A_993], %broadcast_in_dim3A_657 {strides = array<i32>} : memref<50176xf32, #tpu.memory_space<vmem>>, vector<16xf32>,
      %while3A_995 = arith.constant 0 : i32
      scf.yield %while3A_995 : i32
    }
    %dma_wait3A_672 = arith.constant 0 : i32
    %dma_wait3A_673 = tpu.memref_slice %arg5[%dma_wait3A_672] : memref<12560xi32, #tpu.memory_space<vmem>> -> memref<12544xi32, #tpu.memory_space<vmem>>
    %dma_wait3A_674 = arith.constant 0 : i32
    %dma_wait3A_675 = tpu.memref_slice %arg3[%add3A_631, %dma_wait3A_674] : memref<384x12544xi32, #tpu.memory_space<hbm>> -> memref<1x12544xi32, #tpu.memory_space<hbm>>
    %dma_wait3A_676 = tpu.memref_squeeze %dma_wait3A_675 : memref<1x12544xi32, #tpu.memory_space<hbm>> -> memref<12544xi32, #tpu.memory_space<hbm>>
    %dma_wait3A_677 = arith.constant 0 : i32
    %dma_wait3A_678 = tpu.memref_slice %arg5[%dma_wait3A_677] : memref<12560xi32, #tpu.memory_space<vmem>> -> memref<12544xi32, #tpu.memory_space<vmem>>
    %dma_wait3A_679 = arith.constant 0 : i32
    %dma_wait3A_680 = tpu.memref_slice %arg3[%add3A_631, %dma_wait3A_679] : memref<384x12544xi32, #tpu.memory_space<hbm>> -> memref<1x12544xi32, #tpu.memory_space<hbm>>
    %dma_wait3A_681 = tpu.memref_squeeze %dma_wait3A_680 : memref<1x12544xi32, #tpu.memory_space<hbm>> -> memref<12544xi32, #tpu.memory_space<hbm>>
    tpu.wait_dma2 semaphore(%arg9 : memref<!tpu.dma_semaphore, #tpu.memory_space<semaphore_mem>>) src(%dma_wait3A_681 : memref<12544xi32, #tpu.memory_space<hbm>>) dst(%dma_wait3A_678 : memref<12544xi32, #tpu.memory_space<vmem>>)
    %dma_wait3A_682 = arith.constant 0 : i32
    %dma_wait3A_683 = tpu.memref_slice %arg2[%add3A_631, %dma_wait3A_682] : memref<384x12544xf32, #tpu.memory_space<hbm>> -> memref<1x12544xf32, #tpu.memory_space<hbm>>
    %dma_wait3A_684 = tpu.memref_squeeze %dma_wait3A_683 : memref<1x12544xf32, #tpu.memory_space<hbm>> -> memref<12544xf32, #tpu.memory_space<hbm>>
    %dma_wait3A_685 = arith.constant 0 : i32
    %dma_wait3A_686 = tpu.memref_slice %arg2[%add3A_631, %dma_wait3A_685] : memref<384x12544xf32, #tpu.memory_space<hbm>> -> memref<1x12544xf32, #tpu.memory_space<hbm>>
    %dma_wait3A_687 = tpu.memref_squeeze %dma_wait3A_686 : memref<1x12544xf32, #tpu.memory_space<hbm>> -> memref<12544xf32, #tpu.memory_space<hbm>>
    tpu.wait_dma2 semaphore(%arg10 : memref<!tpu.dma_semaphore, #tpu.memory_space<semaphore_mem>>) src(%dma_wait3A_687 : memref<12544xf32, #tpu.memory_space<hbm>>) dst(%arg6 : memref<12544xf32, #tpu.memory_space<vmem>>)
    %while3A_688 = arith.constant 128 : i32
    %while3A_689 = arith.constant 0 : i32
    %while3A_690 = arith.constant 98 : i32
    %while3A_691 = arith.constant 0 : i32
    %while3A_692 = arith.subi %while3A_690, %while3A_689 : i32
    %while3A_693 = arith.addi %while3A_689, %while3A_692 : i32
    %while3A_694 = arith.constant 1 : i32
    %while3A_695 = arith.divsi %while3A_692, %while3A_694 : i32
    %while3A_696 = arith.muli %while3A_695, %while3A_694 : i32
    %while3A_697 = arith.addi %while3A_689, %while3A_696 : i32
    %while3A_698 = arith.constant 1 : i32
    %while3A_699 = scf.for %while3A_960 = %while3A_689 to %while3A_697 step %while3A_698 iter_args(%while3A_961 = %while3A_691) -> (i32)  : i32 {
      %mul3A_962 = arith.muli %while3A_960, %while3A_688 : i32
      %add3A_963 = arith.constant 0 : i32
      %add3A_964 = arith.addi %mul3A_962, %add3A_963 : i32
      %get3A = arith.index_cast %add3A_964 : i32 to index
      %get3A_965 = tpu.vector_load %arg5[%get3A] {strides = array<i32>} : memref<12560xi32, #tpu.memory_space<vmem>>, vector<16xi32>,
      %add3A_966 = arith.constant 1 : i32
      %add3A_967 = arith.addi %add3A_964, %add3A_966 : i32
      %get3A_968 = arith.index_cast %add3A_967 : i32 to index
      %get3A_969 = tpu.vector_load %arg5[%get3A_968] {strides = array<i32>} : memref<12560xi32, #tpu.memory_space<vmem>>, vector<16xi32>,
      %get3A_970 = arith.index_cast %add3A_964 : i32 to index
      %get3A_971 = tpu.vector_load %arg6[%get3A_970] {strides = array<i32>} : memref<12544xf32, #tpu.memory_space<vmem>>, vector<16xf32>,
      %sub3A = vector.broadcast %mul3A_633 : i32 to vector<16xi32>
      %sub3A_972 = arith.subi %get3A_965, %sub3A : vector<16xi32>
      %ne3A = arith.cmpi ne, %get3A_965, %get3A_969 : vector<16xi32>
      tpu.vector_store_idx %arg7[%sub3A_972], %get3A_971 masked %ne3A : memref<50176xf32, #tpu.memory_space<vmem>>[vector<16xi32>], vector<16xf32>, vector<16xi1>
      %add3A_973 = arith.constant 16 : i32
      %add3A_974 = arith.addi %mul3A_962, %add3A_973 : i32
      %get3A_975 = arith.index_cast %add3A_974 : i32 to index
      %get3A_976 = tpu.vector_load %arg5[%get3A_975] {strides = array<i32>} : memref<12560xi32, #tpu.memory_space<vmem>>, vector<16xi32>,
      %add3A_977 = arith.constant 1 : i32
      %add3A_978 = arith.addi %add3A_974, %add3A_977 : i32
      %get3A_979 = arith.index_cast %add3A_978 : i32 to index
      %get3A_980 = tpu.vector_load %arg5[%get3A_979] {strides = array<i32>} : memref<12560xi32, #tpu.memory_space<vmem>>, vector<16xi32>,
      %get3A_981 = arith.index_cast %add3A_974 : i32 to index
      %get3A_982 = tpu.vector_load %arg6[%get3A_981] {strides = array<i32>} : memref<12544xf32, #tpu.memory_space<vmem>>, vector<16xf32>,
      %sub3A_983 = vector.broadcast %mul3A_633 : i32 to vector<16xi32>
      %sub3A_984 = arith.subi %get3A_976, %sub3A_983 : vector<16xi32>
      %ne3A_985 = arith.cmpi ne, %get3A_976, %get3A_980 : vector<16xi32>
      tpu.vector_store_idx %arg7[%sub3A_984], %get3A_982 masked %ne3A_985 : memref<50176xf32, #tpu.memory_space<vmem>>[vector<16xi32>], vector<16xf32>, vector<16xi1>
      %add3A_986 = arith.constant 32 : i32
      %add3A_987 = arith.addi %mul3A_962, %add3A_986 : i32
      %get3A_988 = arith.index_cast %add3A_987 : i32 to index
      %get3A_989 = tpu.vector_load %arg5[%get3A_988] {strides = array<i32>} : memref<12560xi32, #tpu.memory_space<vmem>>, vector<16xi32>,
      %add3A_990 = arith.constant 1 : i32
      %add3A_991 = arith.addi %add3A_987, %add3A_990 : i32
      %get3A_992 = arith.index_cast %add3A_991 : i32 to index
      %get3A_993 = tpu.vector_load %arg5[%get3A_992] {strides = array<i32>} : memref<12560xi32, #tpu.memory_space<vmem>>, vector<16xi32>,
      %get3A_994 = arith.index_cast %add3A_987 : i32 to index
      %get3A_995 = tpu.vector_load %arg6[%get3A_994] {strides = array<i32>} : memref<12544xf32, #tpu.memory_space<vmem>>, vector<16xf32>,
      %sub3A_996 = vector.broadcast %mul3A_633 : i32 to vector<16xi32>
      %sub3A_997 = arith.subi %get3A_989, %sub3A_996 : vector<16xi32>
      %ne3A_998 = arith.cmpi ne, %get3A_989, %get3A_993 : vector<16xi32>
      tpu.vector_store_idx %arg7[%sub3A_997], %get3A_995 masked %ne3A_998 : memref<50176xf32, #tpu.memory_space<vmem>>[vector<16xi32>], vector<16xf32>, vector<16xi1>
      %add3A_999 = arith.constant 48 : i32
      %add3A_1000 = arith.addi %mul3A_962, %add3A_999 : i32
      %get3A_1001 = arith.index_cast %add3A_1000 : i32 to index
      %get3A_1002 = tpu.vector_load %arg5[%get3A_1001] {strides = array<i32>} : memref<12560xi32, #tpu.memory_space<vmem>>, vector<16xi32>,
      %add3A_1003 = arith.constant 1 : i32
      %add3A_1004 = arith.addi %add3A_1000, %add3A_1003 : i32
      %get3A_1005 = arith.index_cast %add3A_1004 : i32 to index
      %get3A_1006 = tpu.vector_load %arg5[%get3A_1005] {strides = array<i32>} : memref<12560xi32, #tpu.memory_space<vmem>>, vector<16xi32>,
      %get3A_1007 = arith.index_cast %add3A_1000 : i32 to index
      %get3A_1008 = tpu.vector_load %arg6[%get3A_1007] {strides = array<i32>} : memref<12544xf32, #tpu.memory_space<vmem>>, vector<16xf32>,
      %sub3A_1009 = vector.broadcast %mul3A_633 : i32 to vector<16xi32>
      %sub3A_1010 = arith.subi %get3A_1002, %sub3A_1009 : vector<16xi32>
      %ne3A_1011 = arith.cmpi ne, %get3A_1002, %get3A_1006 : vector<16xi32>
      tpu.vector_store_idx %arg7[%sub3A_1010], %get3A_1008 masked %ne3A_1011 : memref<50176xf32, #tpu.memory_space<vmem>>[vector<16xi32>], vector<16xf32>, vector<16xi1>
      %add3A_1012 = arith.constant 64 : i32
      %add3A_1013 = arith.addi %mul3A_962, %add3A_1012 : i32
      %get3A_1014 = arith.index_cast %add3A_1013 : i32 to index
      %get3A_1015 = tpu.vector_load %arg5[%get3A_1014] {strides = array<i32>} : memref<12560xi32, #tpu.memory_space<vmem>>, vector<16xi32>,
      %add3A_1016 = arith.constant 1 : i32
      %add3A_1017 = arith.addi %add3A_1013, %add3A_1016 : i32
      %get3A_1018 = arith.index_cast %add3A_1017 : i32 to index
      %get3A_1019 = tpu.vector_load %arg5[%get3A_1018] {strides = array<i32>} : memref<12560xi32, #tpu.memory_space<vmem>>, vector<16xi32>,
      %get3A_1020 = arith.index_cast %add3A_1013 : i32 to index
      %get3A_1021 = tpu.vector_load %arg6[%get3A_1020] {strides = array<i32>} : memref<12544xf32, #tpu.memory_space<vmem>>, vector<16xf32>,
      %sub3A_1022 = vector.broadcast %mul3A_633 : i32 to vector<16xi32>
      %sub3A_1023 = arith.subi %get3A_1015, %sub3A_1022 : vector<16xi32>
      %ne3A_1024 = arith.cmpi ne, %get3A_1015, %get3A_1019 : vector<16xi32>
      tpu.vector_store_idx %arg7[%sub3A_1023], %get3A_1021 masked %ne3A_1024 : memref<50176xf32, #tpu.memory_space<vmem>>[vector<16xi32>], vector<16xf32>, vector<16xi1>
      %add3A_1025 = arith.constant 80 : i32
      %add3A_1026 = arith.addi %mul3A_962, %add3A_1025 : i32
      %get3A_1027 = arith.index_cast %add3A_1026 : i32 to index
      %get3A_1028 = tpu.vector_load %arg5[%get3A_1027] {strides = array<i32>} : memref<12560xi32, #tpu.memory_space<vmem>>, vector<16xi32>,
      %add3A_1029 = arith.constant 1 : i32
      %add3A_1030 = arith.addi %add3A_1026, %add3A_1029 : i32
      %get3A_1031 = arith.index_cast %add3A_1030 : i32 to index
      %get3A_1032 = tpu.vector_load %arg5[%get3A_1031] {strides = array<i32>} : memref<12560xi32, #tpu.memory_space<vmem>>, vector<16xi32>,
      %get3A_1033 = arith.index_cast %add3A_1026 : i32 to index
      %get3A_1034 = tpu.vector_load %arg6[%get3A_1033] {strides = array<i32>} : memref<12544xf32, #tpu.memory_space<vmem>>, vector<16xf32>,
      %sub3A_1035 = vector.broadcast %mul3A_633 : i32 to vector<16xi32>
      %sub3A_1036 = arith.subi %get3A_1028, %sub3A_1035 : vector<16xi32>
      %ne3A_1037 = arith.cmpi ne, %get3A_1028, %get3A_1032 : vector<16xi32>
      tpu.vector_store_idx %arg7[%sub3A_1036], %get3A_1034 masked %ne3A_1037 : memref<50176xf32, #tpu.memory_space<vmem>>[vector<16xi32>], vector<16xf32>, vector<16xi1>
      %add3A_1038 = arith.constant 96 : i32
      %add3A_1039 = arith.addi %mul3A_962, %add3A_1038 : i32
      %get3A_1040 = arith.index_cast %add3A_1039 : i32 to index
      %get3A_1041 = tpu.vector_load %arg5[%get3A_1040] {strides = array<i32>} : memref<12560xi32, #tpu.memory_space<vmem>>, vector<16xi32>,
      %add3A_1042 = arith.constant 1 : i32
      %add3A_1043 = arith.addi %add3A_1039, %add3A_1042 : i32
      %get3A_1044 = arith.index_cast %add3A_1043 : i32 to index
      %get3A_1045 = tpu.vector_load %arg5[%get3A_1044] {strides = array<i32>} : memref<12560xi32, #tpu.memory_space<vmem>>, vector<16xi32>,
      %get3A_1046 = arith.index_cast %add3A_1039 : i32 to index
      %get3A_1047 = tpu.vector_load %arg6[%get3A_1046] {strides = array<i32>} : memref<12544xf32, #tpu.memory_space<vmem>>, vector<16xf32>,
      %sub3A_1048 = vector.broadcast %mul3A_633 : i32 to vector<16xi32>
      %sub3A_1049 = arith.subi %get3A_1041, %sub3A_1048 : vector<16xi32>
      %ne3A_1050 = arith.cmpi ne, %get3A_1041, %get3A_1045 : vector<16xi32>
      tpu.vector_store_idx %arg7[%sub3A_1049], %get3A_1047 masked %ne3A_1050 : memref<50176xf32, #tpu.memory_space<vmem>>[vector<16xi32>], vector<16xf32>, vector<16xi1>
      %add3A_1051 = arith.constant 112 : i32
      %add3A_1052 = arith.addi %mul3A_962, %add3A_1051 : i32
      %get3A_1053 = arith.index_cast %add3A_1052 : i32 to index
      %get3A_1054 = tpu.vector_load %arg5[%get3A_1053] {strides = array<i32>} : memref<12560xi32, #tpu.memory_space<vmem>>, vector<16xi32>,
      %add3A_1055 = arith.constant 1 : i32
      %add3A_1056 = arith.addi %add3A_1052, %add3A_1055 : i32
      %get3A_1057 = arith.index_cast %add3A_1056 : i32 to index
      %get3A_1058 = tpu.vector_load %arg5[%get3A_1057] {strides = array<i32>} : memref<12560xi32, #tpu.memory_space<vmem>>, vector<16xi32>,
      %get3A_1059 = arith.index_cast %add3A_1052 : i32 to index
      %get3A_1060 = tpu.vector_load %arg6[%get3A_1059] {strides = array<i32>} : memref<12544xf32, #tpu.memory_space<vmem>>, vector<16xf32>,
      %sub3A_1061 = vector.broadcast %mul3A_633 : i32 to vector<16xi32>
      %sub3A_1062 = arith.subi %get3A_1054, %sub3A_1061 : vector<16xi32>
      %ne3A_1063 = arith.cmpi ne, %get3A_1054, %get3A_1058 : vector<16xi32>
      tpu.vector_store_idx %arg7[%sub3A_1062], %get3A_1060 masked %ne3A_1063 : memref<50176xf32, #tpu.memory_space<vmem>>[vector<16xi32>], vector<16xf32>, vector<16xi1>
      %while3A_1064 = arith.constant 0 : i32
      scf.yield %while3A_1064 : i32
    }
    %while3A_700 = arith.constant 1 : i32
    %while3A_701 = scf.for %while3A_960 = %while3A_697 to %while3A_693 step %while3A_700 iter_args(%while3A_961 = %while3A_699) -> (i32)  : i32 {
      %mul3A_962 = arith.muli %while3A_960, %while3A_688 : i32
      %add3A_963 = arith.constant 0 : i32
      %add3A_964 = arith.addi %mul3A_962, %add3A_963 : i32
      %get3A = arith.index_cast %add3A_964 : i32 to index
      %get3A_965 = tpu.vector_load %arg5[%get3A] {strides = array<i32>} : memref<12560xi32, #tpu.memory_space<vmem>>, vector<16xi32>,
      %add3A_966 = arith.constant 1 : i32
      %add3A_967 = arith.addi %add3A_964, %add3A_966 : i32
      %get3A_968 = arith.index_cast %add3A_967 : i32 to index
      %get3A_969 = tpu.vector_load %arg5[%get3A_968] {strides = array<i32>} : memref<12560xi32, #tpu.memory_space<vmem>>, vector<16xi32>,
      %get3A_970 = arith.index_cast %add3A_964 : i32 to index
      %get3A_971 = tpu.vector_load %arg6[%get3A_970] {strides = array<i32>} : memref<12544xf32, #tpu.memory_space<vmem>>, vector<16xf32>,
      %sub3A = vector.broadcast %mul3A_633 : i32 to vector<16xi32>
      %sub3A_972 = arith.subi %get3A_965, %sub3A : vector<16xi32>
      %ne3A = arith.cmpi ne, %get3A_965, %get3A_969 : vector<16xi32>
      tpu.vector_store_idx %arg7[%sub3A_972], %get3A_971 masked %ne3A : memref<50176xf32, #tpu.memory_space<vmem>>[vector<16xi32>], vector<16xf32>, vector<16xi1>
      %add3A_973 = arith.constant 16 : i32
      %add3A_974 = arith.addi %mul3A_962, %add3A_973 : i32
      %get3A_975 = arith.index_cast %add3A_974 : i32 to index
      %get3A_976 = tpu.vector_load %arg5[%get3A_975] {strides = array<i32>} : memref<12560xi32, #tpu.memory_space<vmem>>, vector<16xi32>,
      %add3A_977 = arith.constant 1 : i32
      %add3A_978 = arith.addi %add3A_974, %add3A_977 : i32
      %get3A_979 = arith.index_cast %add3A_978 : i32 to index
      %get3A_980 = tpu.vector_load %arg5[%get3A_979] {strides = array<i32>} : memref<12560xi32, #tpu.memory_space<vmem>>, vector<16xi32>,
      %get3A_981 = arith.index_cast %add3A_974 : i32 to index
      %get3A_982 = tpu.vector_load %arg6[%get3A_981] {strides = array<i32>} : memref<12544xf32, #tpu.memory_space<vmem>>, vector<16xf32>,
      %sub3A_983 = vector.broadcast %mul3A_633 : i32 to vector<16xi32>
      %sub3A_984 = arith.subi %get3A_976, %sub3A_983 : vector<16xi32>
      %ne3A_985 = arith.cmpi ne, %get3A_976, %get3A_980 : vector<16xi32>
      tpu.vector_store_idx %arg7[%sub3A_984], %get3A_982 masked %ne3A_985 : memref<50176xf32, #tpu.memory_space<vmem>>[vector<16xi32>], vector<16xf32>, vector<16xi1>
      %add3A_986 = arith.constant 32 : i32
      %add3A_987 = arith.addi %mul3A_962, %add3A_986 : i32
      %get3A_988 = arith.index_cast %add3A_987 : i32 to index
      %get3A_989 = tpu.vector_load %arg5[%get3A_988] {strides = array<i32>} : memref<12560xi32, #tpu.memory_space<vmem>>, vector<16xi32>,
      %add3A_990 = arith.constant 1 : i32
      %add3A_991 = arith.addi %add3A_987, %add3A_990 : i32
      %get3A_992 = arith.index_cast %add3A_991 : i32 to index
      %get3A_993 = tpu.vector_load %arg5[%get3A_992] {strides = array<i32>} : memref<12560xi32, #tpu.memory_space<vmem>>, vector<16xi32>,
      %get3A_994 = arith.index_cast %add3A_987 : i32 to index
      %get3A_995 = tpu.vector_load %arg6[%get3A_994] {strides = array<i32>} : memref<12544xf32, #tpu.memory_space<vmem>>, vector<16xf32>,
      %sub3A_996 = vector.broadcast %mul3A_633 : i32 to vector<16xi32>
      %sub3A_997 = arith.subi %get3A_989, %sub3A_996 : vector<16xi32>
      %ne3A_998 = arith.cmpi ne, %get3A_989, %get3A_993 : vector<16xi32>
      tpu.vector_store_idx %arg7[%sub3A_997], %get3A_995 masked %ne3A_998 : memref<50176xf32, #tpu.memory_space<vmem>>[vector<16xi32>], vector<16xf32>, vector<16xi1>
      %add3A_999 = arith.constant 48 : i32
      %add3A_1000 = arith.addi %mul3A_962, %add3A_999 : i32
      %get3A_1001 = arith.index_cast %add3A_1000 : i32 to index
      %get3A_1002 = tpu.vector_load %arg5[%get3A_1001] {strides = array<i32>} : memref<12560xi32, #tpu.memory_space<vmem>>, vector<16xi32>,
      %add3A_1003 = arith.constant 1 : i32
      %add3A_1004 = arith.addi %add3A_1000, %add3A_1003 : i32
      %get3A_1005 = arith.index_cast %add3A_1004 : i32 to index
      %get3A_1006 = tpu.vector_load %arg5[%get3A_1005] {strides = array<i32>} : memref<12560xi32, #tpu.memory_space<vmem>>, vector<16xi32>,
      %get3A_1007 = arith.index_cast %add3A_1000 : i32 to index
      %get3A_1008 = tpu.vector_load %arg6[%get3A_1007] {strides = array<i32>} : memref<12544xf32, #tpu.memory_space<vmem>>, vector<16xf32>,
      %sub3A_1009 = vector.broadcast %mul3A_633 : i32 to vector<16xi32>
      %sub3A_1010 = arith.subi %get3A_1002, %sub3A_1009 : vector<16xi32>
      %ne3A_1011 = arith.cmpi ne, %get3A_1002, %get3A_1006 : vector<16xi32>
      tpu.vector_store_idx %arg7[%sub3A_1010], %get3A_1008 masked %ne3A_1011 : memref<50176xf32, #tpu.memory_space<vmem>>[vector<16xi32>], vector<16xf32>, vector<16xi1>
      %add3A_1012 = arith.constant 64 : i32
      %add3A_1013 = arith.addi %mul3A_962, %add3A_1012 : i32
      %get3A_1014 = arith.index_cast %add3A_1013 : i32 to index
      %get3A_1015 = tpu.vector_load %arg5[%get3A_1014] {strides = array<i32>} : memref<12560xi32, #tpu.memory_space<vmem>>, vector<16xi32>,
      %add3A_1016 = arith.constant 1 : i32
      %add3A_1017 = arith.addi %add3A_1013, %add3A_1016 : i32
      %get3A_1018 = arith.index_cast %add3A_1017 : i32 to index
      %get3A_1019 = tpu.vector_load %arg5[%get3A_1018] {strides = array<i32>} : memref<12560xi32, #tpu.memory_space<vmem>>, vector<16xi32>,
      %get3A_1020 = arith.index_cast %add3A_1013 : i32 to index
      %get3A_1021 = tpu.vector_load %arg6[%get3A_1020] {strides = array<i32>} : memref<12544xf32, #tpu.memory_space<vmem>>, vector<16xf32>,
      %sub3A_1022 = vector.broadcast %mul3A_633 : i32 to vector<16xi32>
      %sub3A_1023 = arith.subi %get3A_1015, %sub3A_1022 : vector<16xi32>
      %ne3A_1024 = arith.cmpi ne, %get3A_1015, %get3A_1019 : vector<16xi32>
      tpu.vector_store_idx %arg7[%sub3A_1023], %get3A_1021 masked %ne3A_1024 : memref<50176xf32, #tpu.memory_space<vmem>>[vector<16xi32>], vector<16xf32>, vector<16xi1>
      %add3A_1025 = arith.constant 80 : i32
      %add3A_1026 = arith.addi %mul3A_962, %add3A_1025 : i32
      %get3A_1027 = arith.index_cast %add3A_1026 : i32 to index
      %get3A_1028 = tpu.vector_load %arg5[%get3A_1027] {strides = array<i32>} : memref<12560xi32, #tpu.memory_space<vmem>>, vector<16xi32>,
      %add3A_1029 = arith.constant 1 : i32
      %add3A_1030 = arith.addi %add3A_1026, %add3A_1029 : i32
      %get3A_1031 = arith.index_cast %add3A_1030 : i32 to index
      %get3A_1032 = tpu.vector_load %arg5[%get3A_1031] {strides = array<i32>} : memref<12560xi32, #tpu.memory_space<vmem>>, vector<16xi32>,
      %get3A_1033 = arith.index_cast %add3A_1026 : i32 to index
      %get3A_1034 = tpu.vector_load %arg6[%get3A_1033] {strides = array<i32>} : memref<12544xf32, #tpu.memory_space<vmem>>, vector<16xf32>,
      %sub3A_1035 = vector.broadcast %mul3A_633 : i32 to vector<16xi32>
      %sub3A_1036 = arith.subi %get3A_1028, %sub3A_1035 : vector<16xi32>
      %ne3A_1037 = arith.cmpi ne, %get3A_1028, %get3A_1032 : vector<16xi32>
      tpu.vector_store_idx %arg7[%sub3A_1036], %get3A_1034 masked %ne3A_1037 : memref<50176xf32, #tpu.memory_space<vmem>>[vector<16xi32>], vector<16xf32>, vector<16xi1>
      %add3A_1038 = arith.constant 96 : i32
      %add3A_1039 = arith.addi %mul3A_962, %add3A_1038 : i32
      %get3A_1040 = arith.index_cast %add3A_1039 : i32 to index
      %get3A_1041 = tpu.vector_load %arg5[%get3A_1040] {strides = array<i32>} : memref<12560xi32, #tpu.memory_space<vmem>>, vector<16xi32>,
      %add3A_1042 = arith.constant 1 : i32
      %add3A_1043 = arith.addi %add3A_1039, %add3A_1042 : i32
      %get3A_1044 = arith.index_cast %add3A_1043 : i32 to index
      %get3A_1045 = tpu.vector_load %arg5[%get3A_1044] {strides = array<i32>} : memref<12560xi32, #tpu.memory_space<vmem>>, vector<16xi32>,
      %get3A_1046 = arith.index_cast %add3A_1039 : i32 to index
      %get3A_1047 = tpu.vector_load %arg6[%get3A_1046] {strides = array<i32>} : memref<12544xf32, #tpu.memory_space<vmem>>, vector<16xf32>,
      %sub3A_1048 = vector.broadcast %mul3A_633 : i32 to vector<16xi32>
      %sub3A_1049 = arith.subi %get3A_1041, %sub3A_1048 : vector<16xi32>
      %ne3A_1050 = arith.cmpi ne, %get3A_1041, %get3A_1045 : vector<16xi32>
      tpu.vector_store_idx %arg7[%sub3A_1049], %get3A_1047 masked %ne3A_1050 : memref<50176xf32, #tpu.memory_space<vmem>>[vector<16xi32>], vector<16xf32>, vector<16xi1>
      %add3A_1051 = arith.constant 112 : i32
      %add3A_1052 = arith.addi %mul3A_962, %add3A_1051 : i32
      %get3A_1053 = arith.index_cast %add3A_1052 : i32 to index
      %get3A_1054 = tpu.vector_load %arg5[%get3A_1053] {strides = array<i32>} : memref<12560xi32, #tpu.memory_space<vmem>>, vector<16xi32>,
      %add3A_1055 = arith.constant 1 : i32
      %add3A_1056 = arith.addi %add3A_1052, %add3A_1055 : i32
      %get3A_1057 = arith.index_cast %add3A_1056 : i32 to index
      %get3A_1058 = tpu.vector_load %arg5[%get3A_1057] {strides = array<i32>} : memref<12560xi32, #tpu.memory_space<vmem>>, vector<16xi32>,
      %get3A_1059 = arith.index_cast %add3A_1052 : i32 to index
      %get3A_1060 = tpu.vector_load %arg6[%get3A_1059] {strides = array<i32>} : memref<12544xf32, #tpu.memory_space<vmem>>, vector<16xf32>,
      %sub3A_1061 = vector.broadcast %mul3A_633 : i32 to vector<16xi32>
      %sub3A_1062 = arith.subi %get3A_1054, %sub3A_1061 : vector<16xi32>
      %ne3A_1063 = arith.cmpi ne, %get3A_1054, %get3A_1058 : vector<16xi32>
      tpu.vector_store_idx %arg7[%sub3A_1062], %get3A_1060 masked %ne3A_1063 : memref<50176xf32, #tpu.memory_space<vmem>>[vector<16xi32>], vector<16xf32>, vector<16xi1>
      %while3A_1064 = arith.constant 0 : i32
      scf.yield %while3A_1064 : i32
    }
    %dma_start3A_702 = arith.constant 0 : i32
    %dma_start3A_703 = tpu.memref_slice %arg4[%add3A_631, %dma_start3A_702] : memref<384x50176xf32, #tpu.memory_space<hbm>> -> memref<1x50176xf32, #tpu.memory_space<hbm>>
    %dma_start3A_704 = tpu.memref_squeeze %dma_start3A_703 : memref<1x50176xf32, #tpu.memory_space<hbm>> -> memref<50176xf32, #tpu.memory_space<hbm>>
    %dma_start3A_705 = arith.constant 0 : i32
    %dma_start3A_706 = tpu.memref_slice %arg4[%add3A_631, %dma_start3A_705] : memref<384x50176xf32, #tpu.memory_space<hbm>> -> memref<1x50176xf32, #tpu.memory_space<hbm>>
    %dma_start3A_707 = tpu.memref_squeeze %dma_start3A_706 : memref<1x50176xf32, #tpu.memory_space<hbm>> -> memref<50176xf32, #tpu.memory_space<hbm>>
    tpu.enqueue_dma source(%arg7 : memref<50176xf32, #tpu.memory_space<vmem>>) target(%dma_start3A_707 : memref<50176xf32, #tpu.memory_space<hbm>>) target_semaphore(%arg11 : memref<!tpu.dma_semaphore, #tpu.memory_space<semaphore_mem>>)
    %mul3A_708 = arith.constant 12 : i32
    %mul3A_709 = arith.muli %add3A, %mul3A_708 : i32
    %add3A_710 = arith.constant 9 : i32
    %add3A_711 = arith.addi %mul3A_709, %add3A_710 : i32
    %mul3A_712 = arith.constant 50176 : i32
    %mul3A_713 = arith.muli %add3A_711, %mul3A_712 : i32
    %dma_start3A_714 = arith.constant 0 : i32
    %dma_start3A_715 = tpu.memref_slice %arg5[%dma_start3A_714] : memref<12560xi32, #tpu.memory_space<vmem>> -> memref<12544xi32, #tpu.memory_space<vmem>>
    %dma_start3A_716 = arith.constant 0 : i32
    %dma_start3A_717 = tpu.memref_slice %arg3[%add3A_711, %dma_start3A_716] : memref<384x12544xi32, #tpu.memory_space<hbm>> -> memref<1x12544xi32, #tpu.memory_space<hbm>>
    %dma_start3A_718 = tpu.memref_squeeze %dma_start3A_717 : memref<1x12544xi32, #tpu.memory_space<hbm>> -> memref<12544xi32, #tpu.memory_space<hbm>>
    %dma_start3A_719 = arith.constant 0 : i32
    %dma_start3A_720 = tpu.memref_slice %arg5[%dma_start3A_719] : memref<12560xi32, #tpu.memory_space<vmem>> -> memref<12544xi32, #tpu.memory_space<vmem>>
    %dma_start3A_721 = arith.constant 0 : i32
    %dma_start3A_722 = tpu.memref_slice %arg3[%add3A_711, %dma_start3A_721] : memref<384x12544xi32, #tpu.memory_space<hbm>> -> memref<1x12544xi32, #tpu.memory_space<hbm>>
    %dma_start3A_723 = tpu.memref_squeeze %dma_start3A_722 : memref<1x12544xi32, #tpu.memory_space<hbm>> -> memref<12544xi32, #tpu.memory_space<hbm>>
    tpu.enqueue_dma source(%dma_start3A_723 : memref<12544xi32, #tpu.memory_space<hbm>>) target(%dma_start3A_720 : memref<12544xi32, #tpu.memory_space<vmem>>) target_semaphore(%arg9 : memref<!tpu.dma_semaphore, #tpu.memory_space<semaphore_mem>>)
    %dma_start3A_724 = arith.constant 0 : i32
    %dma_start3A_725 = tpu.memref_slice %arg2[%add3A_711, %dma_start3A_724] : memref<384x12544xf32, #tpu.memory_space<hbm>> -> memref<1x12544xf32, #tpu.memory_space<hbm>>
    %dma_start3A_726 = tpu.memref_squeeze %dma_start3A_725 : memref<1x12544xf32, #tpu.memory_space<hbm>> -> memref<12544xf32, #tpu.memory_space<hbm>>
    %dma_start3A_727 = arith.constant 0 : i32
    %dma_start3A_728 = tpu.memref_slice %arg2[%add3A_711, %dma_start3A_727] : memref<384x12544xf32, #tpu.memory_space<hbm>> -> memref<1x12544xf32, #tpu.memory_space<hbm>>
    %dma_start3A_729 = tpu.memref_squeeze %dma_start3A_728 : memref<1x12544xf32, #tpu.memory_space<hbm>> -> memref<12544xf32, #tpu.memory_space<hbm>>
    tpu.enqueue_dma source(%dma_start3A_729 : memref<12544xf32, #tpu.memory_space<hbm>>) target(%arg6 : memref<12544xf32, #tpu.memory_space<vmem>>) target_semaphore(%arg10 : memref<!tpu.dma_semaphore, #tpu.memory_space<semaphore_mem>>)
    %dma_wait3A_730 = arith.constant 0 : i32
    %dma_wait3A_731 = tpu.memref_slice %arg4[%add3A_551, %dma_wait3A_730] : memref<384x50176xf32, #tpu.memory_space<hbm>> -> memref<1x50176xf32, #tpu.memory_space<hbm>>
    %dma_wait3A_732 = tpu.memref_squeeze %dma_wait3A_731 : memref<1x50176xf32, #tpu.memory_space<hbm>> -> memref<50176xf32, #tpu.memory_space<hbm>>
    %dma_wait3A_733 = arith.constant 0 : i32
    %dma_wait3A_734 = tpu.memref_slice %arg4[%add3A_551, %dma_wait3A_733] : memref<384x50176xf32, #tpu.memory_space<hbm>> -> memref<1x50176xf32, #tpu.memory_space<hbm>>
    %dma_wait3A_735 = tpu.memref_squeeze %dma_wait3A_734 : memref<1x50176xf32, #tpu.memory_space<hbm>> -> memref<50176xf32, #tpu.memory_space<hbm>>
    tpu.wait_dma2 semaphore(%arg12 : memref<!tpu.dma_semaphore, #tpu.memory_space<semaphore_mem>>) src(%arg8 : memref<50176xf32, #tpu.memory_space<vmem>>) dst(%dma_wait3A_735 : memref<50176xf32, #tpu.memory_space<hbm>>)
    %broadcast_in_dim3A_736 = arith.constant 0.000000e+00 : f32
    %broadcast_in_dim3A_737 = vector.broadcast %broadcast_in_dim3A_736 : f32 to vector<16xf32>
    %while3A_738 = arith.constant 128 : i32
    %while3A_739 = arith.constant 0 : i32
    %while3A_740 = arith.constant 392 : i32
    %while3A_741 = arith.constant 0 : i32
    %while3A_742 = arith.subi %while3A_740, %while3A_739 : i32
    %while3A_743 = arith.addi %while3A_739, %while3A_742 : i32
    %while3A_744 = arith.constant 1 : i32
    %while3A_745 = arith.divsi %while3A_742, %while3A_744 : i32
    %while3A_746 = arith.muli %while3A_745, %while3A_744 : i32
    %while3A_747 = arith.addi %while3A_739, %while3A_746 : i32
    %while3A_748 = arith.constant 1 : i32
    %while3A_749 = scf.for %while3A_960 = %while3A_739 to %while3A_747 step %while3A_748 iter_args(%while3A_961 = %while3A_741) -> (i32)  : i32 {
      %mul3A_962 = arith.muli %while3A_960, %while3A_738 : i32
      %add3A_963 = arith.constant 0 : i32
      %add3A_964 = arith.addi %mul3A_962, %add3A_963 : i32
      %swap3A_965 = arith.index_cast %add3A_964 : i32 to index
      %swap3A_966 = tpu.vector_load %arg8[%swap3A_965] {strides = array<i32>} : memref<50176xf32, #tpu.memory_space<vmem>>, vector<16xf32>,
      tpu.vector_store %arg8[%swap3A_965], %broadcast_in_dim3A_737 {strides = array<i32>} : memref<50176xf32, #tpu.memory_space<vmem>>, vector<16xf32>,
      %add3A_967 = arith.constant 16 : i32
      %add3A_968 = arith.addi %mul3A_962, %add3A_967 : i32
      %swap3A_969 = arith.index_cast %add3A_968 : i32 to index
      %swap3A_970 = tpu.vector_load %arg8[%swap3A_969] {strides = array<i32>} : memref<50176xf32, #tpu.memory_space<vmem>>, vector<16xf32>,
      tpu.vector_store %arg8[%swap3A_969], %broadcast_in_dim3A_737 {strides = array<i32>} : memref<50176xf32, #tpu.memory_space<vmem>>, vector<16xf32>,
      %add3A_971 = arith.constant 32 : i32
      %add3A_972 = arith.addi %mul3A_962, %add3A_971 : i32
      %swap3A_973 = arith.index_cast %add3A_972 : i32 to index
      %swap3A_974 = tpu.vector_load %arg8[%swap3A_973] {strides = array<i32>} : memref<50176xf32, #tpu.memory_space<vmem>>, vector<16xf32>,
      tpu.vector_store %arg8[%swap3A_973], %broadcast_in_dim3A_737 {strides = array<i32>} : memref<50176xf32, #tpu.memory_space<vmem>>, vector<16xf32>,
      %add3A_975 = arith.constant 48 : i32
      %add3A_976 = arith.addi %mul3A_962, %add3A_975 : i32
      %swap3A_977 = arith.index_cast %add3A_976 : i32 to index
      %swap3A_978 = tpu.vector_load %arg8[%swap3A_977] {strides = array<i32>} : memref<50176xf32, #tpu.memory_space<vmem>>, vector<16xf32>,
      tpu.vector_store %arg8[%swap3A_977], %broadcast_in_dim3A_737 {strides = array<i32>} : memref<50176xf32, #tpu.memory_space<vmem>>, vector<16xf32>,
      %add3A_979 = arith.constant 64 : i32
      %add3A_980 = arith.addi %mul3A_962, %add3A_979 : i32
      %swap3A_981 = arith.index_cast %add3A_980 : i32 to index
      %swap3A_982 = tpu.vector_load %arg8[%swap3A_981] {strides = array<i32>} : memref<50176xf32, #tpu.memory_space<vmem>>, vector<16xf32>,
      tpu.vector_store %arg8[%swap3A_981], %broadcast_in_dim3A_737 {strides = array<i32>} : memref<50176xf32, #tpu.memory_space<vmem>>, vector<16xf32>,
      %add3A_983 = arith.constant 80 : i32
      %add3A_984 = arith.addi %mul3A_962, %add3A_983 : i32
      %swap3A_985 = arith.index_cast %add3A_984 : i32 to index
      %swap3A_986 = tpu.vector_load %arg8[%swap3A_985] {strides = array<i32>} : memref<50176xf32, #tpu.memory_space<vmem>>, vector<16xf32>,
      tpu.vector_store %arg8[%swap3A_985], %broadcast_in_dim3A_737 {strides = array<i32>} : memref<50176xf32, #tpu.memory_space<vmem>>, vector<16xf32>,
      %add3A_987 = arith.constant 96 : i32
      %add3A_988 = arith.addi %mul3A_962, %add3A_987 : i32
      %swap3A_989 = arith.index_cast %add3A_988 : i32 to index
      %swap3A_990 = tpu.vector_load %arg8[%swap3A_989] {strides = array<i32>} : memref<50176xf32, #tpu.memory_space<vmem>>, vector<16xf32>,
      tpu.vector_store %arg8[%swap3A_989], %broadcast_in_dim3A_737 {strides = array<i32>} : memref<50176xf32, #tpu.memory_space<vmem>>, vector<16xf32>,
      %add3A_991 = arith.constant 112 : i32
      %add3A_992 = arith.addi %mul3A_962, %add3A_991 : i32
      %swap3A_993 = arith.index_cast %add3A_992 : i32 to index
      %swap3A_994 = tpu.vector_load %arg8[%swap3A_993] {strides = array<i32>} : memref<50176xf32, #tpu.memory_space<vmem>>, vector<16xf32>,
      tpu.vector_store %arg8[%swap3A_993], %broadcast_in_dim3A_737 {strides = array<i32>} : memref<50176xf32, #tpu.memory_space<vmem>>, vector<16xf32>,
      %while3A_995 = arith.constant 0 : i32
      scf.yield %while3A_995 : i32
    }
    %while3A_750 = arith.constant 1 : i32
    %while3A_751 = scf.for %while3A_960 = %while3A_747 to %while3A_743 step %while3A_750 iter_args(%while3A_961 = %while3A_749) -> (i32)  : i32 {
      %mul3A_962 = arith.muli %while3A_960, %while3A_738 : i32
      %add3A_963 = arith.constant 0 : i32
      %add3A_964 = arith.addi %mul3A_962, %add3A_963 : i32
      %swap3A_965 = arith.index_cast %add3A_964 : i32 to index
      %swap3A_966 = tpu.vector_load %arg8[%swap3A_965] {strides = array<i32>} : memref<50176xf32, #tpu.memory_space<vmem>>, vector<16xf32>,
      tpu.vector_store %arg8[%swap3A_965], %broadcast_in_dim3A_737 {strides = array<i32>} : memref<50176xf32, #tpu.memory_space<vmem>>, vector<16xf32>,
      %add3A_967 = arith.constant 16 : i32
      %add3A_968 = arith.addi %mul3A_962, %add3A_967 : i32
      %swap3A_969 = arith.index_cast %add3A_968 : i32 to index
      %swap3A_970 = tpu.vector_load %arg8[%swap3A_969] {strides = array<i32>} : memref<50176xf32, #tpu.memory_space<vmem>>, vector<16xf32>,
      tpu.vector_store %arg8[%swap3A_969], %broadcast_in_dim3A_737 {strides = array<i32>} : memref<50176xf32, #tpu.memory_space<vmem>>, vector<16xf32>,
      %add3A_971 = arith.constant 32 : i32
      %add3A_972 = arith.addi %mul3A_962, %add3A_971 : i32
      %swap3A_973 = arith.index_cast %add3A_972 : i32 to index
      %swap3A_974 = tpu.vector_load %arg8[%swap3A_973] {strides = array<i32>} : memref<50176xf32, #tpu.memory_space<vmem>>, vector<16xf32>,
      tpu.vector_store %arg8[%swap3A_973], %broadcast_in_dim3A_737 {strides = array<i32>} : memref<50176xf32, #tpu.memory_space<vmem>>, vector<16xf32>,
      %add3A_975 = arith.constant 48 : i32
      %add3A_976 = arith.addi %mul3A_962, %add3A_975 : i32
      %swap3A_977 = arith.index_cast %add3A_976 : i32 to index
      %swap3A_978 = tpu.vector_load %arg8[%swap3A_977] {strides = array<i32>} : memref<50176xf32, #tpu.memory_space<vmem>>, vector<16xf32>,
      tpu.vector_store %arg8[%swap3A_977], %broadcast_in_dim3A_737 {strides = array<i32>} : memref<50176xf32, #tpu.memory_space<vmem>>, vector<16xf32>,
      %add3A_979 = arith.constant 64 : i32
      %add3A_980 = arith.addi %mul3A_962, %add3A_979 : i32
      %swap3A_981 = arith.index_cast %add3A_980 : i32 to index
      %swap3A_982 = tpu.vector_load %arg8[%swap3A_981] {strides = array<i32>} : memref<50176xf32, #tpu.memory_space<vmem>>, vector<16xf32>,
      tpu.vector_store %arg8[%swap3A_981], %broadcast_in_dim3A_737 {strides = array<i32>} : memref<50176xf32, #tpu.memory_space<vmem>>, vector<16xf32>,
      %add3A_983 = arith.constant 80 : i32
      %add3A_984 = arith.addi %mul3A_962, %add3A_983 : i32
      %swap3A_985 = arith.index_cast %add3A_984 : i32 to index
      %swap3A_986 = tpu.vector_load %arg8[%swap3A_985] {strides = array<i32>} : memref<50176xf32, #tpu.memory_space<vmem>>, vector<16xf32>,
      tpu.vector_store %arg8[%swap3A_985], %broadcast_in_dim3A_737 {strides = array<i32>} : memref<50176xf32, #tpu.memory_space<vmem>>, vector<16xf32>,
      %add3A_987 = arith.constant 96 : i32
      %add3A_988 = arith.addi %mul3A_962, %add3A_987 : i32
      %swap3A_989 = arith.index_cast %add3A_988 : i32 to index
      %swap3A_990 = tpu.vector_load %arg8[%swap3A_989] {strides = array<i32>} : memref<50176xf32, #tpu.memory_space<vmem>>, vector<16xf32>,
      tpu.vector_store %arg8[%swap3A_989], %broadcast_in_dim3A_737 {strides = array<i32>} : memref<50176xf32, #tpu.memory_space<vmem>>, vector<16xf32>,
      %add3A_991 = arith.constant 112 : i32
      %add3A_992 = arith.addi %mul3A_962, %add3A_991 : i32
      %swap3A_993 = arith.index_cast %add3A_992 : i32 to index
      %swap3A_994 = tpu.vector_load %arg8[%swap3A_993] {strides = array<i32>} : memref<50176xf32, #tpu.memory_space<vmem>>, vector<16xf32>,
      tpu.vector_store %arg8[%swap3A_993], %broadcast_in_dim3A_737 {strides = array<i32>} : memref<50176xf32, #tpu.memory_space<vmem>>, vector<16xf32>,
      %while3A_995 = arith.constant 0 : i32
      scf.yield %while3A_995 : i32
    }
    %dma_wait3A_752 = arith.constant 0 : i32
    %dma_wait3A_753 = tpu.memref_slice %arg5[%dma_wait3A_752] : memref<12560xi32, #tpu.memory_space<vmem>> -> memref<12544xi32, #tpu.memory_space<vmem>>
    %dma_wait3A_754 = arith.constant 0 : i32
    %dma_wait3A_755 = tpu.memref_slice %arg3[%add3A_711, %dma_wait3A_754] : memref<384x12544xi32, #tpu.memory_space<hbm>> -> memref<1x12544xi32, #tpu.memory_space<hbm>>
    %dma_wait3A_756 = tpu.memref_squeeze %dma_wait3A_755 : memref<1x12544xi32, #tpu.memory_space<hbm>> -> memref<12544xi32, #tpu.memory_space<hbm>>
    %dma_wait3A_757 = arith.constant 0 : i32
    %dma_wait3A_758 = tpu.memref_slice %arg5[%dma_wait3A_757] : memref<12560xi32, #tpu.memory_space<vmem>> -> memref<12544xi32, #tpu.memory_space<vmem>>
    %dma_wait3A_759 = arith.constant 0 : i32
    %dma_wait3A_760 = tpu.memref_slice %arg3[%add3A_711, %dma_wait3A_759] : memref<384x12544xi32, #tpu.memory_space<hbm>> -> memref<1x12544xi32, #tpu.memory_space<hbm>>
    %dma_wait3A_761 = tpu.memref_squeeze %dma_wait3A_760 : memref<1x12544xi32, #tpu.memory_space<hbm>> -> memref<12544xi32, #tpu.memory_space<hbm>>
    tpu.wait_dma2 semaphore(%arg9 : memref<!tpu.dma_semaphore, #tpu.memory_space<semaphore_mem>>) src(%dma_wait3A_761 : memref<12544xi32, #tpu.memory_space<hbm>>) dst(%dma_wait3A_758 : memref<12544xi32, #tpu.memory_space<vmem>>)
    %dma_wait3A_762 = arith.constant 0 : i32
    %dma_wait3A_763 = tpu.memref_slice %arg2[%add3A_711, %dma_wait3A_762] : memref<384x12544xf32, #tpu.memory_space<hbm>> -> memref<1x12544xf32, #tpu.memory_space<hbm>>
    %dma_wait3A_764 = tpu.memref_squeeze %dma_wait3A_763 : memref<1x12544xf32, #tpu.memory_space<hbm>> -> memref<12544xf32, #tpu.memory_space<hbm>>
    %dma_wait3A_765 = arith.constant 0 : i32
    %dma_wait3A_766 = tpu.memref_slice %arg2[%add3A_711, %dma_wait3A_765] : memref<384x12544xf32, #tpu.memory_space<hbm>> -> memref<1x12544xf32, #tpu.memory_space<hbm>>
    %dma_wait3A_767 = tpu.memref_squeeze %dma_wait3A_766 : memref<1x12544xf32, #tpu.memory_space<hbm>> -> memref<12544xf32, #tpu.memory_space<hbm>>
    tpu.wait_dma2 semaphore(%arg10 : memref<!tpu.dma_semaphore, #tpu.memory_space<semaphore_mem>>) src(%dma_wait3A_767 : memref<12544xf32, #tpu.memory_space<hbm>>) dst(%arg6 : memref<12544xf32, #tpu.memory_space<vmem>>)
    %while3A_768 = arith.constant 128 : i32
    %while3A_769 = arith.constant 0 : i32
    %while3A_770 = arith.constant 98 : i32
    %while3A_771 = arith.constant 0 : i32
    %while3A_772 = arith.subi %while3A_770, %while3A_769 : i32
    %while3A_773 = arith.addi %while3A_769, %while3A_772 : i32
    %while3A_774 = arith.constant 1 : i32
    %while3A_775 = arith.divsi %while3A_772, %while3A_774 : i32
    %while3A_776 = arith.muli %while3A_775, %while3A_774 : i32
    %while3A_777 = arith.addi %while3A_769, %while3A_776 : i32
    %while3A_778 = arith.constant 1 : i32
    %while3A_779 = scf.for %while3A_960 = %while3A_769 to %while3A_777 step %while3A_778 iter_args(%while3A_961 = %while3A_771) -> (i32)  : i32 {
      %mul3A_962 = arith.muli %while3A_960, %while3A_768 : i32
      %add3A_963 = arith.constant 0 : i32
      %add3A_964 = arith.addi %mul3A_962, %add3A_963 : i32
      %get3A = arith.index_cast %add3A_964 : i32 to index
      %get3A_965 = tpu.vector_load %arg5[%get3A] {strides = array<i32>} : memref<12560xi32, #tpu.memory_space<vmem>>, vector<16xi32>,
      %add3A_966 = arith.constant 1 : i32
      %add3A_967 = arith.addi %add3A_964, %add3A_966 : i32
      %get3A_968 = arith.index_cast %add3A_967 : i32 to index
      %get3A_969 = tpu.vector_load %arg5[%get3A_968] {strides = array<i32>} : memref<12560xi32, #tpu.memory_space<vmem>>, vector<16xi32>,
      %get3A_970 = arith.index_cast %add3A_964 : i32 to index
      %get3A_971 = tpu.vector_load %arg6[%get3A_970] {strides = array<i32>} : memref<12544xf32, #tpu.memory_space<vmem>>, vector<16xf32>,
      %sub3A = vector.broadcast %mul3A_713 : i32 to vector<16xi32>
      %sub3A_972 = arith.subi %get3A_965, %sub3A : vector<16xi32>
      %ne3A = arith.cmpi ne, %get3A_965, %get3A_969 : vector<16xi32>
      tpu.vector_store_idx %arg8[%sub3A_972], %get3A_971 masked %ne3A : memref<50176xf32, #tpu.memory_space<vmem>>[vector<16xi32>], vector<16xf32>, vector<16xi1>
      %add3A_973 = arith.constant 16 : i32
      %add3A_974 = arith.addi %mul3A_962, %add3A_973 : i32
      %get3A_975 = arith.index_cast %add3A_974 : i32 to index
      %get3A_976 = tpu.vector_load %arg5[%get3A_975] {strides = array<i32>} : memref<12560xi32, #tpu.memory_space<vmem>>, vector<16xi32>,
      %add3A_977 = arith.constant 1 : i32
      %add3A_978 = arith.addi %add3A_974, %add3A_977 : i32
      %get3A_979 = arith.index_cast %add3A_978 : i32 to index
      %get3A_980 = tpu.vector_load %arg5[%get3A_979] {strides = array<i32>} : memref<12560xi32, #tpu.memory_space<vmem>>, vector<16xi32>,
      %get3A_981 = arith.index_cast %add3A_974 : i32 to index
      %get3A_982 = tpu.vector_load %arg6[%get3A_981] {strides = array<i32>} : memref<12544xf32, #tpu.memory_space<vmem>>, vector<16xf32>,
      %sub3A_983 = vector.broadcast %mul3A_713 : i32 to vector<16xi32>
      %sub3A_984 = arith.subi %get3A_976, %sub3A_983 : vector<16xi32>
      %ne3A_985 = arith.cmpi ne, %get3A_976, %get3A_980 : vector<16xi32>
      tpu.vector_store_idx %arg8[%sub3A_984], %get3A_982 masked %ne3A_985 : memref<50176xf32, #tpu.memory_space<vmem>>[vector<16xi32>], vector<16xf32>, vector<16xi1>
      %add3A_986 = arith.constant 32 : i32
      %add3A_987 = arith.addi %mul3A_962, %add3A_986 : i32
      %get3A_988 = arith.index_cast %add3A_987 : i32 to index
      %get3A_989 = tpu.vector_load %arg5[%get3A_988] {strides = array<i32>} : memref<12560xi32, #tpu.memory_space<vmem>>, vector<16xi32>,
      %add3A_990 = arith.constant 1 : i32
      %add3A_991 = arith.addi %add3A_987, %add3A_990 : i32
      %get3A_992 = arith.index_cast %add3A_991 : i32 to index
      %get3A_993 = tpu.vector_load %arg5[%get3A_992] {strides = array<i32>} : memref<12560xi32, #tpu.memory_space<vmem>>, vector<16xi32>,
      %get3A_994 = arith.index_cast %add3A_987 : i32 to index
      %get3A_995 = tpu.vector_load %arg6[%get3A_994] {strides = array<i32>} : memref<12544xf32, #tpu.memory_space<vmem>>, vector<16xf32>,
      %sub3A_996 = vector.broadcast %mul3A_713 : i32 to vector<16xi32>
      %sub3A_997 = arith.subi %get3A_989, %sub3A_996 : vector<16xi32>
      %ne3A_998 = arith.cmpi ne, %get3A_989, %get3A_993 : vector<16xi32>
      tpu.vector_store_idx %arg8[%sub3A_997], %get3A_995 masked %ne3A_998 : memref<50176xf32, #tpu.memory_space<vmem>>[vector<16xi32>], vector<16xf32>, vector<16xi1>
      %add3A_999 = arith.constant 48 : i32
      %add3A_1000 = arith.addi %mul3A_962, %add3A_999 : i32
      %get3A_1001 = arith.index_cast %add3A_1000 : i32 to index
      %get3A_1002 = tpu.vector_load %arg5[%get3A_1001] {strides = array<i32>} : memref<12560xi32, #tpu.memory_space<vmem>>, vector<16xi32>,
      %add3A_1003 = arith.constant 1 : i32
      %add3A_1004 = arith.addi %add3A_1000, %add3A_1003 : i32
      %get3A_1005 = arith.index_cast %add3A_1004 : i32 to index
      %get3A_1006 = tpu.vector_load %arg5[%get3A_1005] {strides = array<i32>} : memref<12560xi32, #tpu.memory_space<vmem>>, vector<16xi32>,
      %get3A_1007 = arith.index_cast %add3A_1000 : i32 to index
      %get3A_1008 = tpu.vector_load %arg6[%get3A_1007] {strides = array<i32>} : memref<12544xf32, #tpu.memory_space<vmem>>, vector<16xf32>,
      %sub3A_1009 = vector.broadcast %mul3A_713 : i32 to vector<16xi32>
      %sub3A_1010 = arith.subi %get3A_1002, %sub3A_1009 : vector<16xi32>
      %ne3A_1011 = arith.cmpi ne, %get3A_1002, %get3A_1006 : vector<16xi32>
      tpu.vector_store_idx %arg8[%sub3A_1010], %get3A_1008 masked %ne3A_1011 : memref<50176xf32, #tpu.memory_space<vmem>>[vector<16xi32>], vector<16xf32>, vector<16xi1>
      %add3A_1012 = arith.constant 64 : i32
      %add3A_1013 = arith.addi %mul3A_962, %add3A_1012 : i32
      %get3A_1014 = arith.index_cast %add3A_1013 : i32 to index
      %get3A_1015 = tpu.vector_load %arg5[%get3A_1014] {strides = array<i32>} : memref<12560xi32, #tpu.memory_space<vmem>>, vector<16xi32>,
      %add3A_1016 = arith.constant 1 : i32
      %add3A_1017 = arith.addi %add3A_1013, %add3A_1016 : i32
      %get3A_1018 = arith.index_cast %add3A_1017 : i32 to index
      %get3A_1019 = tpu.vector_load %arg5[%get3A_1018] {strides = array<i32>} : memref<12560xi32, #tpu.memory_space<vmem>>, vector<16xi32>,
      %get3A_1020 = arith.index_cast %add3A_1013 : i32 to index
      %get3A_1021 = tpu.vector_load %arg6[%get3A_1020] {strides = array<i32>} : memref<12544xf32, #tpu.memory_space<vmem>>, vector<16xf32>,
      %sub3A_1022 = vector.broadcast %mul3A_713 : i32 to vector<16xi32>
      %sub3A_1023 = arith.subi %get3A_1015, %sub3A_1022 : vector<16xi32>
      %ne3A_1024 = arith.cmpi ne, %get3A_1015, %get3A_1019 : vector<16xi32>
      tpu.vector_store_idx %arg8[%sub3A_1023], %get3A_1021 masked %ne3A_1024 : memref<50176xf32, #tpu.memory_space<vmem>>[vector<16xi32>], vector<16xf32>, vector<16xi1>
      %add3A_1025 = arith.constant 80 : i32
      %add3A_1026 = arith.addi %mul3A_962, %add3A_1025 : i32
      %get3A_1027 = arith.index_cast %add3A_1026 : i32 to index
      %get3A_1028 = tpu.vector_load %arg5[%get3A_1027] {strides = array<i32>} : memref<12560xi32, #tpu.memory_space<vmem>>, vector<16xi32>,
      %add3A_1029 = arith.constant 1 : i32
      %add3A_1030 = arith.addi %add3A_1026, %add3A_1029 : i32
      %get3A_1031 = arith.index_cast %add3A_1030 : i32 to index
      %get3A_1032 = tpu.vector_load %arg5[%get3A_1031] {strides = array<i32>} : memref<12560xi32, #tpu.memory_space<vmem>>, vector<16xi32>,
      %get3A_1033 = arith.index_cast %add3A_1026 : i32 to index
      %get3A_1034 = tpu.vector_load %arg6[%get3A_1033] {strides = array<i32>} : memref<12544xf32, #tpu.memory_space<vmem>>, vector<16xf32>,
      %sub3A_1035 = vector.broadcast %mul3A_713 : i32 to vector<16xi32>
      %sub3A_1036 = arith.subi %get3A_1028, %sub3A_1035 : vector<16xi32>
      %ne3A_1037 = arith.cmpi ne, %get3A_1028, %get3A_1032 : vector<16xi32>
      tpu.vector_store_idx %arg8[%sub3A_1036], %get3A_1034 masked %ne3A_1037 : memref<50176xf32, #tpu.memory_space<vmem>>[vector<16xi32>], vector<16xf32>, vector<16xi1>
      %add3A_1038 = arith.constant 96 : i32
      %add3A_1039 = arith.addi %mul3A_962, %add3A_1038 : i32
      %get3A_1040 = arith.index_cast %add3A_1039 : i32 to index
      %get3A_1041 = tpu.vector_load %arg5[%get3A_1040] {strides = array<i32>} : memref<12560xi32, #tpu.memory_space<vmem>>, vector<16xi32>,
      %add3A_1042 = arith.constant 1 : i32
      %add3A_1043 = arith.addi %add3A_1039, %add3A_1042 : i32
      %get3A_1044 = arith.index_cast %add3A_1043 : i32 to index
      %get3A_1045 = tpu.vector_load %arg5[%get3A_1044] {strides = array<i32>} : memref<12560xi32, #tpu.memory_space<vmem>>, vector<16xi32>,
      %get3A_1046 = arith.index_cast %add3A_1039 : i32 to index
      %get3A_1047 = tpu.vector_load %arg6[%get3A_1046] {strides = array<i32>} : memref<12544xf32, #tpu.memory_space<vmem>>, vector<16xf32>,
      %sub3A_1048 = vector.broadcast %mul3A_713 : i32 to vector<16xi32>
      %sub3A_1049 = arith.subi %get3A_1041, %sub3A_1048 : vector<16xi32>
      %ne3A_1050 = arith.cmpi ne, %get3A_1041, %get3A_1045 : vector<16xi32>
      tpu.vector_store_idx %arg8[%sub3A_1049], %get3A_1047 masked %ne3A_1050 : memref<50176xf32, #tpu.memory_space<vmem>>[vector<16xi32>], vector<16xf32>, vector<16xi1>
      %add3A_1051 = arith.constant 112 : i32
      %add3A_1052 = arith.addi %mul3A_962, %add3A_1051 : i32
      %get3A_1053 = arith.index_cast %add3A_1052 : i32 to index
      %get3A_1054 = tpu.vector_load %arg5[%get3A_1053] {strides = array<i32>} : memref<12560xi32, #tpu.memory_space<vmem>>, vector<16xi32>,
      %add3A_1055 = arith.constant 1 : i32
      %add3A_1056 = arith.addi %add3A_1052, %add3A_1055 : i32
      %get3A_1057 = arith.index_cast %add3A_1056 : i32 to index
      %get3A_1058 = tpu.vector_load %arg5[%get3A_1057] {strides = array<i32>} : memref<12560xi32, #tpu.memory_space<vmem>>, vector<16xi32>,
      %get3A_1059 = arith.index_cast %add3A_1052 : i32 to index
      %get3A_1060 = tpu.vector_load %arg6[%get3A_1059] {strides = array<i32>} : memref<12544xf32, #tpu.memory_space<vmem>>, vector<16xf32>,
      %sub3A_1061 = vector.broadcast %mul3A_713 : i32 to vector<16xi32>
      %sub3A_1062 = arith.subi %get3A_1054, %sub3A_1061 : vector<16xi32>
      %ne3A_1063 = arith.cmpi ne, %get3A_1054, %get3A_1058 : vector<16xi32>
      tpu.vector_store_idx %arg8[%sub3A_1062], %get3A_1060 masked %ne3A_1063 : memref<50176xf32, #tpu.memory_space<vmem>>[vector<16xi32>], vector<16xf32>, vector<16xi1>
      %while3A_1064 = arith.constant 0 : i32
      scf.yield %while3A_1064 : i32
    }
    %while3A_780 = arith.constant 1 : i32
    %while3A_781 = scf.for %while3A_960 = %while3A_777 to %while3A_773 step %while3A_780 iter_args(%while3A_961 = %while3A_779) -> (i32)  : i32 {
      %mul3A_962 = arith.muli %while3A_960, %while3A_768 : i32
      %add3A_963 = arith.constant 0 : i32
      %add3A_964 = arith.addi %mul3A_962, %add3A_963 : i32
      %get3A = arith.index_cast %add3A_964 : i32 to index
      %get3A_965 = tpu.vector_load %arg5[%get3A] {strides = array<i32>} : memref<12560xi32, #tpu.memory_space<vmem>>, vector<16xi32>,
      %add3A_966 = arith.constant 1 : i32
      %add3A_967 = arith.addi %add3A_964, %add3A_966 : i32
      %get3A_968 = arith.index_cast %add3A_967 : i32 to index
      %get3A_969 = tpu.vector_load %arg5[%get3A_968] {strides = array<i32>} : memref<12560xi32, #tpu.memory_space<vmem>>, vector<16xi32>,
      %get3A_970 = arith.index_cast %add3A_964 : i32 to index
      %get3A_971 = tpu.vector_load %arg6[%get3A_970] {strides = array<i32>} : memref<12544xf32, #tpu.memory_space<vmem>>, vector<16xf32>,
      %sub3A = vector.broadcast %mul3A_713 : i32 to vector<16xi32>
      %sub3A_972 = arith.subi %get3A_965, %sub3A : vector<16xi32>
      %ne3A = arith.cmpi ne, %get3A_965, %get3A_969 : vector<16xi32>
      tpu.vector_store_idx %arg8[%sub3A_972], %get3A_971 masked %ne3A : memref<50176xf32, #tpu.memory_space<vmem>>[vector<16xi32>], vector<16xf32>, vector<16xi1>
      %add3A_973 = arith.constant 16 : i32
      %add3A_974 = arith.addi %mul3A_962, %add3A_973 : i32
      %get3A_975 = arith.index_cast %add3A_974 : i32 to index
      %get3A_976 = tpu.vector_load %arg5[%get3A_975] {strides = array<i32>} : memref<12560xi32, #tpu.memory_space<vmem>>, vector<16xi32>,
      %add3A_977 = arith.constant 1 : i32
      %add3A_978 = arith.addi %add3A_974, %add3A_977 : i32
      %get3A_979 = arith.index_cast %add3A_978 : i32 to index
      %get3A_980 = tpu.vector_load %arg5[%get3A_979] {strides = array<i32>} : memref<12560xi32, #tpu.memory_space<vmem>>, vector<16xi32>,
      %get3A_981 = arith.index_cast %add3A_974 : i32 to index
      %get3A_982 = tpu.vector_load %arg6[%get3A_981] {strides = array<i32>} : memref<12544xf32, #tpu.memory_space<vmem>>, vector<16xf32>,
      %sub3A_983 = vector.broadcast %mul3A_713 : i32 to vector<16xi32>
      %sub3A_984 = arith.subi %get3A_976, %sub3A_983 : vector<16xi32>
      %ne3A_985 = arith.cmpi ne, %get3A_976, %get3A_980 : vector<16xi32>
      tpu.vector_store_idx %arg8[%sub3A_984], %get3A_982 masked %ne3A_985 : memref<50176xf32, #tpu.memory_space<vmem>>[vector<16xi32>], vector<16xf32>, vector<16xi1>
      %add3A_986 = arith.constant 32 : i32
      %add3A_987 = arith.addi %mul3A_962, %add3A_986 : i32
      %get3A_988 = arith.index_cast %add3A_987 : i32 to index
      %get3A_989 = tpu.vector_load %arg5[%get3A_988] {strides = array<i32>} : memref<12560xi32, #tpu.memory_space<vmem>>, vector<16xi32>,
      %add3A_990 = arith.constant 1 : i32
      %add3A_991 = arith.addi %add3A_987, %add3A_990 : i32
      %get3A_992 = arith.index_cast %add3A_991 : i32 to index
      %get3A_993 = tpu.vector_load %arg5[%get3A_992] {strides = array<i32>} : memref<12560xi32, #tpu.memory_space<vmem>>, vector<16xi32>,
      %get3A_994 = arith.index_cast %add3A_987 : i32 to index
      %get3A_995 = tpu.vector_load %arg6[%get3A_994] {strides = array<i32>} : memref<12544xf32, #tpu.memory_space<vmem>>, vector<16xf32>,
      %sub3A_996 = vector.broadcast %mul3A_713 : i32 to vector<16xi32>
      %sub3A_997 = arith.subi %get3A_989, %sub3A_996 : vector<16xi32>
      %ne3A_998 = arith.cmpi ne, %get3A_989, %get3A_993 : vector<16xi32>
      tpu.vector_store_idx %arg8[%sub3A_997], %get3A_995 masked %ne3A_998 : memref<50176xf32, #tpu.memory_space<vmem>>[vector<16xi32>], vector<16xf32>, vector<16xi1>
      %add3A_999 = arith.constant 48 : i32
      %add3A_1000 = arith.addi %mul3A_962, %add3A_999 : i32
      %get3A_1001 = arith.index_cast %add3A_1000 : i32 to index
      %get3A_1002 = tpu.vector_load %arg5[%get3A_1001] {strides = array<i32>} : memref<12560xi32, #tpu.memory_space<vmem>>, vector<16xi32>,
      %add3A_1003 = arith.constant 1 : i32
      %add3A_1004 = arith.addi %add3A_1000, %add3A_1003 : i32
      %get3A_1005 = arith.index_cast %add3A_1004 : i32 to index
      %get3A_1006 = tpu.vector_load %arg5[%get3A_1005] {strides = array<i32>} : memref<12560xi32, #tpu.memory_space<vmem>>, vector<16xi32>,
      %get3A_1007 = arith.index_cast %add3A_1000 : i32 to index
      %get3A_1008 = tpu.vector_load %arg6[%get3A_1007] {strides = array<i32>} : memref<12544xf32, #tpu.memory_space<vmem>>, vector<16xf32>,
      %sub3A_1009 = vector.broadcast %mul3A_713 : i32 to vector<16xi32>
      %sub3A_1010 = arith.subi %get3A_1002, %sub3A_1009 : vector<16xi32>
      %ne3A_1011 = arith.cmpi ne, %get3A_1002, %get3A_1006 : vector<16xi32>
      tpu.vector_store_idx %arg8[%sub3A_1010], %get3A_1008 masked %ne3A_1011 : memref<50176xf32, #tpu.memory_space<vmem>>[vector<16xi32>], vector<16xf32>, vector<16xi1>
      %add3A_1012 = arith.constant 64 : i32
      %add3A_1013 = arith.addi %mul3A_962, %add3A_1012 : i32
      %get3A_1014 = arith.index_cast %add3A_1013 : i32 to index
      %get3A_1015 = tpu.vector_load %arg5[%get3A_1014] {strides = array<i32>} : memref<12560xi32, #tpu.memory_space<vmem>>, vector<16xi32>,
      %add3A_1016 = arith.constant 1 : i32
      %add3A_1017 = arith.addi %add3A_1013, %add3A_1016 : i32
      %get3A_1018 = arith.index_cast %add3A_1017 : i32 to index
      %get3A_1019 = tpu.vector_load %arg5[%get3A_1018] {strides = array<i32>} : memref<12560xi32, #tpu.memory_space<vmem>>, vector<16xi32>,
      %get3A_1020 = arith.index_cast %add3A_1013 : i32 to index
      %get3A_1021 = tpu.vector_load %arg6[%get3A_1020] {strides = array<i32>} : memref<12544xf32, #tpu.memory_space<vmem>>, vector<16xf32>,
      %sub3A_1022 = vector.broadcast %mul3A_713 : i32 to vector<16xi32>
      %sub3A_1023 = arith.subi %get3A_1015, %sub3A_1022 : vector<16xi32>
      %ne3A_1024 = arith.cmpi ne, %get3A_1015, %get3A_1019 : vector<16xi32>
      tpu.vector_store_idx %arg8[%sub3A_1023], %get3A_1021 masked %ne3A_1024 : memref<50176xf32, #tpu.memory_space<vmem>>[vector<16xi32>], vector<16xf32>, vector<16xi1>
      %add3A_1025 = arith.constant 80 : i32
      %add3A_1026 = arith.addi %mul3A_962, %add3A_1025 : i32
      %get3A_1027 = arith.index_cast %add3A_1026 : i32 to index
      %get3A_1028 = tpu.vector_load %arg5[%get3A_1027] {strides = array<i32>} : memref<12560xi32, #tpu.memory_space<vmem>>, vector<16xi32>,
      %add3A_1029 = arith.constant 1 : i32
      %add3A_1030 = arith.addi %add3A_1026, %add3A_1029 : i32
      %get3A_1031 = arith.index_cast %add3A_1030 : i32 to index
      %get3A_1032 = tpu.vector_load %arg5[%get3A_1031] {strides = array<i32>} : memref<12560xi32, #tpu.memory_space<vmem>>, vector<16xi32>,
      %get3A_1033 = arith.index_cast %add3A_1026 : i32 to index
      %get3A_1034 = tpu.vector_load %arg6[%get3A_1033] {strides = array<i32>} : memref<12544xf32, #tpu.memory_space<vmem>>, vector<16xf32>,
      %sub3A_1035 = vector.broadcast %mul3A_713 : i32 to vector<16xi32>
      %sub3A_1036 = arith.subi %get3A_1028, %sub3A_1035 : vector<16xi32>
      %ne3A_1037 = arith.cmpi ne, %get3A_1028, %get3A_1032 : vector<16xi32>
      tpu.vector_store_idx %arg8[%sub3A_1036], %get3A_1034 masked %ne3A_1037 : memref<50176xf32, #tpu.memory_space<vmem>>[vector<16xi32>], vector<16xf32>, vector<16xi1>
      %add3A_1038 = arith.constant 96 : i32
      %add3A_1039 = arith.addi %mul3A_962, %add3A_1038 : i32
      %get3A_1040 = arith.index_cast %add3A_1039 : i32 to index
      %get3A_1041 = tpu.vector_load %arg5[%get3A_1040] {strides = array<i32>} : memref<12560xi32, #tpu.memory_space<vmem>>, vector<16xi32>,
      %add3A_1042 = arith.constant 1 : i32
      %add3A_1043 = arith.addi %add3A_1039, %add3A_1042 : i32
      %get3A_1044 = arith.index_cast %add3A_1043 : i32 to index
      %get3A_1045 = tpu.vector_load %arg5[%get3A_1044] {strides = array<i32>} : memref<12560xi32, #tpu.memory_space<vmem>>, vector<16xi32>,
      %get3A_1046 = arith.index_cast %add3A_1039 : i32 to index
      %get3A_1047 = tpu.vector_load %arg6[%get3A_1046] {strides = array<i32>} : memref<12544xf32, #tpu.memory_space<vmem>>, vector<16xf32>,
      %sub3A_1048 = vector.broadcast %mul3A_713 : i32 to vector<16xi32>
      %sub3A_1049 = arith.subi %get3A_1041, %sub3A_1048 : vector<16xi32>
      %ne3A_1050 = arith.cmpi ne, %get3A_1041, %get3A_1045 : vector<16xi32>
      tpu.vector_store_idx %arg8[%sub3A_1049], %get3A_1047 masked %ne3A_1050 : memref<50176xf32, #tpu.memory_space<vmem>>[vector<16xi32>], vector<16xf32>, vector<16xi1>
      %add3A_1051 = arith.constant 112 : i32
      %add3A_1052 = arith.addi %mul3A_962, %add3A_1051 : i32
      %get3A_1053 = arith.index_cast %add3A_1052 : i32 to index
      %get3A_1054 = tpu.vector_load %arg5[%get3A_1053] {strides = array<i32>} : memref<12560xi32, #tpu.memory_space<vmem>>, vector<16xi32>,
      %add3A_1055 = arith.constant 1 : i32
      %add3A_1056 = arith.addi %add3A_1052, %add3A_1055 : i32
      %get3A_1057 = arith.index_cast %add3A_1056 : i32 to index
      %get3A_1058 = tpu.vector_load %arg5[%get3A_1057] {strides = array<i32>} : memref<12560xi32, #tpu.memory_space<vmem>>, vector<16xi32>,
      %get3A_1059 = arith.index_cast %add3A_1052 : i32 to index
      %get3A_1060 = tpu.vector_load %arg6[%get3A_1059] {strides = array<i32>} : memref<12544xf32, #tpu.memory_space<vmem>>, vector<16xf32>,
      %sub3A_1061 = vector.broadcast %mul3A_713 : i32 to vector<16xi32>
      %sub3A_1062 = arith.subi %get3A_1054, %sub3A_1061 : vector<16xi32>
      %ne3A_1063 = arith.cmpi ne, %get3A_1054, %get3A_1058 : vector<16xi32>
      tpu.vector_store_idx %arg8[%sub3A_1062], %get3A_1060 masked %ne3A_1063 : memref<50176xf32, #tpu.memory_space<vmem>>[vector<16xi32>], vector<16xf32>, vector<16xi1>
      %while3A_1064 = arith.constant 0 : i32
      scf.yield %while3A_1064 : i32
    }
    %dma_start3A_782 = arith.constant 0 : i32
    %dma_start3A_783 = tpu.memref_slice %arg4[%add3A_711, %dma_start3A_782] : memref<384x50176xf32, #tpu.memory_space<hbm>> -> memref<1x50176xf32, #tpu.memory_space<hbm>>
    %dma_start3A_784 = tpu.memref_squeeze %dma_start3A_783 : memref<1x50176xf32, #tpu.memory_space<hbm>> -> memref<50176xf32, #tpu.memory_space<hbm>>
    %dma_start3A_785 = arith.constant 0 : i32
    %dma_start3A_786 = tpu.memref_slice %arg4[%add3A_711, %dma_start3A_785] : memref<384x50176xf32, #tpu.memory_space<hbm>> -> memref<1x50176xf32, #tpu.memory_space<hbm>>
    %dma_start3A_787 = tpu.memref_squeeze %dma_start3A_786 : memref<1x50176xf32, #tpu.memory_space<hbm>> -> memref<50176xf32, #tpu.memory_space<hbm>>
    tpu.enqueue_dma source(%arg8 : memref<50176xf32, #tpu.memory_space<vmem>>) target(%dma_start3A_787 : memref<50176xf32, #tpu.memory_space<hbm>>) target_semaphore(%arg12 : memref<!tpu.dma_semaphore, #tpu.memory_space<semaphore_mem>>)
    %mul3A_788 = arith.constant 12 : i32
    %mul3A_789 = arith.muli %add3A, %mul3A_788 : i32
    %add3A_790 = arith.constant 10 : i32
    %add3A_791 = arith.addi %mul3A_789, %add3A_790 : i32
    %mul3A_792 = arith.constant 50176 : i32
    %mul3A_793 = arith.muli %add3A_791, %mul3A_792 : i32
    %dma_start3A_794 = arith.constant 0 : i32
    %dma_start3A_795 = tpu.memref_slice %arg5[%dma_start3A_794] : memref<12560xi32, #tpu.memory_space<vmem>> -> memref<12544xi32, #tpu.memory_space<vmem>>
    %dma_start3A_796 = arith.constant 0 : i32
    %dma_start3A_797 = tpu.memref_slice %arg3[%add3A_791, %dma_start3A_796] : memref<384x12544xi32, #tpu.memory_space<hbm>> -> memref<1x12544xi32, #tpu.memory_space<hbm>>
    %dma_start3A_798 = tpu.memref_squeeze %dma_start3A_797 : memref<1x12544xi32, #tpu.memory_space<hbm>> -> memref<12544xi32, #tpu.memory_space<hbm>>
    %dma_start3A_799 = arith.constant 0 : i32
    %dma_start3A_800 = tpu.memref_slice %arg5[%dma_start3A_799] : memref<12560xi32, #tpu.memory_space<vmem>> -> memref<12544xi32, #tpu.memory_space<vmem>>
    %dma_start3A_801 = arith.constant 0 : i32
    %dma_start3A_802 = tpu.memref_slice %arg3[%add3A_791, %dma_start3A_801] : memref<384x12544xi32, #tpu.memory_space<hbm>> -> memref<1x12544xi32, #tpu.memory_space<hbm>>
    %dma_start3A_803 = tpu.memref_squeeze %dma_start3A_802 : memref<1x12544xi32, #tpu.memory_space<hbm>> -> memref<12544xi32, #tpu.memory_space<hbm>>
    tpu.enqueue_dma source(%dma_start3A_803 : memref<12544xi32, #tpu.memory_space<hbm>>) target(%dma_start3A_800 : memref<12544xi32, #tpu.memory_space<vmem>>) target_semaphore(%arg9 : memref<!tpu.dma_semaphore, #tpu.memory_space<semaphore_mem>>)
    %dma_start3A_804 = arith.constant 0 : i32
    %dma_start3A_805 = tpu.memref_slice %arg2[%add3A_791, %dma_start3A_804] : memref<384x12544xf32, #tpu.memory_space<hbm>> -> memref<1x12544xf32, #tpu.memory_space<hbm>>
    %dma_start3A_806 = tpu.memref_squeeze %dma_start3A_805 : memref<1x12544xf32, #tpu.memory_space<hbm>> -> memref<12544xf32, #tpu.memory_space<hbm>>
    %dma_start3A_807 = arith.constant 0 : i32
    %dma_start3A_808 = tpu.memref_slice %arg2[%add3A_791, %dma_start3A_807] : memref<384x12544xf32, #tpu.memory_space<hbm>> -> memref<1x12544xf32, #tpu.memory_space<hbm>>
    %dma_start3A_809 = tpu.memref_squeeze %dma_start3A_808 : memref<1x12544xf32, #tpu.memory_space<hbm>> -> memref<12544xf32, #tpu.memory_space<hbm>>
    tpu.enqueue_dma source(%dma_start3A_809 : memref<12544xf32, #tpu.memory_space<hbm>>) target(%arg6 : memref<12544xf32, #tpu.memory_space<vmem>>) target_semaphore(%arg10 : memref<!tpu.dma_semaphore, #tpu.memory_space<semaphore_mem>>)
    %dma_wait3A_810 = arith.constant 0 : i32
    %dma_wait3A_811 = tpu.memref_slice %arg4[%add3A_631, %dma_wait3A_810] : memref<384x50176xf32, #tpu.memory_space<hbm>> -> memref<1x50176xf32, #tpu.memory_space<hbm>>
    %dma_wait3A_812 = tpu.memref_squeeze %dma_wait3A_811 : memref<1x50176xf32, #tpu.memory_space<hbm>> -> memref<50176xf32, #tpu.memory_space<hbm>>
    %dma_wait3A_813 = arith.constant 0 : i32
    %dma_wait3A_814 = tpu.memref_slice %arg4[%add3A_631, %dma_wait3A_813] : memref<384x50176xf32, #tpu.memory_space<hbm>> -> memref<1x50176xf32, #tpu.memory_space<hbm>>
    %dma_wait3A_815 = tpu.memref_squeeze %dma_wait3A_814 : memref<1x50176xf32, #tpu.memory_space<hbm>> -> memref<50176xf32, #tpu.memory_space<hbm>>
    tpu.wait_dma2 semaphore(%arg11 : memref<!tpu.dma_semaphore, #tpu.memory_space<semaphore_mem>>) src(%arg7 : memref<50176xf32, #tpu.memory_space<vmem>>) dst(%dma_wait3A_815 : memref<50176xf32, #tpu.memory_space<hbm>>)
    %broadcast_in_dim3A_816 = arith.constant 0.000000e+00 : f32
    %broadcast_in_dim3A_817 = vector.broadcast %broadcast_in_dim3A_816 : f32 to vector<16xf32>
    %while3A_818 = arith.constant 128 : i32
    %while3A_819 = arith.constant 0 : i32
    %while3A_820 = arith.constant 392 : i32
    %while3A_821 = arith.constant 0 : i32
    %while3A_822 = arith.subi %while3A_820, %while3A_819 : i32
    %while3A_823 = arith.addi %while3A_819, %while3A_822 : i32
    %while3A_824 = arith.constant 1 : i32
    %while3A_825 = arith.divsi %while3A_822, %while3A_824 : i32
    %while3A_826 = arith.muli %while3A_825, %while3A_824 : i32
    %while3A_827 = arith.addi %while3A_819, %while3A_826 : i32
    %while3A_828 = arith.constant 1 : i32
    %while3A_829 = scf.for %while3A_960 = %while3A_819 to %while3A_827 step %while3A_828 iter_args(%while3A_961 = %while3A_821) -> (i32)  : i32 {
      %mul3A_962 = arith.muli %while3A_960, %while3A_818 : i32
      %add3A_963 = arith.constant 0 : i32
      %add3A_964 = arith.addi %mul3A_962, %add3A_963 : i32
      %swap3A_965 = arith.index_cast %add3A_964 : i32 to index
      %swap3A_966 = tpu.vector_load %arg7[%swap3A_965] {strides = array<i32>} : memref<50176xf32, #tpu.memory_space<vmem>>, vector<16xf32>,
      tpu.vector_store %arg7[%swap3A_965], %broadcast_in_dim3A_817 {strides = array<i32>} : memref<50176xf32, #tpu.memory_space<vmem>>, vector<16xf32>,
      %add3A_967 = arith.constant 16 : i32
      %add3A_968 = arith.addi %mul3A_962, %add3A_967 : i32
      %swap3A_969 = arith.index_cast %add3A_968 : i32 to index
      %swap3A_970 = tpu.vector_load %arg7[%swap3A_969] {strides = array<i32>} : memref<50176xf32, #tpu.memory_space<vmem>>, vector<16xf32>,
      tpu.vector_store %arg7[%swap3A_969], %broadcast_in_dim3A_817 {strides = array<i32>} : memref<50176xf32, #tpu.memory_space<vmem>>, vector<16xf32>,
      %add3A_971 = arith.constant 32 : i32
      %add3A_972 = arith.addi %mul3A_962, %add3A_971 : i32
      %swap3A_973 = arith.index_cast %add3A_972 : i32 to index
      %swap3A_974 = tpu.vector_load %arg7[%swap3A_973] {strides = array<i32>} : memref<50176xf32, #tpu.memory_space<vmem>>, vector<16xf32>,
      tpu.vector_store %arg7[%swap3A_973], %broadcast_in_dim3A_817 {strides = array<i32>} : memref<50176xf32, #tpu.memory_space<vmem>>, vector<16xf32>,
      %add3A_975 = arith.constant 48 : i32
      %add3A_976 = arith.addi %mul3A_962, %add3A_975 : i32
      %swap3A_977 = arith.index_cast %add3A_976 : i32 to index
      %swap3A_978 = tpu.vector_load %arg7[%swap3A_977] {strides = array<i32>} : memref<50176xf32, #tpu.memory_space<vmem>>, vector<16xf32>,
      tpu.vector_store %arg7[%swap3A_977], %broadcast_in_dim3A_817 {strides = array<i32>} : memref<50176xf32, #tpu.memory_space<vmem>>, vector<16xf32>,
      %add3A_979 = arith.constant 64 : i32
      %add3A_980 = arith.addi %mul3A_962, %add3A_979 : i32
      %swap3A_981 = arith.index_cast %add3A_980 : i32 to index
      %swap3A_982 = tpu.vector_load %arg7[%swap3A_981] {strides = array<i32>} : memref<50176xf32, #tpu.memory_space<vmem>>, vector<16xf32>,
      tpu.vector_store %arg7[%swap3A_981], %broadcast_in_dim3A_817 {strides = array<i32>} : memref<50176xf32, #tpu.memory_space<vmem>>, vector<16xf32>,
      %add3A_983 = arith.constant 80 : i32
      %add3A_984 = arith.addi %mul3A_962, %add3A_983 : i32
      %swap3A_985 = arith.index_cast %add3A_984 : i32 to index
      %swap3A_986 = tpu.vector_load %arg7[%swap3A_985] {strides = array<i32>} : memref<50176xf32, #tpu.memory_space<vmem>>, vector<16xf32>,
      tpu.vector_store %arg7[%swap3A_985], %broadcast_in_dim3A_817 {strides = array<i32>} : memref<50176xf32, #tpu.memory_space<vmem>>, vector<16xf32>,
      %add3A_987 = arith.constant 96 : i32
      %add3A_988 = arith.addi %mul3A_962, %add3A_987 : i32
      %swap3A_989 = arith.index_cast %add3A_988 : i32 to index
      %swap3A_990 = tpu.vector_load %arg7[%swap3A_989] {strides = array<i32>} : memref<50176xf32, #tpu.memory_space<vmem>>, vector<16xf32>,
      tpu.vector_store %arg7[%swap3A_989], %broadcast_in_dim3A_817 {strides = array<i32>} : memref<50176xf32, #tpu.memory_space<vmem>>, vector<16xf32>,
      %add3A_991 = arith.constant 112 : i32
      %add3A_992 = arith.addi %mul3A_962, %add3A_991 : i32
      %swap3A_993 = arith.index_cast %add3A_992 : i32 to index
      %swap3A_994 = tpu.vector_load %arg7[%swap3A_993] {strides = array<i32>} : memref<50176xf32, #tpu.memory_space<vmem>>, vector<16xf32>,
      tpu.vector_store %arg7[%swap3A_993], %broadcast_in_dim3A_817 {strides = array<i32>} : memref<50176xf32, #tpu.memory_space<vmem>>, vector<16xf32>,
      %while3A_995 = arith.constant 0 : i32
      scf.yield %while3A_995 : i32
    }
    %while3A_830 = arith.constant 1 : i32
    %while3A_831 = scf.for %while3A_960 = %while3A_827 to %while3A_823 step %while3A_830 iter_args(%while3A_961 = %while3A_829) -> (i32)  : i32 {
      %mul3A_962 = arith.muli %while3A_960, %while3A_818 : i32
      %add3A_963 = arith.constant 0 : i32
      %add3A_964 = arith.addi %mul3A_962, %add3A_963 : i32
      %swap3A_965 = arith.index_cast %add3A_964 : i32 to index
      %swap3A_966 = tpu.vector_load %arg7[%swap3A_965] {strides = array<i32>} : memref<50176xf32, #tpu.memory_space<vmem>>, vector<16xf32>,
      tpu.vector_store %arg7[%swap3A_965], %broadcast_in_dim3A_817 {strides = array<i32>} : memref<50176xf32, #tpu.memory_space<vmem>>, vector<16xf32>,
      %add3A_967 = arith.constant 16 : i32
      %add3A_968 = arith.addi %mul3A_962, %add3A_967 : i32
      %swap3A_969 = arith.index_cast %add3A_968 : i32 to index
      %swap3A_970 = tpu.vector_load %arg7[%swap3A_969] {strides = array<i32>} : memref<50176xf32, #tpu.memory_space<vmem>>, vector<16xf32>,
      tpu.vector_store %arg7[%swap3A_969], %broadcast_in_dim3A_817 {strides = array<i32>} : memref<50176xf32, #tpu.memory_space<vmem>>, vector<16xf32>,
      %add3A_971 = arith.constant 32 : i32
      %add3A_972 = arith.addi %mul3A_962, %add3A_971 : i32
      %swap3A_973 = arith.index_cast %add3A_972 : i32 to index
      %swap3A_974 = tpu.vector_load %arg7[%swap3A_973] {strides = array<i32>} : memref<50176xf32, #tpu.memory_space<vmem>>, vector<16xf32>,
      tpu.vector_store %arg7[%swap3A_973], %broadcast_in_dim3A_817 {strides = array<i32>} : memref<50176xf32, #tpu.memory_space<vmem>>, vector<16xf32>,
      %add3A_975 = arith.constant 48 : i32
      %add3A_976 = arith.addi %mul3A_962, %add3A_975 : i32
      %swap3A_977 = arith.index_cast %add3A_976 : i32 to index
      %swap3A_978 = tpu.vector_load %arg7[%swap3A_977] {strides = array<i32>} : memref<50176xf32, #tpu.memory_space<vmem>>, vector<16xf32>,
      tpu.vector_store %arg7[%swap3A_977], %broadcast_in_dim3A_817 {strides = array<i32>} : memref<50176xf32, #tpu.memory_space<vmem>>, vector<16xf32>,
      %add3A_979 = arith.constant 64 : i32
      %add3A_980 = arith.addi %mul3A_962, %add3A_979 : i32
      %swap3A_981 = arith.index_cast %add3A_980 : i32 to index
      %swap3A_982 = tpu.vector_load %arg7[%swap3A_981] {strides = array<i32>} : memref<50176xf32, #tpu.memory_space<vmem>>, vector<16xf32>,
      tpu.vector_store %arg7[%swap3A_981], %broadcast_in_dim3A_817 {strides = array<i32>} : memref<50176xf32, #tpu.memory_space<vmem>>, vector<16xf32>,
      %add3A_983 = arith.constant 80 : i32
      %add3A_984 = arith.addi %mul3A_962, %add3A_983 : i32
      %swap3A_985 = arith.index_cast %add3A_984 : i32 to index
      %swap3A_986 = tpu.vector_load %arg7[%swap3A_985] {strides = array<i32>} : memref<50176xf32, #tpu.memory_space<vmem>>, vector<16xf32>,
      tpu.vector_store %arg7[%swap3A_985], %broadcast_in_dim3A_817 {strides = array<i32>} : memref<50176xf32, #tpu.memory_space<vmem>>, vector<16xf32>,
      %add3A_987 = arith.constant 96 : i32
      %add3A_988 = arith.addi %mul3A_962, %add3A_987 : i32
      %swap3A_989 = arith.index_cast %add3A_988 : i32 to index
      %swap3A_990 = tpu.vector_load %arg7[%swap3A_989] {strides = array<i32>} : memref<50176xf32, #tpu.memory_space<vmem>>, vector<16xf32>,
      tpu.vector_store %arg7[%swap3A_989], %broadcast_in_dim3A_817 {strides = array<i32>} : memref<50176xf32, #tpu.memory_space<vmem>>, vector<16xf32>,
      %add3A_991 = arith.constant 112 : i32
      %add3A_992 = arith.addi %mul3A_962, %add3A_991 : i32
      %swap3A_993 = arith.index_cast %add3A_992 : i32 to index
      %swap3A_994 = tpu.vector_load %arg7[%swap3A_993] {strides = array<i32>} : memref<50176xf32, #tpu.memory_space<vmem>>, vector<16xf32>,
      tpu.vector_store %arg7[%swap3A_993], %broadcast_in_dim3A_817 {strides = array<i32>} : memref<50176xf32, #tpu.memory_space<vmem>>, vector<16xf32>,
      %while3A_995 = arith.constant 0 : i32
      scf.yield %while3A_995 : i32
    }
    %dma_wait3A_832 = arith.constant 0 : i32
    %dma_wait3A_833 = tpu.memref_slice %arg5[%dma_wait3A_832] : memref<12560xi32, #tpu.memory_space<vmem>> -> memref<12544xi32, #tpu.memory_space<vmem>>
    %dma_wait3A_834 = arith.constant 0 : i32
    %dma_wait3A_835 = tpu.memref_slice %arg3[%add3A_791, %dma_wait3A_834] : memref<384x12544xi32, #tpu.memory_space<hbm>> -> memref<1x12544xi32, #tpu.memory_space<hbm>>
    %dma_wait3A_836 = tpu.memref_squeeze %dma_wait3A_835 : memref<1x12544xi32, #tpu.memory_space<hbm>> -> memref<12544xi32, #tpu.memory_space<hbm>>
    %dma_wait3A_837 = arith.constant 0 : i32
    %dma_wait3A_838 = tpu.memref_slice %arg5[%dma_wait3A_837] : memref<12560xi32, #tpu.memory_space<vmem>> -> memref<12544xi32, #tpu.memory_space<vmem>>
    %dma_wait3A_839 = arith.constant 0 : i32
    %dma_wait3A_840 = tpu.memref_slice %arg3[%add3A_791, %dma_wait3A_839] : memref<384x12544xi32, #tpu.memory_space<hbm>> -> memref<1x12544xi32, #tpu.memory_space<hbm>>
    %dma_wait3A_841 = tpu.memref_squeeze %dma_wait3A_840 : memref<1x12544xi32, #tpu.memory_space<hbm>> -> memref<12544xi32, #tpu.memory_space<hbm>>
    tpu.wait_dma2 semaphore(%arg9 : memref<!tpu.dma_semaphore, #tpu.memory_space<semaphore_mem>>) src(%dma_wait3A_841 : memref<12544xi32, #tpu.memory_space<hbm>>) dst(%dma_wait3A_838 : memref<12544xi32, #tpu.memory_space<vmem>>)
    %dma_wait3A_842 = arith.constant 0 : i32
    %dma_wait3A_843 = tpu.memref_slice %arg2[%add3A_791, %dma_wait3A_842] : memref<384x12544xf32, #tpu.memory_space<hbm>> -> memref<1x12544xf32, #tpu.memory_space<hbm>>
    %dma_wait3A_844 = tpu.memref_squeeze %dma_wait3A_843 : memref<1x12544xf32, #tpu.memory_space<hbm>> -> memref<12544xf32, #tpu.memory_space<hbm>>
    %dma_wait3A_845 = arith.constant 0 : i32
    %dma_wait3A_846 = tpu.memref_slice %arg2[%add3A_791, %dma_wait3A_845] : memref<384x12544xf32, #tpu.memory_space<hbm>> -> memref<1x12544xf32, #tpu.memory_space<hbm>>
    %dma_wait3A_847 = tpu.memref_squeeze %dma_wait3A_846 : memref<1x12544xf32, #tpu.memory_space<hbm>> -> memref<12544xf32, #tpu.memory_space<hbm>>
    tpu.wait_dma2 semaphore(%arg10 : memref<!tpu.dma_semaphore, #tpu.memory_space<semaphore_mem>>) src(%dma_wait3A_847 : memref<12544xf32, #tpu.memory_space<hbm>>) dst(%arg6 : memref<12544xf32, #tpu.memory_space<vmem>>)
    %while3A_848 = arith.constant 128 : i32
    %while3A_849 = arith.constant 0 : i32
    %while3A_850 = arith.constant 98 : i32
    %while3A_851 = arith.constant 0 : i32
    %while3A_852 = arith.subi %while3A_850, %while3A_849 : i32
    %while3A_853 = arith.addi %while3A_849, %while3A_852 : i32
    %while3A_854 = arith.constant 1 : i32
    %while3A_855 = arith.divsi %while3A_852, %while3A_854 : i32
    %while3A_856 = arith.muli %while3A_855, %while3A_854 : i32
    %while3A_857 = arith.addi %while3A_849, %while3A_856 : i32
    %while3A_858 = arith.constant 1 : i32
    %while3A_859 = scf.for %while3A_960 = %while3A_849 to %while3A_857 step %while3A_858 iter_args(%while3A_961 = %while3A_851) -> (i32)  : i32 {
      %mul3A_962 = arith.muli %while3A_960, %while3A_848 : i32
      %add3A_963 = arith.constant 0 : i32
      %add3A_964 = arith.addi %mul3A_962, %add3A_963 : i32
      %get3A = arith.index_cast %add3A_964 : i32 to index
      %get3A_965 = tpu.vector_load %arg5[%get3A] {strides = array<i32>} : memref<12560xi32, #tpu.memory_space<vmem>>, vector<16xi32>,
      %add3A_966 = arith.constant 1 : i32
      %add3A_967 = arith.addi %add3A_964, %add3A_966 : i32
      %get3A_968 = arith.index_cast %add3A_967 : i32 to index
      %get3A_969 = tpu.vector_load %arg5[%get3A_968] {strides = array<i32>} : memref<12560xi32, #tpu.memory_space<vmem>>, vector<16xi32>,
      %get3A_970 = arith.index_cast %add3A_964 : i32 to index
      %get3A_971 = tpu.vector_load %arg6[%get3A_970] {strides = array<i32>} : memref<12544xf32, #tpu.memory_space<vmem>>, vector<16xf32>,
      %sub3A = vector.broadcast %mul3A_793 : i32 to vector<16xi32>
      %sub3A_972 = arith.subi %get3A_965, %sub3A : vector<16xi32>
      %ne3A = arith.cmpi ne, %get3A_965, %get3A_969 : vector<16xi32>
      tpu.vector_store_idx %arg7[%sub3A_972], %get3A_971 masked %ne3A : memref<50176xf32, #tpu.memory_space<vmem>>[vector<16xi32>], vector<16xf32>, vector<16xi1>
      %add3A_973 = arith.constant 16 : i32
      %add3A_974 = arith.addi %mul3A_962, %add3A_973 : i32
      %get3A_975 = arith.index_cast %add3A_974 : i32 to index
      %get3A_976 = tpu.vector_load %arg5[%get3A_975] {strides = array<i32>} : memref<12560xi32, #tpu.memory_space<vmem>>, vector<16xi32>,
      %add3A_977 = arith.constant 1 : i32
      %add3A_978 = arith.addi %add3A_974, %add3A_977 : i32
      %get3A_979 = arith.index_cast %add3A_978 : i32 to index
      %get3A_980 = tpu.vector_load %arg5[%get3A_979] {strides = array<i32>} : memref<12560xi32, #tpu.memory_space<vmem>>, vector<16xi32>,
      %get3A_981 = arith.index_cast %add3A_974 : i32 to index
      %get3A_982 = tpu.vector_load %arg6[%get3A_981] {strides = array<i32>} : memref<12544xf32, #tpu.memory_space<vmem>>, vector<16xf32>,
      %sub3A_983 = vector.broadcast %mul3A_793 : i32 to vector<16xi32>
      %sub3A_984 = arith.subi %get3A_976, %sub3A_983 : vector<16xi32>
      %ne3A_985 = arith.cmpi ne, %get3A_976, %get3A_980 : vector<16xi32>
      tpu.vector_store_idx %arg7[%sub3A_984], %get3A_982 masked %ne3A_985 : memref<50176xf32, #tpu.memory_space<vmem>>[vector<16xi32>], vector<16xf32>, vector<16xi1>
      %add3A_986 = arith.constant 32 : i32
      %add3A_987 = arith.addi %mul3A_962, %add3A_986 : i32
      %get3A_988 = arith.index_cast %add3A_987 : i32 to index
      %get3A_989 = tpu.vector_load %arg5[%get3A_988] {strides = array<i32>} : memref<12560xi32, #tpu.memory_space<vmem>>, vector<16xi32>,
      %add3A_990 = arith.constant 1 : i32
      %add3A_991 = arith.addi %add3A_987, %add3A_990 : i32
      %get3A_992 = arith.index_cast %add3A_991 : i32 to index
      %get3A_993 = tpu.vector_load %arg5[%get3A_992] {strides = array<i32>} : memref<12560xi32, #tpu.memory_space<vmem>>, vector<16xi32>,
      %get3A_994 = arith.index_cast %add3A_987 : i32 to index
      %get3A_995 = tpu.vector_load %arg6[%get3A_994] {strides = array<i32>} : memref<12544xf32, #tpu.memory_space<vmem>>, vector<16xf32>,
      %sub3A_996 = vector.broadcast %mul3A_793 : i32 to vector<16xi32>
      %sub3A_997 = arith.subi %get3A_989, %sub3A_996 : vector<16xi32>
      %ne3A_998 = arith.cmpi ne, %get3A_989, %get3A_993 : vector<16xi32>
      tpu.vector_store_idx %arg7[%sub3A_997], %get3A_995 masked %ne3A_998 : memref<50176xf32, #tpu.memory_space<vmem>>[vector<16xi32>], vector<16xf32>, vector<16xi1>
      %add3A_999 = arith.constant 48 : i32
      %add3A_1000 = arith.addi %mul3A_962, %add3A_999 : i32
      %get3A_1001 = arith.index_cast %add3A_1000 : i32 to index
      %get3A_1002 = tpu.vector_load %arg5[%get3A_1001] {strides = array<i32>} : memref<12560xi32, #tpu.memory_space<vmem>>, vector<16xi32>,
      %add3A_1003 = arith.constant 1 : i32
      %add3A_1004 = arith.addi %add3A_1000, %add3A_1003 : i32
      %get3A_1005 = arith.index_cast %add3A_1004 : i32 to index
      %get3A_1006 = tpu.vector_load %arg5[%get3A_1005] {strides = array<i32>} : memref<12560xi32, #tpu.memory_space<vmem>>, vector<16xi32>,
      %get3A_1007 = arith.index_cast %add3A_1000 : i32 to index
      %get3A_1008 = tpu.vector_load %arg6[%get3A_1007] {strides = array<i32>} : memref<12544xf32, #tpu.memory_space<vmem>>, vector<16xf32>,
      %sub3A_1009 = vector.broadcast %mul3A_793 : i32 to vector<16xi32>
      %sub3A_1010 = arith.subi %get3A_1002, %sub3A_1009 : vector<16xi32>
      %ne3A_1011 = arith.cmpi ne, %get3A_1002, %get3A_1006 : vector<16xi32>
      tpu.vector_store_idx %arg7[%sub3A_1010], %get3A_1008 masked %ne3A_1011 : memref<50176xf32, #tpu.memory_space<vmem>>[vector<16xi32>], vector<16xf32>, vector<16xi1>
      %add3A_1012 = arith.constant 64 : i32
      %add3A_1013 = arith.addi %mul3A_962, %add3A_1012 : i32
      %get3A_1014 = arith.index_cast %add3A_1013 : i32 to index
      %get3A_1015 = tpu.vector_load %arg5[%get3A_1014] {strides = array<i32>} : memref<12560xi32, #tpu.memory_space<vmem>>, vector<16xi32>,
      %add3A_1016 = arith.constant 1 : i32
      %add3A_1017 = arith.addi %add3A_1013, %add3A_1016 : i32
      %get3A_1018 = arith.index_cast %add3A_1017 : i32 to index
      %get3A_1019 = tpu.vector_load %arg5[%get3A_1018] {strides = array<i32>} : memref<12560xi32, #tpu.memory_space<vmem>>, vector<16xi32>,
      %get3A_1020 = arith.index_cast %add3A_1013 : i32 to index
      %get3A_1021 = tpu.vector_load %arg6[%get3A_1020] {strides = array<i32>} : memref<12544xf32, #tpu.memory_space<vmem>>, vector<16xf32>,
      %sub3A_1022 = vector.broadcast %mul3A_793 : i32 to vector<16xi32>
      %sub3A_1023 = arith.subi %get3A_1015, %sub3A_1022 : vector<16xi32>
      %ne3A_1024 = arith.cmpi ne, %get3A_1015, %get3A_1019 : vector<16xi32>
      tpu.vector_store_idx %arg7[%sub3A_1023], %get3A_1021 masked %ne3A_1024 : memref<50176xf32, #tpu.memory_space<vmem>>[vector<16xi32>], vector<16xf32>, vector<16xi1>
      %add3A_1025 = arith.constant 80 : i32
      %add3A_1026 = arith.addi %mul3A_962, %add3A_1025 : i32
      %get3A_1027 = arith.index_cast %add3A_1026 : i32 to index
      %get3A_1028 = tpu.vector_load %arg5[%get3A_1027] {strides = array<i32>} : memref<12560xi32, #tpu.memory_space<vmem>>, vector<16xi32>,
      %add3A_1029 = arith.constant 1 : i32
      %add3A_1030 = arith.addi %add3A_1026, %add3A_1029 : i32
      %get3A_1031 = arith.index_cast %add3A_1030 : i32 to index
      %get3A_1032 = tpu.vector_load %arg5[%get3A_1031] {strides = array<i32>} : memref<12560xi32, #tpu.memory_space<vmem>>, vector<16xi32>,
      %get3A_1033 = arith.index_cast %add3A_1026 : i32 to index
      %get3A_1034 = tpu.vector_load %arg6[%get3A_1033] {strides = array<i32>} : memref<12544xf32, #tpu.memory_space<vmem>>, vector<16xf32>,
      %sub3A_1035 = vector.broadcast %mul3A_793 : i32 to vector<16xi32>
      %sub3A_1036 = arith.subi %get3A_1028, %sub3A_1035 : vector<16xi32>
      %ne3A_1037 = arith.cmpi ne, %get3A_1028, %get3A_1032 : vector<16xi32>
      tpu.vector_store_idx %arg7[%sub3A_1036], %get3A_1034 masked %ne3A_1037 : memref<50176xf32, #tpu.memory_space<vmem>>[vector<16xi32>], vector<16xf32>, vector<16xi1>
      %add3A_1038 = arith.constant 96 : i32
      %add3A_1039 = arith.addi %mul3A_962, %add3A_1038 : i32
      %get3A_1040 = arith.index_cast %add3A_1039 : i32 to index
      %get3A_1041 = tpu.vector_load %arg5[%get3A_1040] {strides = array<i32>} : memref<12560xi32, #tpu.memory_space<vmem>>, vector<16xi32>,
      %add3A_1042 = arith.constant 1 : i32
      %add3A_1043 = arith.addi %add3A_1039, %add3A_1042 : i32
      %get3A_1044 = arith.index_cast %add3A_1043 : i32 to index
      %get3A_1045 = tpu.vector_load %arg5[%get3A_1044] {strides = array<i32>} : memref<12560xi32, #tpu.memory_space<vmem>>, vector<16xi32>,
      %get3A_1046 = arith.index_cast %add3A_1039 : i32 to index
      %get3A_1047 = tpu.vector_load %arg6[%get3A_1046] {strides = array<i32>} : memref<12544xf32, #tpu.memory_space<vmem>>, vector<16xf32>,
      %sub3A_1048 = vector.broadcast %mul3A_793 : i32 to vector<16xi32>
      %sub3A_1049 = arith.subi %get3A_1041, %sub3A_1048 : vector<16xi32>
      %ne3A_1050 = arith.cmpi ne, %get3A_1041, %get3A_1045 : vector<16xi32>
      tpu.vector_store_idx %arg7[%sub3A_1049], %get3A_1047 masked %ne3A_1050 : memref<50176xf32, #tpu.memory_space<vmem>>[vector<16xi32>], vector<16xf32>, vector<16xi1>
      %add3A_1051 = arith.constant 112 : i32
      %add3A_1052 = arith.addi %mul3A_962, %add3A_1051 : i32
      %get3A_1053 = arith.index_cast %add3A_1052 : i32 to index
      %get3A_1054 = tpu.vector_load %arg5[%get3A_1053] {strides = array<i32>} : memref<12560xi32, #tpu.memory_space<vmem>>, vector<16xi32>,
      %add3A_1055 = arith.constant 1 : i32
      %add3A_1056 = arith.addi %add3A_1052, %add3A_1055 : i32
      %get3A_1057 = arith.index_cast %add3A_1056 : i32 to index
      %get3A_1058 = tpu.vector_load %arg5[%get3A_1057] {strides = array<i32>} : memref<12560xi32, #tpu.memory_space<vmem>>, vector<16xi32>,
      %get3A_1059 = arith.index_cast %add3A_1052 : i32 to index
      %get3A_1060 = tpu.vector_load %arg6[%get3A_1059] {strides = array<i32>} : memref<12544xf32, #tpu.memory_space<vmem>>, vector<16xf32>,
      %sub3A_1061 = vector.broadcast %mul3A_793 : i32 to vector<16xi32>
      %sub3A_1062 = arith.subi %get3A_1054, %sub3A_1061 : vector<16xi32>
      %ne3A_1063 = arith.cmpi ne, %get3A_1054, %get3A_1058 : vector<16xi32>
      tpu.vector_store_idx %arg7[%sub3A_1062], %get3A_1060 masked %ne3A_1063 : memref<50176xf32, #tpu.memory_space<vmem>>[vector<16xi32>], vector<16xf32>, vector<16xi1>
      %while3A_1064 = arith.constant 0 : i32
      scf.yield %while3A_1064 : i32
    }
    %while3A_860 = arith.constant 1 : i32
    %while3A_861 = scf.for %while3A_960 = %while3A_857 to %while3A_853 step %while3A_860 iter_args(%while3A_961 = %while3A_859) -> (i32)  : i32 {
      %mul3A_962 = arith.muli %while3A_960, %while3A_848 : i32
      %add3A_963 = arith.constant 0 : i32
      %add3A_964 = arith.addi %mul3A_962, %add3A_963 : i32
      %get3A = arith.index_cast %add3A_964 : i32 to index
      %get3A_965 = tpu.vector_load %arg5[%get3A] {strides = array<i32>} : memref<12560xi32, #tpu.memory_space<vmem>>, vector<16xi32>,
      %add3A_966 = arith.constant 1 : i32
      %add3A_967 = arith.addi %add3A_964, %add3A_966 : i32
      %get3A_968 = arith.index_cast %add3A_967 : i32 to index
      %get3A_969 = tpu.vector_load %arg5[%get3A_968] {strides = array<i32>} : memref<12560xi32, #tpu.memory_space<vmem>>, vector<16xi32>,
      %get3A_970 = arith.index_cast %add3A_964 : i32 to index
      %get3A_971 = tpu.vector_load %arg6[%get3A_970] {strides = array<i32>} : memref<12544xf32, #tpu.memory_space<vmem>>, vector<16xf32>,
      %sub3A = vector.broadcast %mul3A_793 : i32 to vector<16xi32>
      %sub3A_972 = arith.subi %get3A_965, %sub3A : vector<16xi32>
      %ne3A = arith.cmpi ne, %get3A_965, %get3A_969 : vector<16xi32>
      tpu.vector_store_idx %arg7[%sub3A_972], %get3A_971 masked %ne3A : memref<50176xf32, #tpu.memory_space<vmem>>[vector<16xi32>], vector<16xf32>, vector<16xi1>
      %add3A_973 = arith.constant 16 : i32
      %add3A_974 = arith.addi %mul3A_962, %add3A_973 : i32
      %get3A_975 = arith.index_cast %add3A_974 : i32 to index
      %get3A_976 = tpu.vector_load %arg5[%get3A_975] {strides = array<i32>} : memref<12560xi32, #tpu.memory_space<vmem>>, vector<16xi32>,
      %add3A_977 = arith.constant 1 : i32
      %add3A_978 = arith.addi %add3A_974, %add3A_977 : i32
      %get3A_979 = arith.index_cast %add3A_978 : i32 to index
      %get3A_980 = tpu.vector_load %arg5[%get3A_979] {strides = array<i32>} : memref<12560xi32, #tpu.memory_space<vmem>>, vector<16xi32>,
      %get3A_981 = arith.index_cast %add3A_974 : i32 to index
      %get3A_982 = tpu.vector_load %arg6[%get3A_981] {strides = array<i32>} : memref<12544xf32, #tpu.memory_space<vmem>>, vector<16xf32>,
      %sub3A_983 = vector.broadcast %mul3A_793 : i32 to vector<16xi32>
      %sub3A_984 = arith.subi %get3A_976, %sub3A_983 : vector<16xi32>
      %ne3A_985 = arith.cmpi ne, %get3A_976, %get3A_980 : vector<16xi32>
      tpu.vector_store_idx %arg7[%sub3A_984], %get3A_982 masked %ne3A_985 : memref<50176xf32, #tpu.memory_space<vmem>>[vector<16xi32>], vector<16xf32>, vector<16xi1>
      %add3A_986 = arith.constant 32 : i32
      %add3A_987 = arith.addi %mul3A_962, %add3A_986 : i32
      %get3A_988 = arith.index_cast %add3A_987 : i32 to index
      %get3A_989 = tpu.vector_load %arg5[%get3A_988] {strides = array<i32>} : memref<12560xi32, #tpu.memory_space<vmem>>, vector<16xi32>,
      %add3A_990 = arith.constant 1 : i32
      %add3A_991 = arith.addi %add3A_987, %add3A_990 : i32
      %get3A_992 = arith.index_cast %add3A_991 : i32 to index
      %get3A_993 = tpu.vector_load %arg5[%get3A_992] {strides = array<i32>} : memref<12560xi32, #tpu.memory_space<vmem>>, vector<16xi32>,
      %get3A_994 = arith.index_cast %add3A_987 : i32 to index
      %get3A_995 = tpu.vector_load %arg6[%get3A_994] {strides = array<i32>} : memref<12544xf32, #tpu.memory_space<vmem>>, vector<16xf32>,
      %sub3A_996 = vector.broadcast %mul3A_793 : i32 to vector<16xi32>
      %sub3A_997 = arith.subi %get3A_989, %sub3A_996 : vector<16xi32>
      %ne3A_998 = arith.cmpi ne, %get3A_989, %get3A_993 : vector<16xi32>
      tpu.vector_store_idx %arg7[%sub3A_997], %get3A_995 masked %ne3A_998 : memref<50176xf32, #tpu.memory_space<vmem>>[vector<16xi32>], vector<16xf32>, vector<16xi1>
      %add3A_999 = arith.constant 48 : i32
      %add3A_1000 = arith.addi %mul3A_962, %add3A_999 : i32
      %get3A_1001 = arith.index_cast %add3A_1000 : i32 to index
      %get3A_1002 = tpu.vector_load %arg5[%get3A_1001] {strides = array<i32>} : memref<12560xi32, #tpu.memory_space<vmem>>, vector<16xi32>,
      %add3A_1003 = arith.constant 1 : i32
      %add3A_1004 = arith.addi %add3A_1000, %add3A_1003 : i32
      %get3A_1005 = arith.index_cast %add3A_1004 : i32 to index
      %get3A_1006 = tpu.vector_load %arg5[%get3A_1005] {strides = array<i32>} : memref<12560xi32, #tpu.memory_space<vmem>>, vector<16xi32>,
      %get3A_1007 = arith.index_cast %add3A_1000 : i32 to index
      %get3A_1008 = tpu.vector_load %arg6[%get3A_1007] {strides = array<i32>} : memref<12544xf32, #tpu.memory_space<vmem>>, vector<16xf32>,
      %sub3A_1009 = vector.broadcast %mul3A_793 : i32 to vector<16xi32>
      %sub3A_1010 = arith.subi %get3A_1002, %sub3A_1009 : vector<16xi32>
      %ne3A_1011 = arith.cmpi ne, %get3A_1002, %get3A_1006 : vector<16xi32>
      tpu.vector_store_idx %arg7[%sub3A_1010], %get3A_1008 masked %ne3A_1011 : memref<50176xf32, #tpu.memory_space<vmem>>[vector<16xi32>], vector<16xf32>, vector<16xi1>
      %add3A_1012 = arith.constant 64 : i32
      %add3A_1013 = arith.addi %mul3A_962, %add3A_1012 : i32
      %get3A_1014 = arith.index_cast %add3A_1013 : i32 to index
      %get3A_1015 = tpu.vector_load %arg5[%get3A_1014] {strides = array<i32>} : memref<12560xi32, #tpu.memory_space<vmem>>, vector<16xi32>,
      %add3A_1016 = arith.constant 1 : i32
      %add3A_1017 = arith.addi %add3A_1013, %add3A_1016 : i32
      %get3A_1018 = arith.index_cast %add3A_1017 : i32 to index
      %get3A_1019 = tpu.vector_load %arg5[%get3A_1018] {strides = array<i32>} : memref<12560xi32, #tpu.memory_space<vmem>>, vector<16xi32>,
      %get3A_1020 = arith.index_cast %add3A_1013 : i32 to index
      %get3A_1021 = tpu.vector_load %arg6[%get3A_1020] {strides = array<i32>} : memref<12544xf32, #tpu.memory_space<vmem>>, vector<16xf32>,
      %sub3A_1022 = vector.broadcast %mul3A_793 : i32 to vector<16xi32>
      %sub3A_1023 = arith.subi %get3A_1015, %sub3A_1022 : vector<16xi32>
      %ne3A_1024 = arith.cmpi ne, %get3A_1015, %get3A_1019 : vector<16xi32>
      tpu.vector_store_idx %arg7[%sub3A_1023], %get3A_1021 masked %ne3A_1024 : memref<50176xf32, #tpu.memory_space<vmem>>[vector<16xi32>], vector<16xf32>, vector<16xi1>
      %add3A_1025 = arith.constant 80 : i32
      %add3A_1026 = arith.addi %mul3A_962, %add3A_1025 : i32
      %get3A_1027 = arith.index_cast %add3A_1026 : i32 to index
      %get3A_1028 = tpu.vector_load %arg5[%get3A_1027] {strides = array<i32>} : memref<12560xi32, #tpu.memory_space<vmem>>, vector<16xi32>,
      %add3A_1029 = arith.constant 1 : i32
      %add3A_1030 = arith.addi %add3A_1026, %add3A_1029 : i32
      %get3A_1031 = arith.index_cast %add3A_1030 : i32 to index
      %get3A_1032 = tpu.vector_load %arg5[%get3A_1031] {strides = array<i32>} : memref<12560xi32, #tpu.memory_space<vmem>>, vector<16xi32>,
      %get3A_1033 = arith.index_cast %add3A_1026 : i32 to index
      %get3A_1034 = tpu.vector_load %arg6[%get3A_1033] {strides = array<i32>} : memref<12544xf32, #tpu.memory_space<vmem>>, vector<16xf32>,
      %sub3A_1035 = vector.broadcast %mul3A_793 : i32 to vector<16xi32>
      %sub3A_1036 = arith.subi %get3A_1028, %sub3A_1035 : vector<16xi32>
      %ne3A_1037 = arith.cmpi ne, %get3A_1028, %get3A_1032 : vector<16xi32>
      tpu.vector_store_idx %arg7[%sub3A_1036], %get3A_1034 masked %ne3A_1037 : memref<50176xf32, #tpu.memory_space<vmem>>[vector<16xi32>], vector<16xf32>, vector<16xi1>
      %add3A_1038 = arith.constant 96 : i32
      %add3A_1039 = arith.addi %mul3A_962, %add3A_1038 : i32
      %get3A_1040 = arith.index_cast %add3A_1039 : i32 to index
      %get3A_1041 = tpu.vector_load %arg5[%get3A_1040] {strides = array<i32>} : memref<12560xi32, #tpu.memory_space<vmem>>, vector<16xi32>,
      %add3A_1042 = arith.constant 1 : i32
      %add3A_1043 = arith.addi %add3A_1039, %add3A_1042 : i32
      %get3A_1044 = arith.index_cast %add3A_1043 : i32 to index
      %get3A_1045 = tpu.vector_load %arg5[%get3A_1044] {strides = array<i32>} : memref<12560xi32, #tpu.memory_space<vmem>>, vector<16xi32>,
      %get3A_1046 = arith.index_cast %add3A_1039 : i32 to index
      %get3A_1047 = tpu.vector_load %arg6[%get3A_1046] {strides = array<i32>} : memref<12544xf32, #tpu.memory_space<vmem>>, vector<16xf32>,
      %sub3A_1048 = vector.broadcast %mul3A_793 : i32 to vector<16xi32>
      %sub3A_1049 = arith.subi %get3A_1041, %sub3A_1048 : vector<16xi32>
      %ne3A_1050 = arith.cmpi ne, %get3A_1041, %get3A_1045 : vector<16xi32>
      tpu.vector_store_idx %arg7[%sub3A_1049], %get3A_1047 masked %ne3A_1050 : memref<50176xf32, #tpu.memory_space<vmem>>[vector<16xi32>], vector<16xf32>, vector<16xi1>
      %add3A_1051 = arith.constant 112 : i32
      %add3A_1052 = arith.addi %mul3A_962, %add3A_1051 : i32
      %get3A_1053 = arith.index_cast %add3A_1052 : i32 to index
      %get3A_1054 = tpu.vector_load %arg5[%get3A_1053] {strides = array<i32>} : memref<12560xi32, #tpu.memory_space<vmem>>, vector<16xi32>,
      %add3A_1055 = arith.constant 1 : i32
      %add3A_1056 = arith.addi %add3A_1052, %add3A_1055 : i32
      %get3A_1057 = arith.index_cast %add3A_1056 : i32 to index
      %get3A_1058 = tpu.vector_load %arg5[%get3A_1057] {strides = array<i32>} : memref<12560xi32, #tpu.memory_space<vmem>>, vector<16xi32>,
      %get3A_1059 = arith.index_cast %add3A_1052 : i32 to index
      %get3A_1060 = tpu.vector_load %arg6[%get3A_1059] {strides = array<i32>} : memref<12544xf32, #tpu.memory_space<vmem>>, vector<16xf32>,
      %sub3A_1061 = vector.broadcast %mul3A_793 : i32 to vector<16xi32>
      %sub3A_1062 = arith.subi %get3A_1054, %sub3A_1061 : vector<16xi32>
      %ne3A_1063 = arith.cmpi ne, %get3A_1054, %get3A_1058 : vector<16xi32>
      tpu.vector_store_idx %arg7[%sub3A_1062], %get3A_1060 masked %ne3A_1063 : memref<50176xf32, #tpu.memory_space<vmem>>[vector<16xi32>], vector<16xf32>, vector<16xi1>
      %while3A_1064 = arith.constant 0 : i32
      scf.yield %while3A_1064 : i32
    }
    %dma_start3A_862 = arith.constant 0 : i32
    %dma_start3A_863 = tpu.memref_slice %arg4[%add3A_791, %dma_start3A_862] : memref<384x50176xf32, #tpu.memory_space<hbm>> -> memref<1x50176xf32, #tpu.memory_space<hbm>>
    %dma_start3A_864 = tpu.memref_squeeze %dma_start3A_863 : memref<1x50176xf32, #tpu.memory_space<hbm>> -> memref<50176xf32, #tpu.memory_space<hbm>>
    %dma_start3A_865 = arith.constant 0 : i32
    %dma_start3A_866 = tpu.memref_slice %arg4[%add3A_791, %dma_start3A_865] : memref<384x50176xf32, #tpu.memory_space<hbm>> -> memref<1x50176xf32, #tpu.memory_space<hbm>>
    %dma_start3A_867 = tpu.memref_squeeze %dma_start3A_866 : memref<1x50176xf32, #tpu.memory_space<hbm>> -> memref<50176xf32, #tpu.memory_space<hbm>>
    tpu.enqueue_dma source(%arg7 : memref<50176xf32, #tpu.memory_space<vmem>>) target(%dma_start3A_867 : memref<50176xf32, #tpu.memory_space<hbm>>) target_semaphore(%arg11 : memref<!tpu.dma_semaphore, #tpu.memory_space<semaphore_mem>>)
    %mul3A_868 = arith.constant 12 : i32
    %mul3A_869 = arith.muli %add3A, %mul3A_868 : i32
    %add3A_870 = arith.constant 11 : i32
    %add3A_871 = arith.addi %mul3A_869, %add3A_870 : i32
    %mul3A_872 = arith.constant 50176 : i32
    %mul3A_873 = arith.muli %add3A_871, %mul3A_872 : i32
    %dma_start3A_874 = arith.constant 0 : i32
    %dma_start3A_875 = tpu.memref_slice %arg5[%dma_start3A_874] : memref<12560xi32, #tpu.memory_space<vmem>> -> memref<12544xi32, #tpu.memory_space<vmem>>
    %dma_start3A_876 = arith.constant 0 : i32
    %dma_start3A_877 = tpu.memref_slice %arg3[%add3A_871, %dma_start3A_876] : memref<384x12544xi32, #tpu.memory_space<hbm>> -> memref<1x12544xi32, #tpu.memory_space<hbm>>
    %dma_start3A_878 = tpu.memref_squeeze %dma_start3A_877 : memref<1x12544xi32, #tpu.memory_space<hbm>> -> memref<12544xi32, #tpu.memory_space<hbm>>
    %dma_start3A_879 = arith.constant 0 : i32
    %dma_start3A_880 = tpu.memref_slice %arg5[%dma_start3A_879] : memref<12560xi32, #tpu.memory_space<vmem>> -> memref<12544xi32, #tpu.memory_space<vmem>>
    %dma_start3A_881 = arith.constant 0 : i32
    %dma_start3A_882 = tpu.memref_slice %arg3[%add3A_871, %dma_start3A_881] : memref<384x12544xi32, #tpu.memory_space<hbm>> -> memref<1x12544xi32, #tpu.memory_space<hbm>>
    %dma_start3A_883 = tpu.memref_squeeze %dma_start3A_882 : memref<1x12544xi32, #tpu.memory_space<hbm>> -> memref<12544xi32, #tpu.memory_space<hbm>>
    tpu.enqueue_dma source(%dma_start3A_883 : memref<12544xi32, #tpu.memory_space<hbm>>) target(%dma_start3A_880 : memref<12544xi32, #tpu.memory_space<vmem>>) target_semaphore(%arg9 : memref<!tpu.dma_semaphore, #tpu.memory_space<semaphore_mem>>)
    %dma_start3A_884 = arith.constant 0 : i32
    %dma_start3A_885 = tpu.memref_slice %arg2[%add3A_871, %dma_start3A_884] : memref<384x12544xf32, #tpu.memory_space<hbm>> -> memref<1x12544xf32, #tpu.memory_space<hbm>>
    %dma_start3A_886 = tpu.memref_squeeze %dma_start3A_885 : memref<1x12544xf32, #tpu.memory_space<hbm>> -> memref<12544xf32, #tpu.memory_space<hbm>>
    %dma_start3A_887 = arith.constant 0 : i32
    %dma_start3A_888 = tpu.memref_slice %arg2[%add3A_871, %dma_start3A_887] : memref<384x12544xf32, #tpu.memory_space<hbm>> -> memref<1x12544xf32, #tpu.memory_space<hbm>>
    %dma_start3A_889 = tpu.memref_squeeze %dma_start3A_888 : memref<1x12544xf32, #tpu.memory_space<hbm>> -> memref<12544xf32, #tpu.memory_space<hbm>>
    tpu.enqueue_dma source(%dma_start3A_889 : memref<12544xf32, #tpu.memory_space<hbm>>) target(%arg6 : memref<12544xf32, #tpu.memory_space<vmem>>) target_semaphore(%arg10 : memref<!tpu.dma_semaphore, #tpu.memory_space<semaphore_mem>>)
    %dma_wait3A_890 = arith.constant 0 : i32
    %dma_wait3A_891 = tpu.memref_slice %arg4[%add3A_711, %dma_wait3A_890] : memref<384x50176xf32, #tpu.memory_space<hbm>> -> memref<1x50176xf32, #tpu.memory_space<hbm>>
    %dma_wait3A_892 = tpu.memref_squeeze %dma_wait3A_891 : memref<1x50176xf32, #tpu.memory_space<hbm>> -> memref<50176xf32, #tpu.memory_space<hbm>>
    %dma_wait3A_893 = arith.constant 0 : i32
    %dma_wait3A_894 = tpu.memref_slice %arg4[%add3A_711, %dma_wait3A_893] : memref<384x50176xf32, #tpu.memory_space<hbm>> -> memref<1x50176xf32, #tpu.memory_space<hbm>>
    %dma_wait3A_895 = tpu.memref_squeeze %dma_wait3A_894 : memref<1x50176xf32, #tpu.memory_space<hbm>> -> memref<50176xf32, #tpu.memory_space<hbm>>
    tpu.wait_dma2 semaphore(%arg12 : memref<!tpu.dma_semaphore, #tpu.memory_space<semaphore_mem>>) src(%arg8 : memref<50176xf32, #tpu.memory_space<vmem>>) dst(%dma_wait3A_895 : memref<50176xf32, #tpu.memory_space<hbm>>)
    %broadcast_in_dim3A_896 = arith.constant 0.000000e+00 : f32
    %broadcast_in_dim3A_897 = vector.broadcast %broadcast_in_dim3A_896 : f32 to vector<16xf32>
    %while3A_898 = arith.constant 128 : i32
    %while3A_899 = arith.constant 0 : i32
    %while3A_900 = arith.constant 392 : i32
    %while3A_901 = arith.constant 0 : i32
    %while3A_902 = arith.subi %while3A_900, %while3A_899 : i32
    %while3A_903 = arith.addi %while3A_899, %while3A_902 : i32
    %while3A_904 = arith.constant 1 : i32
    %while3A_905 = arith.divsi %while3A_902, %while3A_904 : i32
    %while3A_906 = arith.muli %while3A_905, %while3A_904 : i32
    %while3A_907 = arith.addi %while3A_899, %while3A_906 : i32
    %while3A_908 = arith.constant 1 : i32
    %while3A_909 = scf.for %while3A_960 = %while3A_899 to %while3A_907 step %while3A_908 iter_args(%while3A_961 = %while3A_901) -> (i32)  : i32 {
      %mul3A_962 = arith.muli %while3A_960, %while3A_898 : i32
      %add3A_963 = arith.constant 0 : i32
      %add3A_964 = arith.addi %mul3A_962, %add3A_963 : i32
      %swap3A_965 = arith.index_cast %add3A_964 : i32 to index
      %swap3A_966 = tpu.vector_load %arg8[%swap3A_965] {strides = array<i32>} : memref<50176xf32, #tpu.memory_space<vmem>>, vector<16xf32>,
      tpu.vector_store %arg8[%swap3A_965], %broadcast_in_dim3A_897 {strides = array<i32>} : memref<50176xf32, #tpu.memory_space<vmem>>, vector<16xf32>,
      %add3A_967 = arith.constant 16 : i32
      %add3A_968 = arith.addi %mul3A_962, %add3A_967 : i32
      %swap3A_969 = arith.index_cast %add3A_968 : i32 to index
      %swap3A_970 = tpu.vector_load %arg8[%swap3A_969] {strides = array<i32>} : memref<50176xf32, #tpu.memory_space<vmem>>, vector<16xf32>,
      tpu.vector_store %arg8[%swap3A_969], %broadcast_in_dim3A_897 {strides = array<i32>} : memref<50176xf32, #tpu.memory_space<vmem>>, vector<16xf32>,
      %add3A_971 = arith.constant 32 : i32
      %add3A_972 = arith.addi %mul3A_962, %add3A_971 : i32
      %swap3A_973 = arith.index_cast %add3A_972 : i32 to index
      %swap3A_974 = tpu.vector_load %arg8[%swap3A_973] {strides = array<i32>} : memref<50176xf32, #tpu.memory_space<vmem>>, vector<16xf32>,
      tpu.vector_store %arg8[%swap3A_973], %broadcast_in_dim3A_897 {strides = array<i32>} : memref<50176xf32, #tpu.memory_space<vmem>>, vector<16xf32>,
      %add3A_975 = arith.constant 48 : i32
      %add3A_976 = arith.addi %mul3A_962, %add3A_975 : i32
      %swap3A_977 = arith.index_cast %add3A_976 : i32 to index
      %swap3A_978 = tpu.vector_load %arg8[%swap3A_977] {strides = array<i32>} : memref<50176xf32, #tpu.memory_space<vmem>>, vector<16xf32>,
      tpu.vector_store %arg8[%swap3A_977], %broadcast_in_dim3A_897 {strides = array<i32>} : memref<50176xf32, #tpu.memory_space<vmem>>, vector<16xf32>,
      %add3A_979 = arith.constant 64 : i32
      %add3A_980 = arith.addi %mul3A_962, %add3A_979 : i32
      %swap3A_981 = arith.index_cast %add3A_980 : i32 to index
      %swap3A_982 = tpu.vector_load %arg8[%swap3A_981] {strides = array<i32>} : memref<50176xf32, #tpu.memory_space<vmem>>, vector<16xf32>,
      tpu.vector_store %arg8[%swap3A_981], %broadcast_in_dim3A_897 {strides = array<i32>} : memref<50176xf32, #tpu.memory_space<vmem>>, vector<16xf32>,
      %add3A_983 = arith.constant 80 : i32
      %add3A_984 = arith.addi %mul3A_962, %add3A_983 : i32
      %swap3A_985 = arith.index_cast %add3A_984 : i32 to index
      %swap3A_986 = tpu.vector_load %arg8[%swap3A_985] {strides = array<i32>} : memref<50176xf32, #tpu.memory_space<vmem>>, vector<16xf32>,
      tpu.vector_store %arg8[%swap3A_985], %broadcast_in_dim3A_897 {strides = array<i32>} : memref<50176xf32, #tpu.memory_space<vmem>>, vector<16xf32>,
      %add3A_987 = arith.constant 96 : i32
      %add3A_988 = arith.addi %mul3A_962, %add3A_987 : i32
      %swap3A_989 = arith.index_cast %add3A_988 : i32 to index
      %swap3A_990 = tpu.vector_load %arg8[%swap3A_989] {strides = array<i32>} : memref<50176xf32, #tpu.memory_space<vmem>>, vector<16xf32>,
      tpu.vector_store %arg8[%swap3A_989], %broadcast_in_dim3A_897 {strides = array<i32>} : memref<50176xf32, #tpu.memory_space<vmem>>, vector<16xf32>,
      %add3A_991 = arith.constant 112 : i32
      %add3A_992 = arith.addi %mul3A_962, %add3A_991 : i32
      %swap3A_993 = arith.index_cast %add3A_992 : i32 to index
      %swap3A_994 = tpu.vector_load %arg8[%swap3A_993] {strides = array<i32>} : memref<50176xf32, #tpu.memory_space<vmem>>, vector<16xf32>,
      tpu.vector_store %arg8[%swap3A_993], %broadcast_in_dim3A_897 {strides = array<i32>} : memref<50176xf32, #tpu.memory_space<vmem>>, vector<16xf32>,
      %while3A_995 = arith.constant 0 : i32
      scf.yield %while3A_995 : i32
    }
    %while3A_910 = arith.constant 1 : i32
    %while3A_911 = scf.for %while3A_960 = %while3A_907 to %while3A_903 step %while3A_910 iter_args(%while3A_961 = %while3A_909) -> (i32)  : i32 {
      %mul3A_962 = arith.muli %while3A_960, %while3A_898 : i32
      %add3A_963 = arith.constant 0 : i32
      %add3A_964 = arith.addi %mul3A_962, %add3A_963 : i32
      %swap3A_965 = arith.index_cast %add3A_964 : i32 to index
      %swap3A_966 = tpu.vector_load %arg8[%swap3A_965] {strides = array<i32>} : memref<50176xf32, #tpu.memory_space<vmem>>, vector<16xf32>,
      tpu.vector_store %arg8[%swap3A_965], %broadcast_in_dim3A_897 {strides = array<i32>} : memref<50176xf32, #tpu.memory_space<vmem>>, vector<16xf32>,
      %add3A_967 = arith.constant 16 : i32
      %add3A_968 = arith.addi %mul3A_962, %add3A_967 : i32
      %swap3A_969 = arith.index_cast %add3A_968 : i32 to index
      %swap3A_970 = tpu.vector_load %arg8[%swap3A_969] {strides = array<i32>} : memref<50176xf32, #tpu.memory_space<vmem>>, vector<16xf32>,
      tpu.vector_store %arg8[%swap3A_969], %broadcast_in_dim3A_897 {strides = array<i32>} : memref<50176xf32, #tpu.memory_space<vmem>>, vector<16xf32>,
      %add3A_971 = arith.constant 32 : i32
      %add3A_972 = arith.addi %mul3A_962, %add3A_971 : i32
      %swap3A_973 = arith.index_cast %add3A_972 : i32 to index
      %swap3A_974 = tpu.vector_load %arg8[%swap3A_973] {strides = array<i32>} : memref<50176xf32, #tpu.memory_space<vmem>>, vector<16xf32>,
      tpu.vector_store %arg8[%swap3A_973], %broadcast_in_dim3A_897 {strides = array<i32>} : memref<50176xf32, #tpu.memory_space<vmem>>, vector<16xf32>,
      %add3A_975 = arith.constant 48 : i32
      %add3A_976 = arith.addi %mul3A_962, %add3A_975 : i32
      %swap3A_977 = arith.index_cast %add3A_976 : i32 to index
      %swap3A_978 = tpu.vector_load %arg8[%swap3A_977] {strides = array<i32>} : memref<50176xf32, #tpu.memory_space<vmem>>, vector<16xf32>,
      tpu.vector_store %arg8[%swap3A_977], %broadcast_in_dim3A_897 {strides = array<i32>} : memref<50176xf32, #tpu.memory_space<vmem>>, vector<16xf32>,
      %add3A_979 = arith.constant 64 : i32
      %add3A_980 = arith.addi %mul3A_962, %add3A_979 : i32
      %swap3A_981 = arith.index_cast %add3A_980 : i32 to index
      %swap3A_982 = tpu.vector_load %arg8[%swap3A_981] {strides = array<i32>} : memref<50176xf32, #tpu.memory_space<vmem>>, vector<16xf32>,
      tpu.vector_store %arg8[%swap3A_981], %broadcast_in_dim3A_897 {strides = array<i32>} : memref<50176xf32, #tpu.memory_space<vmem>>, vector<16xf32>,
      %add3A_983 = arith.constant 80 : i32
      %add3A_984 = arith.addi %mul3A_962, %add3A_983 : i32
      %swap3A_985 = arith.index_cast %add3A_984 : i32 to index
      %swap3A_986 = tpu.vector_load %arg8[%swap3A_985] {strides = array<i32>} : memref<50176xf32, #tpu.memory_space<vmem>>, vector<16xf32>,
      tpu.vector_store %arg8[%swap3A_985], %broadcast_in_dim3A_897 {strides = array<i32>} : memref<50176xf32, #tpu.memory_space<vmem>>, vector<16xf32>,
      %add3A_987 = arith.constant 96 : i32
      %add3A_988 = arith.addi %mul3A_962, %add3A_987 : i32
      %swap3A_989 = arith.index_cast %add3A_988 : i32 to index
      %swap3A_990 = tpu.vector_load %arg8[%swap3A_989] {strides = array<i32>} : memref<50176xf32, #tpu.memory_space<vmem>>, vector<16xf32>,
      tpu.vector_store %arg8[%swap3A_989], %broadcast_in_dim3A_897 {strides = array<i32>} : memref<50176xf32, #tpu.memory_space<vmem>>, vector<16xf32>,
      %add3A_991 = arith.constant 112 : i32
      %add3A_992 = arith.addi %mul3A_962, %add3A_991 : i32
      %swap3A_993 = arith.index_cast %add3A_992 : i32 to index
      %swap3A_994 = tpu.vector_load %arg8[%swap3A_993] {strides = array<i32>} : memref<50176xf32, #tpu.memory_space<vmem>>, vector<16xf32>,
      tpu.vector_store %arg8[%swap3A_993], %broadcast_in_dim3A_897 {strides = array<i32>} : memref<50176xf32, #tpu.memory_space<vmem>>, vector<16xf32>,
      %while3A_995 = arith.constant 0 : i32
      scf.yield %while3A_995 : i32
    }
    %dma_wait3A_912 = arith.constant 0 : i32
    %dma_wait3A_913 = tpu.memref_slice %arg5[%dma_wait3A_912] : memref<12560xi32, #tpu.memory_space<vmem>> -> memref<12544xi32, #tpu.memory_space<vmem>>
    %dma_wait3A_914 = arith.constant 0 : i32
    %dma_wait3A_915 = tpu.memref_slice %arg3[%add3A_871, %dma_wait3A_914] : memref<384x12544xi32, #tpu.memory_space<hbm>> -> memref<1x12544xi32, #tpu.memory_space<hbm>>
    %dma_wait3A_916 = tpu.memref_squeeze %dma_wait3A_915 : memref<1x12544xi32, #tpu.memory_space<hbm>> -> memref<12544xi32, #tpu.memory_space<hbm>>
    %dma_wait3A_917 = arith.constant 0 : i32
    %dma_wait3A_918 = tpu.memref_slice %arg5[%dma_wait3A_917] : memref<12560xi32, #tpu.memory_space<vmem>> -> memref<12544xi32, #tpu.memory_space<vmem>>
    %dma_wait3A_919 = arith.constant 0 : i32
    %dma_wait3A_920 = tpu.memref_slice %arg3[%add3A_871, %dma_wait3A_919] : memref<384x12544xi32, #tpu.memory_space<hbm>> -> memref<1x12544xi32, #tpu.memory_space<hbm>>
    %dma_wait3A_921 = tpu.memref_squeeze %dma_wait3A_920 : memref<1x12544xi32, #tpu.memory_space<hbm>> -> memref<12544xi32, #tpu.memory_space<hbm>>
    tpu.wait_dma2 semaphore(%arg9 : memref<!tpu.dma_semaphore, #tpu.memory_space<semaphore_mem>>) src(%dma_wait3A_921 : memref<12544xi32, #tpu.memory_space<hbm>>) dst(%dma_wait3A_918 : memref<12544xi32, #tpu.memory_space<vmem>>)
    %dma_wait3A_922 = arith.constant 0 : i32
    %dma_wait3A_923 = tpu.memref_slice %arg2[%add3A_871, %dma_wait3A_922] : memref<384x12544xf32, #tpu.memory_space<hbm>> -> memref<1x12544xf32, #tpu.memory_space<hbm>>
    %dma_wait3A_924 = tpu.memref_squeeze %dma_wait3A_923 : memref<1x12544xf32, #tpu.memory_space<hbm>> -> memref<12544xf32, #tpu.memory_space<hbm>>
    %dma_wait3A_925 = arith.constant 0 : i32
    %dma_wait3A_926 = tpu.memref_slice %arg2[%add3A_871, %dma_wait3A_925] : memref<384x12544xf32, #tpu.memory_space<hbm>> -> memref<1x12544xf32, #tpu.memory_space<hbm>>
    %dma_wait3A_927 = tpu.memref_squeeze %dma_wait3A_926 : memref<1x12544xf32, #tpu.memory_space<hbm>> -> memref<12544xf32, #tpu.memory_space<hbm>>
    tpu.wait_dma2 semaphore(%arg10 : memref<!tpu.dma_semaphore, #tpu.memory_space<semaphore_mem>>) src(%dma_wait3A_927 : memref<12544xf32, #tpu.memory_space<hbm>>) dst(%arg6 : memref<12544xf32, #tpu.memory_space<vmem>>)
    %while3A_928 = arith.constant 128 : i32
    %while3A_929 = arith.constant 0 : i32
    %while3A_930 = arith.constant 98 : i32
    %while3A_931 = arith.constant 0 : i32
    %while3A_932 = arith.subi %while3A_930, %while3A_929 : i32
    %while3A_933 = arith.addi %while3A_929, %while3A_932 : i32
    %while3A_934 = arith.constant 1 : i32
    %while3A_935 = arith.divsi %while3A_932, %while3A_934 : i32
    %while3A_936 = arith.muli %while3A_935, %while3A_934 : i32
    %while3A_937 = arith.addi %while3A_929, %while3A_936 : i32
    %while3A_938 = arith.constant 1 : i32
    %while3A_939 = scf.for %while3A_960 = %while3A_929 to %while3A_937 step %while3A_938 iter_args(%while3A_961 = %while3A_931) -> (i32)  : i32 {
      %mul3A_962 = arith.muli %while3A_960, %while3A_928 : i32
      %add3A_963 = arith.constant 0 : i32
      %add3A_964 = arith.addi %mul3A_962, %add3A_963 : i32
      %get3A = arith.index_cast %add3A_964 : i32 to index
      %get3A_965 = tpu.vector_load %arg5[%get3A] {strides = array<i32>} : memref<12560xi32, #tpu.memory_space<vmem>>, vector<16xi32>,
      %add3A_966 = arith.constant 1 : i32
      %add3A_967 = arith.addi %add3A_964, %add3A_966 : i32
      %get3A_968 = arith.index_cast %add3A_967 : i32 to index
      %get3A_969 = tpu.vector_load %arg5[%get3A_968] {strides = array<i32>} : memref<12560xi32, #tpu.memory_space<vmem>>, vector<16xi32>,
      %get3A_970 = arith.index_cast %add3A_964 : i32 to index
      %get3A_971 = tpu.vector_load %arg6[%get3A_970] {strides = array<i32>} : memref<12544xf32, #tpu.memory_space<vmem>>, vector<16xf32>,
      %sub3A = vector.broadcast %mul3A_873 : i32 to vector<16xi32>
      %sub3A_972 = arith.subi %get3A_965, %sub3A : vector<16xi32>
      %ne3A = arith.cmpi ne, %get3A_965, %get3A_969 : vector<16xi32>
      tpu.vector_store_idx %arg8[%sub3A_972], %get3A_971 masked %ne3A : memref<50176xf32, #tpu.memory_space<vmem>>[vector<16xi32>], vector<16xf32>, vector<16xi1>
      %add3A_973 = arith.constant 16 : i32
      %add3A_974 = arith.addi %mul3A_962, %add3A_973 : i32
      %get3A_975 = arith.index_cast %add3A_974 : i32 to index
      %get3A_976 = tpu.vector_load %arg5[%get3A_975] {strides = array<i32>} : memref<12560xi32, #tpu.memory_space<vmem>>, vector<16xi32>,
      %add3A_977 = arith.constant 1 : i32
      %add3A_978 = arith.addi %add3A_974, %add3A_977 : i32
      %get3A_979 = arith.index_cast %add3A_978 : i32 to index
      %get3A_980 = tpu.vector_load %arg5[%get3A_979] {strides = array<i32>} : memref<12560xi32, #tpu.memory_space<vmem>>, vector<16xi32>,
      %get3A_981 = arith.index_cast %add3A_974 : i32 to index
      %get3A_982 = tpu.vector_load %arg6[%get3A_981] {strides = array<i32>} : memref<12544xf32, #tpu.memory_space<vmem>>, vector<16xf32>,
      %sub3A_983 = vector.broadcast %mul3A_873 : i32 to vector<16xi32>
      %sub3A_984 = arith.subi %get3A_976, %sub3A_983 : vector<16xi32>
      %ne3A_985 = arith.cmpi ne, %get3A_976, %get3A_980 : vector<16xi32>
      tpu.vector_store_idx %arg8[%sub3A_984], %get3A_982 masked %ne3A_985 : memref<50176xf32, #tpu.memory_space<vmem>>[vector<16xi32>], vector<16xf32>, vector<16xi1>
      %add3A_986 = arith.constant 32 : i32
      %add3A_987 = arith.addi %mul3A_962, %add3A_986 : i32
      %get3A_988 = arith.index_cast %add3A_987 : i32 to index
      %get3A_989 = tpu.vector_load %arg5[%get3A_988] {strides = array<i32>} : memref<12560xi32, #tpu.memory_space<vmem>>, vector<16xi32>,
      %add3A_990 = arith.constant 1 : i32
      %add3A_991 = arith.addi %add3A_987, %add3A_990 : i32
      %get3A_992 = arith.index_cast %add3A_991 : i32 to index
      %get3A_993 = tpu.vector_load %arg5[%get3A_992] {strides = array<i32>} : memref<12560xi32, #tpu.memory_space<vmem>>, vector<16xi32>,
      %get3A_994 = arith.index_cast %add3A_987 : i32 to index
      %get3A_995 = tpu.vector_load %arg6[%get3A_994] {strides = array<i32>} : memref<12544xf32, #tpu.memory_space<vmem>>, vector<16xf32>,
      %sub3A_996 = vector.broadcast %mul3A_873 : i32 to vector<16xi32>
      %sub3A_997 = arith.subi %get3A_989, %sub3A_996 : vector<16xi32>
      %ne3A_998 = arith.cmpi ne, %get3A_989, %get3A_993 : vector<16xi32>
      tpu.vector_store_idx %arg8[%sub3A_997], %get3A_995 masked %ne3A_998 : memref<50176xf32, #tpu.memory_space<vmem>>[vector<16xi32>], vector<16xf32>, vector<16xi1>
      %add3A_999 = arith.constant 48 : i32
      %add3A_1000 = arith.addi %mul3A_962, %add3A_999 : i32
      %get3A_1001 = arith.index_cast %add3A_1000 : i32 to index
      %get3A_1002 = tpu.vector_load %arg5[%get3A_1001] {strides = array<i32>} : memref<12560xi32, #tpu.memory_space<vmem>>, vector<16xi32>,
      %add3A_1003 = arith.constant 1 : i32
      %add3A_1004 = arith.addi %add3A_1000, %add3A_1003 : i32
      %get3A_1005 = arith.index_cast %add3A_1004 : i32 to index
      %get3A_1006 = tpu.vector_load %arg5[%get3A_1005] {strides = array<i32>} : memref<12560xi32, #tpu.memory_space<vmem>>, vector<16xi32>,
      %get3A_1007 = arith.index_cast %add3A_1000 : i32 to index
      %get3A_1008 = tpu.vector_load %arg6[%get3A_1007] {strides = array<i32>} : memref<12544xf32, #tpu.memory_space<vmem>>, vector<16xf32>,
      %sub3A_1009 = vector.broadcast %mul3A_873 : i32 to vector<16xi32>
      %sub3A_1010 = arith.subi %get3A_1002, %sub3A_1009 : vector<16xi32>
      %ne3A_1011 = arith.cmpi ne, %get3A_1002, %get3A_1006 : vector<16xi32>
      tpu.vector_store_idx %arg8[%sub3A_1010], %get3A_1008 masked %ne3A_1011 : memref<50176xf32, #tpu.memory_space<vmem>>[vector<16xi32>], vector<16xf32>, vector<16xi1>
      %add3A_1012 = arith.constant 64 : i32
      %add3A_1013 = arith.addi %mul3A_962, %add3A_1012 : i32
      %get3A_1014 = arith.index_cast %add3A_1013 : i32 to index
      %get3A_1015 = tpu.vector_load %arg5[%get3A_1014] {strides = array<i32>} : memref<12560xi32, #tpu.memory_space<vmem>>, vector<16xi32>,
      %add3A_1016 = arith.constant 1 : i32
      %add3A_1017 = arith.addi %add3A_1013, %add3A_1016 : i32
      %get3A_1018 = arith.index_cast %add3A_1017 : i32 to index
      %get3A_1019 = tpu.vector_load %arg5[%get3A_1018] {strides = array<i32>} : memref<12560xi32, #tpu.memory_space<vmem>>, vector<16xi32>,
      %get3A_1020 = arith.index_cast %add3A_1013 : i32 to index
      %get3A_1021 = tpu.vector_load %arg6[%get3A_1020] {strides = array<i32>} : memref<12544xf32, #tpu.memory_space<vmem>>, vector<16xf32>,
      %sub3A_1022 = vector.broadcast %mul3A_873 : i32 to vector<16xi32>
      %sub3A_1023 = arith.subi %get3A_1015, %sub3A_1022 : vector<16xi32>
      %ne3A_1024 = arith.cmpi ne, %get3A_1015, %get3A_1019 : vector<16xi32>
      tpu.vector_store_idx %arg8[%sub3A_1023], %get3A_1021 masked %ne3A_1024 : memref<50176xf32, #tpu.memory_space<vmem>>[vector<16xi32>], vector<16xf32>, vector<16xi1>
      %add3A_1025 = arith.constant 80 : i32
      %add3A_1026 = arith.addi %mul3A_962, %add3A_1025 : i32
      %get3A_1027 = arith.index_cast %add3A_1026 : i32 to index
      %get3A_1028 = tpu.vector_load %arg5[%get3A_1027] {strides = array<i32>} : memref<12560xi32, #tpu.memory_space<vmem>>, vector<16xi32>,
      %add3A_1029 = arith.constant 1 : i32
      %add3A_1030 = arith.addi %add3A_1026, %add3A_1029 : i32
      %get3A_1031 = arith.index_cast %add3A_1030 : i32 to index
      %get3A_1032 = tpu.vector_load %arg5[%get3A_1031] {strides = array<i32>} : memref<12560xi32, #tpu.memory_space<vmem>>, vector<16xi32>,
      %get3A_1033 = arith.index_cast %add3A_1026 : i32 to index
      %get3A_1034 = tpu.vector_load %arg6[%get3A_1033] {strides = array<i32>} : memref<12544xf32, #tpu.memory_space<vmem>>, vector<16xf32>,
      %sub3A_1035 = vector.broadcast %mul3A_873 : i32 to vector<16xi32>
      %sub3A_1036 = arith.subi %get3A_1028, %sub3A_1035 : vector<16xi32>
      %ne3A_1037 = arith.cmpi ne, %get3A_1028, %get3A_1032 : vector<16xi32>
      tpu.vector_store_idx %arg8[%sub3A_1036], %get3A_1034 masked %ne3A_1037 : memref<50176xf32, #tpu.memory_space<vmem>>[vector<16xi32>], vector<16xf32>, vector<16xi1>
      %add3A_1038 = arith.constant 96 : i32
      %add3A_1039 = arith.addi %mul3A_962, %add3A_1038 : i32
      %get3A_1040 = arith.index_cast %add3A_1039 : i32 to index
      %get3A_1041 = tpu.vector_load %arg5[%get3A_1040] {strides = array<i32>} : memref<12560xi32, #tpu.memory_space<vmem>>, vector<16xi32>,
      %add3A_1042 = arith.constant 1 : i32
      %add3A_1043 = arith.addi %add3A_1039, %add3A_1042 : i32
      %get3A_1044 = arith.index_cast %add3A_1043 : i32 to index
      %get3A_1045 = tpu.vector_load %arg5[%get3A_1044] {strides = array<i32>} : memref<12560xi32, #tpu.memory_space<vmem>>, vector<16xi32>,
      %get3A_1046 = arith.index_cast %add3A_1039 : i32 to index
      %get3A_1047 = tpu.vector_load %arg6[%get3A_1046] {strides = array<i32>} : memref<12544xf32, #tpu.memory_space<vmem>>, vector<16xf32>,
      %sub3A_1048 = vector.broadcast %mul3A_873 : i32 to vector<16xi32>
      %sub3A_1049 = arith.subi %get3A_1041, %sub3A_1048 : vector<16xi32>
      %ne3A_1050 = arith.cmpi ne, %get3A_1041, %get3A_1045 : vector<16xi32>
      tpu.vector_store_idx %arg8[%sub3A_1049], %get3A_1047 masked %ne3A_1050 : memref<50176xf32, #tpu.memory_space<vmem>>[vector<16xi32>], vector<16xf32>, vector<16xi1>
      %add3A_1051 = arith.constant 112 : i32
      %add3A_1052 = arith.addi %mul3A_962, %add3A_1051 : i32
      %get3A_1053 = arith.index_cast %add3A_1052 : i32 to index
      %get3A_1054 = tpu.vector_load %arg5[%get3A_1053] {strides = array<i32>} : memref<12560xi32, #tpu.memory_space<vmem>>, vector<16xi32>,
      %add3A_1055 = arith.constant 1 : i32
      %add3A_1056 = arith.addi %add3A_1052, %add3A_1055 : i32
      %get3A_1057 = arith.index_cast %add3A_1056 : i32 to index
      %get3A_1058 = tpu.vector_load %arg5[%get3A_1057] {strides = array<i32>} : memref<12560xi32, #tpu.memory_space<vmem>>, vector<16xi32>,
      %get3A_1059 = arith.index_cast %add3A_1052 : i32 to index
      %get3A_1060 = tpu.vector_load %arg6[%get3A_1059] {strides = array<i32>} : memref<12544xf32, #tpu.memory_space<vmem>>, vector<16xf32>,
      %sub3A_1061 = vector.broadcast %mul3A_873 : i32 to vector<16xi32>
      %sub3A_1062 = arith.subi %get3A_1054, %sub3A_1061 : vector<16xi32>
      %ne3A_1063 = arith.cmpi ne, %get3A_1054, %get3A_1058 : vector<16xi32>
      tpu.vector_store_idx %arg8[%sub3A_1062], %get3A_1060 masked %ne3A_1063 : memref<50176xf32, #tpu.memory_space<vmem>>[vector<16xi32>], vector<16xf32>, vector<16xi1>
      %while3A_1064 = arith.constant 0 : i32
      scf.yield %while3A_1064 : i32
    }
    %while3A_940 = arith.constant 1 : i32
    %while3A_941 = scf.for %while3A_960 = %while3A_937 to %while3A_933 step %while3A_940 iter_args(%while3A_961 = %while3A_939) -> (i32)  : i32 {
      %mul3A_962 = arith.muli %while3A_960, %while3A_928 : i32
      %add3A_963 = arith.constant 0 : i32
      %add3A_964 = arith.addi %mul3A_962, %add3A_963 : i32
      %get3A = arith.index_cast %add3A_964 : i32 to index
      %get3A_965 = tpu.vector_load %arg5[%get3A] {strides = array<i32>} : memref<12560xi32, #tpu.memory_space<vmem>>, vector<16xi32>,
      %add3A_966 = arith.constant 1 : i32
      %add3A_967 = arith.addi %add3A_964, %add3A_966 : i32
      %get3A_968 = arith.index_cast %add3A_967 : i32 to index
      %get3A_969 = tpu.vector_load %arg5[%get3A_968] {strides = array<i32>} : memref<12560xi32, #tpu.memory_space<vmem>>, vector<16xi32>,
      %get3A_970 = arith.index_cast %add3A_964 : i32 to index
      %get3A_971 = tpu.vector_load %arg6[%get3A_970] {strides = array<i32>} : memref<12544xf32, #tpu.memory_space<vmem>>, vector<16xf32>,
      %sub3A = vector.broadcast %mul3A_873 : i32 to vector<16xi32>
      %sub3A_972 = arith.subi %get3A_965, %sub3A : vector<16xi32>
      %ne3A = arith.cmpi ne, %get3A_965, %get3A_969 : vector<16xi32>
      tpu.vector_store_idx %arg8[%sub3A_972], %get3A_971 masked %ne3A : memref<50176xf32, #tpu.memory_space<vmem>>[vector<16xi32>], vector<16xf32>, vector<16xi1>
      %add3A_973 = arith.constant 16 : i32
      %add3A_974 = arith.addi %mul3A_962, %add3A_973 : i32
      %get3A_975 = arith.index_cast %add3A_974 : i32 to index
      %get3A_976 = tpu.vector_load %arg5[%get3A_975] {strides = array<i32>} : memref<12560xi32, #tpu.memory_space<vmem>>, vector<16xi32>,
      %add3A_977 = arith.constant 1 : i32
      %add3A_978 = arith.addi %add3A_974, %add3A_977 : i32
      %get3A_979 = arith.index_cast %add3A_978 : i32 to index
      %get3A_980 = tpu.vector_load %arg5[%get3A_979] {strides = array<i32>} : memref<12560xi32, #tpu.memory_space<vmem>>, vector<16xi32>,
      %get3A_981 = arith.index_cast %add3A_974 : i32 to index
      %get3A_982 = tpu.vector_load %arg6[%get3A_981] {strides = array<i32>} : memref<12544xf32, #tpu.memory_space<vmem>>, vector<16xf32>,
      %sub3A_983 = vector.broadcast %mul3A_873 : i32 to vector<16xi32>
      %sub3A_984 = arith.subi %get3A_976, %sub3A_983 : vector<16xi32>
      %ne3A_985 = arith.cmpi ne, %get3A_976, %get3A_980 : vector<16xi32>
      tpu.vector_store_idx %arg8[%sub3A_984], %get3A_982 masked %ne3A_985 : memref<50176xf32, #tpu.memory_space<vmem>>[vector<16xi32>], vector<16xf32>, vector<16xi1>
      %add3A_986 = arith.constant 32 : i32
      %add3A_987 = arith.addi %mul3A_962, %add3A_986 : i32
      %get3A_988 = arith.index_cast %add3A_987 : i32 to index
      %get3A_989 = tpu.vector_load %arg5[%get3A_988] {strides = array<i32>} : memref<12560xi32, #tpu.memory_space<vmem>>, vector<16xi32>,
      %add3A_990 = arith.constant 1 : i32
      %add3A_991 = arith.addi %add3A_987, %add3A_990 : i32
      %get3A_992 = arith.index_cast %add3A_991 : i32 to index
      %get3A_993 = tpu.vector_load %arg5[%get3A_992] {strides = array<i32>} : memref<12560xi32, #tpu.memory_space<vmem>>, vector<16xi32>,
      %get3A_994 = arith.index_cast %add3A_987 : i32 to index
      %get3A_995 = tpu.vector_load %arg6[%get3A_994] {strides = array<i32>} : memref<12544xf32, #tpu.memory_space<vmem>>, vector<16xf32>,
      %sub3A_996 = vector.broadcast %mul3A_873 : i32 to vector<16xi32>
      %sub3A_997 = arith.subi %get3A_989, %sub3A_996 : vector<16xi32>
      %ne3A_998 = arith.cmpi ne, %get3A_989, %get3A_993 : vector<16xi32>
      tpu.vector_store_idx %arg8[%sub3A_997], %get3A_995 masked %ne3A_998 : memref<50176xf32, #tpu.memory_space<vmem>>[vector<16xi32>], vector<16xf32>, vector<16xi1>
      %add3A_999 = arith.constant 48 : i32
      %add3A_1000 = arith.addi %mul3A_962, %add3A_999 : i32
      %get3A_1001 = arith.index_cast %add3A_1000 : i32 to index
      %get3A_1002 = tpu.vector_load %arg5[%get3A_1001] {strides = array<i32>} : memref<12560xi32, #tpu.memory_space<vmem>>, vector<16xi32>,
      %add3A_1003 = arith.constant 1 : i32
      %add3A_1004 = arith.addi %add3A_1000, %add3A_1003 : i32
      %get3A_1005 = arith.index_cast %add3A_1004 : i32 to index
      %get3A_1006 = tpu.vector_load %arg5[%get3A_1005] {strides = array<i32>} : memref<12560xi32, #tpu.memory_space<vmem>>, vector<16xi32>,
      %get3A_1007 = arith.index_cast %add3A_1000 : i32 to index
      %get3A_1008 = tpu.vector_load %arg6[%get3A_1007] {strides = array<i32>} : memref<12544xf32, #tpu.memory_space<vmem>>, vector<16xf32>,
      %sub3A_1009 = vector.broadcast %mul3A_873 : i32 to vector<16xi32>
      %sub3A_1010 = arith.subi %get3A_1002, %sub3A_1009 : vector<16xi32>
      %ne3A_1011 = arith.cmpi ne, %get3A_1002, %get3A_1006 : vector<16xi32>
      tpu.vector_store_idx %arg8[%sub3A_1010], %get3A_1008 masked %ne3A_1011 : memref<50176xf32, #tpu.memory_space<vmem>>[vector<16xi32>], vector<16xf32>, vector<16xi1>
      %add3A_1012 = arith.constant 64 : i32
      %add3A_1013 = arith.addi %mul3A_962, %add3A_1012 : i32
      %get3A_1014 = arith.index_cast %add3A_1013 : i32 to index
      %get3A_1015 = tpu.vector_load %arg5[%get3A_1014] {strides = array<i32>} : memref<12560xi32, #tpu.memory_space<vmem>>, vector<16xi32>,
      %add3A_1016 = arith.constant 1 : i32
      %add3A_1017 = arith.addi %add3A_1013, %add3A_1016 : i32
      %get3A_1018 = arith.index_cast %add3A_1017 : i32 to index
      %get3A_1019 = tpu.vector_load %arg5[%get3A_1018] {strides = array<i32>} : memref<12560xi32, #tpu.memory_space<vmem>>, vector<16xi32>,
      %get3A_1020 = arith.index_cast %add3A_1013 : i32 to index
      %get3A_1021 = tpu.vector_load %arg6[%get3A_1020] {strides = array<i32>} : memref<12544xf32, #tpu.memory_space<vmem>>, vector<16xf32>,
      %sub3A_1022 = vector.broadcast %mul3A_873 : i32 to vector<16xi32>
      %sub3A_1023 = arith.subi %get3A_1015, %sub3A_1022 : vector<16xi32>
      %ne3A_1024 = arith.cmpi ne, %get3A_1015, %get3A_1019 : vector<16xi32>
      tpu.vector_store_idx %arg8[%sub3A_1023], %get3A_1021 masked %ne3A_1024 : memref<50176xf32, #tpu.memory_space<vmem>>[vector<16xi32>], vector<16xf32>, vector<16xi1>
      %add3A_1025 = arith.constant 80 : i32
      %add3A_1026 = arith.addi %mul3A_962, %add3A_1025 : i32
      %get3A_1027 = arith.index_cast %add3A_1026 : i32 to index
      %get3A_1028 = tpu.vector_load %arg5[%get3A_1027] {strides = array<i32>} : memref<12560xi32, #tpu.memory_space<vmem>>, vector<16xi32>,
      %add3A_1029 = arith.constant 1 : i32
      %add3A_1030 = arith.addi %add3A_1026, %add3A_1029 : i32
      %get3A_1031 = arith.index_cast %add3A_1030 : i32 to index
      %get3A_1032 = tpu.vector_load %arg5[%get3A_1031] {strides = array<i32>} : memref<12560xi32, #tpu.memory_space<vmem>>, vector<16xi32>,
      %get3A_1033 = arith.index_cast %add3A_1026 : i32 to index
      %get3A_1034 = tpu.vector_load %arg6[%get3A_1033] {strides = array<i32>} : memref<12544xf32, #tpu.memory_space<vmem>>, vector<16xf32>,
      %sub3A_1035 = vector.broadcast %mul3A_873 : i32 to vector<16xi32>
      %sub3A_1036 = arith.subi %get3A_1028, %sub3A_1035 : vector<16xi32>
      %ne3A_1037 = arith.cmpi ne, %get3A_1028, %get3A_1032 : vector<16xi32>
      tpu.vector_store_idx %arg8[%sub3A_1036], %get3A_1034 masked %ne3A_1037 : memref<50176xf32, #tpu.memory_space<vmem>>[vector<16xi32>], vector<16xf32>, vector<16xi1>
      %add3A_1038 = arith.constant 96 : i32
      %add3A_1039 = arith.addi %mul3A_962, %add3A_1038 : i32
      %get3A_1040 = arith.index_cast %add3A_1039 : i32 to index
      %get3A_1041 = tpu.vector_load %arg5[%get3A_1040] {strides = array<i32>} : memref<12560xi32, #tpu.memory_space<vmem>>, vector<16xi32>,
      %add3A_1042 = arith.constant 1 : i32
      %add3A_1043 = arith.addi %add3A_1039, %add3A_1042 : i32
      %get3A_1044 = arith.index_cast %add3A_1043 : i32 to index
      %get3A_1045 = tpu.vector_load %arg5[%get3A_1044] {strides = array<i32>} : memref<12560xi32, #tpu.memory_space<vmem>>, vector<16xi32>,
      %get3A_1046 = arith.index_cast %add3A_1039 : i32 to index
      %get3A_1047 = tpu.vector_load %arg6[%get3A_1046] {strides = array<i32>} : memref<12544xf32, #tpu.memory_space<vmem>>, vector<16xf32>,
      %sub3A_1048 = vector.broadcast %mul3A_873 : i32 to vector<16xi32>
      %sub3A_1049 = arith.subi %get3A_1041, %sub3A_1048 : vector<16xi32>
      %ne3A_1050 = arith.cmpi ne, %get3A_1041, %get3A_1045 : vector<16xi32>
      tpu.vector_store_idx %arg8[%sub3A_1049], %get3A_1047 masked %ne3A_1050 : memref<50176xf32, #tpu.memory_space<vmem>>[vector<16xi32>], vector<16xf32>, vector<16xi1>
      %add3A_1051 = arith.constant 112 : i32
      %add3A_1052 = arith.addi %mul3A_962, %add3A_1051 : i32
      %get3A_1053 = arith.index_cast %add3A_1052 : i32 to index
      %get3A_1054 = tpu.vector_load %arg5[%get3A_1053] {strides = array<i32>} : memref<12560xi32, #tpu.memory_space<vmem>>, vector<16xi32>,
      %add3A_1055 = arith.constant 1 : i32
      %add3A_1056 = arith.addi %add3A_1052, %add3A_1055 : i32
      %get3A_1057 = arith.index_cast %add3A_1056 : i32 to index
      %get3A_1058 = tpu.vector_load %arg5[%get3A_1057] {strides = array<i32>} : memref<12560xi32, #tpu.memory_space<vmem>>, vector<16xi32>,
      %get3A_1059 = arith.index_cast %add3A_1052 : i32 to index
      %get3A_1060 = tpu.vector_load %arg6[%get3A_1059] {strides = array<i32>} : memref<12544xf32, #tpu.memory_space<vmem>>, vector<16xf32>,
      %sub3A_1061 = vector.broadcast %mul3A_873 : i32 to vector<16xi32>
      %sub3A_1062 = arith.subi %get3A_1054, %sub3A_1061 : vector<16xi32>
      %ne3A_1063 = arith.cmpi ne, %get3A_1054, %get3A_1058 : vector<16xi32>
      tpu.vector_store_idx %arg8[%sub3A_1062], %get3A_1060 masked %ne3A_1063 : memref<50176xf32, #tpu.memory_space<vmem>>[vector<16xi32>], vector<16xf32>, vector<16xi1>
      %while3A_1064 = arith.constant 0 : i32
      scf.yield %while3A_1064 : i32
    }
    %dma_start3A_942 = arith.constant 0 : i32
    %dma_start3A_943 = tpu.memref_slice %arg4[%add3A_871, %dma_start3A_942] : memref<384x50176xf32, #tpu.memory_space<hbm>> -> memref<1x50176xf32, #tpu.memory_space<hbm>>
    %dma_start3A_944 = tpu.memref_squeeze %dma_start3A_943 : memref<1x50176xf32, #tpu.memory_space<hbm>> -> memref<50176xf32, #tpu.memory_space<hbm>>
    %dma_start3A_945 = arith.constant 0 : i32
    %dma_start3A_946 = tpu.memref_slice %arg4[%add3A_871, %dma_start3A_945] : memref<384x50176xf32, #tpu.memory_space<hbm>> -> memref<1x50176xf32, #tpu.memory_space<hbm>>
    %dma_start3A_947 = tpu.memref_squeeze %dma_start3A_946 : memref<1x50176xf32, #tpu.memory_space<hbm>> -> memref<50176xf32, #tpu.memory_space<hbm>>
    tpu.enqueue_dma source(%arg8 : memref<50176xf32, #tpu.memory_space<vmem>>) target(%dma_start3A_947 : memref<50176xf32, #tpu.memory_space<hbm>>) target_semaphore(%arg12 : memref<!tpu.dma_semaphore, #tpu.memory_space<semaphore_mem>>)
    %dma_wait3A_948 = arith.constant 0 : i32
    %dma_wait3A_949 = tpu.memref_slice %arg4[%add3A_791, %dma_wait3A_948] : memref<384x50176xf32, #tpu.memory_space<hbm>> -> memref<1x50176xf32, #tpu.memory_space<hbm>>
    %dma_wait3A_950 = tpu.memref_squeeze %dma_wait3A_949 : memref<1x50176xf32, #tpu.memory_space<hbm>> -> memref<50176xf32, #tpu.memory_space<hbm>>
    %dma_wait3A_951 = arith.constant 0 : i32
    %dma_wait3A_952 = tpu.memref_slice %arg4[%add3A_791, %dma_wait3A_951] : memref<384x50176xf32, #tpu.memory_space<hbm>> -> memref<1x50176xf32, #tpu.memory_space<hbm>>
    %dma_wait3A_953 = tpu.memref_squeeze %dma_wait3A_952 : memref<1x50176xf32, #tpu.memory_space<hbm>> -> memref<50176xf32, #tpu.memory_space<hbm>>
    tpu.wait_dma2 semaphore(%arg11 : memref<!tpu.dma_semaphore, #tpu.memory_space<semaphore_mem>>) src(%arg7 : memref<50176xf32, #tpu.memory_space<vmem>>) dst(%dma_wait3A_953 : memref<50176xf32, #tpu.memory_space<hbm>>)
    %dma_wait3A_954 = arith.constant 0 : i32
    %dma_wait3A_955 = tpu.memref_slice %arg4[%add3A_871, %dma_wait3A_954] : memref<384x50176xf32, #tpu.memory_space<hbm>> -> memref<1x50176xf32, #tpu.memory_space<hbm>>
    %dma_wait3A_956 = tpu.memref_squeeze %dma_wait3A_955 : memref<1x50176xf32, #tpu.memory_space<hbm>> -> memref<50176xf32, #tpu.memory_space<hbm>>
    %dma_wait3A_957 = arith.constant 0 : i32
    %dma_wait3A_958 = tpu.memref_slice %arg4[%add3A_871, %dma_wait3A_957] : memref<384x50176xf32, #tpu.memory_space<hbm>> -> memref<1x50176xf32, #tpu.memory_space<hbm>>
    %dma_wait3A_959 = tpu.memref_squeeze %dma_wait3A_958 : memref<1x50176xf32, #tpu.memory_space<hbm>> -> memref<50176xf32, #tpu.memory_space<hbm>>
    tpu.wait_dma2 semaphore(%arg12 : memref<!tpu.dma_semaphore, #tpu.memory_space<semaphore_mem>>) src(%arg8 : memref<50176xf32, #tpu.memory_space<vmem>>) dst(%dma_wait3A_959 : memref<50176xf32, #tpu.memory_space<hbm>>)
    return
  }
}

</mosaic_0001>

<sc_bundles>
// kernel: _unpool.3.cloned.1.call-start
scs
__scs_entry_jumppad:
0x0: {  	(pc) =	sbr.rel $0x88, $3  }
0x1: {  	(tag) =	ssettag $0x0;
	lr =	simm.s32 $0x1  }
0x2: {  	[smem:$0x3F9F] =	sst lr;
	_ =	strace $0xD0000000  }
0x3: {  	_ = 	snop  }
0x4: {  	_ = 	snop  }
0x5: {  	_ = 	snop  }
0x6: {  	_ = 	snop  }
0x7: {  	_ = 	snop  }
__scs_overlays_trampoline_lowered:
0x8: {  	[smem:$0x3FAE] =	sst s0  }
0x9: {  	[smem:$0x3FAF] =	sst s1  }
0xa: {  	[smem:$0x3FB0] =	sst s2  }
0xb: {  	[smem:$0x3FB1] =	sst s3  }
0xc: {  	[smem:$0x3FB2] =	sst s4  }
0xd: {  	[smem:$0x3FB3] =	sst s5  }
0xe: {  	[smem:$0x3FB4] =	sst s6  }
0xf: {  	[smem:$0x3FB5] =	sst s7  }
0x10: {  	[smem:$0x3FB6] =	sst s8  }
0x11: {  	[smem:$0x3FB7] =	sst s9;
	s0 =	simm.s32 @!p0 $0x0  }
0x12: {  	s1 =	sld [smem:$0x3F9D];
	s0 =	simm.s32 @p0 $0x1  }
0x13: {  	[smem:$0x3FB8] =	sst s0;
	s0 =	simm.s32 @!p1 $0x0  }
0x14: {  	s2 =	sld [smem:$0x3F9C];
	s0 =	simm.s32 @p1 $0x1  }
0x15: {  	[smem:$0x3FB9] =	sst s0;
	s0 =	simm.s32 @!p2 $0x0  }
0x16: {  	s3 =	sld [smem:$0x3FDB];
	s0 =	simm.s32 @p2 $0x1  }
0x17: {  	s4 =	simm.s32 $0x1BF5;
	[smem:$0x3FBB] =	sst s0  }
0x18: {  	s0 =	sld [smem:$0x3F9E];
	_ =	swait.ge [sflag:s4], $0x0  }
0x19: {  	s7 =	sld [smem:$0x3F9F]  }
0x1a: {  	s8 =	sadd.s32 $0xFFFFE003, lr  }
0x1b: {  	s9 =	sadd.s32 $0xFFFFFEF7, lr;
	s5 =	simm.s32 $0xFFFFFFFF;
	p2 =	slt.u32 s8, $0xFFFFF086  }
0x1c: {  	p1 =	slt.u32 s9, $0xF7A;
	s5 =	simm.s32 @!p2 $0x0  }
0x1d: {  	s5 =	simm.s32 @p1 $0x1;
	p0 =	seq.s32 s7, s2  }
0x1e: {  	s7 =	smul.u32 @!p0 $0xF7A, s2;
	p2 =	seq.s32 @!p0 s5, $0x0  }
0x1f: {  	s9 =	smul.u32 $0xF7A, s1;
	s8 =	simm.s32 @!p0 $0x1BF5;
	p2 =	por !p2, p0  }
0x20: {  	[sflag:s8] =	ssyncset.s32 @!p0 $0xFFFFF086;
	s6 =	sadd.s32 @!p0 s3, s7;
	s7 =	simm.s32 @!p0 $0x108  }
0x21: {  	s3 =	sadd.s32 s3, s9;
	s6 =	sadd.s32 @!p0 $0x88, s6;
	s7 =	simm.s32 @p2 $0x1082  }
0x22: {  	[simem:s7], [sflag:s8] =	dma.local @!p0 [hbm:s6], $0xF7A  }
0x23: {  	s9 =	sor.u32 $0xD0000000, s2;
	s6 =	simm.s32 $0x108;
	_ =	swait.ge @!p0 [sflag:s8], $0x0  }
0x24: {  	s3 =	sadd.s32 $0x88, s3;
	s6 =	simm.s32 @!p1 $0x1082;
	[sflag:s4] =	ssyncset.s32 $0xFFFFF086  }
0x25: {  	[simem:s6], [sflag:s4] =	dma.local [hbm:s3], $0xF7A  }
0x26: {  	[smem:$0x3F9F] =	sst s1;
	(tag) =	ssettag s2;
	_ =	strace s9  }
0x27: {  	s1 =	sld [smem:$0x3FAF]  }
0x28: {  	s2 =	sld [smem:$0x3FB0]  }
0x29: {  	s4 =	sld [smem:$0x3FB2]  }
0x2a: {  	p0 =	seq.s32 s5, $0x0;
	s5 =	sld [smem:$0x3FB3]  }
0x2b: {  	s6 =	sld [smem:$0x3FB4]  }
0x2c: {  	s7 =	sld [smem:$0x3FB5]  }
0x2d: {  	s3 =	simm.s32 $0x108;
	s8 =	sld [smem:$0x3FB6]  }
0x2e: {  	s3 =	simm.s32 @!p0 $0x1082;
	s9 =	sld [smem:$0x3FB7]  }
0x2f: {  	lr =	sadd.s32 s0, s3;
	s0 =	sld [smem:$0x3FAE]  }
0x30: {  	s3 =	sld [smem:$0x3FB1]  }
0x31: {  	[smem:$0x3FBA] =	sst s10  }
0x32: {  	s10 =	sld [smem:$0x3FB8];
	_ =	sdelay $0x3  }
0x33: {  	p0 =	seq.s32 s10, $0x1;
	s10 =	sld [smem:$0x3FBA];
	_ =	sdelay $0x3  }
0x34: {  	[smem:$0x3FBA] =	sst s10  }
0x35: {  	s10 =	sld [smem:$0x3FB9];
	_ =	sdelay $0x3  }
0x36: {  	p1 =	seq.s32 s10, $0x1;
	s10 =	sld [smem:$0x3FBA];
	_ =	sdelay $0x3  }
0x37: {  	[smem:$0x3FBA] =	sst s10  }
0x38: {  	s10 =	sld [smem:$0x3FBB]  }
0x39: {  	_ = 	snop;
	(pc) =	sbr.ind lr, $3  }
0x3a: {  	_ = 	snop  }
0x3b: {  	_ = 	snop  }
0x3c: {  	p2 =	seq.s32 s10, $0x1;
	s10 =	sld [smem:$0x3FBA]  }
0x3d: {  	_ =	shalt  }
0x3e: {  	_ =	shalt  }
0x3f: {  	_ =	shalt  }
0x40: {  	_ =	shalt  }
0x41: {  	_ =	shalt  }
0x42: {  	_ =	shalt  }
0x43: {  	_ =	shalt  }
0x44: {  	_ =	shalt  }
0x45: {  	_ =	shalt  }
0x46: {  	_ =	shalt  }
0x47: {  	_ =	shalt  }
0x48: {  	_ =	shalt  }
0x49: {  	_ =	shalt  }
0x4a: {  	_ =	shalt  }
0x4b: {  	_ =	shalt  }
0x4c: {  	_ =	shalt  }
0x4d: {  	_ =	shalt  }
0x4e: {  	_ =	shalt  }
0x4f: {  	_ =	shalt  }
0x50: {  	_ =	shalt  }
0x51: {  	_ =	shalt  }
0x52: {  	_ =	shalt  }
0x53: {  	_ =	shalt  }
0x54: {  	_ =	shalt  }
0x55: {  	_ =	shalt  }
0x56: {  	_ =	shalt  }
0x57: {  	_ =	shalt  }
0x58: {  	_ =	shalt  }
0x59: {  	_ =	shalt  }
0x5a: {  	_ =	shalt  }
0x5b: {  	_ =	shalt  }
0x5c: {  	_ =	shalt  }
0x5d: {  	_ =	shalt  }
0x5e: {  	_ =	shalt  }
0x5f: {  	_ =	shalt  }
0x60: {  	_ =	shalt  }
0x61: {  	_ =	shalt  }
0x62: {  	_ =	shalt  }
0x63: {  	_ =	shalt  }
0x64: {  	_ =	shalt  }
0x65: {  	_ =	shalt  }
0x66: {  	_ =	shalt  }
0x67: {  	_ =	shalt  }
0x68: {  	_ =	shalt  }
0x69: {  	_ =	shalt  }
0x6a: {  	_ =	shalt  }
0x6b: {  	_ =	shalt  }
0x6c: {  	_ =	shalt  }
0x6d: {  	_ =	shalt  }
0x6e: {  	_ =	shalt  }
0x6f: {  	_ =	shalt  }
0x70: {  	_ =	shalt  }
0x71: {  	_ =	shalt  }
0x72: {  	_ =	shalt  }
0x73: {  	_ =	shalt  }
0x74: {  	_ =	shalt  }
0x75: {  	_ =	shalt  }
0x76: {  	_ =	shalt  }
0x77: {  	_ =	shalt  }
0x78: {  	_ =	shalt  }
0x79: {  	_ =	shalt  }
0x7a: {  	_ =	shalt  }
0x7b: {  	_ =	shalt  }
0x7c: {  	_ =	shalt  }
0x7d: {  	_ =	shalt  }
0x7e: {  	_ =	shalt  }
0x7f: {  	_ =	shalt  }
0x80: {  	_ =	shalt  }
0x81: {  	_ =	shalt  }
0x82: {  	_ =	shalt  }
0x83: {  	_ =	shalt  }
0x84: {  	_ =	shalt  }
0x85: {  	_ =	shalt  }
0x86: {  	_ =	shalt  }
0x87: {  	_ =	shalt  }
.Lfunc_end0:
.L_simem_size_0:
called_computation_lowered:
.L_overlay_start_0:
0x88: {  	s2 =	sld [smem:$0x3FD9]  }
0x89: {  	s3 =	sld [smem:$0x3FFE];
	_ =	sdelay $0x1  }
0x8a: {  	s1 =	srdreg.scid  }
0x8b: {  	s0 =	sand.u32 $0x1, s1  }
0x8c: {  	s18 =	sshll.u32 s0, $0xA;
	s2 =	sadd.s32 s3, s2  }
0x8d: {  	s2 =	sadd.s32 s2, s18  }
0x8e: {  	[smem:$0x3FC6] =	sst s2  }
0x8f: {  	_ = 	snop  }
0x90: {  	s2 =	sld [smem:$0x3FC9]  }
0x91: {  	s19 =	sld [smem:$0x3FC8]  }
0x92: {  	s4 =	sld [smem:$0x3FD0];
	(tm) =	ssettm $0x1  }
0x93: {  	s5 =	sld [smem:$0x3FFB];
	_ =	sdelay $0x3  }
0x94: {  	_ =	strace s5  }
0x95: {  	s5 =	sld [smem:$0x3FFC];
	_ =	sdelay $0x3  }
0x96: {  	_ =	strace s5  }
0x97: {  	s5 =	sld [smem:$0x3FFD];
	_ =	sdelay $0x3  }
0x98: {  	_ =	strace s5  }
0x99: {  	_ =	strace $0x8FFFFFFF  }
0x9a: {  	s20 =	sld [smem:$0x3FDB];
	_ =	sdelay $0x1  }
0x9b: {  	s6 =	simm.s32 $_scs_section_size  }
0x9c: {  	s7 =	simm.s32 $_size__tile_overlayer_lowered;
	s8 =	simm.s32 $_tile_overlayer_lowered  }
0x9d: {  	s23 =	simm.s32 $0x1BFF;
	s22 =	sshll.u32 s8, $0x1;
	s5 =	sadd.s32 s6, s20  }
0x9e: {  	s9 =	simm.s32 $0x0;
	s21 =	sshll.u32 s7, $0x1;
	s7 =	sadd.s32 s22, s5  }
0x9f: {  	[timem:s9], [sflag:s23] =	dma.local [hbm:s7], s21  }
0xa0: {  	_ =	swait.ge [sflag:s23], s21  }
0xa1: {  	s6 =	ssub.s32 $0x0, s21;
	[sflag:s23] =	ssyncset.done $0x0  }
0xa2: {  	[sflag:s23] =	ssyncadd.s32 s6;
	_ =	sdelay $0x1  }
0xa3: {  	s24 =	simm.s32 $0x1B8B  }
0xa4: {  	_ =	swait.ge [sflag:s24], $0x1  }
0xa5: {  	[sflag:s24] =	ssyncset.done $0x0  }
0xa6: {  	s25 =	simm.s32 $0x1B8E;
	[sflag:s24] =	ssyncadd.s32 $0xFFFFFFFF  }
0xa7: {  	s26 =	simm.s32 $execute0_lowered;
	[smem:$0x3FD2] =	sst s25  }
0xa8: {  	s6 =	sshll.u32 s26, $0x1;
	_ =	strace $0x80000046;
	[dreg:$0x1] =	wrdreg $0xFFFFFFFF  }
0xa9: {  	s28 =	simm.s32 $_size_execute0_lowered;
	s5 =	sadd.s32 s5, s6;
	[dreg:$0x0] =	wrdreg $0x0  }
0xaa: {  	s6 =	sshll.u32 s28, $0x1;
	[dreg:$0x2] =	wrdreg s5  }
0xab: {  	[dreg:$0x3] =	wrdreg s6  }
0xac: {  	[dreg:$0x4] =	wrdreg $0xC0  }
0xad: {  	_ =	task [dreg:s9], $0x5FFFF  }
0xae: {  	[dreg:$0x1] =	wrdreg $0xFFFFFFFF  }
0xaf: {  	[dreg:$0x0] =	wrdreg $0x60  }
0xb0: {  	[dreg:$0x2] =	wrdreg s2  }
0xb1: {  	[dreg:$0x3] =	wrdreg s19  }
0xb2: {  	[dreg:$0x4] =	wrdreg s4  }
0xb3: {  	[dreg:$0x5] =	wrdreg $0x9  }
0xb4: {  	_ =	task.clear_ibuf [dreg:s9], $0x6FFFF;
	_ =	strace $0x90000046  }
0xb5: {  	s29 =	simm.s32 $0x9;
	_ =	strace $0x80000048  }
0xb6: {  	_ =	swait.ge [sflag:s29], $0x1  }
0xb7: {  	[sflag:s29] =	ssyncadd.s32 $0xFFFFFFFF  }
0xb8: {  	_ =	strace $0x90000048  }
0xb9: {  	_ =	sfence  }
0xba: {  	s30 =	sld [smem:$0x0];
	_ =	sdelay $0x2  }
0xbb: {  	s31 =	sshll.u32 s1, $0xD;
	s1 =	sshrl.u32 s1, $0x2  }
0xbc: {  	s3 =	sand.u32 $0x4000, s31;
	s1 =	sadd.s32 s1, s30  }
0xbd: {  	s0 =	sor.u32 s3, s0;
	s1 =	sshll.u32 s1, $0x11  }
0xbe: {  	s0 =	sor.u32 s1, s0  }
0xbf: {  	s0 =	sadd.s32 $0x8F2B, s0  }
0xc0: {  	[sflag:s0] =	ssyncadd.remote.s32 $0x1  }
0xc1: {  	_ =	sfence.sel $0xFFFF  }
0xc2: {  	[dreg:$0x0] =	wrdreg $0xFFFFFFFF;
	(pc) =	sbr.abs _section_cstart, $3  }
0xc3: {  	[dreg:$0x1] =	wrdreg $0xFFFFFFFF  }
0xc4: {  	_ =	task.clear_ibuf [dreg:s9], $0x2FFFF;
	_ =	strace $0x9FFFFFFF  }
0xc5: {  	(tm) =	ssettm $0x7FFFFFFF  }
tec
execute0_lowered:
.L_overlay_start_1:
0x0: {  	(tag) =	ssettag $0x1  }
0x1: {  	s0 =	srdreg.scid;
	s2 =	stileid.u32  }
0x2: {  	s1 =	sand.u32 $0x1, s0;
	s9 =	sshll.u32 s2, $0x1  }
0x3: {  	s7 =	sor.u32 s1, s9;
	s10 =	ssub.s32 $0x2, s1  }
0x4: {  	s5 =	smul.u32 $0xC, s7;
	s4 =	sshrl.u32 s10, $0x1  }
0x5: {  	s15 =	sshll.u32 s1, $0x9;
	s7 =	smul.u32 $0x93000, s7;
	s11 =	ssub.s32 s10, s4  }
0x6: {  	s3 =	sshrl.u32 s5, $0x3;
	[dreg:$0x16] =	wrdreg s11;
	s1 =	sor.u32 $0x1, s5  }
0x7: {  	s2 =	sor.u32 $0x2, s5;
	s8 =	sadd.s32 $0x4, s5;
	s9 =	sor.u32 $0x3, s5  }
0x8: {  	s11 =	sadd.s32 $0x5, s5;
	s29 =	sadd.s32 $0x9, s5;
	s13 =	smul.u32 $0x18800, s3  }
0x9: {  	s30 =	sadd.s32 $0xA, s5;
	s16 =	smul.u32 $0x62000, s3;
	s12 =	sshll.u32 s1, $0x7  }
0xa: {  	s19 =	sshll.u32 s2, $0x7;
	s6 =	sshrl.u32 s8, $0x3;
	s10 =	sshll.u32 s8, $0x7  }
0xb: {  	s22 =	sshrl.u32 s11, $0x3;
	s23 =	sshll.u32 s11, $0x7;
	s20 =	smul.u32 $0x18800, s6  }
0xc: {  	s14 =	sand.u32 $0x280, s12;
	s12 =	sand.u32 $0x300, s19;
	s6 =	smul.u32 $0x62000, s6  }
0xd: {  	s10 =	sand.u32 $0x200, s10;
	s24 =	smul.u32 $0x18800, s22;
	s17 =	sor.u32 s15, s13  }
0xe: {  	s18 =	sor.u32 s13, s14;
	s3 =	sor.u32 s16, s14;
	s19 =	sor.u32 s13, s12  }
0xf: {  	s14 =	sadd.s32 $0x6, s5;
	s20 =	sor.u32 s10, s20;
	s21 =	sor.u32 s10, s6  }
0x10: {  	s6 =	smul.u32 $0x62000, s22;
	[dreg:$0x17] =	wrdreg s21;
	s21 =	sshrl.u32 s14, $0x3  }
0x11: {  	s10 =	sand.u32 $0x280, s23;
	s23 =	sadd.s32 $0x7, s5;
	s25 =	smul.u32 $0x18800, s21  }
0x12: {  	s22 =	sor.u32 s10, s24;
	s24 =	sshrl.u32 s23, $0x3;
	s21 =	smul.u32 $0x62000, s21  }
0x13: {  	s14 =	sshll.u32 s14, $0x7;
	s26 =	sor.u32 s10, s6;
	s6 =	smul.u32 $0x18800, s24  }
0x14: {  	s17 =	sshrl.u32 s17, $0x3;
	s4 =	sand.u32 $0x300, s14;
	s0 =	smul.u32 $0x62000, s24  }
0x15: {  	[dreg:$0x18] =	wrdreg s26;
	s26 =	sshll.u32 s23, $0x7;
	s23 =	sadd.s32 $0x8, s5  }
0x16: {  	s25 =	sor.u32 s4, s25;
	s10 =	sor.u32 s4, s21;
	s11 =	sand.u32 $0x380, s26  }
0x17: {  	s4 =	sshll.u32 s9, $0x7;
	s26 =	sshrl.u32 s23, $0x3;
	s24 =	sor.u32 s11, s6  }
0x18: {  	s11 =	sor.u32 s11, s0;
	s6 =	sor.u32 s16, s12;
	s0 =	smul.u32 $0x18800, s26  }
0x19: {  	s21 =	sand.u32 $0x380, s4;
	s4 =	smul.u32 $0x62000, s26;
	s12 =	sshrl.u32 s29, $0x3  }
0x1a: {  	s26 =	sor.u32 s15, s16;
	s14 =	sor.u32 s16, s21;
	s16 =	smul.u32 $0x18800, s12  }
0x1b: {  	s18 =	sshrl.u32 s18, $0x3;
	s28 =	sor.u32 s13, s21;
	s23 =	smul.u32 $0x62000, s12  }
0x1c: {  	s13 =	sshrl.u32 s30, $0x3;
	s21 =	sshll.u32 s29, $0x7;
	s29 =	sshll.u32 s30, $0x7  }
0x1d: {  	s31 =	sor.u32 s15, s0;
	s4 =	sor.u32 s15, s4;
	s12 =	smul.u32 $0x18800, s13  }
0x1e: {  	s15 =	sand.u32 $0x280, s21;
	s0 =	smul.u32 $0x62000, s13;
	s13 =	sand.u32 $0x300, s29  }
0x1f: {  	s30 =	sor.u32 s15, s16;
	s15 =	sor.u32 s15, s23;
	s23 =	rddreg [dreg:$0x1]  }
0x20: {  	s21 =	sor.u32 s13, s12;
	s16 =	sor.u32 s13, s0;
	s0 =	rddreg [dreg:$0x0]  }
0x21: {  	s12 =	sadd.s32 s23, s17;
	s13 =	sadd.s32 s0, s17;
	s17 =	sadd.s32 s23, s18  }
0x22: {  	s18 =	sadd.s32 s0, s18;
	[dreg:$0x4] =	wrdreg s17;
	s17 =	sshrl.u32 s19, $0x3  }
0x23: {  	s8 =	smul.u32 $0xC400, s8;
	[dreg:$0x5] =	wrdreg s18;
	s19 =	sadd.s32 s23, s17  }
0x24: {  	s18 =	sshrl.u32 s28, $0x3;
	s17 =	sadd.s32 s0, s17;
	[dreg:$0x6] =	wrdreg s19  }
0x25: {  	v3 =	vmov s8;
	s8 =	simm.s32 $0x80;
	[dreg:$0x7] =	wrdreg s17;
	s19 =	sadd.s32 s23, s18  }
0x26: {  	s17 =	sshrl.u32 s20, $0x3;
	[dreg:$0x8] =	wrdreg s19;
	s19 =	sadd.s32 s0, s18  }
0x27: {  	s3 =	sshrl.u32 s3, $0x3;
	s20 =	sadd.s32 s23, s17;
	[dreg:$0x9] =	wrdreg s19  }
0x28: {  	s18 =	sshrl.u32 s22, $0x3;
	s17 =	sadd.s32 s0, s17;
	[dreg:$0xa] =	wrdreg s20  }
0x29: {  	s5 =	sadd.s32 $0xB, s5;
	[dreg:$0xb] =	wrdreg s17;
	s22 =	sadd.s32 s23, s18  }
0x2a: {  	s19 =	sadd.s32 s0, s18;
	s20 =	sshrl.u32 s25, $0x3;
	[dreg:$0xc] =	wrdreg s22  }
0x2b: {  	[dreg:$0xd] =	wrdreg s19;
	s22 =	sshrl.u32 s24, $0x3;
	s24 =	sadd.s32 s23, s20  }
0x2c: {  	s9 =	smul.u32 $0xC400, s9;
	s17 =	sadd.s32 s0, s20;
	[dreg:$0xe] =	wrdreg s24  }
0x2d: {  	s26 =	sshrl.u32 s26, $0x3;
	[dreg:$0xf] =	wrdreg s17;
	s25 =	sadd.s32 s23, s22  }
0x2e: {  	s20 =	sshrl.u32 s31, $0x3;
	s19 =	sadd.s32 s0, s22;
	[dreg:$0x10] =	wrdreg s25  }
0x2f: {  	v2 =	vmov s9;
	s9 =	simm.s32 $0x400;
	s22 =	sadd.s32 s23, s20;
	[dreg:$0x11] =	wrdreg s19  }
0x30: {  	s17 =	sadd.s32 s0, s20;
	s24 =	sshrl.u32 s30, $0x3;
	[dreg:$0x12] =	wrdreg s22  }
0x31: {  	s20 =	sshrl.u32 s21, $0x3;
	[dreg:$0x13] =	wrdreg s17;
	s17 =	sshrl.u32 s5, $0x3  }
0x32: {  	s5 =	sshll.u32 s5, $0x7;
	s21 =	sadd.s32 s23, s24;
	s18 =	sadd.s32 s0, s24  }
0x33: {  	s22 =	sadd.s32 s0, s20;
	s19 =	smul.u32 $0xC400, s1;
	s1 =	rddreg [dreg:$0x18]  }
0x34: {  	s25 =	smul.u32 $0x18800, s17;
	s5 =	sand.u32 $0x380, s5;
	[dreg:$0x14] =	wrdreg s21  }
0x35: {  	[dreg:$0x15] =	wrdreg s18;
	s21 =	sadd.s32 s23, s20;
	s17 =	smul.u32 $0x62000, s17  }
0x36: {  	s20 =	smul.u32 $0xC400, s2;
	s2 =	sshrl.u32 s10, $0x3;
	s10 =	sshrl.u32 s16, $0x3  }
0x37: {  	s16 =	sadd.s32 $0x7A800, s7;
	v0 =	vmov s19;
	s19 =	smov.u32 s12;
	s12 =	simm.s32 $0x2  }
0x38: {  	s25 =	sor.u32 s5, s25;
	s17 =	sor.u32 s5, s17;
	s5 =	sshrl.u32 s6, $0x3  }
0x39: {  	s6 =	sshrl.u32 s14, $0x3;
	s14 =	rddreg [dreg:$0x17];
	v1 =	vmov s20;
	s20 =	smov.u32 s13  }
0x3a: {  	s13 =	sadd.s32 $0x55C00, s7;
	s18 =	sshrl.u32 s25, $0x3;
	s25 =	simm.s32 $0x0  }
0x3b: {  	v10 =	vmov s16;
	s16 =	simm.s32 $0x4;
	v7 =	vmov s13;
	s13 =	simm.s32 $0x6280;
	[smem:$0x7FF] =	sst s25  }
0x3c: {  	s23 =	sadd.s32 s23, s18;
	s24 =	sadd.s32 s0, s18;
	s18 =	rddreg [dreg:$0x2]  }
0x3d: {  	s0 =	sshrl.u32 s14, $0x3;
	s14 =	sadd.s32 $0x62000, s7;
	s26 =	sadd.s32 s18, s26  }
0x3e: {  	s28 =	sadd.s32 s18, s3;
	s29 =	sadd.s32 s18, s5;
	s30 =	sadd.s32 s18, s6  }
0x3f: {  	s31 =	sadd.s32 s18, s0;
	s0 =	sshrl.u32 s1, $0x3;
	s1 =	sadd.s32 s18, s2  }
0x40: {  	s3 =	sshrl.u32 s11, $0x3;
	s5 =	sshrl.u32 s4, $0x3;
	s6 =	sshrl.u32 s15, $0x3  }
0x41: {  	s11 =	sshrl.u32 s17, $0x3;
	_ =	strace $0x80000047;
	s15 =	sadd.s32 $0x6E400, s7  }
0x42: {  	s17 =	sadd.s32 $0x86C00, s7;
	v8 =	vmov s14;
	s14 =	simm.s32 $0x12680;
	s0 =	sadd.s32 s18, s0  }
0x43: {  	s2 =	sadd.s32 s18, s3;
	s3 =	sadd.s32 s18, s5;
	s4 =	sadd.s32 s18, s6  }
0x44: {  	v12 =	vimm.s32 $0xFFFFFFFF;
	s5 =	sadd.s32 s18, s10;
	s6 =	sadd.s32 s18, s11;
	s10 =	sadd.s32 $0x3D400, s7  }
0x45: {  	v13 =	vimm.f32 $0.0e+00;
	v4 =	vmov s7;
	s11 =	sadd.s32 $0x49800, s7;
	s18 =	rddreg [dreg:$0x16];
	v9 =	vmov s15;
	s15 =	simm.s32 $0x3  }
0x46: {  	v11 =	vmov s17;
	s7 =	smax.u32 s18, $0x1;
	v5 =	vmov s10;
	v6 =	vmov s11;
	s10 =	simm.s32 $0x3180;
	s11 =	simm.s32 $0x1  }
.LBB2_1:
0x47: {  	[tilespmem:$0x3100] =	vst v12;
	s17 =	simm.s32 $0x0;
	s18 =	simm.s32 $0x200  }
.LBB2_2:
0x48: {  	p0 =	sne.s32 s18, $0x30E00;
	[tilespmem:s17+$0x62F0] =	vst v13  }
0x49: {  	[tilespmem:s17+$0x6280] =	vst v13  }
0x4a: {  	[tilespmem:s17+$0x6290] =	vst v13  }
.Ltmp0:
0x4b: {  	[tilespmem:s17+$0x62A0] =	vst v13;
	(pc) =	sbr.rel @p0 .LBB2_2-.Ltmp0, $4  }
0x4c: {  	[tilespmem:s17+$0x62B0] =	vst v13  }
0x4d: {  	[tilespmem:s17+$0x62C0] =	vst v13  }
0x4e: {  	[tilespmem:s17+$0x62D0] =	vst v13  }
0x4f: {  	[tilespmem:s17+$0x62E0] =	vst v13;
	s17 =	sshra.s32 s18, $0x2;
	s18 =	sadd.s32 $0x200, s18  }
0x50: {  	[tilespmem:s17+$0x62F0] =	vst v13  }
0x51: {  	[tilespmem:s17+$0x6280] =	vst v13  }
0x52: {  	[tilespmem:s17+$0x6290] =	vst v13  }
0x53: {  	[tilespmem:s17+$0x62A0] =	vst v13  }
0x54: {  	[tilespmem:s17+$0x62B0] =	vst v13  }
0x55: {  	[tilespmem:s17+$0x62C0] =	vst v13  }
0x56: {  	[tilespmem:s17+$0x62D0] =	vst v13  }
0x57: {  	[tilespmem:s17+$0x62E0] =	vst v13;
	s17 =	simm.s32 $0x0;
	s18 =	simm.s32 $0x200  }
.LBB2_4:
0x58: {  	p0 =	sne.s32 s18, $0x30E00;
	[tilespmem:s17+$0x126F0] =	vst v13  }
0x59: {  	[tilespmem:s17+$0x12680] =	vst v13  }
0x5a: {  	[tilespmem:s17+$0x12690] =	vst v13  }
.Ltmp1:
0x5b: {  	[tilespmem:s17+$0x126A0] =	vst v13;
	(pc) =	sbr.rel @p0 .LBB2_4-.Ltmp1, $4  }
0x5c: {  	[tilespmem:s17+$0x126B0] =	vst v13  }
0x5d: {  	[tilespmem:s17+$0x126C0] =	vst v13  }
0x5e: {  	[tilespmem:s17+$0x126D0] =	vst v13  }
0x5f: {  	[tilespmem:s17+$0x126E0] =	vst v13;
	s17 =	sshra.s32 s18, $0x2;
	s18 =	sadd.s32 $0x200, s18  }
0x60: {  	[tilespmem:s17+$0x126F0] =	vst v13  }
0x61: {  	[tilespmem:s17+$0x12680] =	vst v13  }
0x62: {  	[tilespmem:s17+$0x12690] =	vst v13  }
0x63: {  	[tilespmem:s17+$0x126A0] =	vst v13  }
0x64: {  	[tilespmem:s17+$0x126B0] =	vst v13  }
0x65: {  	[tilespmem:s17+$0x126C0] =	vst v13  }
0x66: {  	[tilespmem:s17+$0x126D0] =	vst v13  }
0x67: {  	[tilespmem:s17+$0x126E0] =	vst v13;
	s17 =	simm.s32 $0x0  }
0x68: {  	[tilespmem:s17], [sflag:$0x1] =	stream.strided.gather [hbm4b:s19+s8], $0x3100, s9, s8, $0x38;
	[tilespmem:$0x1EA80] =	vst v63  }
0x69: {  	_ = 	snop  }
0x6a: {  	[tilespmem:s10], [sflag:$0x2] =	stream.strided.gather [hbm4b:s20+s8], $0x3100, s9, s8, $0x38;
	[tilespmem:$0x1EA80] =	vst v63  }
0x6b: {  	_ =	swait.ge [sflag:s11], $0x3100  }
0x6c: {  	[sflag:s11] =	ssyncset.done $0x0  }
0x6d: {  	[sflag:s11] =	ssyncadd.s32 $0xFFFFCF00  }
0x6e: {  	_ =	swait.ge [sflag:s12], $0x3100  }
0x6f: {  	[sflag:s12] =	ssyncset.done $0x0  }
0x70: {  	[sflag:s12] =	ssyncadd.s32 $0xFFFFCF00  }
.LBB2_6:
0x71: {  	s18 =	sshra.s32 s17, $0x2  }
0x72: {  	v14 =	vld [tilespmem:s18+$0x0]  }
0x73: {  	v15 =	vld [tilespmem:s18+$0x1];
	_ =	sdelay $0x3  }
0x74: {  	v16 =	vsub.s32 v14, v4  }
0x75: {  	vm0 =	vne.s32 v14, v15;
	v14 =	vand.u32 $0x7F, v14;
	v15 =	vand.u32 $0xFFFFFF80, v16  }
0x76: {  	v49 =	vld [tilespmem:s18+$0x3180];
	v14 =	vor.u32 v14, v15;
	_ =	sdelay $0x4  }
0x77: {  	[tilespmem:v14+s13+$0x0] =	vst.idx.msk vm0, v49  }
0x78: {  	v14 =	vld [tilespmem:s18+$0x10]  }
0x79: {  	v15 =	vld [tilespmem:s18+$0x11];
	_ =	sdelay $0x3  }
0x7a: {  	v50 =	vsub.s32 v14, v4  }
0x7b: {  	vm9 =	vne.s32 v14, v15;
	v14 =	vand.u32 $0x7F, v14;
	v15 =	vand.u32 $0xFFFFFF80, v50  }
0x7c: {  	v51 =	vld [tilespmem:s18+$0x3190];
	v14 =	vor.u32 v14, v15;
	_ =	sdelay $0x4  }
0x7d: {  	[tilespmem:v14+s13+$0x0] =	vst.idx.msk vm9, v51  }
0x7e: {  	v14 =	vld [tilespmem:s18+$0x20]  }
0x7f: {  	v15 =	vld [tilespmem:s18+$0x21];
	_ =	sdelay $0x3  }
0x80: {  	v52 =	vsub.s32 v14, v4  }
0x81: {  	vm10 =	vne.s32 v14, v15;
	v14 =	vand.u32 $0x7F, v14;
	v15 =	vand.u32 $0xFFFFFF80, v52  }
0x82: {  	v53 =	vld [tilespmem:s18+$0x31A0];
	v14 =	vor.u32 v14, v15;
	_ =	sdelay $0x4  }
0x83: {  	[tilespmem:v14+s13+$0x0] =	vst.idx.msk vm10, v53  }
0x84: {  	v14 =	vld [tilespmem:s18+$0x30]  }
0x85: {  	v15 =	vld [tilespmem:s18+$0x31];
	_ =	sdelay $0x3  }
0x86: {  	v54 =	vsub.s32 v14, v4  }
0x87: {  	vm11 =	vne.s32 v14, v15;
	v14 =	vand.u32 $0x7F, v14;
	v15 =	vand.u32 $0xFFFFFF80, v54  }
0x88: {  	v55 =	vld [tilespmem:s18+$0x31B0];
	v14 =	vor.u32 v14, v15;
	_ =	sdelay $0x4  }
0x89: {  	[tilespmem:v14+s13+$0x0] =	vst.idx.msk vm11, v55  }
0x8a: {  	v14 =	vld [tilespmem:s18+$0x40]  }
0x8b: {  	v15 =	vld [tilespmem:s18+$0x41];
	_ =	sdelay $0x3  }
0x8c: {  	v56 =	vsub.s32 v14, v4  }
0x8d: {  	vm12 =	vne.s32 v14, v15;
	v14 =	vand.u32 $0x7F, v14;
	v15 =	vand.u32 $0xFFFFFF80, v56  }
0x8e: {  	v57 =	vld [tilespmem:s18+$0x31C0];
	v14 =	vor.u32 v14, v15;
	_ =	sdelay $0x4  }
0x8f: {  	[tilespmem:v14+s13+$0x0] =	vst.idx.msk vm12, v57  }
0x90: {  	v14 =	vld [tilespmem:s18+$0x50]  }
0x91: {  	v15 =	vld [tilespmem:s18+$0x51];
	_ =	sdelay $0x3  }
0x92: {  	v58 =	vsub.s32 v14, v4  }
0x93: {  	vm13 =	vne.s32 v14, v15;
	v14 =	vand.u32 $0x7F, v14;
	v15 =	vand.u32 $0xFFFFFF80, v58  }
0x94: {  	v59 =	vld [tilespmem:s18+$0x31D0];
	v14 =	vor.u32 v14, v15;
	_ =	sdelay $0x4  }
0x95: {  	[tilespmem:v14+s13+$0x0] =	vst.idx.msk vm13, v59  }
0x96: {  	v14 =	vld [tilespmem:s18+$0x60]  }
0x97: {  	v15 =	vld [tilespmem:s18+$0x61];
	_ =	sdelay $0x3  }
0x98: {  	v60 =	vsub.s32 v14, v4  }
0x99: {  	vm14 =	vne.s32 v14, v15;
	v14 =	vand.u32 $0x7F, v14;
	v15 =	vand.u32 $0xFFFFFF80, v60  }
0x9a: {  	v61 =	vld [tilespmem:s18+$0x31E0];
	v14 =	vor.u32 v14, v15;
	_ =	sdelay $0x4  }
0x9b: {  	[tilespmem:v14+s13+$0x0] =	vst.idx.msk vm14, v61  }
0x9c: {  	v14 =	vld [tilespmem:s18+$0x70]  }
0x9d: {  	v15 =	vld [tilespmem:s18+$0x71];
	_ =	sdelay $0x3  }
0x9e: {  	v62 =	vsub.s32 v14, v4  }
0x9f: {  	vm15 =	vne.s32 v14, v15;
	v14 =	vand.u32 $0x7F, v14;
	v15 =	vand.u32 $0xFFFFFF80, v62  }
0xa0: {  	p0 =	sne.s32 s17, $0xC200;
	v63 =	vld [tilespmem:s18+$0x31F0];
	v14 =	vor.u32 v14, v15  }
.Ltmp2:
0xa1: {  	_ = 	snop;
	(pc) =	sbr.rel @p0 .LBB2_6-.Ltmp2, $2  }
0xa2: {  	_ =	sdelay $0x2  }
0xa3: {  	s17 =	sadd.s32 $0x200, s17;
	[tilespmem:v14+s13+$0x0] =	vst.idx.msk vm15, v63  }
0xa4: {  	[hbm4b:s26+s8] =	stream.strided.scatter [tilespmem:s13], [sflag:$0x3], $0xC400, s9, s8, $0x38;
	[tilespmem:$0x1EA80] =	vst v63  }
0xa5: {  	s17 =	simm.s32 $0x0;
	s18 =	rddreg [dreg:$0x4]  }
0xa6: {  	[tilespmem:s17], [sflag:$0x1] =	stream.strided.gather [hbm4b:s18+s8], $0x3100, s9, s8, $0x38;
	[tilespmem:$0x1EA80] =	vst v63  }
0xa7: {  	s18 =	rddreg [dreg:$0x5]  }
0xa8: {  	[tilespmem:s10], [sflag:$0x2] =	stream.strided.gather [hbm4b:s18+s8], $0x3100, s9, s8, $0x38;
	[tilespmem:$0x1EA80] =	vst v63  }
0xa9: {  	_ =	swait.ge [sflag:s11], $0x3100  }
0xaa: {  	[sflag:s11] =	ssyncset.done $0x0  }
0xab: {  	[sflag:s11] =	ssyncadd.s32 $0xFFFFCF00  }
0xac: {  	_ =	swait.ge [sflag:s12], $0x3100  }
0xad: {  	[sflag:s12] =	ssyncset.done $0x0  }
0xae: {  	[sflag:s12] =	ssyncadd.s32 $0xFFFFCF00  }
.LBB2_8:
0xaf: {  	s18 =	sshra.s32 s17, $0x2  }
0xb0: {  	v14 =	vld [tilespmem:s18+$0x0]  }
0xb1: {  	v15 =	vld [tilespmem:s18+$0x1];
	_ =	sdelay $0x3  }
0xb2: {  	v16 =	vsub.s32 v14, v0  }
0xb3: {  	vm0 =	vne.s32 v14, v15;
	v14 =	vand.u32 $0x7F, v14;
	v15 =	vand.u32 $0xFFFFFF80, v16  }
0xb4: {  	v49 =	vld [tilespmem:s18+$0x3180];
	v14 =	vor.u32 v14, v15;
	_ =	sdelay $0x4  }
0xb5: {  	[tilespmem:v14+s14+$0x0] =	vst.idx.msk vm0, v49  }
0xb6: {  	v14 =	vld [tilespmem:s18+$0x10]  }
0xb7: {  	v15 =	vld [tilespmem:s18+$0x11];
	_ =	sdelay $0x3  }
0xb8: {  	v50 =	vsub.s32 v14, v0  }
0xb9: {  	vm9 =	vne.s32 v14, v15;
	v14 =	vand.u32 $0x7F, v14;
	v15 =	vand.u32 $0xFFFFFF80, v50  }
0xba: {  	v51 =	vld [tilespmem:s18+$0x3190];
	v14 =	vor.u32 v14, v15;
	_ =	sdelay $0x4  }
0xbb: {  	[tilespmem:v14+s14+$0x0] =	vst.idx.msk vm9, v51  }
0xbc: {  	v14 =	vld [tilespmem:s18+$0x20]  }
0xbd: {  	v15 =	vld [tilespmem:s18+$0x21];
	_ =	sdelay $0x3  }
0xbe: {  	v52 =	vsub.s32 v14, v0  }
0xbf: {  	vm10 =	vne.s32 v14, v15;
	v14 =	vand.u32 $0x7F, v14;
	v15 =	vand.u32 $0xFFFFFF80, v52  }
0xc0: {  	v53 =	vld [tilespmem:s18+$0x31A0];
	v14 =	vor.u32 v14, v15;
	_ =	sdelay $0x4  }
0xc1: {  	[tilespmem:v14+s14+$0x0] =	vst.idx.msk vm10, v53  }
0xc2: {  	v14 =	vld [tilespmem:s18+$0x30]  }
0xc3: {  	v15 =	vld [tilespmem:s18+$0x31];
	_ =	sdelay $0x3  }
0xc4: {  	v54 =	vsub.s32 v14, v0  }
0xc5: {  	vm11 =	vne.s32 v14, v15;
	v14 =	vand.u32 $0x7F, v14;
	v15 =	vand.u32 $0xFFFFFF80, v54  }
0xc6: {  	v55 =	vld [tilespmem:s18+$0x31B0];
	v14 =	vor.u32 v14, v15;
	_ =	sdelay $0x4  }
0xc7: {  	[tilespmem:v14+s14+$0x0] =	vst.idx.msk vm11, v55  }
0xc8: {  	v14 =	vld [tilespmem:s18+$0x40]  }
0xc9: {  	v15 =	vld [tilespmem:s18+$0x41];
	_ =	sdelay $0x3  }
0xca: {  	v56 =	vsub.s32 v14, v0  }
0xcb: {  	vm12 =	vne.s32 v14, v15;
	v14 =	vand.u32 $0x7F, v14;
	v15 =	vand.u32 $0xFFFFFF80, v56  }
0xcc: {  	v57 =	vld [tilespmem:s18+$0x31C0];
	v14 =	vor.u32 v14, v15;
	_ =	sdelay $0x4  }
0xcd: {  	[tilespmem:v14+s14+$0x0] =	vst.idx.msk vm12, v57  }
0xce: {  	v14 =	vld [tilespmem:s18+$0x50]  }
0xcf: {  	v15 =	vld [tilespmem:s18+$0x51];
	_ =	sdelay $0x3  }
0xd0: {  	v58 =	vsub.s32 v14, v0  }
0xd1: {  	vm13 =	vne.s32 v14, v15;
	v14 =	vand.u32 $0x7F, v14;
	v15 =	vand.u32 $0xFFFFFF80, v58  }
0xd2: {  	v59 =	vld [tilespmem:s18+$0x31D0];
	v14 =	vor.u32 v14, v15;
	_ =	sdelay $0x4  }
0xd3: {  	[tilespmem:v14+s14+$0x0] =	vst.idx.msk vm13, v59  }
0xd4: {  	v14 =	vld [tilespmem:s18+$0x60]  }
0xd5: {  	v15 =	vld [tilespmem:s18+$0x61];
	_ =	sdelay $0x3  }
0xd6: {  	v60 =	vsub.s32 v14, v0  }
0xd7: {  	vm14 =	vne.s32 v14, v15;
	v14 =	vand.u32 $0x7F, v14;
	v15 =	vand.u32 $0xFFFFFF80, v60  }
0xd8: {  	v61 =	vld [tilespmem:s18+$0x31E0];
	v14 =	vor.u32 v14, v15;
	_ =	sdelay $0x4  }
0xd9: {  	[tilespmem:v14+s14+$0x0] =	vst.idx.msk vm14, v61  }
0xda: {  	v14 =	vld [tilespmem:s18+$0x70]  }
0xdb: {  	v15 =	vld [tilespmem:s18+$0x71];
	_ =	sdelay $0x3  }
0xdc: {  	v62 =	vsub.s32 v14, v0  }
0xdd: {  	vm15 =	vne.s32 v14, v15;
	v14 =	vand.u32 $0x7F, v14;
	v15 =	vand.u32 $0xFFFFFF80, v62  }
0xde: {  	p0 =	sne.s32 s17, $0xC200;
	v63 =	vld [tilespmem:s18+$0x31F0];
	v14 =	vor.u32 v14, v15  }
.Ltmp3:
0xdf: {  	_ = 	snop;
	(pc) =	sbr.rel @p0 .LBB2_8-.Ltmp3, $2  }
0xe0: {  	_ =	sdelay $0x2  }
0xe1: {  	s17 =	sadd.s32 $0x200, s17;
	[tilespmem:v14+s14+$0x0] =	vst.idx.msk vm15, v63  }
0xe2: {  	[hbm4b:s28+s8] =	stream.strided.scatter [tilespmem:s14], [sflag:$0x4], $0xC400, s9, s8, $0x38;
	[tilespmem:$0x1EA80] =	vst v63  }
0xe3: {  	s17 =	simm.s32 $0x0;
	s18 =	rddreg [dreg:$0x6]  }
0xe4: {  	[tilespmem:s17], [sflag:$0x1] =	stream.strided.gather [hbm4b:s18+s8], $0x3100, s9, s8, $0x38;
	[tilespmem:$0x1EA80] =	vst v63  }
0xe5: {  	s18 =	rddreg [dreg:$0x7]  }
0xe6: {  	[tilespmem:s10], [sflag:$0x2] =	stream.strided.gather [hbm4b:s18+s8], $0x3100, s9, s8, $0x38;
	[tilespmem:$0x1EA80] =	vst v63  }
0xe7: {  	_ =	swait.ge [sflag:s15], $0xC400  }
0xe8: {  	[sflag:s15] =	ssyncset.done $0x0  }
0xe9: {  	s17 =	simm.s32 $0x0;
	s18 =	simm.s32 $0x200;
	[sflag:s15] =	ssyncadd.s32 $0xFFFF3C00  }
.LBB2_10:
0xea: {  	p0 =	sne.s32 s18, $0x30E00;
	[tilespmem:s17+$0x62F0] =	vst v13  }
0xeb: {  	[tilespmem:s17+$0x6280] =	vst v13  }
0xec: {  	[tilespmem:s17+$0x6290] =	vst v13  }
.Ltmp4:
0xed: {  	[tilespmem:s17+$0x62A0] =	vst v13;
	(pc) =	sbr.rel @p0 .LBB2_10-.Ltmp4, $4  }
0xee: {  	[tilespmem:s17+$0x62B0] =	vst v13  }
0xef: {  	[tilespmem:s17+$0x62C0] =	vst v13  }
0xf0: {  	[tilespmem:s17+$0x62D0] =	vst v13  }
0xf1: {  	[tilespmem:s17+$0x62E0] =	vst v13;
	s17 =	sshra.s32 s18, $0x2;
	s18 =	sadd.s32 $0x200, s18  }
0xf2: {  	[tilespmem:s17+$0x62F0] =	vst v13  }
0xf3: {  	[tilespmem:s17+$0x6280] =	vst v13  }
0xf4: {  	[tilespmem:s17+$0x6290] =	vst v13  }
0xf5: {  	[tilespmem:s17+$0x62A0] =	vst v13  }
0xf6: {  	[tilespmem:s17+$0x62B0] =	vst v13  }
0xf7: {  	[tilespmem:s17+$0x62C0] =	vst v13  }
0xf8: {  	[tilespmem:s17+$0x62D0] =	vst v13  }
0xf9: {  	[tilespmem:s17+$0x62E0] =	vst v13  }
0xfa: {  	_ =	swait.ge [sflag:s11], $0x3100  }
0xfb: {  	[sflag:s11] =	ssyncset.done $0x0  }
0xfc: {  	[sflag:s11] =	ssyncadd.s32 $0xFFFFCF00  }
0xfd: {  	_ =	swait.ge [sflag:s12], $0x3100  }
0xfe: {  	[sflag:s12] =	ssyncset.done $0x0  }
0xff: {  	s17 =	simm.s32 $0x0;
	[sflag:s12] =	ssyncadd.s32 $0xFFFFCF00  }
.LBB2_12:
0x100: {  	s18 =	sshra.s32 s17, $0x2  }
0x101: {  	v14 =	vld [tilespmem:s18+$0x0]  }
0x102: {  	v15 =	vld [tilespmem:s18+$0x1];
	_ =	sdelay $0x3  }
0x103: {  	v16 =	vsub.s32 v14, v1  }
0x104: {  	vm0 =	vne.s32 v14, v15;
	v14 =	vand.u32 $0x7F, v14;
	v15 =	vand.u32 $0xFFFFFF80, v16  }
0x105: {  	v49 =	vld [tilespmem:s18+$0x3180];
	v14 =	vor.u32 v14, v15;
	_ =	sdelay $0x4  }
0x106: {  	[tilespmem:v14+s13+$0x0] =	vst.idx.msk vm0, v49  }
0x107: {  	v14 =	vld [tilespmem:s18+$0x10]  }
0x108: {  	v15 =	vld [tilespmem:s18+$0x11];
	_ =	sdelay $0x3  }
0x109: {  	v50 =	vsub.s32 v14, v1  }
0x10a: {  	vm9 =	vne.s32 v14, v15;
	v14 =	vand.u32 $0x7F, v14;
	v15 =	vand.u32 $0xFFFFFF80, v50  }
0x10b: {  	v51 =	vld [tilespmem:s18+$0x3190];
	v14 =	vor.u32 v14, v15;
	_ =	sdelay $0x4  }
0x10c: {  	[tilespmem:v14+s13+$0x0] =	vst.idx.msk vm9, v51  }
0x10d: {  	v14 =	vld [tilespmem:s18+$0x20]  }
0x10e: {  	v15 =	vld [tilespmem:s18+$0x21];
	_ =	sdelay $0x3  }
0x10f: {  	v52 =	vsub.s32 v14, v1  }
0x110: {  	vm10 =	vne.s32 v14, v15;
	v14 =	vand.u32 $0x7F, v14;
	v15 =	vand.u32 $0xFFFFFF80, v52  }
0x111: {  	v53 =	vld [tilespmem:s18+$0x31A0];
	v14 =	vor.u32 v14, v15;
	_ =	sdelay $0x4  }
0x112: {  	[tilespmem:v14+s13+$0x0] =	vst.idx.msk vm10, v53  }
0x113: {  	v14 =	vld [tilespmem:s18+$0x30]  }
0x114: {  	v15 =	vld [tilespmem:s18+$0x31];
	_ =	sdelay $0x3  }
0x115: {  	v54 =	vsub.s32 v14, v1  }
0x116: {  	vm11 =	vne.s32 v14, v15;
	v14 =	vand.u32 $0x7F, v14;
	v15 =	vand.u32 $0xFFFFFF80, v54  }
0x117: {  	v55 =	vld [tilespmem:s18+$0x31B0];
	v14 =	vor.u32 v14, v15;
	_ =	sdelay $0x4  }
0x118: {  	[tilespmem:v14+s13+$0x0] =	vst.idx.msk vm11, v55  }
0x119: {  	v14 =	vld [tilespmem:s18+$0x40]  }
0x11a: {  	v15 =	vld [tilespmem:s18+$0x41];
	_ =	sdelay $0x3  }
0x11b: {  	v56 =	vsub.s32 v14, v1  }
0x11c: {  	vm12 =	vne.s32 v14, v15;
	v14 =	vand.u32 $0x7F, v14;
	v15 =	vand.u32 $0xFFFFFF80, v56  }
0x11d: {  	v57 =	vld [tilespmem:s18+$0x31C0];
	v14 =	vor.u32 v14, v15;
	_ =	sdelay $0x4  }
0x11e: {  	[tilespmem:v14+s13+$0x0] =	vst.idx.msk vm12, v57  }
0x11f: {  	v14 =	vld [tilespmem:s18+$0x50]  }
0x120: {  	v15 =	vld [tilespmem:s18+$0x51];
	_ =	sdelay $0x3  }
0x121: {  	v58 =	vsub.s32 v14, v1  }
0x122: {  	vm13 =	vne.s32 v14, v15;
	v14 =	vand.u32 $0x7F, v14;
	v15 =	vand.u32 $0xFFFFFF80, v58  }
0x123: {  	v59 =	vld [tilespmem:s18+$0x31D0];
	v14 =	vor.u32 v14, v15;
	_ =	sdelay $0x4  }
0x124: {  	[tilespmem:v14+s13+$0x0] =	vst.idx.msk vm13, v59  }
0x125: {  	v14 =	vld [tilespmem:s18+$0x60]  }
0x126: {  	v15 =	vld [tilespmem:s18+$0x61];
	_ =	sdelay $0x3  }
0x127: {  	v60 =	vsub.s32 v14, v1  }
0x128: {  	vm14 =	vne.s32 v14, v15;
	v14 =	vand.u32 $0x7F, v14;
	v15 =	vand.u32 $0xFFFFFF80, v60  }
0x129: {  	v61 =	vld [tilespmem:s18+$0x31E0];
	v14 =	vor.u32 v14, v15;
	_ =	sdelay $0x4  }
0x12a: {  	[tilespmem:v14+s13+$0x0] =	vst.idx.msk vm14, v61  }
0x12b: {  	v14 =	vld [tilespmem:s18+$0x70]  }
0x12c: {  	v15 =	vld [tilespmem:s18+$0x71];
	_ =	sdelay $0x3  }
0x12d: {  	v62 =	vsub.s32 v14, v1  }
0x12e: {  	vm15 =	vne.s32 v14, v15;
	v14 =	vand.u32 $0x7F, v14;
	v15 =	vand.u32 $0xFFFFFF80, v62  }
0x12f: {  	p0 =	sne.s32 s17, $0xC200;
	v63 =	vld [tilespmem:s18+$0x31F0];
	v14 =	vor.u32 v14, v15  }
.Ltmp5:
0x130: {  	_ = 	snop;
	(pc) =	sbr.rel @p0 .LBB2_12-.Ltmp5, $2  }
0x131: {  	_ =	sdelay $0x2  }
0x132: {  	s17 =	sadd.s32 $0x200, s17;
	[tilespmem:v14+s13+$0x0] =	vst.idx.msk vm15, v63  }
0x133: {  	[hbm4b:s29+s8] =	stream.strided.scatter [tilespmem:s13], [sflag:$0x3], $0xC400, s9, s8, $0x38;
	[tilespmem:$0x1EA80] =	vst v63  }
0x134: {  	s17 =	simm.s32 $0x0;
	s18 =	rddreg [dreg:$0x8]  }
0x135: {  	[tilespmem:s17], [sflag:$0x1] =	stream.strided.gather [hbm4b:s18+s8], $0x3100, s9, s8, $0x38;
	[tilespmem:$0x1EA80] =	vst v63  }
0x136: {  	s18 =	rddreg [dreg:$0x9]  }
0x137: {  	[tilespmem:s10], [sflag:$0x2] =	stream.strided.gather [hbm4b:s18+s8], $0x3100, s9, s8, $0x38;
	[tilespmem:$0x1EA80] =	vst v63  }
0x138: {  	_ =	swait.ge [sflag:s16], $0xC400  }
0x139: {  	[sflag:s16] =	ssyncset.done $0x0  }
0x13a: {  	s17 =	simm.s32 $0x0;
	s18 =	simm.s32 $0x200;
	[sflag:s16] =	ssyncadd.s32 $0xFFFF3C00  }
.LBB2_14:
0x13b: {  	p0 =	sne.s32 s18, $0x30E00;
	[tilespmem:s17+$0x126F0] =	vst v13  }
0x13c: {  	[tilespmem:s17+$0x12680] =	vst v13  }
0x13d: {  	[tilespmem:s17+$0x12690] =	vst v13  }
.Ltmp6:
0x13e: {  	[tilespmem:s17+$0x126A0] =	vst v13;
	(pc) =	sbr.rel @p0 .LBB2_14-.Ltmp6, $4  }
0x13f: {  	[tilespmem:s17+$0x126B0] =	vst v13  }
0x140: {  	[tilespmem:s17+$0x126C0] =	vst v13  }
0x141: {  	[tilespmem:s17+$0x126D0] =	vst v13  }
0x142: {  	[tilespmem:s17+$0x126E0] =	vst v13;
	s17 =	sshra.s32 s18, $0x2;
	s18 =	sadd.s32 $0x200, s18  }
0x143: {  	[tilespmem:s17+$0x126F0] =	vst v13  }
0x144: {  	[tilespmem:s17+$0x12680] =	vst v13  }
0x145: {  	[tilespmem:s17+$0x12690] =	vst v13  }
0x146: {  	[tilespmem:s17+$0x126A0] =	vst v13  }
0x147: {  	[tilespmem:s17+$0x126B0] =	vst v13  }
0x148: {  	[tilespmem:s17+$0x126C0] =	vst v13  }
0x149: {  	[tilespmem:s17+$0x126D0] =	vst v13  }
0x14a: {  	[tilespmem:s17+$0x126E0] =	vst v13  }
0x14b: {  	_ =	swait.ge [sflag:s11], $0x3100  }
0x14c: {  	[sflag:s11] =	ssyncset.done $0x0  }
0x14d: {  	[sflag:s11] =	ssyncadd.s32 $0xFFFFCF00  }
0x14e: {  	_ =	swait.ge [sflag:s12], $0x3100  }
0x14f: {  	[sflag:s12] =	ssyncset.done $0x0  }
0x150: {  	s17 =	simm.s32 $0x0;
	[sflag:s12] =	ssyncadd.s32 $0xFFFFCF00  }
.LBB2_16:
0x151: {  	s18 =	sshra.s32 s17, $0x2  }
0x152: {  	v14 =	vld [tilespmem:s18+$0x0]  }
0x153: {  	v15 =	vld [tilespmem:s18+$0x1];
	_ =	sdelay $0x3  }
0x154: {  	v16 =	vsub.s32 v14, v2  }
0x155: {  	vm0 =	vne.s32 v14, v15;
	v14 =	vand.u32 $0x7F, v14;
	v15 =	vand.u32 $0xFFFFFF80, v16  }
0x156: {  	v49 =	vld [tilespmem:s18+$0x3180];
	v14 =	vor.u32 v14, v15;
	_ =	sdelay $0x4  }
0x157: {  	[tilespmem:v14+s14+$0x0] =	vst.idx.msk vm0, v49  }
0x158: {  	v14 =	vld [tilespmem:s18+$0x10]  }
0x159: {  	v15 =	vld [tilespmem:s18+$0x11];
	_ =	sdelay $0x3  }
0x15a: {  	v50 =	vsub.s32 v14, v2  }
0x15b: {  	vm9 =	vne.s32 v14, v15;
	v14 =	vand.u32 $0x7F, v14;
	v15 =	vand.u32 $0xFFFFFF80, v50  }
0x15c: {  	v51 =	vld [tilespmem:s18+$0x3190];
	v14 =	vor.u32 v14, v15;
	_ =	sdelay $0x4  }
0x15d: {  	[tilespmem:v14+s14+$0x0] =	vst.idx.msk vm9, v51  }
0x15e: {  	v14 =	vld [tilespmem:s18+$0x20]  }
0x15f: {  	v15 =	vld [tilespmem:s18+$0x21];
	_ =	sdelay $0x3  }
0x160: {  	v52 =	vsub.s32 v14, v2  }
0x161: {  	vm10 =	vne.s32 v14, v15;
	v14 =	vand.u32 $0x7F, v14;
	v15 =	vand.u32 $0xFFFFFF80, v52  }
0x162: {  	v53 =	vld [tilespmem:s18+$0x31A0];
	v14 =	vor.u32 v14, v15;
	_ =	sdelay $0x4  }
0x163: {  	[tilespmem:v14+s14+$0x0] =	vst.idx.msk vm10, v53  }
0x164: {  	v14 =	vld [tilespmem:s18+$0x30]  }
0x165: {  	v15 =	vld [tilespmem:s18+$0x31];
	_ =	sdelay $0x3  }
0x166: {  	v54 =	vsub.s32 v14, v2  }
0x167: {  	vm11 =	vne.s32 v14, v15;
	v14 =	vand.u32 $0x7F, v14;
	v15 =	vand.u32 $0xFFFFFF80, v54  }
0x168: {  	v55 =	vld [tilespmem:s18+$0x31B0];
	v14 =	vor.u32 v14, v15;
	_ =	sdelay $0x4  }
0x169: {  	[tilespmem:v14+s14+$0x0] =	vst.idx.msk vm11, v55  }
0x16a: {  	v14 =	vld [tilespmem:s18+$0x40]  }
0x16b: {  	v15 =	vld [tilespmem:s18+$0x41];
	_ =	sdelay $0x3  }
0x16c: {  	v56 =	vsub.s32 v14, v2  }
0x16d: {  	vm12 =	vne.s32 v14, v15;
	v14 =	vand.u32 $0x7F, v14;
	v15 =	vand.u32 $0xFFFFFF80, v56  }
0x16e: {  	v57 =	vld [tilespmem:s18+$0x31C0];
	v14 =	vor.u32 v14, v15;
	_ =	sdelay $0x4  }
0x16f: {  	[tilespmem:v14+s14+$0x0] =	vst.idx.msk vm12, v57  }
0x170: {  	v14 =	vld [tilespmem:s18+$0x50]  }
0x171: {  	v15 =	vld [tilespmem:s18+$0x51];
	_ =	sdelay $0x3  }
0x172: {  	v58 =	vsub.s32 v14, v2  }
0x173: {  	vm13 =	vne.s32 v14, v15;
	v14 =	vand.u32 $0x7F, v14;
	v15 =	vand.u32 $0xFFFFFF80, v58  }
0x174: {  	v59 =	vld [tilespmem:s18+$0x31D0];
	v14 =	vor.u32 v14, v15;
	_ =	sdelay $0x4  }
0x175: {  	[tilespmem:v14+s14+$0x0] =	vst.idx.msk vm13, v59  }
0x176: {  	v14 =	vld [tilespmem:s18+$0x60]  }
0x177: {  	v15 =	vld [tilespmem:s18+$0x61];
	_ =	sdelay $0x3  }
0x178: {  	v60 =	vsub.s32 v14, v2  }
0x179: {  	vm14 =	vne.s32 v14, v15;
	v14 =	vand.u32 $0x7F, v14;
	v15 =	vand.u32 $0xFFFFFF80, v60  }
0x17a: {  	v61 =	vld [tilespmem:s18+$0x31E0];
	v14 =	vor.u32 v14, v15;
	_ =	sdelay $0x4  }
0x17b: {  	[tilespmem:v14+s14+$0x0] =	vst.idx.msk vm14, v61  }
0x17c: {  	v14 =	vld [tilespmem:s18+$0x70]  }
0x17d: {  	v15 =	vld [tilespmem:s18+$0x71];
	_ =	sdelay $0x3  }
0x17e: {  	v62 =	vsub.s32 v14, v2  }
0x17f: {  	vm15 =	vne.s32 v14, v15;
	v14 =	vand.u32 $0x7F, v14;
	v15 =	vand.u32 $0xFFFFFF80, v62  }
0x180: {  	p0 =	sne.s32 s17, $0xC200;
	v63 =	vld [tilespmem:s18+$0x31F0];
	v14 =	vor.u32 v14, v15  }
.Ltmp7:
0x181: {  	_ = 	snop;
	(pc) =	sbr.rel @p0 .LBB2_16-.Ltmp7, $2  }
0x182: {  	_ =	sdelay $0x2  }
0x183: {  	s17 =	sadd.s32 $0x200, s17;
	[tilespmem:v14+s14+$0x0] =	vst.idx.msk vm15, v63  }
0x184: {  	[hbm4b:s30+s8] =	stream.strided.scatter [tilespmem:s14], [sflag:$0x4], $0xC400, s9, s8, $0x38;
	[tilespmem:$0x1EA80] =	vst v63  }
0x185: {  	s17 =	simm.s32 $0x0;
	s18 =	rddreg [dreg:$0xa]  }
0x186: {  	[tilespmem:s17], [sflag:$0x1] =	stream.strided.gather [hbm4b:s18+s8], $0x3100, s9, s8, $0x38;
	[tilespmem:$0x1EA80] =	vst v63  }
0x187: {  	s18 =	rddreg [dreg:$0xb]  }
0x188: {  	[tilespmem:s10], [sflag:$0x2] =	stream.strided.gather [hbm4b:s18+s8], $0x3100, s9, s8, $0x38;
	[tilespmem:$0x1EA80] =	vst v63  }
0x189: {  	_ =	swait.ge [sflag:s15], $0xC400  }
0x18a: {  	[sflag:s15] =	ssyncset.done $0x0  }
0x18b: {  	s17 =	simm.s32 $0x0;
	s18 =	simm.s32 $0x200;
	[sflag:s15] =	ssyncadd.s32 $0xFFFF3C00  }
.LBB2_18:
0x18c: {  	p0 =	sne.s32 s18, $0x30E00;
	[tilespmem:s17+$0x62F0] =	vst v13  }
0x18d: {  	[tilespmem:s17+$0x6280] =	vst v13  }
0x18e: {  	[tilespmem:s17+$0x6290] =	vst v13  }
.Ltmp8:
0x18f: {  	[tilespmem:s17+$0x62A0] =	vst v13;
	(pc) =	sbr.rel @p0 .LBB2_18-.Ltmp8, $4  }
0x190: {  	[tilespmem:s17+$0x62B0] =	vst v13  }
0x191: {  	[tilespmem:s17+$0x62C0] =	vst v13  }
0x192: {  	[tilespmem:s17+$0x62D0] =	vst v13  }
0x193: {  	[tilespmem:s17+$0x62E0] =	vst v13;
	s17 =	sshra.s32 s18, $0x2;
	s18 =	sadd.s32 $0x200, s18  }
0x194: {  	[tilespmem:s17+$0x62F0] =	vst v13  }
0x195: {  	[tilespmem:s17+$0x6280] =	vst v13  }
0x196: {  	[tilespmem:s17+$0x6290] =	vst v13  }
0x197: {  	[tilespmem:s17+$0x62A0] =	vst v13  }
0x198: {  	[tilespmem:s17+$0x62B0] =	vst v13  }
0x199: {  	[tilespmem:s17+$0x62C0] =	vst v13  }
0x19a: {  	[tilespmem:s17+$0x62D0] =	vst v13  }
0x19b: {  	[tilespmem:s17+$0x62E0] =	vst v13  }
0x19c: {  	_ =	swait.ge [sflag:s11], $0x3100  }
0x19d: {  	[sflag:s11] =	ssyncset.done $0x0  }
0x19e: {  	[sflag:s11] =	ssyncadd.s32 $0xFFFFCF00  }
0x19f: {  	_ =	swait.ge [sflag:s12], $0x3100  }
0x1a0: {  	[sflag:s12] =	ssyncset.done $0x0  }
0x1a1: {  	s17 =	simm.s32 $0x0;
	[sflag:s12] =	ssyncadd.s32 $0xFFFFCF00  }
.LBB2_20:
0x1a2: {  	s18 =	sshra.s32 s17, $0x2  }
0x1a3: {  	v14 =	vld [tilespmem:s18+$0x0]  }
0x1a4: {  	v15 =	vld [tilespmem:s18+$0x1];
	_ =	sdelay $0x3  }
0x1a5: {  	v16 =	vsub.s32 v14, v3  }
0x1a6: {  	vm0 =	vne.s32 v14, v15;
	v14 =	vand.u32 $0x7F, v14;
	v15 =	vand.u32 $0xFFFFFF80, v16  }
0x1a7: {  	v49 =	vld [tilespmem:s18+$0x3180];
	v14 =	vor.u32 v14, v15;
	_ =	sdelay $0x4  }
0x1a8: {  	[tilespmem:v14+s13+$0x0] =	vst.idx.msk vm0, v49  }
0x1a9: {  	v14 =	vld [tilespmem:s18+$0x10]  }
0x1aa: {  	v15 =	vld [tilespmem:s18+$0x11];
	_ =	sdelay $0x3  }
0x1ab: {  	v50 =	vsub.s32 v14, v3  }
0x1ac: {  	vm9 =	vne.s32 v14, v15;
	v14 =	vand.u32 $0x7F, v14;
	v15 =	vand.u32 $0xFFFFFF80, v50  }
0x1ad: {  	v51 =	vld [tilespmem:s18+$0x3190];
	v14 =	vor.u32 v14, v15;
	_ =	sdelay $0x4  }
0x1ae: {  	[tilespmem:v14+s13+$0x0] =	vst.idx.msk vm9, v51  }
0x1af: {  	v14 =	vld [tilespmem:s18+$0x20]  }
0x1b0: {  	v15 =	vld [tilespmem:s18+$0x21];
	_ =	sdelay $0x3  }
0x1b1: {  	v52 =	vsub.s32 v14, v3  }
0x1b2: {  	vm10 =	vne.s32 v14, v15;
	v14 =	vand.u32 $0x7F, v14;
	v15 =	vand.u32 $0xFFFFFF80, v52  }
0x1b3: {  	v53 =	vld [tilespmem:s18+$0x31A0];
	v14 =	vor.u32 v14, v15;
	_ =	sdelay $0x4  }
0x1b4: {  	[tilespmem:v14+s13+$0x0] =	vst.idx.msk vm10, v53  }
0x1b5: {  	v14 =	vld [tilespmem:s18+$0x30]  }
0x1b6: {  	v15 =	vld [tilespmem:s18+$0x31];
	_ =	sdelay $0x3  }
0x1b7: {  	v54 =	vsub.s32 v14, v3  }
0x1b8: {  	vm11 =	vne.s32 v14, v15;
	v14 =	vand.u32 $0x7F, v14;
	v15 =	vand.u32 $0xFFFFFF80, v54  }
0x1b9: {  	v55 =	vld [tilespmem:s18+$0x31B0];
	v14 =	vor.u32 v14, v15;
	_ =	sdelay $0x4  }
0x1ba: {  	[tilespmem:v14+s13+$0x0] =	vst.idx.msk vm11, v55  }
0x1bb: {  	v14 =	vld [tilespmem:s18+$0x40]  }
0x1bc: {  	v15 =	vld [tilespmem:s18+$0x41];
	_ =	sdelay $0x3  }
0x1bd: {  	v56 =	vsub.s32 v14, v3  }
0x1be: {  	vm12 =	vne.s32 v14, v15;
	v14 =	vand.u32 $0x7F, v14;
	v15 =	vand.u32 $0xFFFFFF80, v56  }
0x1bf: {  	v57 =	vld [tilespmem:s18+$0x31C0];
	v14 =	vor.u32 v14, v15;
	_ =	sdelay $0x4  }
0x1c0: {  	[tilespmem:v14+s13+$0x0] =	vst.idx.msk vm12, v57  }
0x1c1: {  	v14 =	vld [tilespmem:s18+$0x50]  }
0x1c2: {  	v15 =	vld [tilespmem:s18+$0x51];
	_ =	sdelay $0x3  }
0x1c3: {  	v58 =	vsub.s32 v14, v3  }
0x1c4: {  	vm13 =	vne.s32 v14, v15;
	v14 =	vand.u32 $0x7F, v14;
	v15 =	vand.u32 $0xFFFFFF80, v58  }
0x1c5: {  	v59 =	vld [tilespmem:s18+$0x31D0];
	v14 =	vor.u32 v14, v15;
	_ =	sdelay $0x4  }
0x1c6: {  	[tilespmem:v14+s13+$0x0] =	vst.idx.msk vm13, v59  }
0x1c7: {  	v14 =	vld [tilespmem:s18+$0x60]  }
0x1c8: {  	v15 =	vld [tilespmem:s18+$0x61];
	_ =	sdelay $0x3  }
0x1c9: {  	v60 =	vsub.s32 v14, v3  }
0x1ca: {  	vm14 =	vne.s32 v14, v15;
	v14 =	vand.u32 $0x7F, v14;
	v15 =	vand.u32 $0xFFFFFF80, v60  }
0x1cb: {  	v61 =	vld [tilespmem:s18+$0x31E0];
	v14 =	vor.u32 v14, v15;
	_ =	sdelay $0x4  }
0x1cc: {  	[tilespmem:v14+s13+$0x0] =	vst.idx.msk vm14, v61  }
0x1cd: {  	v14 =	vld [tilespmem:s18+$0x70]  }
0x1ce: {  	v15 =	vld [tilespmem:s18+$0x71];
	_ =	sdelay $0x3  }
0x1cf: {  	v62 =	vsub.s32 v14, v3  }
0x1d0: {  	vm15 =	vne.s32 v14, v15;
	v14 =	vand.u32 $0x7F, v14;
	v15 =	vand.u32 $0xFFFFFF80, v62  }
0x1d1: {  	p0 =	sne.s32 s17, $0xC200;
	v63 =	vld [tilespmem:s18+$0x31F0];
	v14 =	vor.u32 v14, v15  }
.Ltmp9:
0x1d2: {  	_ = 	snop;
	(pc) =	sbr.rel @p0 .LBB2_20-.Ltmp9, $2  }
0x1d3: {  	_ =	sdelay $0x2  }
0x1d4: {  	s17 =	sadd.s32 $0x200, s17;
	[tilespmem:v14+s13+$0x0] =	vst.idx.msk vm15, v63  }
0x1d5: {  	[hbm4b:s31+s8] =	stream.strided.scatter [tilespmem:s13], [sflag:$0x3], $0xC400, s9, s8, $0x38;
	[tilespmem:$0x1EA80] =	vst v63  }
0x1d6: {  	s17 =	simm.s32 $0x0;
	s18 =	rddreg [dreg:$0xc]  }
0x1d7: {  	[tilespmem:s17], [sflag:$0x1] =	stream.strided.gather [hbm4b:s18+s8], $0x3100, s9, s8, $0x38;
	[tilespmem:$0x1EA80] =	vst v63  }
0x1d8: {  	s18 =	rddreg [dreg:$0xd]  }
0x1d9: {  	[tilespmem:s10], [sflag:$0x2] =	stream.strided.gather [hbm4b:s18+s8], $0x3100, s9, s8, $0x38;
	[tilespmem:$0x1EA80] =	vst v63  }
0x1da: {  	_ =	swait.ge [sflag:s16], $0xC400  }
0x1db: {  	[sflag:s16] =	ssyncset.done $0x0  }
0x1dc: {  	s17 =	simm.s32 $0x0;
	s18 =	simm.s32 $0x200;
	[sflag:s16] =	ssyncadd.s32 $0xFFFF3C00  }
.LBB2_22:
0x1dd: {  	p0 =	sne.s32 s18, $0x30E00;
	[tilespmem:s17+$0x126F0] =	vst v13  }
0x1de: {  	[tilespmem:s17+$0x12680] =	vst v13  }
0x1df: {  	[tilespmem:s17+$0x12690] =	vst v13  }
.Ltmp10:
0x1e0: {  	[tilespmem:s17+$0x126A0] =	vst v13;
	(pc) =	sbr.rel @p0 .LBB2_22-.Ltmp10, $4  }
0x1e1: {  	[tilespmem:s17+$0x126B0] =	vst v13  }
0x1e2: {  	[tilespmem:s17+$0x126C0] =	vst v13  }
0x1e3: {  	[tilespmem:s17+$0x126D0] =	vst v13  }
0x1e4: {  	[tilespmem:s17+$0x126E0] =	vst v13;
	s17 =	sshra.s32 s18, $0x2;
	s18 =	sadd.s32 $0x200, s18  }
0x1e5: {  	[tilespmem:s17+$0x126F0] =	vst v13  }
0x1e6: {  	[tilespmem:s17+$0x12680] =	vst v13  }
0x1e7: {  	[tilespmem:s17+$0x12690] =	vst v13  }
0x1e8: {  	[tilespmem:s17+$0x126A0] =	vst v13  }
0x1e9: {  	[tilespmem:s17+$0x126B0] =	vst v13  }
0x1ea: {  	[tilespmem:s17+$0x126C0] =	vst v13  }
0x1eb: {  	[tilespmem:s17+$0x126D0] =	vst v13  }
0x1ec: {  	[tilespmem:s17+$0x126E0] =	vst v13  }
0x1ed: {  	_ =	swait.ge [sflag:s11], $0x3100  }
0x1ee: {  	[sflag:s11] =	ssyncset.done $0x0  }
0x1ef: {  	[sflag:s11] =	ssyncadd.s32 $0xFFFFCF00  }
0x1f0: {  	_ =	swait.ge [sflag:s12], $0x3100  }
0x1f1: {  	[sflag:s12] =	ssyncset.done $0x0  }
0x1f2: {  	s17 =	simm.s32 $0x0;
	[sflag:s12] =	ssyncadd.s32 $0xFFFFCF00  }
.LBB2_24:
0x1f3: {  	s18 =	sshra.s32 s17, $0x2  }
0x1f4: {  	v14 =	vld [tilespmem:s18+$0x0]  }
0x1f5: {  	v15 =	vld [tilespmem:s18+$0x1];
	_ =	sdelay $0x3  }
0x1f6: {  	v16 =	vsub.s32 v14, v5  }
0x1f7: {  	vm0 =	vne.s32 v14, v15;
	v14 =	vand.u32 $0x7F, v14;
	v15 =	vand.u32 $0xFFFFFF80, v16  }
0x1f8: {  	v49 =	vld [tilespmem:s18+$0x3180];
	v14 =	vor.u32 v14, v15;
	_ =	sdelay $0x4  }
0x1f9: {  	[tilespmem:v14+s14+$0x0] =	vst.idx.msk vm0, v49  }
0x1fa: {  	v14 =	vld [tilespmem:s18+$0x10]  }
0x1fb: {  	v15 =	vld [tilespmem:s18+$0x11];
	_ =	sdelay $0x3  }
0x1fc: {  	v50 =	vsub.s32 v14, v5  }
0x1fd: {  	vm9 =	vne.s32 v14, v15;
	v14 =	vand.u32 $0x7F, v14;
	v15 =	vand.u32 $0xFFFFFF80, v50  }
0x1fe: {  	v51 =	vld [tilespmem:s18+$0x3190];
	v14 =	vor.u32 v14, v15;
	_ =	sdelay $0x4  }
0x1ff: {  	[tilespmem:v14+s14+$0x0] =	vst.idx.msk vm9, v51  }
0x200: {  	v14 =	vld [tilespmem:s18+$0x20]  }
0x201: {  	v15 =	vld [tilespmem:s18+$0x21];
	_ =	sdelay $0x3  }
0x202: {  	v52 =	vsub.s32 v14, v5  }
0x203: {  	vm10 =	vne.s32 v14, v15;
	v14 =	vand.u32 $0x7F, v14;
	v15 =	vand.u32 $0xFFFFFF80, v52  }
0x204: {  	v53 =	vld [tilespmem:s18+$0x31A0];
	v14 =	vor.u32 v14, v15;
	_ =	sdelay $0x4  }
0x205: {  	[tilespmem:v14+s14+$0x0] =	vst.idx.msk vm10, v53  }
0x206: {  	v14 =	vld [tilespmem:s18+$0x30]  }
0x207: {  	v15 =	vld [tilespmem:s18+$0x31];
	_ =	sdelay $0x3  }
0x208: {  	v54 =	vsub.s32 v14, v5  }
0x209: {  	vm11 =	vne.s32 v14, v15;
	v14 =	vand.u32 $0x7F, v14;
	v15 =	vand.u32 $0xFFFFFF80, v54  }
0x20a: {  	v55 =	vld [tilespmem:s18+$0x31B0];
	v14 =	vor.u32 v14, v15;
	_ =	sdelay $0x4  }
0x20b: {  	[tilespmem:v14+s14+$0x0] =	vst.idx.msk vm11, v55  }
0x20c: {  	v14 =	vld [tilespmem:s18+$0x40]  }
0x20d: {  	v15 =	vld [tilespmem:s18+$0x41];
	_ =	sdelay $0x3  }
0x20e: {  	v56 =	vsub.s32 v14, v5  }
0x20f: {  	vm12 =	vne.s32 v14, v15;
	v14 =	vand.u32 $0x7F, v14;
	v15 =	vand.u32 $0xFFFFFF80, v56  }
0x210: {  	v57 =	vld [tilespmem:s18+$0x31C0];
	v14 =	vor.u32 v14, v15;
	_ =	sdelay $0x4  }
0x211: {  	[tilespmem:v14+s14+$0x0] =	vst.idx.msk vm12, v57  }
0x212: {  	v14 =	vld [tilespmem:s18+$0x50]  }
0x213: {  	v15 =	vld [tilespmem:s18+$0x51];
	_ =	sdelay $0x3  }
0x214: {  	v58 =	vsub.s32 v14, v5  }
0x215: {  	vm13 =	vne.s32 v14, v15;
	v14 =	vand.u32 $0x7F, v14;
	v15 =	vand.u32 $0xFFFFFF80, v58  }
0x216: {  	v59 =	vld [tilespmem:s18+$0x31D0];
	v14 =	vor.u32 v14, v15;
	_ =	sdelay $0x4  }
0x217: {  	[tilespmem:v14+s14+$0x0] =	vst.idx.msk vm13, v59  }
0x218: {  	v14 =	vld [tilespmem:s18+$0x60]  }
0x219: {  	v15 =	vld [tilespmem:s18+$0x61];
	_ =	sdelay $0x3  }
0x21a: {  	v60 =	vsub.s32 v14, v5  }
0x21b: {  	vm14 =	vne.s32 v14, v15;
	v14 =	vand.u32 $0x7F, v14;
	v15 =	vand.u32 $0xFFFFFF80, v60  }
0x21c: {  	v61 =	vld [tilespmem:s18+$0x31E0];
	v14 =	vor.u32 v14, v15;
	_ =	sdelay $0x4  }
0x21d: {  	[tilespmem:v14+s14+$0x0] =	vst.idx.msk vm14, v61  }
0x21e: {  	v14 =	vld [tilespmem:s18+$0x70]  }
0x21f: {  	v15 =	vld [tilespmem:s18+$0x71];
	_ =	sdelay $0x3  }
0x220: {  	v62 =	vsub.s32 v14, v5  }
0x221: {  	vm15 =	vne.s32 v14, v15;
	v14 =	vand.u32 $0x7F, v14;
	v15 =	vand.u32 $0xFFFFFF80, v62  }
0x222: {  	p0 =	sne.s32 s17, $0xC200;
	v63 =	vld [tilespmem:s18+$0x31F0];
	v14 =	vor.u32 v14, v15  }
.Ltmp11:
0x223: {  	_ = 	snop;
	(pc) =	sbr.rel @p0 .LBB2_24-.Ltmp11, $2  }
0x224: {  	_ =	sdelay $0x2  }
0x225: {  	s17 =	sadd.s32 $0x200, s17;
	[tilespmem:v14+s14+$0x0] =	vst.idx.msk vm15, v63  }
0x226: {  	[hbm4b:s0+s8] =	stream.strided.scatter [tilespmem:s14], [sflag:$0x4], $0xC400, s9, s8, $0x38;
	[tilespmem:$0x1EA80] =	vst v63  }
0x227: {  	s17 =	simm.s32 $0x0;
	s18 =	rddreg [dreg:$0xe]  }
0x228: {  	[tilespmem:s17], [sflag:$0x1] =	stream.strided.gather [hbm4b:s18+s8], $0x3100, s9, s8, $0x38;
	[tilespmem:$0x1EA80] =	vst v63  }
0x229: {  	s18 =	rddreg [dreg:$0xf]  }
0x22a: {  	[tilespmem:s10], [sflag:$0x2] =	stream.strided.gather [hbm4b:s18+s8], $0x3100, s9, s8, $0x38;
	[tilespmem:$0x1EA80] =	vst v63  }
0x22b: {  	_ =	swait.ge [sflag:s15], $0xC400  }
0x22c: {  	[sflag:s15] =	ssyncset.done $0x0  }
0x22d: {  	s17 =	simm.s32 $0x0;
	s18 =	simm.s32 $0x200;
	[sflag:s15] =	ssyncadd.s32 $0xFFFF3C00  }
.LBB2_26:
0x22e: {  	p0 =	sne.s32 s18, $0x30E00;
	[tilespmem:s17+$0x62F0] =	vst v13  }
0x22f: {  	[tilespmem:s17+$0x6280] =	vst v13  }
0x230: {  	[tilespmem:s17+$0x6290] =	vst v13  }
.Ltmp12:
0x231: {  	[tilespmem:s17+$0x62A0] =	vst v13;
	(pc) =	sbr.rel @p0 .LBB2_26-.Ltmp12, $4  }
0x232: {  	[tilespmem:s17+$0x62B0] =	vst v13  }
0x233: {  	[tilespmem:s17+$0x62C0] =	vst v13  }
0x234: {  	[tilespmem:s17+$0x62D0] =	vst v13  }
0x235: {  	[tilespmem:s17+$0x62E0] =	vst v13;
	s17 =	sshra.s32 s18, $0x2;
	s18 =	sadd.s32 $0x200, s18  }
0x236: {  	[tilespmem:s17+$0x62F0] =	vst v13  }
0x237: {  	[tilespmem:s17+$0x6280] =	vst v13  }
0x238: {  	[tilespmem:s17+$0x6290] =	vst v13  }
0x239: {  	[tilespmem:s17+$0x62A0] =	vst v13  }
0x23a: {  	[tilespmem:s17+$0x62B0] =	vst v13  }
0x23b: {  	[tilespmem:s17+$0x62C0] =	vst v13  }
0x23c: {  	[tilespmem:s17+$0x62D0] =	vst v13  }
0x23d: {  	[tilespmem:s17+$0x62E0] =	vst v13  }
0x23e: {  	_ =	swait.ge [sflag:s11], $0x3100  }
0x23f: {  	[sflag:s11] =	ssyncset.done $0x0  }
0x240: {  	[sflag:s11] =	ssyncadd.s32 $0xFFFFCF00  }
0x241: {  	_ =	swait.ge [sflag:s12], $0x3100  }
0x242: {  	[sflag:s12] =	ssyncset.done $0x0  }
0x243: {  	s17 =	simm.s32 $0x0;
	[sflag:s12] =	ssyncadd.s32 $0xFFFFCF00  }
.LBB2_28:
0x244: {  	s18 =	sshra.s32 s17, $0x2  }
0x245: {  	v14 =	vld [tilespmem:s18+$0x0]  }
0x246: {  	v15 =	vld [tilespmem:s18+$0x1];
	_ =	sdelay $0x3  }
0x247: {  	v16 =	vsub.s32 v14, v6  }
0x248: {  	vm0 =	vne.s32 v14, v15;
	v14 =	vand.u32 $0x7F, v14;
	v15 =	vand.u32 $0xFFFFFF80, v16  }
0x249: {  	v49 =	vld [tilespmem:s18+$0x3180];
	v14 =	vor.u32 v14, v15;
	_ =	sdelay $0x4  }
0x24a: {  	[tilespmem:v14+s13+$0x0] =	vst.idx.msk vm0, v49  }
0x24b: {  	v14 =	vld [tilespmem:s18+$0x10]  }
0x24c: {  	v15 =	vld [tilespmem:s18+$0x11];
	_ =	sdelay $0x3  }
0x24d: {  	v50 =	vsub.s32 v14, v6  }
0x24e: {  	vm9 =	vne.s32 v14, v15;
	v14 =	vand.u32 $0x7F, v14;
	v15 =	vand.u32 $0xFFFFFF80, v50  }
0x24f: {  	v51 =	vld [tilespmem:s18+$0x3190];
	v14 =	vor.u32 v14, v15;
	_ =	sdelay $0x4  }
0x250: {  	[tilespmem:v14+s13+$0x0] =	vst.idx.msk vm9, v51  }
0x251: {  	v14 =	vld [tilespmem:s18+$0x20]  }
0x252: {  	v15 =	vld [tilespmem:s18+$0x21];
	_ =	sdelay $0x3  }
0x253: {  	v52 =	vsub.s32 v14, v6  }
0x254: {  	vm10 =	vne.s32 v14, v15;
	v14 =	vand.u32 $0x7F, v14;
	v15 =	vand.u32 $0xFFFFFF80, v52  }
0x255: {  	v53 =	vld [tilespmem:s18+$0x31A0];
	v14 =	vor.u32 v14, v15;
	_ =	sdelay $0x4  }
0x256: {  	[tilespmem:v14+s13+$0x0] =	vst.idx.msk vm10, v53  }
0x257: {  	v14 =	vld [tilespmem:s18+$0x30]  }
0x258: {  	v15 =	vld [tilespmem:s18+$0x31];
	_ =	sdelay $0x3  }
0x259: {  	v54 =	vsub.s32 v14, v6  }
0x25a: {  	vm11 =	vne.s32 v14, v15;
	v14 =	vand.u32 $0x7F, v14;
	v15 =	vand.u32 $0xFFFFFF80, v54  }
0x25b: {  	v55 =	vld [tilespmem:s18+$0x31B0];
	v14 =	vor.u32 v14, v15;
	_ =	sdelay $0x4  }
0x25c: {  	[tilespmem:v14+s13+$0x0] =	vst.idx.msk vm11, v55  }
0x25d: {  	v14 =	vld [tilespmem:s18+$0x40]  }
0x25e: {  	v15 =	vld [tilespmem:s18+$0x41];
	_ =	sdelay $0x3  }
0x25f: {  	v56 =	vsub.s32 v14, v6  }
0x260: {  	vm12 =	vne.s32 v14, v15;
	v14 =	vand.u32 $0x7F, v14;
	v15 =	vand.u32 $0xFFFFFF80, v56  }
0x261: {  	v57 =	vld [tilespmem:s18+$0x31C0];
	v14 =	vor.u32 v14, v15;
	_ =	sdelay $0x4  }
0x262: {  	[tilespmem:v14+s13+$0x0] =	vst.idx.msk vm12, v57  }
0x263: {  	v14 =	vld [tilespmem:s18+$0x50]  }
0x264: {  	v15 =	vld [tilespmem:s18+$0x51];
	_ =	sdelay $0x3  }
0x265: {  	v58 =	vsub.s32 v14, v6  }
0x266: {  	vm13 =	vne.s32 v14, v15;
	v14 =	vand.u32 $0x7F, v14;
	v15 =	vand.u32 $0xFFFFFF80, v58  }
0x267: {  	v59 =	vld [tilespmem:s18+$0x31D0];
	v14 =	vor.u32 v14, v15;
	_ =	sdelay $0x4  }
0x268: {  	[tilespmem:v14+s13+$0x0] =	vst.idx.msk vm13, v59  }
0x269: {  	v14 =	vld [tilespmem:s18+$0x60]  }
0x26a: {  	v15 =	vld [tilespmem:s18+$0x61];
	_ =	sdelay $0x3  }
0x26b: {  	v60 =	vsub.s32 v14, v6  }
0x26c: {  	vm14 =	vne.s32 v14, v15;
	v14 =	vand.u32 $0x7F, v14;
	v15 =	vand.u32 $0xFFFFFF80, v60  }
0x26d: {  	v61 =	vld [tilespmem:s18+$0x31E0];
	v14 =	vor.u32 v14, v15;
	_ =	sdelay $0x4  }
0x26e: {  	[tilespmem:v14+s13+$0x0] =	vst.idx.msk vm14, v61  }
0x26f: {  	v14 =	vld [tilespmem:s18+$0x70]  }
0x270: {  	v15 =	vld [tilespmem:s18+$0x71];
	_ =	sdelay $0x3  }
0x271: {  	v62 =	vsub.s32 v14, v6  }
0x272: {  	vm15 =	vne.s32 v14, v15;
	v14 =	vand.u32 $0x7F, v14;
	v15 =	vand.u32 $0xFFFFFF80, v62  }
0x273: {  	p0 =	sne.s32 s17, $0xC200;
	v63 =	vld [tilespmem:s18+$0x31F0];
	v14 =	vor.u32 v14, v15  }
.Ltmp13:
0x274: {  	_ = 	snop;
	(pc) =	sbr.rel @p0 .LBB2_28-.Ltmp13, $2  }
0x275: {  	_ =	sdelay $0x2  }
0x276: {  	s17 =	sadd.s32 $0x200, s17;
	[tilespmem:v14+s13+$0x0] =	vst.idx.msk vm15, v63  }
0x277: {  	[hbm4b:s1+s8] =	stream.strided.scatter [tilespmem:s13], [sflag:$0x3], $0xC400, s9, s8, $0x38;
	[tilespmem:$0x1EA80] =	vst v63  }
0x278: {  	s17 =	simm.s32 $0x0;
	s18 =	rddreg [dreg:$0x10]  }
0x279: {  	[tilespmem:s17], [sflag:$0x1] =	stream.strided.gather [hbm4b:s18+s8], $0x3100, s9, s8, $0x38;
	[tilespmem:$0x1EA80] =	vst v63  }
0x27a: {  	s18 =	rddreg [dreg:$0x11]  }
0x27b: {  	[tilespmem:s10], [sflag:$0x2] =	stream.strided.gather [hbm4b:s18+s8], $0x3100, s9, s8, $0x38;
	[tilespmem:$0x1EA80] =	vst v63  }
0x27c: {  	_ =	swait.ge [sflag:s16], $0xC400  }
0x27d: {  	[sflag:s16] =	ssyncset.done $0x0  }
0x27e: {  	s17 =	simm.s32 $0x0;
	s18 =	simm.s32 $0x200;
	[sflag:s16] =	ssyncadd.s32 $0xFFFF3C00  }
.LBB2_30:
0x27f: {  	p0 =	sne.s32 s18, $0x30E00;
	[tilespmem:s17+$0x126F0] =	vst v13  }
0x280: {  	[tilespmem:s17+$0x12680] =	vst v13  }
0x281: {  	[tilespmem:s17+$0x12690] =	vst v13  }
.Ltmp14:
0x282: {  	[tilespmem:s17+$0x126A0] =	vst v13;
	(pc) =	sbr.rel @p0 .LBB2_30-.Ltmp14, $4  }
0x283: {  	[tilespmem:s17+$0x126B0] =	vst v13  }
0x284: {  	[tilespmem:s17+$0x126C0] =	vst v13  }
0x285: {  	[tilespmem:s17+$0x126D0] =	vst v13  }
0x286: {  	[tilespmem:s17+$0x126E0] =	vst v13;
	s17 =	sshra.s32 s18, $0x2;
	s18 =	sadd.s32 $0x200, s18  }
0x287: {  	[tilespmem:s17+$0x126F0] =	vst v13  }
0x288: {  	[tilespmem:s17+$0x12680] =	vst v13  }
0x289: {  	[tilespmem:s17+$0x12690] =	vst v13  }
0x28a: {  	[tilespmem:s17+$0x126A0] =	vst v13  }
0x28b: {  	[tilespmem:s17+$0x126B0] =	vst v13  }
0x28c: {  	[tilespmem:s17+$0x126C0] =	vst v13  }
0x28d: {  	[tilespmem:s17+$0x126D0] =	vst v13  }
0x28e: {  	[tilespmem:s17+$0x126E0] =	vst v13  }
0x28f: {  	_ =	swait.ge [sflag:s11], $0x3100  }
0x290: {  	[sflag:s11] =	ssyncset.done $0x0  }
0x291: {  	[sflag:s11] =	ssyncadd.s32 $0xFFFFCF00  }
0x292: {  	_ =	swait.ge [sflag:s12], $0x3100  }
0x293: {  	[sflag:s12] =	ssyncset.done $0x0  }
0x294: {  	s17 =	simm.s32 $0x0;
	[sflag:s12] =	ssyncadd.s32 $0xFFFFCF00  }
.LBB2_32:
0x295: {  	s18 =	sshra.s32 s17, $0x2  }
0x296: {  	v14 =	vld [tilespmem:s18+$0x0]  }
0x297: {  	v15 =	vld [tilespmem:s18+$0x1];
	_ =	sdelay $0x3  }
0x298: {  	v16 =	vsub.s32 v14, v7  }
0x299: {  	vm0 =	vne.s32 v14, v15;
	v14 =	vand.u32 $0x7F, v14;
	v15 =	vand.u32 $0xFFFFFF80, v16  }
0x29a: {  	v49 =	vld [tilespmem:s18+$0x3180];
	v14 =	vor.u32 v14, v15;
	_ =	sdelay $0x4  }
0x29b: {  	[tilespmem:v14+s14+$0x0] =	vst.idx.msk vm0, v49  }
0x29c: {  	v14 =	vld [tilespmem:s18+$0x10]  }
0x29d: {  	v15 =	vld [tilespmem:s18+$0x11];
	_ =	sdelay $0x3  }
0x29e: {  	v50 =	vsub.s32 v14, v7  }
0x29f: {  	vm9 =	vne.s32 v14, v15;
	v14 =	vand.u32 $0x7F, v14;
	v15 =	vand.u32 $0xFFFFFF80, v50  }
0x2a0: {  	v51 =	vld [tilespmem:s18+$0x3190];
	v14 =	vor.u32 v14, v15;
	_ =	sdelay $0x4  }
0x2a1: {  	[tilespmem:v14+s14+$0x0] =	vst.idx.msk vm9, v51  }
0x2a2: {  	v14 =	vld [tilespmem:s18+$0x20]  }
0x2a3: {  	v15 =	vld [tilespmem:s18+$0x21];
	_ =	sdelay $0x3  }
0x2a4: {  	v52 =	vsub.s32 v14, v7  }
0x2a5: {  	vm10 =	vne.s32 v14, v15;
	v14 =	vand.u32 $0x7F, v14;
	v15 =	vand.u32 $0xFFFFFF80, v52  }
0x2a6: {  	v53 =	vld [tilespmem:s18+$0x31A0];
	v14 =	vor.u32 v14, v15;
	_ =	sdelay $0x4  }
0x2a7: {  	[tilespmem:v14+s14+$0x0] =	vst.idx.msk vm10, v53  }
0x2a8: {  	v14 =	vld [tilespmem:s18+$0x30]  }
0x2a9: {  	v15 =	vld [tilespmem:s18+$0x31];
	_ =	sdelay $0x3  }
0x2aa: {  	v54 =	vsub.s32 v14, v7  }
0x2ab: {  	vm11 =	vne.s32 v14, v15;
	v14 =	vand.u32 $0x7F, v14;
	v15 =	vand.u32 $0xFFFFFF80, v54  }
0x2ac: {  	v55 =	vld [tilespmem:s18+$0x31B0];
	v14 =	vor.u32 v14, v15;
	_ =	sdelay $0x4  }
0x2ad: {  	[tilespmem:v14+s14+$0x0] =	vst.idx.msk vm11, v55  }
0x2ae: {  	v14 =	vld [tilespmem:s18+$0x40]  }
0x2af: {  	v15 =	vld [tilespmem:s18+$0x41];
	_ =	sdelay $0x3  }
0x2b0: {  	v56 =	vsub.s32 v14, v7  }
0x2b1: {  	vm12 =	vne.s32 v14, v15;
	v14 =	vand.u32 $0x7F, v14;
	v15 =	vand.u32 $0xFFFFFF80, v56  }
0x2b2: {  	v57 =	vld [tilespmem:s18+$0x31C0];
	v14 =	vor.u32 v14, v15;
	_ =	sdelay $0x4  }
0x2b3: {  	[tilespmem:v14+s14+$0x0] =	vst.idx.msk vm12, v57  }
0x2b4: {  	v14 =	vld [tilespmem:s18+$0x50]  }
0x2b5: {  	v15 =	vld [tilespmem:s18+$0x51];
	_ =	sdelay $0x3  }
0x2b6: {  	v58 =	vsub.s32 v14, v7  }
0x2b7: {  	vm13 =	vne.s32 v14, v15;
	v14 =	vand.u32 $0x7F, v14;
	v15 =	vand.u32 $0xFFFFFF80, v58  }
0x2b8: {  	v59 =	vld [tilespmem:s18+$0x31D0];
	v14 =	vor.u32 v14, v15;
	_ =	sdelay $0x4  }
0x2b9: {  	[tilespmem:v14+s14+$0x0] =	vst.idx.msk vm13, v59  }
0x2ba: {  	v14 =	vld [tilespmem:s18+$0x60]  }
0x2bb: {  	v15 =	vld [tilespmem:s18+$0x61];
	_ =	sdelay $0x3  }
0x2bc: {  	v60 =	vsub.s32 v14, v7  }
0x2bd: {  	vm14 =	vne.s32 v14, v15;
	v14 =	vand.u32 $0x7F, v14;
	v15 =	vand.u32 $0xFFFFFF80, v60  }
0x2be: {  	v61 =	vld [tilespmem:s18+$0x31E0];
	v14 =	vor.u32 v14, v15;
	_ =	sdelay $0x4  }
0x2bf: {  	[tilespmem:v14+s14+$0x0] =	vst.idx.msk vm14, v61  }
0x2c0: {  	v14 =	vld [tilespmem:s18+$0x70]  }
0x2c1: {  	v15 =	vld [tilespmem:s18+$0x71];
	_ =	sdelay $0x3  }
0x2c2: {  	v62 =	vsub.s32 v14, v7  }
0x2c3: {  	vm15 =	vne.s32 v14, v15;
	v14 =	vand.u32 $0x7F, v14;
	v15 =	vand.u32 $0xFFFFFF80, v62  }
0x2c4: {  	p0 =	sne.s32 s17, $0xC200;
	v63 =	vld [tilespmem:s18+$0x31F0];
	v14 =	vor.u32 v14, v15  }
.Ltmp15:
0x2c5: {  	_ = 	snop;
	(pc) =	sbr.rel @p0 .LBB2_32-.Ltmp15, $2  }
0x2c6: {  	_ =	sdelay $0x2  }
0x2c7: {  	s17 =	sadd.s32 $0x200, s17;
	[tilespmem:v14+s14+$0x0] =	vst.idx.msk vm15, v63  }
0x2c8: {  	[hbm4b:s2+s8] =	stream.strided.scatter [tilespmem:s14], [sflag:$0x4], $0xC400, s9, s8, $0x38;
	[tilespmem:$0x1EA80] =	vst v63  }
0x2c9: {  	s17 =	simm.s32 $0x0;
	s18 =	rddreg [dreg:$0x12]  }
0x2ca: {  	[tilespmem:s17], [sflag:$0x1] =	stream.strided.gather [hbm4b:s18+s8], $0x3100, s9, s8, $0x38;
	[tilespmem:$0x1EA80] =	vst v63  }
0x2cb: {  	s18 =	rddreg [dreg:$0x13]  }
0x2cc: {  	[tilespmem:s10], [sflag:$0x2] =	stream.strided.gather [hbm4b:s18+s8], $0x3100, s9, s8, $0x38;
	[tilespmem:$0x1EA80] =	vst v63  }
0x2cd: {  	_ =	swait.ge [sflag:s15], $0xC400  }
0x2ce: {  	[sflag:s15] =	ssyncset.done $0x0  }
0x2cf: {  	s17 =	simm.s32 $0x0;
	s18 =	simm.s32 $0x200;
	[sflag:s15] =	ssyncadd.s32 $0xFFFF3C00  }
.LBB2_34:
0x2d0: {  	p0 =	sne.s32 s18, $0x30E00;
	[tilespmem:s17+$0x62F0] =	vst v13  }
0x2d1: {  	[tilespmem:s17+$0x6280] =	vst v13  }
0x2d2: {  	[tilespmem:s17+$0x6290] =	vst v13  }
.Ltmp16:
0x2d3: {  	[tilespmem:s17+$0x62A0] =	vst v13;
	(pc) =	sbr.rel @p0 .LBB2_34-.Ltmp16, $4  }
0x2d4: {  	[tilespmem:s17+$0x62B0] =	vst v13  }
0x2d5: {  	[tilespmem:s17+$0x62C0] =	vst v13  }
0x2d6: {  	[tilespmem:s17+$0x62D0] =	vst v13  }
0x2d7: {  	[tilespmem:s17+$0x62E0] =	vst v13;
	s17 =	sshra.s32 s18, $0x2;
	s18 =	sadd.s32 $0x200, s18  }
0x2d8: {  	[tilespmem:s17+$0x62F0] =	vst v13  }
0x2d9: {  	[tilespmem:s17+$0x6280] =	vst v13  }
0x2da: {  	[tilespmem:s17+$0x6290] =	vst v13  }
0x2db: {  	[tilespmem:s17+$0x62A0] =	vst v13  }
0x2dc: {  	[tilespmem:s17+$0x62B0] =	vst v13  }
0x2dd: {  	[tilespmem:s17+$0x62C0] =	vst v13  }
0x2de: {  	[tilespmem:s17+$0x62D0] =	vst v13  }
0x2df: {  	[tilespmem:s17+$0x62E0] =	vst v13  }
0x2e0: {  	_ =	swait.ge [sflag:s11], $0x3100  }
0x2e1: {  	[sflag:s11] =	ssyncset.done $0x0  }
0x2e2: {  	[sflag:s11] =	ssyncadd.s32 $0xFFFFCF00  }
0x2e3: {  	_ =	swait.ge [sflag:s12], $0x3100  }
0x2e4: {  	[sflag:s12] =	ssyncset.done $0x0  }
0x2e5: {  	s17 =	simm.s32 $0x0;
	[sflag:s12] =	ssyncadd.s32 $0xFFFFCF00  }
.LBB2_36:
0x2e6: {  	s18 =	sshra.s32 s17, $0x2  }
0x2e7: {  	v14 =	vld [tilespmem:s18+$0x0]  }
0x2e8: {  	v15 =	vld [tilespmem:s18+$0x1];
	_ =	sdelay $0x3  }
0x2e9: {  	v16 =	vsub.s32 v14, v8  }
0x2ea: {  	vm0 =	vne.s32 v14, v15;
	v14 =	vand.u32 $0x7F, v14;
	v15 =	vand.u32 $0xFFFFFF80, v16  }
0x2eb: {  	v49 =	vld [tilespmem:s18+$0x3180];
	v14 =	vor.u32 v14, v15;
	_ =	sdelay $0x4  }
0x2ec: {  	[tilespmem:v14+s13+$0x0] =	vst.idx.msk vm0, v49  }
0x2ed: {  	v14 =	vld [tilespmem:s18+$0x10]  }
0x2ee: {  	v15 =	vld [tilespmem:s18+$0x11];
	_ =	sdelay $0x3  }
0x2ef: {  	v50 =	vsub.s32 v14, v8  }
0x2f0: {  	vm9 =	vne.s32 v14, v15;
	v14 =	vand.u32 $0x7F, v14;
	v15 =	vand.u32 $0xFFFFFF80, v50  }
0x2f1: {  	v51 =	vld [tilespmem:s18+$0x3190];
	v14 =	vor.u32 v14, v15;
	_ =	sdelay $0x4  }
0x2f2: {  	[tilespmem:v14+s13+$0x0] =	vst.idx.msk vm9, v51  }
0x2f3: {  	v14 =	vld [tilespmem:s18+$0x20]  }
0x2f4: {  	v15 =	vld [tilespmem:s18+$0x21];
	_ =	sdelay $0x3  }
0x2f5: {  	v52 =	vsub.s32 v14, v8  }
0x2f6: {  	vm10 =	vne.s32 v14, v15;
	v14 =	vand.u32 $0x7F, v14;
	v15 =	vand.u32 $0xFFFFFF80, v52  }
0x2f7: {  	v53 =	vld [tilespmem:s18+$0x31A0];
	v14 =	vor.u32 v14, v15;
	_ =	sdelay $0x4  }
0x2f8: {  	[tilespmem:v14+s13+$0x0] =	vst.idx.msk vm10, v53  }
0x2f9: {  	v14 =	vld [tilespmem:s18+$0x30]  }
0x2fa: {  	v15 =	vld [tilespmem:s18+$0x31];
	_ =	sdelay $0x3  }
0x2fb: {  	v54 =	vsub.s32 v14, v8  }
0x2fc: {  	vm11 =	vne.s32 v14, v15;
	v14 =	vand.u32 $0x7F, v14;
	v15 =	vand.u32 $0xFFFFFF80, v54  }
0x2fd: {  	v55 =	vld [tilespmem:s18+$0x31B0];
	v14 =	vor.u32 v14, v15;
	_ =	sdelay $0x4  }
0x2fe: {  	[tilespmem:v14+s13+$0x0] =	vst.idx.msk vm11, v55  }
0x2ff: {  	v14 =	vld [tilespmem:s18+$0x40]  }
0x300: {  	v15 =	vld [tilespmem:s18+$0x41];
	_ =	sdelay $0x3  }
0x301: {  	v56 =	vsub.s32 v14, v8  }
0x302: {  	vm12 =	vne.s32 v14, v15;
	v14 =	vand.u32 $0x7F, v14;
	v15 =	vand.u32 $0xFFFFFF80, v56  }
0x303: {  	v57 =	vld [tilespmem:s18+$0x31C0];
	v14 =	vor.u32 v14, v15;
	_ =	sdelay $0x4  }
0x304: {  	[tilespmem:v14+s13+$0x0] =	vst.idx.msk vm12, v57  }
0x305: {  	v14 =	vld [tilespmem:s18+$0x50]  }
0x306: {  	v15 =	vld [tilespmem:s18+$0x51];
	_ =	sdelay $0x3  }
0x307: {  	v58 =	vsub.s32 v14, v8  }
0x308: {  	vm13 =	vne.s32 v14, v15;
	v14 =	vand.u32 $0x7F, v14;
	v15 =	vand.u32 $0xFFFFFF80, v58  }
0x309: {  	v59 =	vld [tilespmem:s18+$0x31D0];
	v14 =	vor.u32 v14, v15;
	_ =	sdelay $0x4  }
0x30a: {  	[tilespmem:v14+s13+$0x0] =	vst.idx.msk vm13, v59  }
0x30b: {  	v14 =	vld [tilespmem:s18+$0x60]  }
0x30c: {  	v15 =	vld [tilespmem:s18+$0x61];
	_ =	sdelay $0x3  }
0x30d: {  	v60 =	vsub.s32 v14, v8  }
0x30e: {  	vm14 =	vne.s32 v14, v15;
	v14 =	vand.u32 $0x7F, v14;
	v15 =	vand.u32 $0xFFFFFF80, v60  }
0x30f: {  	v61 =	vld [tilespmem:s18+$0x31E0];
	v14 =	vor.u32 v14, v15;
	_ =	sdelay $0x4  }
0x310: {  	[tilespmem:v14+s13+$0x0] =	vst.idx.msk vm14, v61  }
0x311: {  	v14 =	vld [tilespmem:s18+$0x70]  }
0x312: {  	v15 =	vld [tilespmem:s18+$0x71];
	_ =	sdelay $0x3  }
0x313: {  	v62 =	vsub.s32 v14, v8  }
0x314: {  	vm15 =	vne.s32 v14, v15;
	v14 =	vand.u32 $0x7F, v14;
	v15 =	vand.u32 $0xFFFFFF80, v62  }
0x315: {  	p0 =	sne.s32 s17, $0xC200;
	v63 =	vld [tilespmem:s18+$0x31F0];
	v14 =	vor.u32 v14, v15  }
.Ltmp17:
0x316: {  	_ = 	snop;
	(pc) =	sbr.rel @p0 .LBB2_36-.Ltmp17, $2  }
0x317: {  	_ =	sdelay $0x2  }
0x318: {  	s17 =	sadd.s32 $0x200, s17;
	[tilespmem:v14+s13+$0x0] =	vst.idx.msk vm15, v63  }
0x319: {  	[hbm4b:s3+s8] =	stream.strided.scatter [tilespmem:s13], [sflag:$0x3], $0xC400, s9, s8, $0x38;
	[tilespmem:$0x1EA80] =	vst v63  }
0x31a: {  	s17 =	simm.s32 $0x0;
	s18 =	rddreg [dreg:$0x14]  }
0x31b: {  	[tilespmem:s17], [sflag:$0x1] =	stream.strided.gather [hbm4b:s18+s8], $0x3100, s9, s8, $0x38;
	[tilespmem:$0x1EA80] =	vst v63  }
0x31c: {  	s18 =	rddreg [dreg:$0x15]  }
0x31d: {  	[tilespmem:s10], [sflag:$0x2] =	stream.strided.gather [hbm4b:s18+s8], $0x3100, s9, s8, $0x38;
	[tilespmem:$0x1EA80] =	vst v63  }
0x31e: {  	_ =	swait.ge [sflag:s16], $0xC400  }
0x31f: {  	[sflag:s16] =	ssyncset.done $0x0  }
0x320: {  	s17 =	simm.s32 $0x0;
	s18 =	simm.s32 $0x200;
	[sflag:s16] =	ssyncadd.s32 $0xFFFF3C00  }
.LBB2_38:
0x321: {  	p0 =	sne.s32 s18, $0x30E00;
	[tilespmem:s17+$0x126F0] =	vst v13  }
0x322: {  	[tilespmem:s17+$0x12680] =	vst v13  }
0x323: {  	[tilespmem:s17+$0x12690] =	vst v13  }
.Ltmp18:
0x324: {  	[tilespmem:s17+$0x126A0] =	vst v13;
	(pc) =	sbr.rel @p0 .LBB2_38-.Ltmp18, $4  }
0x325: {  	[tilespmem:s17+$0x126B0] =	vst v13  }
0x326: {  	[tilespmem:s17+$0x126C0] =	vst v13  }
0x327: {  	[tilespmem:s17+$0x126D0] =	vst v13  }
0x328: {  	[tilespmem:s17+$0x126E0] =	vst v13;
	s17 =	sshra.s32 s18, $0x2;
	s18 =	sadd.s32 $0x200, s18  }
0x329: {  	[tilespmem:s17+$0x126F0] =	vst v13  }
0x32a: {  	[tilespmem:s17+$0x12680] =	vst v13  }
0x32b: {  	[tilespmem:s17+$0x12690] =	vst v13  }
0x32c: {  	[tilespmem:s17+$0x126A0] =	vst v13  }
0x32d: {  	[tilespmem:s17+$0x126B0] =	vst v13  }
0x32e: {  	[tilespmem:s17+$0x126C0] =	vst v13  }
0x32f: {  	[tilespmem:s17+$0x126D0] =	vst v13  }
0x330: {  	[tilespmem:s17+$0x126E0] =	vst v13  }
0x331: {  	_ =	swait.ge [sflag:s11], $0x3100  }
0x332: {  	[sflag:s11] =	ssyncset.done $0x0  }
0x333: {  	[sflag:s11] =	ssyncadd.s32 $0xFFFFCF00  }
0x334: {  	_ =	swait.ge [sflag:s12], $0x3100  }
0x335: {  	[sflag:s12] =	ssyncset.done $0x0  }
0x336: {  	s17 =	simm.s32 $0x0;
	[sflag:s12] =	ssyncadd.s32 $0xFFFFCF00  }
.LBB2_40:
0x337: {  	s18 =	sshra.s32 s17, $0x2  }
0x338: {  	v14 =	vld [tilespmem:s18+$0x0]  }
0x339: {  	v15 =	vld [tilespmem:s18+$0x1];
	_ =	sdelay $0x3  }
0x33a: {  	v16 =	vsub.s32 v14, v9  }
0x33b: {  	vm0 =	vne.s32 v14, v15;
	v14 =	vand.u32 $0x7F, v14;
	v15 =	vand.u32 $0xFFFFFF80, v16  }
0x33c: {  	v49 =	vld [tilespmem:s18+$0x3180];
	v14 =	vor.u32 v14, v15;
	_ =	sdelay $0x4  }
0x33d: {  	[tilespmem:v14+s14+$0x0] =	vst.idx.msk vm0, v49  }
0x33e: {  	v14 =	vld [tilespmem:s18+$0x10]  }
0x33f: {  	v15 =	vld [tilespmem:s18+$0x11];
	_ =	sdelay $0x3  }
0x340: {  	v50 =	vsub.s32 v14, v9  }
0x341: {  	vm9 =	vne.s32 v14, v15;
	v14 =	vand.u32 $0x7F, v14;
	v15 =	vand.u32 $0xFFFFFF80, v50  }
0x342: {  	v51 =	vld [tilespmem:s18+$0x3190];
	v14 =	vor.u32 v14, v15;
	_ =	sdelay $0x4  }
0x343: {  	[tilespmem:v14+s14+$0x0] =	vst.idx.msk vm9, v51  }
0x344: {  	v14 =	vld [tilespmem:s18+$0x20]  }
0x345: {  	v15 =	vld [tilespmem:s18+$0x21];
	_ =	sdelay $0x3  }
0x346: {  	v52 =	vsub.s32 v14, v9  }
0x347: {  	vm10 =	vne.s32 v14, v15;
	v14 =	vand.u32 $0x7F, v14;
	v15 =	vand.u32 $0xFFFFFF80, v52  }
0x348: {  	v53 =	vld [tilespmem:s18+$0x31A0];
	v14 =	vor.u32 v14, v15;
	_ =	sdelay $0x4  }
0x349: {  	[tilespmem:v14+s14+$0x0] =	vst.idx.msk vm10, v53  }
0x34a: {  	v14 =	vld [tilespmem:s18+$0x30]  }
0x34b: {  	v15 =	vld [tilespmem:s18+$0x31];
	_ =	sdelay $0x3  }
0x34c: {  	v54 =	vsub.s32 v14, v9  }
0x34d: {  	vm11 =	vne.s32 v14, v15;
	v14 =	vand.u32 $0x7F, v14;
	v15 =	vand.u32 $0xFFFFFF80, v54  }
0x34e: {  	v55 =	vld [tilespmem:s18+$0x31B0];
	v14 =	vor.u32 v14, v15;
	_ =	sdelay $0x4  }
0x34f: {  	[tilespmem:v14+s14+$0x0] =	vst.idx.msk vm11, v55  }
0x350: {  	v14 =	vld [tilespmem:s18+$0x40]  }
0x351: {  	v15 =	vld [tilespmem:s18+$0x41];
	_ =	sdelay $0x3  }
0x352: {  	v56 =	vsub.s32 v14, v9  }
0x353: {  	vm12 =	vne.s32 v14, v15;
	v14 =	vand.u32 $0x7F, v14;
	v15 =	vand.u32 $0xFFFFFF80, v56  }
0x354: {  	v57 =	vld [tilespmem:s18+$0x31C0];
	v14 =	vor.u32 v14, v15;
	_ =	sdelay $0x4  }
0x355: {  	[tilespmem:v14+s14+$0x0] =	vst.idx.msk vm12, v57  }
0x356: {  	v14 =	vld [tilespmem:s18+$0x50]  }
0x357: {  	v15 =	vld [tilespmem:s18+$0x51];
	_ =	sdelay $0x3  }
0x358: {  	v58 =	vsub.s32 v14, v9  }
0x359: {  	vm13 =	vne.s32 v14, v15;
	v14 =	vand.u32 $0x7F, v14;
	v15 =	vand.u32 $0xFFFFFF80, v58  }
0x35a: {  	v59 =	vld [tilespmem:s18+$0x31D0];
	v14 =	vor.u32 v14, v15;
	_ =	sdelay $0x4  }
0x35b: {  	[tilespmem:v14+s14+$0x0] =	vst.idx.msk vm13, v59  }
0x35c: {  	v14 =	vld [tilespmem:s18+$0x60]  }
0x35d: {  	v15 =	vld [tilespmem:s18+$0x61];
	_ =	sdelay $0x3  }
0x35e: {  	v60 =	vsub.s32 v14, v9  }
0x35f: {  	vm14 =	vne.s32 v14, v15;
	v14 =	vand.u32 $0x7F, v14;
	v15 =	vand.u32 $0xFFFFFF80, v60  }
0x360: {  	v61 =	vld [tilespmem:s18+$0x31E0];
	v14 =	vor.u32 v14, v15;
	_ =	sdelay $0x4  }
0x361: {  	[tilespmem:v14+s14+$0x0] =	vst.idx.msk vm14, v61  }
0x362: {  	v14 =	vld [tilespmem:s18+$0x70]  }
0x363: {  	v15 =	vld [tilespmem:s18+$0x71];
	_ =	sdelay $0x3  }
0x364: {  	v62 =	vsub.s32 v14, v9  }
0x365: {  	vm15 =	vne.s32 v14, v15;
	v14 =	vand.u32 $0x7F, v14;
	v15 =	vand.u32 $0xFFFFFF80, v62  }
0x366: {  	p0 =	sne.s32 s17, $0xC200;
	v63 =	vld [tilespmem:s18+$0x31F0];
	v14 =	vor.u32 v14, v15  }
.Ltmp19:
0x367: {  	_ = 	snop;
	(pc) =	sbr.rel @p0 .LBB2_40-.Ltmp19, $2  }
0x368: {  	_ =	sdelay $0x2  }
0x369: {  	s17 =	sadd.s32 $0x200, s17;
	[tilespmem:v14+s14+$0x0] =	vst.idx.msk vm15, v63  }
0x36a: {  	[hbm4b:s4+s8] =	stream.strided.scatter [tilespmem:s14], [sflag:$0x4], $0xC400, s9, s8, $0x38;
	[tilespmem:$0x1EA80] =	vst v63  }
0x36b: {  	s17 =	simm.s32 $0x0  }
0x36c: {  	[tilespmem:s17], [sflag:$0x1] =	stream.strided.gather [hbm4b:s21+s8], $0x3100, s9, s8, $0x38;
	[tilespmem:$0x1EA80] =	vst v63  }
0x36d: {  	_ = 	snop  }
0x36e: {  	[tilespmem:s10], [sflag:$0x2] =	stream.strided.gather [hbm4b:s22+s8], $0x3100, s9, s8, $0x38;
	[tilespmem:$0x1EA80] =	vst v63  }
0x36f: {  	_ =	swait.ge [sflag:s15], $0xC400  }
0x370: {  	[sflag:s15] =	ssyncset.done $0x0  }
0x371: {  	s18 =	simm.s32 $0x200;
	s17 =	simm.s32 $0x0;
	[sflag:s15] =	ssyncadd.s32 $0xFFFF3C00  }
.LBB2_42:
0x372: {  	p0 =	sne.s32 s18, $0x30E00;
	[tilespmem:s17+$0x62F0] =	vst v13  }
0x373: {  	[tilespmem:s17+$0x6280] =	vst v13  }
0x374: {  	[tilespmem:s17+$0x6290] =	vst v13  }
.Ltmp20:
0x375: {  	[tilespmem:s17+$0x62A0] =	vst v13;
	(pc) =	sbr.rel @p0 .LBB2_42-.Ltmp20, $4  }
0x376: {  	[tilespmem:s17+$0x62B0] =	vst v13  }
0x377: {  	[tilespmem:s17+$0x62C0] =	vst v13  }
0x378: {  	[tilespmem:s17+$0x62D0] =	vst v13  }
0x379: {  	[tilespmem:s17+$0x62E0] =	vst v13;
	s17 =	sshra.s32 s18, $0x2;
	s18 =	sadd.s32 $0x200, s18  }
0x37a: {  	[tilespmem:s17+$0x62F0] =	vst v13  }
0x37b: {  	[tilespmem:s17+$0x6280] =	vst v13  }
0x37c: {  	[tilespmem:s17+$0x6290] =	vst v13  }
0x37d: {  	[tilespmem:s17+$0x62A0] =	vst v13  }
0x37e: {  	[tilespmem:s17+$0x62B0] =	vst v13  }
0x37f: {  	[tilespmem:s17+$0x62C0] =	vst v13  }
0x380: {  	[tilespmem:s17+$0x62D0] =	vst v13  }
0x381: {  	[tilespmem:s17+$0x62E0] =	vst v13  }
0x382: {  	_ =	swait.ge [sflag:s11], $0x3100  }
0x383: {  	[sflag:s11] =	ssyncset.done $0x0  }
0x384: {  	[sflag:s11] =	ssyncadd.s32 $0xFFFFCF00  }
0x385: {  	_ =	swait.ge [sflag:s12], $0x3100  }
0x386: {  	[sflag:s12] =	ssyncset.done $0x0  }
0x387: {  	s17 =	simm.s32 $0x0;
	[sflag:s12] =	ssyncadd.s32 $0xFFFFCF00  }
.LBB2_44:
0x388: {  	s18 =	sshra.s32 s17, $0x2  }
0x389: {  	v14 =	vld [tilespmem:s18+$0x0]  }
0x38a: {  	v15 =	vld [tilespmem:s18+$0x1];
	_ =	sdelay $0x3  }
0x38b: {  	v16 =	vsub.s32 v14, v10  }
0x38c: {  	vm0 =	vne.s32 v14, v15;
	v14 =	vand.u32 $0x7F, v14;
	v15 =	vand.u32 $0xFFFFFF80, v16  }
0x38d: {  	v49 =	vld [tilespmem:s18+$0x3180];
	v14 =	vor.u32 v14, v15;
	_ =	sdelay $0x4  }
0x38e: {  	[tilespmem:v14+s13+$0x0] =	vst.idx.msk vm0, v49  }
0x38f: {  	v14 =	vld [tilespmem:s18+$0x10]  }
0x390: {  	v15 =	vld [tilespmem:s18+$0x11];
	_ =	sdelay $0x3  }
0x391: {  	v50 =	vsub.s32 v14, v10  }
0x392: {  	vm9 =	vne.s32 v14, v15;
	v14 =	vand.u32 $0x7F, v14;
	v15 =	vand.u32 $0xFFFFFF80, v50  }
0x393: {  	v51 =	vld [tilespmem:s18+$0x3190];
	v14 =	vor.u32 v14, v15;
	_ =	sdelay $0x4  }
0x394: {  	[tilespmem:v14+s13+$0x0] =	vst.idx.msk vm9, v51  }
0x395: {  	v14 =	vld [tilespmem:s18+$0x20]  }
0x396: {  	v15 =	vld [tilespmem:s18+$0x21];
	_ =	sdelay $0x3  }
0x397: {  	v52 =	vsub.s32 v14, v10  }
0x398: {  	vm10 =	vne.s32 v14, v15;
	v14 =	vand.u32 $0x7F, v14;
	v15 =	vand.u32 $0xFFFFFF80, v52  }
0x399: {  	v53 =	vld [tilespmem:s18+$0x31A0];
	v14 =	vor.u32 v14, v15;
	_ =	sdelay $0x4  }
0x39a: {  	[tilespmem:v14+s13+$0x0] =	vst.idx.msk vm10, v53  }
0x39b: {  	v14 =	vld [tilespmem:s18+$0x30]  }
0x39c: {  	v15 =	vld [tilespmem:s18+$0x31];
	_ =	sdelay $0x3  }
0x39d: {  	v54 =	vsub.s32 v14, v10  }
0x39e: {  	vm11 =	vne.s32 v14, v15;
	v14 =	vand.u32 $0x7F, v14;
	v15 =	vand.u32 $0xFFFFFF80, v54  }
0x39f: {  	v55 =	vld [tilespmem:s18+$0x31B0];
	v14 =	vor.u32 v14, v15;
	_ =	sdelay $0x4  }
0x3a0: {  	[tilespmem:v14+s13+$0x0] =	vst.idx.msk vm11, v55  }
0x3a1: {  	v14 =	vld [tilespmem:s18+$0x40]  }
0x3a2: {  	v15 =	vld [tilespmem:s18+$0x41];
	_ =	sdelay $0x3  }
0x3a3: {  	v56 =	vsub.s32 v14, v10  }
0x3a4: {  	vm12 =	vne.s32 v14, v15;
	v14 =	vand.u32 $0x7F, v14;
	v15 =	vand.u32 $0xFFFFFF80, v56  }
0x3a5: {  	v57 =	vld [tilespmem:s18+$0x31C0];
	v14 =	vor.u32 v14, v15;
	_ =	sdelay $0x4  }
0x3a6: {  	[tilespmem:v14+s13+$0x0] =	vst.idx.msk vm12, v57  }
0x3a7: {  	v14 =	vld [tilespmem:s18+$0x50]  }
0x3a8: {  	v15 =	vld [tilespmem:s18+$0x51];
	_ =	sdelay $0x3  }
0x3a9: {  	v58 =	vsub.s32 v14, v10  }
0x3aa: {  	vm13 =	vne.s32 v14, v15;
	v14 =	vand.u32 $0x7F, v14;
	v15 =	vand.u32 $0xFFFFFF80, v58  }
0x3ab: {  	v59 =	vld [tilespmem:s18+$0x31D0];
	v14 =	vor.u32 v14, v15;
	_ =	sdelay $0x4  }
0x3ac: {  	[tilespmem:v14+s13+$0x0] =	vst.idx.msk vm13, v59  }
0x3ad: {  	v14 =	vld [tilespmem:s18+$0x60]  }
0x3ae: {  	v15 =	vld [tilespmem:s18+$0x61];
	_ =	sdelay $0x3  }
0x3af: {  	v60 =	vsub.s32 v14, v10  }
0x3b0: {  	vm14 =	vne.s32 v14, v15;
	v14 =	vand.u32 $0x7F, v14;
	v15 =	vand.u32 $0xFFFFFF80, v60  }
0x3b1: {  	v61 =	vld [tilespmem:s18+$0x31E0];
	v14 =	vor.u32 v14, v15;
	_ =	sdelay $0x4  }
0x3b2: {  	[tilespmem:v14+s13+$0x0] =	vst.idx.msk vm14, v61  }
0x3b3: {  	v14 =	vld [tilespmem:s18+$0x70]  }
0x3b4: {  	v15 =	vld [tilespmem:s18+$0x71];
	_ =	sdelay $0x3  }
0x3b5: {  	v62 =	vsub.s32 v14, v10  }
0x3b6: {  	vm15 =	vne.s32 v14, v15;
	v14 =	vand.u32 $0x7F, v14;
	v15 =	vand.u32 $0xFFFFFF80, v62  }
0x3b7: {  	p0 =	sne.s32 s17, $0xC200;
	v63 =	vld [tilespmem:s18+$0x31F0];
	v14 =	vor.u32 v14, v15  }
.Ltmp21:
0x3b8: {  	_ = 	snop;
	(pc) =	sbr.rel @p0 .LBB2_44-.Ltmp21, $2  }
0x3b9: {  	_ =	sdelay $0x2  }
0x3ba: {  	s17 =	sadd.s32 $0x200, s17;
	[tilespmem:v14+s13+$0x0] =	vst.idx.msk vm15, v63  }
0x3bb: {  	[hbm4b:s5+s8] =	stream.strided.scatter [tilespmem:s13], [sflag:$0x3], $0xC400, s9, s8, $0x38;
	[tilespmem:$0x1EA80] =	vst v63  }
0x3bc: {  	s17 =	simm.s32 $0x0  }
0x3bd: {  	[tilespmem:s17], [sflag:$0x1] =	stream.strided.gather [hbm4b:s23+s8], $0x3100, s9, s8, $0x38;
	[tilespmem:$0x1EA80] =	vst v63  }
0x3be: {  	_ = 	snop  }
0x3bf: {  	[tilespmem:s10], [sflag:$0x2] =	stream.strided.gather [hbm4b:s24+s8], $0x3100, s9, s8, $0x38;
	[tilespmem:$0x1EA80] =	vst v63  }
0x3c0: {  	_ =	swait.ge [sflag:s16], $0xC400  }
0x3c1: {  	[sflag:s16] =	ssyncset.done $0x0  }
0x3c2: {  	s18 =	simm.s32 $0x200;
	s17 =	simm.s32 $0x0;
	[sflag:s16] =	ssyncadd.s32 $0xFFFF3C00  }
.LBB2_46:
0x3c3: {  	p0 =	sne.s32 s18, $0x30E00;
	[tilespmem:s17+$0x126F0] =	vst v13  }
0x3c4: {  	[tilespmem:s17+$0x12680] =	vst v13  }
0x3c5: {  	[tilespmem:s17+$0x12690] =	vst v13  }
.Ltmp22:
0x3c6: {  	[tilespmem:s17+$0x126A0] =	vst v13;
	(pc) =	sbr.rel @p0 .LBB2_46-.Ltmp22, $4  }
0x3c7: {  	[tilespmem:s17+$0x126B0] =	vst v13  }
0x3c8: {  	[tilespmem:s17+$0x126C0] =	vst v13  }
0x3c9: {  	[tilespmem:s17+$0x126D0] =	vst v13  }
0x3ca: {  	[tilespmem:s17+$0x126E0] =	vst v13;
	s17 =	sshra.s32 s18, $0x2;
	s18 =	sadd.s32 $0x200, s18  }
0x3cb: {  	[tilespmem:s17+$0x126F0] =	vst v13  }
0x3cc: {  	[tilespmem:s17+$0x12680] =	vst v13  }
0x3cd: {  	[tilespmem:s17+$0x12690] =	vst v13  }
0x3ce: {  	[tilespmem:s17+$0x126A0] =	vst v13  }
0x3cf: {  	[tilespmem:s17+$0x126B0] =	vst v13  }
0x3d0: {  	[tilespmem:s17+$0x126C0] =	vst v13  }
0x3d1: {  	[tilespmem:s17+$0x126D0] =	vst v13  }
0x3d2: {  	[tilespmem:s17+$0x126E0] =	vst v13  }
0x3d3: {  	_ =	swait.ge [sflag:s11], $0x3100  }
0x3d4: {  	[sflag:s11] =	ssyncset.done $0x0  }
0x3d5: {  	[sflag:s11] =	ssyncadd.s32 $0xFFFFCF00  }
0x3d6: {  	_ =	swait.ge [sflag:s12], $0x3100  }
0x3d7: {  	[sflag:s12] =	ssyncset.done $0x0  }
0x3d8: {  	s17 =	simm.s32 $0x0;
	[sflag:s12] =	ssyncadd.s32 $0xFFFFCF00  }
.LBB2_48:
0x3d9: {  	s18 =	sshra.s32 s17, $0x2  }
0x3da: {  	v14 =	vld [tilespmem:s18+$0x0]  }
0x3db: {  	v15 =	vld [tilespmem:s18+$0x1];
	_ =	sdelay $0x3  }
0x3dc: {  	v16 =	vsub.s32 v14, v11  }
0x3dd: {  	vm0 =	vne.s32 v14, v15;
	v14 =	vand.u32 $0x7F, v14;
	v15 =	vand.u32 $0xFFFFFF80, v16  }
0x3de: {  	v49 =	vld [tilespmem:s18+$0x3180];
	v14 =	vor.u32 v14, v15;
	_ =	sdelay $0x4  }
0x3df: {  	[tilespmem:v14+s14+$0x0] =	vst.idx.msk vm0, v49  }
0x3e0: {  	v14 =	vld [tilespmem:s18+$0x10]  }
0x3e1: {  	v15 =	vld [tilespmem:s18+$0x11];
	_ =	sdelay $0x3  }
0x3e2: {  	v50 =	vsub.s32 v14, v11  }
0x3e3: {  	vm9 =	vne.s32 v14, v15;
	v14 =	vand.u32 $0x7F, v14;
	v15 =	vand.u32 $0xFFFFFF80, v50  }
0x3e4: {  	v51 =	vld [tilespmem:s18+$0x3190];
	v14 =	vor.u32 v14, v15;
	_ =	sdelay $0x4  }
0x3e5: {  	[tilespmem:v14+s14+$0x0] =	vst.idx.msk vm9, v51  }
0x3e6: {  	v14 =	vld [tilespmem:s18+$0x20]  }
0x3e7: {  	v15 =	vld [tilespmem:s18+$0x21];
	_ =	sdelay $0x3  }
0x3e8: {  	v52 =	vsub.s32 v14, v11  }
0x3e9: {  	vm10 =	vne.s32 v14, v15;
	v14 =	vand.u32 $0x7F, v14;
	v15 =	vand.u32 $0xFFFFFF80, v52  }
0x3ea: {  	v53 =	vld [tilespmem:s18+$0x31A0];
	v14 =	vor.u32 v14, v15;
	_ =	sdelay $0x4  }
0x3eb: {  	[tilespmem:v14+s14+$0x0] =	vst.idx.msk vm10, v53  }
0x3ec: {  	v14 =	vld [tilespmem:s18+$0x30]  }
0x3ed: {  	v15 =	vld [tilespmem:s18+$0x31];
	_ =	sdelay $0x3  }
0x3ee: {  	v54 =	vsub.s32 v14, v11  }
0x3ef: {  	vm11 =	vne.s32 v14, v15;
	v14 =	vand.u32 $0x7F, v14;
	v15 =	vand.u32 $0xFFFFFF80, v54  }
0x3f0: {  	v55 =	vld [tilespmem:s18+$0x31B0];
	v14 =	vor.u32 v14, v15;
	_ =	sdelay $0x4  }
0x3f1: {  	[tilespmem:v14+s14+$0x0] =	vst.idx.msk vm11, v55  }
0x3f2: {  	v14 =	vld [tilespmem:s18+$0x40]  }
0x3f3: {  	v15 =	vld [tilespmem:s18+$0x41];
	_ =	sdelay $0x3  }
0x3f4: {  	v56 =	vsub.s32 v14, v11  }
0x3f5: {  	vm12 =	vne.s32 v14, v15;
	v14 =	vand.u32 $0x7F, v14;
	v15 =	vand.u32 $0xFFFFFF80, v56  }
0x3f6: {  	v57 =	vld [tilespmem:s18+$0x31C0];
	v14 =	vor.u32 v14, v15;
	_ =	sdelay $0x4  }
0x3f7: {  	[tilespmem:v14+s14+$0x0] =	vst.idx.msk vm12, v57  }
0x3f8: {  	v14 =	vld [tilespmem:s18+$0x50]  }
0x3f9: {  	v15 =	vld [tilespmem:s18+$0x51];
	_ =	sdelay $0x3  }
0x3fa: {  	v58 =	vsub.s32 v14, v11  }
0x3fb: {  	vm13 =	vne.s32 v14, v15;
	v14 =	vand.u32 $0x7F, v14;
	v15 =	vand.u32 $0xFFFFFF80, v58  }
0x3fc: {  	v59 =	vld [tilespmem:s18+$0x31D0];
	v14 =	vor.u32 v14, v15;
	_ =	sdelay $0x4  }
0x3fd: {  	[tilespmem:v14+s14+$0x0] =	vst.idx.msk vm13, v59  }
0x3fe: {  	v14 =	vld [tilespmem:s18+$0x60]  }
0x3ff: {  	v15 =	vld [tilespmem:s18+$0x61];
	_ =	sdelay $0x3  }
0x400: {  	v60 =	vsub.s32 v14, v11  }
0x401: {  	vm14 =	vne.s32 v14, v15;
	v14 =	vand.u32 $0x7F, v14;
	v15 =	vand.u32 $0xFFFFFF80, v60  }
0x402: {  	v61 =	vld [tilespmem:s18+$0x31E0];
	v14 =	vor.u32 v14, v15;
	_ =	sdelay $0x4  }
0x403: {  	[tilespmem:v14+s14+$0x0] =	vst.idx.msk vm14, v61  }
0x404: {  	v14 =	vld [tilespmem:s18+$0x70]  }
0x405: {  	v15 =	vld [tilespmem:s18+$0x71];
	_ =	sdelay $0x3  }
0x406: {  	v62 =	vsub.s32 v14, v11  }
0x407: {  	vm15 =	vne.s32 v14, v15;
	v14 =	vand.u32 $0x7F, v14;
	v15 =	vand.u32 $0xFFFFFF80, v62  }
0x408: {  	p0 =	sne.s32 s17, $0xC200;
	v63 =	vld [tilespmem:s18+$0x31F0];
	v14 =	vor.u32 v14, v15  }
.Ltmp23:
0x409: {  	_ = 	snop;
	(pc) =	sbr.rel @p0 .LBB2_48-.Ltmp23, $2  }
0x40a: {  	_ =	sdelay $0x2  }
0x40b: {  	s17 =	sadd.s32 $0x200, s17;
	[tilespmem:v14+s14+$0x0] =	vst.idx.msk vm15, v63  }
0x40c: {  	[hbm4b:s6+s8] =	stream.strided.scatter [tilespmem:s14], [sflag:$0x4], $0xC400, s9, s8, $0x38;
	[tilespmem:$0x1EA80] =	vst v63  }
0x40d: {  	s25 =	sadd.s32 $0x1, s25  }
0x40e: {  	_ =	swait.ge [sflag:s15], $0xC400;
	p0 =	sne.s32 s25, s7  }
.Ltmp24:
0x40f: {  	[sflag:s15] =	ssyncset.done $0x0;
	(pc) =	sbr.rel @p0 .LBB2_1-.Ltmp24, $4  }
0x410: {  	[sflag:s15] =	ssyncadd.s32 $0xFFFF3C00  }
0x411: {  	_ =	swait.ge [sflag:s16], $0xC400  }
0x412: {  	[sflag:s16] =	ssyncset.done $0x0  }
0x413: {  	[sflag:s16] =	ssyncadd.s32 $0xFFFF3C00  }
0x414: {  	_ =	sfence.sel $0x180000  }
0x415: {  	[bflag:$0x0] =	sbarrier.arrive $0xFFFF  }
0x416: {  	_ =	strace $0x90000047  }
0x417: {  	s0 =	stileid.u32;
	[bflag:$0x2] =	sbarrier.arrive $0xFFFF  }
0x418: {  	p0 =	sne.s32 s0, $0x0;
	s0 =	rddreg [dreg:$0x3]  }
0x419: {  	s0 =	sadd.s32 @!p0 $0x100000, s0  }
0x41a: {  	[sflag:s0] =	ssyncadd.tile.s32 @!p0 $0x1;
	_ =	shalt  }
.Lfunc_end2:
_tile_overlayer_lowered:
.L_overlay_start_2:
0x41b: {  	(tag) =	ssettag $0x2  }
0x41c: {  	s0 =	rddreg [dreg:$0x0];
	s2 =	stileid.u32  }
0x41d: {  	s1 =	rddreg [dreg:$0x1];
	p0 =	sne.s32 s2, $0x0  }
0x41e: {  	s3 =	rddreg [dreg:$0x2];
	[bflag:$0x3] =	sbarrier.arrive $0xFFFF;
	s2 =	simm.s32 @!p0 $0x1C05  }
0x41f: {  	[timem:s3], [sflag:s2] =	dma.local @!p0 [hbm:s0], s1  }
0x420: {  	s0 =	simm.s32 @!p0 $0x5  }
0x421: {  	_ =	swait.ge @!p0 [sflag:s0], s1  }
0x422: {  	s1 =	ssub.s32 @!p0 $0x0, s1;
	[sflag:s0] =	ssyncset.done @!p0 $0x0  }
0x423: {  	[sflag:s0] =	ssyncadd.s32 @!p0 s1  }
0x424: {  	[bflag:$0x3] =	sbarrier.arrive $0xFFFF  }
0x425: {  	_ =	shalt  }

</sc_bundles>
